<compile_context>
chip_gen: v7x
topology: tpu7x:2x2x1
jax: 0.10.2.dev20260603
libtpu: 0.0.44.dev20260713+nightly
codegen_flags: <defaults>
</compile_context>

<pallas_src>
import functools

import jax
import jax.numpy as jnp
from jax import lax
from jax.experimental import pallas as pl
from jax.experimental.pallas import tpu as pltpu
from jax.experimental.pallas import tpu_sc as plsc

N = 10000
E = 320000
D_IN = 128
OUT = 64
HID = 2 * OUT

NC = 2
NS = 16
CH = 128
EROWS = 2560
EPAD = EROWS * CH
TRASH = N
NPAD = 10112
ZR = NPAD // NS
WR = 1000
NWB = N // WR
R_SPMM = EROWS // NS
def _ring(fh):
  return (6, 4, 2) if fh == 64 else (8, 6, 2)
R_DEG = EROWS // (NC * NS)

_mesh = functools.partial(
    plsc.VectorSubcoreMesh,
    core_axis_name="c", subcore_axis_name="s", num_cores=NC, num_subcores=NS)


def _deg_kernel():
  @functools.partial(
      pl.kernel,
      out_type=jax.ShapeDtypeStruct((NC, NPAD, 16), jnp.float32),
      mesh=_mesh(),
      compiler_params=pltpu.CompilerParams(use_tc_tiling_on_sc=False),
      scratch_types=[
          pltpu.VMEM((R_DEG, CH), jnp.int32),
          pltpu.VMEM((ZR, 16), jnp.float32),
          pltpu.VMEM_SHARED((NPAD, 16), jnp.float32),
      ],
  )
  def k(dst_hbm, out_hbm, dst_v, ones_v, acc):
    c = lax.axis_index("c")
    t = lax.axis_index("s")
    w = c * NS + t

    def fill(i, _):
      ones_v[i] = jnp.ones((16,), jnp.float32)
      return 0
    lax.fori_loop(0, ZR, fill, 0)
    pltpu.sync_copy(ones_v, acc.at[pl.ds(t * ZR, ZR)])
    pltpu.sync_copy(dst_hbm.at[pl.ds(w * R_DEG, R_DEG)], dst_v)
    plsc.subcore_barrier()

    def body(j, _):
      pltpu.sync_copy(ones_v.at[pl.ds(0, CH)], acc.at[dst_v.at[j]], add=True)
      return 0
    lax.fori_loop(0, R_DEG, body, 0)
    plsc.subcore_barrier()
    pltpu.sync_copy(acc.at[pl.ds(t * ZR, ZR)], out_hbm.at[c, pl.ds(t * ZR, ZR)])

  return k


def _spmm_kernel(fh, spmem_tab=False):
  NBUF, GLEAD, SLAG = _ring(fh)

  scratch = [
      pltpu.VMEM((R_SPMM, CH), jnp.int32),
      pltpu.VMEM((R_SPMM, CH), jnp.int32),
      pltpu.VMEM((NBUF, CH, fh), jnp.float32),
      pltpu.VMEM_SHARED((NPAD, fh), jnp.float32),
      pltpu.SemaphoreType.DMA((NBUF,)),
      pltpu.SemaphoreType.DMA((NBUF,)),
  ]
  if spmem_tab:
    scratch.append(pltpu.VMEM_SHARED((N, fh), jnp.float32))

  @functools.partial(
      pl.kernel,
      out_type=(jax.ShapeDtypeStruct((N, fh), jnp.float32),
                jax.ShapeDtypeStruct((N, fh), jnp.float32)),
      mesh=_mesh(),
      compiler_params=pltpu.CompilerParams(use_tc_tiling_on_sc=False),
      scratch_types=scratch,
  )
  def k(hl_hbm, hr_hbm, src_hbm, dst_hbm, outl_hbm, outr_hbm,
        src_v, dst_v, rows_v, acc, gsem, ssem, *maybe_tab):
    c = lax.axis_index("c")
    t = lax.axis_index("s")

    pltpu.sync_copy(src_hbm.at[pl.ds(t * R_SPMM, R_SPMM)], src_v)
    pltpu.sync_copy(dst_hbm.at[pl.ds(t * R_SPMM, R_SPMM)], dst_v)

    def init(h_hbm):
      pltpu.sync_copy(h_hbm.at[pl.ds(t * WR, WR)], acc.at[pl.ds(t * WR, WR)])
      if spmem_tab:
        pltpu.sync_copy(h_hbm.at[pl.ds(t * WR, WR)],
                        maybe_tab[0].at[pl.ds(t * WR, WR)])
    pl.when((c == 0) & (t < NWB))(lambda: init(hl_hbm))
    pl.when((c == 1) & (t < NWB))(lambda: init(hr_hbm))
    plsc.subcore_barrier()

    def scatter_all(h_hbm):
      tab = maybe_tab[0] if spmem_tab else h_hbm
      for b in range(GLEAD):
        pltpu.async_copy(tab.at[src_v.at[b]], rows_v.at[b], gsem.at[b])

      def body(j, _):
        @pl.when(j >= SLAG)
        def _():
          jb = j - SLAG
          b = lax.rem(jb, NBUF)
          pltpu.make_async_copy(rows_v.at[b], acc.at[dst_v.at[jb]],
                                ssem.at[b]).wait()
        @pl.when(j + GLEAD < R_SPMM)
        def _():
          jg = j + GLEAD
          b = lax.rem(jg, NBUF)
          pltpu.async_copy(tab.at[src_v.at[jg]], rows_v.at[b], gsem.at[b])
        b = lax.rem(j, NBUF)
        pltpu.make_async_copy(tab.at[src_v.at[j]], rows_v.at[b],
                              gsem.at[b]).wait()
        pltpu.make_async_copy(rows_v.at[b], acc.at[dst_v.at[j]],
                              ssem.at[b]).start(add=True)
        return 0
      lax.fori_loop(0, R_SPMM, body, 0)

      for j in range(R_SPMM - SLAG, R_SPMM):
        b = j % NBUF
        pltpu.make_async_copy(rows_v.at[b], acc.at[dst_v.at[j]],
                              ssem.at[b]).wait()
    pl.when(c == 0)(lambda: scatter_all(hl_hbm))
    pl.when(c == 1)(lambda: scatter_all(hr_hbm))
    plsc.subcore_barrier()

    def writeback(o_hbm):
      pltpu.sync_copy(acc.at[pl.ds(t * WR, WR)], o_hbm.at[pl.ds(t * WR, WR)])
    pl.when((c == 0) & (t < NWB))(lambda: writeback(outl_hbm))
    pl.when((c == 1) & (t < NWB))(lambda: writeback(outr_hbm))

  return k


_deg = _deg_kernel()
_spmm32 = _spmm_kernel(OUT // 2, spmem_tab=True)


RB = 1000
_GRID = N // RB


def _rows(i):
  return (i, 0)


def _full(i):
  return (0, 0)


def _tc_call(body, out_shapes, in_specs, out_specs):
  return pl.pallas_call(
      body,
      grid=(_GRID,),
      in_specs=in_specs,
      out_specs=out_specs,
      out_shape=out_shapes,
  )


def _bs(shape, imap):
  return pl.BlockSpec(shape, imap)


def _stage_a(deg_ref, x_ref, w_ref, dinv_ref, h0_ref, h1_ref, h2_ref,
             h3_ref):
  deg = deg_ref[0, :, 0] + deg_ref[1, :, 0] - 1.0
  dinv = lax.rsqrt(deg)[:, None]
  dinv_ref[...] = dinv
  h = jnp.dot(x_ref[...] * dinv, w_ref[...],
              preferred_element_type=jnp.float32)
  q = OUT // 2
  h0_ref[...] = h[:, :q]
  h1_ref[...] = h[:, q:2 * q]
  h2_ref[...] = h[:, 2 * q:3 * q]
  h3_ref[...] = h[:, 3 * q:]


def _stage_b(s0_ref, s1_ref, s2_ref, s3_ref, dinv_ref, b_ref, w_ref,
             hl_ref, hr_ref):
  s = jnp.concatenate([s0_ref[...], s1_ref[...], s2_ref[...], s3_ref[...]],
                      axis=1)
  dinv = dinv_ref[...]
  x1 = jnp.maximum(s * dinv + b_ref[...], 0.0)
  h = jnp.dot(x1 * dinv, w_ref[...], preferred_element_type=jnp.float32)
  hl_ref[...] = h[:, :OUT // 2]
  hr_ref[...] = h[:, OUT // 2:]


def _stage_c(sl_ref, sr_ref, dinv_ref, b_ref, w_ref, x2_ref, hl_ref, hr_ref):
  s = jnp.concatenate([sl_ref[...], sr_ref[...]], axis=1)
  dinv = dinv_ref[...]
  x2 = s * dinv + b_ref[...]
  x2_ref[...] = x2
  h = jnp.dot(x2 * dinv, w_ref[...], preferred_element_type=jnp.float32)
  hl_ref[...] = h[:, :OUT // 2]
  hr_ref[...] = h[:, OUT // 2:]


def _stage_d(sl_ref, sr_ref, dinv_ref, b_ref, e_ref):
  s = jnp.concatenate([sl_ref[...], sr_ref[...]], axis=1)
  e_ref[...] = s * dinv_ref[...] + b_ref[...]


def kernel(x, edge_index, W1n, b1n, W2n, b2n, W1e, b1e, W2e, b2e):
  f32 = jnp.float32
  src = edge_index[0].astype(jnp.int32)
  dst = edge_index[1].astype(jnp.int32)
  pad = EPAD - E
  src2d = jnp.concatenate([src, jnp.zeros((pad,), jnp.int32)]).reshape(EROWS, CH)
  dst2d = jnp.concatenate([dst, jnp.full((pad,), TRASH, jnp.int32)]).reshape(EROWS, CH)

  deg2 = _deg(dst2d)

  sd = jax.ShapeDtypeStruct
  q = OUT // 2
  dinv, h1a, h1b, h1c, h1d = _tc_call(
      _stage_a,
      (sd((N, 1), f32), sd((N, q), f32), sd((N, q), f32), sd((N, q), f32),
       sd((N, q), f32)),
      [_bs((NC, RB, 16), lambda i: (0, i, 0)), _bs((RB, D_IN), _rows),
       _bs((D_IN, HID), _full)],
      [_bs((RB, 1), _rows)] + [_bs((RB, q), _rows)] * 4,
  )(deg2, x, W1n)

  s1a, s1c = _spmm32(h1a, h1c, src2d, dst2d)
  s1b, s1d = _spmm32(h1b, h1d, src2d, dst2d)

  h2l, h2r = _tc_call(
      _stage_b,
      (sd((N, q), f32), sd((N, q), f32)),
      [_bs((RB, q), _rows)] * 4 + [_bs((RB, 1), _rows),
       _bs((1, HID), _full), _bs((HID, OUT), _full)],
      [_bs((RB, q), _rows), _bs((RB, q), _rows)],
  )(s1a, s1b, s1c, s1d, dinv, b1n.reshape(1, HID), W2n)

  s2l, s2r = _spmm32(h2l, h2r, src2d, dst2d)

  x2, h3l, h3r = _tc_call(
      _stage_c,
      (sd((N, OUT), f32), sd((N, OUT // 2), f32), sd((N, OUT // 2), f32)),
      [_bs((RB, OUT // 2), _rows), _bs((RB, OUT // 2), _rows),
       _bs((RB, 1), _rows), _bs((1, OUT), _full), _bs((OUT, OUT), _full)],
      [_bs((RB, OUT), _rows), _bs((RB, OUT // 2), _rows),
       _bs((RB, OUT // 2), _rows)],
  )(s2l, s2r, dinv, b2n.reshape(1, OUT), W2e)

  s3l, s3r = _spmm32(h3l, h3r, src2d, dst2d)

  e = _tc_call(
      _stage_d,
      sd((N, OUT), f32),
      [_bs((RB, OUT // 2), _rows), _bs((RB, OUT // 2), _rows),
       _bs((RB, 1), _rows), _bs((1, OUT), _full)],
      _bs((RB, OUT), _rows),
  )(s3l, s3r, dinv, b2e.reshape(1, OUT))

  return (x2, e)

# --- scband reference (transcript-rebuilt; emitter-appended) ---
"""Pipeline reference for scband-variational-gcnencoder-43722767073852 (READ-ONLY COPY).

The authoritative reference and input builder live on the scoring server;
editing this copy changes nothing except your own understanding.
"""

import jax, jax.numpy as jnp
import numpy as np

N_NODES = 10000
E_EDGES = 320000
D_IN = 128
OUT = 64
HID = 2 * OUT


def gcn_conv(x, edge_index, W, b, n):
    # PyG GCNConv: add self-loops, symmetric normalization, linear transform, scatter-add aggregation
    src = edge_index[0]
    dst = edge_index[1]
    loop = jnp.arange(n, dtype=edge_index.dtype)
    src = jnp.concatenate([src, loop])
    dst = jnp.concatenate([dst, loop])
    deg = jnp.zeros((n,), dtype=x.dtype).at[dst].add(1.0)
    dinv = jax.lax.rsqrt(deg)
    dinv = jnp.where(jnp.isfinite(dinv), dinv, 0.0)
    norm = dinv[src] * dinv[dst]
    h = x @ W
    msg = h[src] * norm[:, None]
    out = jax.ops.segment_sum(msg, dst, num_segments=n)
    return out + b


def setup_inputs(seed: int = 0) -> dict:
    key = jax.random.key(seed)
    ks = jax.random.split(key, 10)
    x = jax.random.normal(ks[0], (N_NODES, D_IN), dtype=jnp.float32)
    edge_index = jax.random.randint(ks[1], (2, E_EDGES), 0, N_NODES, dtype=jnp.int64)
    # conv1_nodes: lazy in=-1 resolves to D_IN, out=HID
    W1n = jax.random.normal(ks[2], (D_IN, HID), dtype=jnp.float32) * (1.0 / np.sqrt(D_IN))
    b1n = jnp.zeros((HID,), dtype=jnp.float32)
    # conv2_nodes: in=HID, out=OUT
    W2n = jax.random.normal(ks[3], (HID, OUT), dtype=jnp.float32) * (1.0 / np.sqrt(HID))
    b2n = jnp.zeros((OUT,), dtype=jnp.float32)
    # conv1_edges: lazy in=-1 resolves to OUT (input is x after conv2_nodes), out=HID
    W1e = jax.random.normal(ks[4], (OUT, HID), dtype=jnp.float32) * (1.0 / np.sqrt(OUT))
    b1e = jnp.zeros((HID,), dtype=jnp.float32)
    # conv2_edges: actual runtime input is x with OUT dims -> weight [OUT, OUT] to be executable
    W2e = jax.random.normal(ks[5], (OUT, OUT), dtype=jnp.float32) * (1.0 / np.sqrt(OUT))
    b2e = jnp.zeros((OUT,), dtype=jnp.float32)
    return {"x": x, "edge_index": edge_index, "W1n": W1n, "b1n": b1n, "W2n": W2n, "b2n": b2n, "W1e": W1e, "b1e": b1e, "W2e": W2e, "b2e": b2e}


def reference(x, edge_index, W1n, b1n, W2n, b2n, W1e, b1e, W2e, b2e):
    n = x.shape[0]
    x = jax.nn.relu(gcn_conv(x, edge_index, W1n, b1n, n))
    x = gcn_conv(x, edge_index, W2n, b2n, n)
    e = jax.nn.relu(gcn_conv(x, edge_index, W1e, b1e, n))
    e = gcn_conv(x, edge_index, W2e, b2e, n)
    return (x, e)

if __name__ == "__main__":
    import jax
    _d = setup_inputs()
    print(jax.jit(kernel)(*tuple(_d.values())))

</pallas_src>

<mosaic_0001>
#map = affine_map<(d0, d1) -> (0, 0)>
module attributes {stable_mosaic.version = 14 : i64} {
  func.func @k(%arg0: i32, %arg1: i32, %arg2: memref<10000x32xf32, #tpu.memory_space<hbm>>, %arg3: memref<10000x32xf32, #tpu.memory_space<hbm>>, %arg4: memref<2560x128xi32, #tpu.memory_space<hbm>>, %arg5: memref<2560x128xi32, #tpu.memory_space<hbm>>, %arg6: memref<10000x32xf32, #tpu.memory_space<hbm>>, %arg7: memref<10000x32xf32, #tpu.memory_space<hbm>>, %arg8: memref<160x128xi32, #tpu.memory_space<vmem>>, %arg9: memref<160x128xi32, #tpu.memory_space<vmem>>, %arg10: memref<8x128x32xf32, #tpu.memory_space<vmem>>, %arg11: memref<10112x32xf32, #tpu.memory_space<vmem_shared>>, %arg12: memref<8x!tpu.dma_semaphore, #tpu.memory_space<semaphore_mem>>, %arg13: memref<8x!tpu.dma_semaphore, #tpu.memory_space<semaphore_mem>>, %arg14: memref<10000x32xf32, #tpu.memory_space<vmem_shared>>) attributes {dimension_semantics = [#tpu.dimension_semantics<core_parallel>, #tpu.dimension_semantics<subcore_parallel>], iteration_bounds = array<i64: 2, 16>, scalar_prefetch = 0 : i64, scratch_operands = 7 : i64, tpu.core_type = #tpu.core_type<sc_vector_subcore>, window_params = [{transform_indices = #map}, {transform_indices = #map}, {transform_indices = #map}, {transform_indices = #map}, {transform_indices = #map}, {transform_indices = #map}]} {
    %mul3A = arith.constant 160 : i32
    %mul3A_0 = arith.muli %arg1, %mul3A : i32
    "tpu.region"() ({
      %run_scoped3A = tpu.sem_alloc : memref<!tpu.dma_semaphore, #tpu.memory_space<semaphore_mem>>
      %dma_start3A = arith.constant 0 : i32
      %dma_start3A_41 = tpu.memref_slice %arg4[%mul3A_0, %dma_start3A] : memref<2560x128xi32, #tpu.memory_space<hbm>> -> memref<160x128xi32, #tpu.memory_space<hbm>>
      %dma_start3A_42 = arith.constant 0 : i32
      %dma_start3A_43 = tpu.memref_slice %arg4[%mul3A_0, %dma_start3A_42] : memref<2560x128xi32, #tpu.memory_space<hbm>> -> memref<160x128xi32, #tpu.memory_space<hbm>>
      tpu.enqueue_dma source(%dma_start3A_43 : memref<160x128xi32, #tpu.memory_space<hbm>>) target(%arg8 : memref<160x128xi32, #tpu.memory_space<vmem>>) target_semaphore(%run_scoped3A : memref<!tpu.dma_semaphore, #tpu.memory_space<semaphore_mem>>)
      %dma_wait3A = arith.constant 0 : i32
      %dma_wait3A_44 = tpu.memref_slice %arg4[%mul3A_0, %dma_wait3A] : memref<2560x128xi32, #tpu.memory_space<hbm>> -> memref<160x128xi32, #tpu.memory_space<hbm>>
      %dma_wait3A_45 = arith.constant 0 : i32
      %dma_wait3A_46 = tpu.memref_slice %arg4[%mul3A_0, %dma_wait3A_45] : memref<2560x128xi32, #tpu.memory_space<hbm>> -> memref<160x128xi32, #tpu.memory_space<hbm>>
      tpu.wait_dma2 semaphore(%run_scoped3A : memref<!tpu.dma_semaphore, #tpu.memory_space<semaphore_mem>>) src(%dma_wait3A_46 : memref<160x128xi32, #tpu.memory_space<hbm>>) dst(%arg8 : memref<160x128xi32, #tpu.memory_space<vmem>>)
      tpu.yield
    }) : () -> ()
    %mul3A_1 = arith.constant 160 : i32
    %mul3A_2 = arith.muli %arg1, %mul3A_1 : i32
    "tpu.region"() ({
      %run_scoped3A = tpu.sem_alloc : memref<!tpu.dma_semaphore, #tpu.memory_space<semaphore_mem>>
      %dma_start3A = arith.constant 0 : i32
      %dma_start3A_41 = tpu.memref_slice %arg5[%mul3A_2, %dma_start3A] : memref<2560x128xi32, #tpu.memory_space<hbm>> -> memref<160x128xi32, #tpu.memory_space<hbm>>
      %dma_start3A_42 = arith.constant 0 : i32
      %dma_start3A_43 = tpu.memref_slice %arg5[%mul3A_2, %dma_start3A_42] : memref<2560x128xi32, #tpu.memory_space<hbm>> -> memref<160x128xi32, #tpu.memory_space<hbm>>
      tpu.enqueue_dma source(%dma_start3A_43 : memref<160x128xi32, #tpu.memory_space<hbm>>) target(%arg9 : memref<160x128xi32, #tpu.memory_space<vmem>>) target_semaphore(%run_scoped3A : memref<!tpu.dma_semaphore, #tpu.memory_space<semaphore_mem>>)
      %dma_wait3A = arith.constant 0 : i32
      %dma_wait3A_44 = tpu.memref_slice %arg5[%mul3A_2, %dma_wait3A] : memref<2560x128xi32, #tpu.memory_space<hbm>> -> memref<160x128xi32, #tpu.memory_space<hbm>>
      %dma_wait3A_45 = arith.constant 0 : i32
      %dma_wait3A_46 = tpu.memref_slice %arg5[%mul3A_2, %dma_wait3A_45] : memref<2560x128xi32, #tpu.memory_space<hbm>> -> memref<160x128xi32, #tpu.memory_space<hbm>>
      tpu.wait_dma2 semaphore(%run_scoped3A : memref<!tpu.dma_semaphore, #tpu.memory_space<semaphore_mem>>) src(%dma_wait3A_46 : memref<160x128xi32, #tpu.memory_space<hbm>>) dst(%arg9 : memref<160x128xi32, #tpu.memory_space<vmem>>)
      tpu.yield
    }) : () -> ()
    %eq3A = arith.constant 0 : i32
    %eq3A_3 = arith.cmpi eq, %arg0, %eq3A : i32
    %lt3A = arith.constant 10 : i32
    %lt3A_4 = arith.cmpi slt, %arg1, %lt3A : i32
    %and3A = arith.andi %eq3A_3, %lt3A_4 : i1
    %convert_element_type3A = arith.extui %and3A : i1 to i32
    %cond3A = arith.constant 0 : i32
    %cond3A_5 = arith.cmpi ne, %convert_element_type3A, %cond3A : i32
    scf.if %cond3A_5 {
      %mul3A_41 = arith.constant 1000 : i32
      %mul3A_42 = arith.muli %arg1, %mul3A_41 : i32
      %mul3A_43 = arith.constant 1000 : i32
      %mul3A_44 = arith.muli %arg1, %mul3A_43 : i32
      "tpu.region"() ({
        %run_scoped3A = tpu.sem_alloc : memref<!tpu.dma_semaphore, #tpu.memory_space<semaphore_mem>>
        %dma_start3A = arith.constant 0 : i32
        %dma_start3A_49 = tpu.memref_slice %arg11[%mul3A_44, %dma_start3A] : memref<10112x32xf32, #tpu.memory_space<vmem_shared>> -> memref<1000x32xf32, #tpu.memory_space<vmem_shared>>
        %dma_start3A_50 = arith.constant 0 : i32
        %dma_start3A_51 = tpu.memref_slice %arg2[%mul3A_42, %dma_start3A_50] : memref<10000x32xf32, #tpu.memory_space<hbm>> -> memref<1000x32xf32, #tpu.memory_space<hbm>>
        tpu.enqueue_dma source(%dma_start3A_51 : memref<1000x32xf32, #tpu.memory_space<hbm>>) target(%dma_start3A_49 : memref<1000x32xf32, #tpu.memory_space<vmem_shared>>) target_semaphore(%run_scoped3A : memref<!tpu.dma_semaphore, #tpu.memory_space<semaphore_mem>>)
        %dma_wait3A = arith.constant 0 : i32
        %dma_wait3A_52 = tpu.memref_slice %arg11[%mul3A_44, %dma_wait3A] : memref<10112x32xf32, #tpu.memory_space<vmem_shared>> -> memref<1000x32xf32, #tpu.memory_space<vmem_shared>>
        %dma_wait3A_53 = arith.constant 0 : i32
        %dma_wait3A_54 = tpu.memref_slice %arg2[%mul3A_42, %dma_wait3A_53] : memref<10000x32xf32, #tpu.memory_space<hbm>> -> memref<1000x32xf32, #tpu.memory_space<hbm>>
        tpu.wait_dma2 semaphore(%run_scoped3A : memref<!tpu.dma_semaphore, #tpu.memory_space<semaphore_mem>>) src(%dma_wait3A_54 : memref<1000x32xf32, #tpu.memory_space<hbm>>) dst(%dma_wait3A_52 : memref<1000x32xf32, #tpu.memory_space<vmem_shared>>)
        tpu.yield
      }) : () -> ()
      %mul3A_45 = arith.constant 1000 : i32
      %mul3A_46 = arith.muli %arg1, %mul3A_45 : i32
      %mul3A_47 = arith.constant 1000 : i32
      %mul3A_48 = arith.muli %arg1, %mul3A_47 : i32
      "tpu.region"() ({
        %run_scoped3A = tpu.sem_alloc : memref<!tpu.dma_semaphore, #tpu.memory_space<semaphore_mem>>
        %dma_start3A = arith.constant 0 : i32
        %dma_start3A_49 = tpu.memref_slice %arg14[%mul3A_48, %dma_start3A] : memref<10000x32xf32, #tpu.memory_space<vmem_shared>> -> memref<1000x32xf32, #tpu.memory_space<vmem_shared>>
        %dma_start3A_50 = arith.constant 0 : i32
        %dma_start3A_51 = tpu.memref_slice %arg2[%mul3A_46, %dma_start3A_50] : memref<10000x32xf32, #tpu.memory_space<hbm>> -> memref<1000x32xf32, #tpu.memory_space<hbm>>
        tpu.enqueue_dma source(%dma_start3A_51 : memref<1000x32xf32, #tpu.memory_space<hbm>>) target(%dma_start3A_49 : memref<1000x32xf32, #tpu.memory_space<vmem_shared>>) target_semaphore(%run_scoped3A : memref<!tpu.dma_semaphore, #tpu.memory_space<semaphore_mem>>)
        %dma_wait3A = arith.constant 0 : i32
        %dma_wait3A_52 = tpu.memref_slice %arg14[%mul3A_48, %dma_wait3A] : memref<10000x32xf32, #tpu.memory_space<vmem_shared>> -> memref<1000x32xf32, #tpu.memory_space<vmem_shared>>
        %dma_wait3A_53 = arith.constant 0 : i32
        %dma_wait3A_54 = tpu.memref_slice %arg2[%mul3A_46, %dma_wait3A_53] : memref<10000x32xf32, #tpu.memory_space<hbm>> -> memref<1000x32xf32, #tpu.memory_space<hbm>>
        tpu.wait_dma2 semaphore(%run_scoped3A : memref<!tpu.dma_semaphore, #tpu.memory_space<semaphore_mem>>) src(%dma_wait3A_54 : memref<1000x32xf32, #tpu.memory_space<hbm>>) dst(%dma_wait3A_52 : memref<1000x32xf32, #tpu.memory_space<vmem_shared>>)
        tpu.yield
      }) : () -> ()
    } else {
    }
    %eq3A_6 = arith.constant 1 : i32
    %eq3A_7 = arith.cmpi eq, %arg0, %eq3A_6 : i32
    %lt3A_8 = arith.constant 10 : i32
    %lt3A_9 = arith.cmpi slt, %arg1, %lt3A_8 : i32
    %and3A_10 = arith.andi %eq3A_7, %lt3A_9 : i1
    %convert_element_type3A_11 = arith.extui %and3A_10 : i1 to i32
    %cond3A_12 = arith.constant 0 : i32
    %cond3A_13 = arith.cmpi ne, %convert_element_type3A_11, %cond3A_12 : i32
    scf.if %cond3A_13 {
      %mul3A_41 = arith.constant 1000 : i32
      %mul3A_42 = arith.muli %arg1, %mul3A_41 : i32
      %mul3A_43 = arith.constant 1000 : i32
      %mul3A_44 = arith.muli %arg1, %mul3A_43 : i32
      "tpu.region"() ({
        %run_scoped3A = tpu.sem_alloc : memref<!tpu.dma_semaphore, #tpu.memory_space<semaphore_mem>>
        %dma_start3A = arith.constant 0 : i32
        %dma_start3A_49 = tpu.memref_slice %arg11[%mul3A_44, %dma_start3A] : memref<10112x32xf32, #tpu.memory_space<vmem_shared>> -> memref<1000x32xf32, #tpu.memory_space<vmem_shared>>
        %dma_start3A_50 = arith.constant 0 : i32
        %dma_start3A_51 = tpu.memref_slice %arg3[%mul3A_42, %dma_start3A_50] : memref<10000x32xf32, #tpu.memory_space<hbm>> -> memref<1000x32xf32, #tpu.memory_space<hbm>>
        tpu.enqueue_dma source(%dma_start3A_51 : memref<1000x32xf32, #tpu.memory_space<hbm>>) target(%dma_start3A_49 : memref<1000x32xf32, #tpu.memory_space<vmem_shared>>) target_semaphore(%run_scoped3A : memref<!tpu.dma_semaphore, #tpu.memory_space<semaphore_mem>>)
        %dma_wait3A = arith.constant 0 : i32
        %dma_wait3A_52 = tpu.memref_slice %arg11[%mul3A_44, %dma_wait3A] : memref<10112x32xf32, #tpu.memory_space<vmem_shared>> -> memref<1000x32xf32, #tpu.memory_space<vmem_shared>>
        %dma_wait3A_53 = arith.constant 0 : i32
        %dma_wait3A_54 = tpu.memref_slice %arg3[%mul3A_42, %dma_wait3A_53] : memref<10000x32xf32, #tpu.memory_space<hbm>> -> memref<1000x32xf32, #tpu.memory_space<hbm>>
        tpu.wait_dma2 semaphore(%run_scoped3A : memref<!tpu.dma_semaphore, #tpu.memory_space<semaphore_mem>>) src(%dma_wait3A_54 : memref<1000x32xf32, #tpu.memory_space<hbm>>) dst(%dma_wait3A_52 : memref<1000x32xf32, #tpu.memory_space<vmem_shared>>)
        tpu.yield
      }) : () -> ()
      %mul3A_45 = arith.constant 1000 : i32
      %mul3A_46 = arith.muli %arg1, %mul3A_45 : i32
      %mul3A_47 = arith.constant 1000 : i32
      %mul3A_48 = arith.muli %arg1, %mul3A_47 : i32
      "tpu.region"() ({
        %run_scoped3A = tpu.sem_alloc : memref<!tpu.dma_semaphore, #tpu.memory_space<semaphore_mem>>
        %dma_start3A = arith.constant 0 : i32
        %dma_start3A_49 = tpu.memref_slice %arg14[%mul3A_48, %dma_start3A] : memref<10000x32xf32, #tpu.memory_space<vmem_shared>> -> memref<1000x32xf32, #tpu.memory_space<vmem_shared>>
        %dma_start3A_50 = arith.constant 0 : i32
        %dma_start3A_51 = tpu.memref_slice %arg3[%mul3A_46, %dma_start3A_50] : memref<10000x32xf32, #tpu.memory_space<hbm>> -> memref<1000x32xf32, #tpu.memory_space<hbm>>
        tpu.enqueue_dma source(%dma_start3A_51 : memref<1000x32xf32, #tpu.memory_space<hbm>>) target(%dma_start3A_49 : memref<1000x32xf32, #tpu.memory_space<vmem_shared>>) target_semaphore(%run_scoped3A : memref<!tpu.dma_semaphore, #tpu.memory_space<semaphore_mem>>)
        %dma_wait3A = arith.constant 0 : i32
        %dma_wait3A_52 = tpu.memref_slice %arg14[%mul3A_48, %dma_wait3A] : memref<10000x32xf32, #tpu.memory_space<vmem_shared>> -> memref<1000x32xf32, #tpu.memory_space<vmem_shared>>
        %dma_wait3A_53 = arith.constant 0 : i32
        %dma_wait3A_54 = tpu.memref_slice %arg3[%mul3A_46, %dma_wait3A_53] : memref<10000x32xf32, #tpu.memory_space<hbm>> -> memref<1000x32xf32, #tpu.memory_space<hbm>>
        tpu.wait_dma2 semaphore(%run_scoped3A : memref<!tpu.dma_semaphore, #tpu.memory_space<semaphore_mem>>) src(%dma_wait3A_54 : memref<1000x32xf32, #tpu.memory_space<hbm>>) dst(%dma_wait3A_52 : memref<1000x32xf32, #tpu.memory_space<vmem_shared>>)
        tpu.yield
      }) : () -> ()
    } else {
    }
    %barrier3A = arith.constant 0 : index
    tpu.barrier barrier_id(%barrier3A)
    %eq3A_14 = arith.constant 0 : i32
    %eq3A_15 = arith.cmpi eq, %arg0, %eq3A_14 : i32
    %convert_element_type3A_16 = arith.extui %eq3A_15 : i1 to i32
    %cond3A_17 = arith.constant 0 : i32
    %cond3A_18 = arith.cmpi ne, %convert_element_type3A_16, %cond3A_17 : i32
    scf.if %cond3A_18 {
      %dma_start3A = arith.constant 0 : i32
      %dma_start3A_41 = arith.constant 0 : i32
      %dma_start3A_42 = arith.constant 0 : i32
      %dma_start3A_43 = arith.constant 0 : i32
      %dma_start3A_44 = arith.constant 0 : i32
      %dma_start3A_45 = tpu.memref_slice %arg10[%dma_start3A_41, %dma_start3A_43, %dma_start3A_44] : memref<8x128x32xf32, #tpu.memory_space<vmem>> -> memref<1x128x32xf32, #tpu.memory_space<vmem>>
      %dma_start3A_46 = tpu.memref_squeeze %dma_start3A_45 : memref<1x128x32xf32, #tpu.memory_space<vmem>> -> memref<128x32xf32, #tpu.memory_space<vmem>>
      %dma_start3A_47 = arith.constant 0 : i32
      %dma_start3A_48 = tpu.memref_slice %arg8[%dma_start3A, %dma_start3A_47] : memref<160x128xi32, #tpu.memory_space<vmem>> -> memref<1x128xi32, #tpu.memory_space<vmem>>
      %dma_start3A_49 = tpu.memref_squeeze %dma_start3A_48 : memref<1x128xi32, #tpu.memory_space<vmem>> -> memref<128xi32, #tpu.memory_space<vmem>>
      %dma_start3A_50 = arith.constant 0 : i32
      %dma_start3A_51 = arith.constant 0 : i32
      %dma_start3A_52 = tpu.memref_slice %arg14[%dma_start3A_50, %dma_start3A_51] : memref<10000x32xf32, #tpu.memory_space<vmem_shared>> -> memref<10000x32xf32, #tpu.memory_space<vmem_shared>>
      %dma_start3A_53 = tpu.memref_slice %arg12[%dma_start3A_42] : memref<8x!tpu.dma_semaphore, #tpu.memory_space<semaphore_mem>> -> memref<1x!tpu.dma_semaphore, #tpu.memory_space<semaphore_mem>>
      %dma_start3A_54 = tpu.memref_squeeze %dma_start3A_53 : memref<1x!tpu.dma_semaphore, #tpu.memory_space<semaphore_mem>> -> memref<!tpu.dma_semaphore, #tpu.memory_space<semaphore_mem>>
      tpu.enqueue_indirect_dma source(%dma_start3A_52 : memref<10000x32xf32, #tpu.memory_space<vmem_shared>>) target(%dma_start3A_46 : memref<128x32xf32, #tpu.memory_space<vmem>>) offsets(%dma_start3A_49 : memref<128xi32, #tpu.memory_space<vmem>>) semaphore(%dma_start3A_54 : memref<!tpu.dma_semaphore, #tpu.memory_space<semaphore_mem>>)
      %dma_start3A_55 = arith.constant 1 : i32
      %dma_start3A_56 = arith.constant 1 : i32
      %dma_start3A_57 = arith.constant 1 : i32
      %dma_start3A_58 = arith.constant 0 : i32
      %dma_start3A_59 = arith.constant 0 : i32
      %dma_start3A_60 = tpu.memref_slice %arg10[%dma_start3A_56, %dma_start3A_58, %dma_start3A_59] : memref<8x128x32xf32, #tpu.memory_space<vmem>> -> memref<1x128x32xf32, #tpu.memory_space<vmem>>
      %dma_start3A_61 = tpu.memref_squeeze %dma_start3A_60 : memref<1x128x32xf32, #tpu.memory_space<vmem>> -> memref<128x32xf32, #tpu.memory_space<vmem>>
      %dma_start3A_62 = arith.constant 0 : i32
      %dma_start3A_63 = tpu.memref_slice %arg8[%dma_start3A_55, %dma_start3A_62] : memref<160x128xi32, #tpu.memory_space<vmem>> -> memref<1x128xi32, #tpu.memory_space<vmem>>
      %dma_start3A_64 = tpu.memref_squeeze %dma_start3A_63 : memref<1x128xi32, #tpu.memory_space<vmem>> -> memref<128xi32, #tpu.memory_space<vmem>>
      %dma_start3A_65 = arith.constant 0 : i32
      %dma_start3A_66 = arith.constant 0 : i32
      %dma_start3A_67 = tpu.memref_slice %arg14[%dma_start3A_65, %dma_start3A_66] : memref<10000x32xf32, #tpu.memory_space<vmem_shared>> -> memref<10000x32xf32, #tpu.memory_space<vmem_shared>>
      %dma_start3A_68 = tpu.memref_slice %arg12[%dma_start3A_57] : memref<8x!tpu.dma_semaphore, #tpu.memory_space<semaphore_mem>> -> memref<1x!tpu.dma_semaphore, #tpu.memory_space<semaphore_mem>>
      %dma_start3A_69 = tpu.memref_squeeze %dma_start3A_68 : memref<1x!tpu.dma_semaphore, #tpu.memory_space<semaphore_mem>> -> memref<!tpu.dma_semaphore, #tpu.memory_space<semaphore_mem>>
      tpu.enqueue_indirect_dma source(%dma_start3A_67 : memref<10000x32xf32, #tpu.memory_space<vmem_shared>>) target(%dma_start3A_61 : memref<128x32xf32, #tpu.memory_space<vmem>>) offsets(%dma_start3A_64 : memref<128xi32, #tpu.memory_space<vmem>>) semaphore(%dma_start3A_69 : memref<!tpu.dma_semaphore, #tpu.memory_space<semaphore_mem>>)
      %dma_start3A_70 = arith.constant 2 : i32
      %dma_start3A_71 = arith.constant 2 : i32
      %dma_start3A_72 = arith.constant 2 : i32
      %dma_start3A_73 = arith.constant 0 : i32
      %dma_start3A_74 = arith.constant 0 : i32
      %dma_start3A_75 = tpu.memref_slice %arg10[%dma_start3A_71, %dma_start3A_73, %dma_start3A_74] : memref<8x128x32xf32, #tpu.memory_space<vmem>> -> memref<1x128x32xf32, #tpu.memory_space<vmem>>
      %dma_start3A_76 = tpu.memref_squeeze %dma_start3A_75 : memref<1x128x32xf32, #tpu.memory_space<vmem>> -> memref<128x32xf32, #tpu.memory_space<vmem>>
      %dma_start3A_77 = arith.constant 0 : i32
      %dma_start3A_78 = tpu.memref_slice %arg8[%dma_start3A_70, %dma_start3A_77] : memref<160x128xi32, #tpu.memory_space<vmem>> -> memref<1x128xi32, #tpu.memory_space<vmem>>
      %dma_start3A_79 = tpu.memref_squeeze %dma_start3A_78 : memref<1x128xi32, #tpu.memory_space<vmem>> -> memref<128xi32, #tpu.memory_space<vmem>>
      %dma_start3A_80 = arith.constant 0 : i32
      %dma_start3A_81 = arith.constant 0 : i32
      %dma_start3A_82 = tpu.memref_slice %arg14[%dma_start3A_80, %dma_start3A_81] : memref<10000x32xf32, #tpu.memory_space<vmem_shared>> -> memref<10000x32xf32, #tpu.memory_space<vmem_shared>>
      %dma_start3A_83 = tpu.memref_slice %arg12[%dma_start3A_72] : memref<8x!tpu.dma_semaphore, #tpu.memory_space<semaphore_mem>> -> memref<1x!tpu.dma_semaphore, #tpu.memory_space<semaphore_mem>>
      %dma_start3A_84 = tpu.memref_squeeze %dma_start3A_83 : memref<1x!tpu.dma_semaphore, #tpu.memory_space<semaphore_mem>> -> memref<!tpu.dma_semaphore, #tpu.memory_space<semaphore_mem>>
      tpu.enqueue_indirect_dma source(%dma_start3A_82 : memref<10000x32xf32, #tpu.memory_space<vmem_shared>>) target(%dma_start3A_76 : memref<128x32xf32, #tpu.memory_space<vmem>>) offsets(%dma_start3A_79 : memref<128xi32, #tpu.memory_space<vmem>>) semaphore(%dma_start3A_84 : memref<!tpu.dma_semaphore, #tpu.memory_space<semaphore_mem>>)
      %dma_start3A_85 = arith.constant 3 : i32
      %dma_start3A_86 = arith.constant 3 : i32
      %dma_start3A_87 = arith.constant 3 : i32
      %dma_start3A_88 = arith.constant 0 : i32
      %dma_start3A_89 = arith.constant 0 : i32
      %dma_start3A_90 = tpu.memref_slice %arg10[%dma_start3A_86, %dma_start3A_88, %dma_start3A_89] : memref<8x128x32xf32, #tpu.memory_space<vmem>> -> memref<1x128x32xf32, #tpu.memory_space<vmem>>
      %dma_start3A_91 = tpu.memref_squeeze %dma_start3A_90 : memref<1x128x32xf32, #tpu.memory_space<vmem>> -> memref<128x32xf32, #tpu.memory_space<vmem>>
      %dma_start3A_92 = arith.constant 0 : i32
      %dma_start3A_93 = tpu.memref_slice %arg8[%dma_start3A_85, %dma_start3A_92] : memref<160x128xi32, #tpu.memory_space<vmem>> -> memref<1x128xi32, #tpu.memory_space<vmem>>
      %dma_start3A_94 = tpu.memref_squeeze %dma_start3A_93 : memref<1x128xi32, #tpu.memory_space<vmem>> -> memref<128xi32, #tpu.memory_space<vmem>>
      %dma_start3A_95 = arith.constant 0 : i32
      %dma_start3A_96 = arith.constant 0 : i32
      %dma_start3A_97 = tpu.memref_slice %arg14[%dma_start3A_95, %dma_start3A_96] : memref<10000x32xf32, #tpu.memory_space<vmem_shared>> -> memref<10000x32xf32, #tpu.memory_space<vmem_shared>>
      %dma_start3A_98 = tpu.memref_slice %arg12[%dma_start3A_87] : memref<8x!tpu.dma_semaphore, #tpu.memory_space<semaphore_mem>> -> memref<1x!tpu.dma_semaphore, #tpu.memory_space<semaphore_mem>>
      %dma_start3A_99 = tpu.memref_squeeze %dma_start3A_98 : memref<1x!tpu.dma_semaphore, #tpu.memory_space<semaphore_mem>> -> memref<!tpu.dma_semaphore, #tpu.memory_space<semaphore_mem>>
      tpu.enqueue_indirect_dma source(%dma_start3A_97 : memref<10000x32xf32, #tpu.memory_space<vmem_shared>>) target(%dma_start3A_91 : memref<128x32xf32, #tpu.memory_space<vmem>>) offsets(%dma_start3A_94 : memref<128xi32, #tpu.memory_space<vmem>>) semaphore(%dma_start3A_99 : memref<!tpu.dma_semaphore, #tpu.memory_space<semaphore_mem>>)
      %dma_start3A_100 = arith.constant 4 : i32
      %dma_start3A_101 = arith.constant 4 : i32
      %dma_start3A_102 = arith.constant 4 : i32
      %dma_start3A_103 = arith.constant 0 : i32
      %dma_start3A_104 = arith.constant 0 : i32
      %dma_start3A_105 = tpu.memref_slice %arg10[%dma_start3A_101, %dma_start3A_103, %dma_start3A_104] : memref<8x128x32xf32, #tpu.memory_space<vmem>> -> memref<1x128x32xf32, #tpu.memory_space<vmem>>
      %dma_start3A_106 = tpu.memref_squeeze %dma_start3A_105 : memref<1x128x32xf32, #tpu.memory_space<vmem>> -> memref<128x32xf32, #tpu.memory_space<vmem>>
      %dma_start3A_107 = arith.constant 0 : i32
      %dma_start3A_108 = tpu.memref_slice %arg8[%dma_start3A_100, %dma_start3A_107] : memref<160x128xi32, #tpu.memory_space<vmem>> -> memref<1x128xi32, #tpu.memory_space<vmem>>
      %dma_start3A_109 = tpu.memref_squeeze %dma_start3A_108 : memref<1x128xi32, #tpu.memory_space<vmem>> -> memref<128xi32, #tpu.memory_space<vmem>>
      %dma_start3A_110 = arith.constant 0 : i32
      %dma_start3A_111 = arith.constant 0 : i32
      %dma_start3A_112 = tpu.memref_slice %arg14[%dma_start3A_110, %dma_start3A_111] : memref<10000x32xf32, #tpu.memory_space<vmem_shared>> -> memref<10000x32xf32, #tpu.memory_space<vmem_shared>>
      %dma_start3A_113 = tpu.memref_slice %arg12[%dma_start3A_102] : memref<8x!tpu.dma_semaphore, #tpu.memory_space<semaphore_mem>> -> memref<1x!tpu.dma_semaphore, #tpu.memory_space<semaphore_mem>>
      %dma_start3A_114 = tpu.memref_squeeze %dma_start3A_113 : memref<1x!tpu.dma_semaphore, #tpu.memory_space<semaphore_mem>> -> memref<!tpu.dma_semaphore, #tpu.memory_space<semaphore_mem>>
      tpu.enqueue_indirect_dma source(%dma_start3A_112 : memref<10000x32xf32, #tpu.memory_space<vmem_shared>>) target(%dma_start3A_106 : memref<128x32xf32, #tpu.memory_space<vmem>>) offsets(%dma_start3A_109 : memref<128xi32, #tpu.memory_space<vmem>>) semaphore(%dma_start3A_114 : memref<!tpu.dma_semaphore, #tpu.memory_space<semaphore_mem>>)
      %dma_start3A_115 = arith.constant 5 : i32
      %dma_start3A_116 = arith.constant 5 : i32
      %dma_start3A_117 = arith.constant 5 : i32
      %dma_start3A_118 = arith.constant 0 : i32
      %dma_start3A_119 = arith.constant 0 : i32
      %dma_start3A_120 = tpu.memref_slice %arg10[%dma_start3A_116, %dma_start3A_118, %dma_start3A_119] : memref<8x128x32xf32, #tpu.memory_space<vmem>> -> memref<1x128x32xf32, #tpu.memory_space<vmem>>
      %dma_start3A_121 = tpu.memref_squeeze %dma_start3A_120 : memref<1x128x32xf32, #tpu.memory_space<vmem>> -> memref<128x32xf32, #tpu.memory_space<vmem>>
      %dma_start3A_122 = arith.constant 0 : i32
      %dma_start3A_123 = tpu.memref_slice %arg8[%dma_start3A_115, %dma_start3A_122] : memref<160x128xi32, #tpu.memory_space<vmem>> -> memref<1x128xi32, #tpu.memory_space<vmem>>
      %dma_start3A_124 = tpu.memref_squeeze %dma_start3A_123 : memref<1x128xi32, #tpu.memory_space<vmem>> -> memref<128xi32, #tpu.memory_space<vmem>>
      %dma_start3A_125 = arith.constant 0 : i32
      %dma_start3A_126 = arith.constant 0 : i32
      %dma_start3A_127 = tpu.memref_slice %arg14[%dma_start3A_125, %dma_start3A_126] : memref<10000x32xf32, #tpu.memory_space<vmem_shared>> -> memref<10000x32xf32, #tpu.memory_space<vmem_shared>>
      %dma_start3A_128 = tpu.memref_slice %arg12[%dma_start3A_117] : memref<8x!tpu.dma_semaphore, #tpu.memory_space<semaphore_mem>> -> memref<1x!tpu.dma_semaphore, #tpu.memory_space<semaphore_mem>>
      %dma_start3A_129 = tpu.memref_squeeze %dma_start3A_128 : memref<1x!tpu.dma_semaphore, #tpu.memory_space<semaphore_mem>> -> memref<!tpu.dma_semaphore, #tpu.memory_space<semaphore_mem>>
      tpu.enqueue_indirect_dma source(%dma_start3A_127 : memref<10000x32xf32, #tpu.memory_space<vmem_shared>>) target(%dma_start3A_121 : memref<128x32xf32, #tpu.memory_space<vmem>>) offsets(%dma_start3A_124 : memref<128xi32, #tpu.memory_space<vmem>>) semaphore(%dma_start3A_129 : memref<!tpu.dma_semaphore, #tpu.memory_space<semaphore_mem>>)
      %scan3A = arith.constant 0 : i32
      %scan3A_130 = arith.constant 0 : i32
      %scan3A_131 = arith.constant 160 : i32
      %scan3A_132 = arith.addi %scan3A_130, %scan3A_131 : i32
      %scan3A_133 = arith.constant 1 : i32
      %scan3A_134 = scf.for %scan3A_165 = %scan3A_130 to %scan3A_132 step %scan3A_133 iter_args(%scan3A_166 = %scan3A) -> (i32)  : i32 {
        %ge3A = arith.constant 2 : i32
        %ge3A_167 = arith.cmpi sge, %scan3A_165, %ge3A : i32
        %convert_element_type3A_168 = arith.extui %ge3A_167 : i1 to i32
        %cond3A_169 = arith.constant 0 : i32
        %cond3A_170 = arith.cmpi ne, %convert_element_type3A_168, %cond3A_169 : i32
        scf.if %cond3A_170 {
          %sub3A = arith.constant 2 : i32
          %sub3A_203 = arith.subi %scan3A_165, %sub3A : i32
          %rem3A_204 = arith.constant 8 : i32
          %rem3A_205 = arith.remsi %sub3A_203, %rem3A_204 : i32
          %dma_wait3A_206 = arith.constant 0 : i32
          %dma_wait3A_207 = arith.constant 0 : i32
          %dma_wait3A_208 = tpu.memref_slice %arg10[%rem3A_205, %dma_wait3A_206, %dma_wait3A_207] : memref<8x128x32xf32, #tpu.memory_space<vmem>> -> memref<1x128x32xf32, #tpu.memory_space<vmem>>
          %dma_wait3A_209 = tpu.memref_squeeze %dma_wait3A_208 : memref<1x128x32xf32, #tpu.memory_space<vmem>> -> memref<128x32xf32, #tpu.memory_space<vmem>>
          %dma_wait3A_210 = arith.constant 0 : i32
          %dma_wait3A_211 = tpu.memref_slice %arg9[%sub3A_203, %dma_wait3A_210] : memref<160x128xi32, #tpu.memory_space<vmem>> -> memref<1x128xi32, #tpu.memory_space<vmem>>
          %dma_wait3A_212 = tpu.memref_squeeze %dma_wait3A_211 : memref<1x128xi32, #tpu.memory_space<vmem>> -> memref<128xi32, #tpu.memory_space<vmem>>
          %dma_wait3A_213 = arith.constant 0 : i32
          %dma_wait3A_214 = arith.constant 0 : i32
          %dma_wait3A_215 = tpu.memref_slice %arg11[%dma_wait3A_213, %dma_wait3A_214] : memref<10112x32xf32, #tpu.memory_space<vmem_shared>> -> memref<10112x32xf32, #tpu.memory_space<vmem_shared>>
          %dma_wait3A_216 = tpu.memref_slice %arg13[%rem3A_205] : memref<8x!tpu.dma_semaphore, #tpu.memory_space<semaphore_mem>> -> memref<1x!tpu.dma_semaphore, #tpu.memory_space<semaphore_mem>>
          %dma_wait3A_217 = tpu.memref_squeeze %dma_wait3A_216 : memref<1x!tpu.dma_semaphore, #tpu.memory_space<semaphore_mem>> -> memref<!tpu.dma_semaphore, #tpu.memory_space<semaphore_mem>>
          tpu.wait_indirect_dma semaphore(%dma_wait3A_217 : memref<!tpu.dma_semaphore, #tpu.memory_space<semaphore_mem>>) src(%dma_wait3A_209 : memref<128x32xf32, #tpu.memory_space<vmem>>) dst(%dma_wait3A_215 : memref<10112x32xf32, #tpu.memory_space<vmem_shared>>)
        } else {
        }
        %add3A = arith.constant 6 : i32
        %add3A_171 = arith.addi %scan3A_165, %add3A : i32
        %lt3A_172 = arith.constant 160 : i32
        %lt3A_173 = arith.cmpi slt, %add3A_171, %lt3A_172 : i32
        %convert_element_type3A_174 = arith.extui %lt3A_173 : i1 to i32
        %cond3A_175 = arith.constant 0 : i32
        %cond3A_176 = arith.cmpi ne, %convert_element_type3A_174, %cond3A_175 : i32
        scf.if %cond3A_176 {
          %add3A_203 = arith.constant 6 : i32
          %add3A_204 = arith.addi %scan3A_165, %add3A_203 : i32
          %rem3A_205 = arith.constant 8 : i32
          %rem3A_206 = arith.remsi %add3A_204, %rem3A_205 : i32
          %dma_start3A_207 = arith.constant 0 : i32
          %dma_start3A_208 = arith.constant 0 : i32
          %dma_start3A_209 = tpu.memref_slice %arg10[%rem3A_206, %dma_start3A_207, %dma_start3A_208] : memref<8x128x32xf32, #tpu.memory_space<vmem>> -> memref<1x128x32xf32, #tpu.memory_space<vmem>>
          %dma_start3A_210 = tpu.memref_squeeze %dma_start3A_209 : memref<1x128x32xf32, #tpu.memory_space<vmem>> -> memref<128x32xf32, #tpu.memory_space<vmem>>
          %dma_start3A_211 = arith.constant 0 : i32
          %dma_start3A_212 = tpu.memref_slice %arg8[%add3A_204, %dma_start3A_211] : memref<160x128xi32, #tpu.memory_space<vmem>> -> memref<1x128xi32, #tpu.memory_space<vmem>>
          %dma_start3A_213 = tpu.memref_squeeze %dma_start3A_212 : memref<1x128xi32, #tpu.memory_space<vmem>> -> memref<128xi32, #tpu.memory_space<vmem>>
          %dma_start3A_214 = arith.constant 0 : i32
          %dma_start3A_215 = arith.constant 0 : i32
          %dma_start3A_216 = tpu.memref_slice %arg14[%dma_start3A_214, %dma_start3A_215] : memref<10000x32xf32, #tpu.memory_space<vmem_shared>> -> memref<10000x32xf32, #tpu.memory_space<vmem_shared>>
          %dma_start3A_217 = tpu.memref_slice %arg12[%rem3A_206] : memref<8x!tpu.dma_semaphore, #tpu.memory_space<semaphore_mem>> -> memref<1x!tpu.dma_semaphore, #tpu.memory_space<semaphore_mem>>
          %dma_start3A_218 = tpu.memref_squeeze %dma_start3A_217 : memref<1x!tpu.dma_semaphore, #tpu.memory_space<semaphore_mem>> -> memref<!tpu.dma_semaphore, #tpu.memory_space<semaphore_mem>>
          tpu.enqueue_indirect_dma source(%dma_start3A_216 : memref<10000x32xf32, #tpu.memory_space<vmem_shared>>) target(%dma_start3A_210 : memref<128x32xf32, #tpu.memory_space<vmem>>) offsets(%dma_start3A_213 : memref<128xi32, #tpu.memory_space<vmem>>) semaphore(%dma_start3A_218 : memref<!tpu.dma_semaphore, #tpu.memory_space<semaphore_mem>>)
        } else {
        }
        %rem3A = arith.constant 8 : i32
        %rem3A_177 = arith.remsi %scan3A_165, %rem3A : i32
        %dma_wait3A_178 = arith.constant 0 : i32
        %dma_wait3A_179 = arith.constant 0 : i32
        %dma_wait3A_180 = tpu.memref_slice %arg10[%rem3A_177, %dma_wait3A_178, %dma_wait3A_179] : memref<8x128x32xf32, #tpu.memory_space<vmem>> -> memref<1x128x32xf32, #tpu.memory_space<vmem>>
        %dma_wait3A_181 = tpu.memref_squeeze %dma_wait3A_180 : memref<1x128x32xf32, #tpu.memory_space<vmem>> -> memref<128x32xf32, #tpu.memory_space<vmem>>
        %dma_wait3A_182 = arith.constant 0 : i32
        %dma_wait3A_183 = tpu.memref_slice %arg8[%scan3A_165, %dma_wait3A_182] : memref<160x128xi32, #tpu.memory_space<vmem>> -> memref<1x128xi32, #tpu.memory_space<vmem>>
        %dma_wait3A_184 = tpu.memref_squeeze %dma_wait3A_183 : memref<1x128xi32, #tpu.memory_space<vmem>> -> memref<128xi32, #tpu.memory_space<vmem>>
        %dma_wait3A_185 = arith.constant 0 : i32
        %dma_wait3A_186 = arith.constant 0 : i32
        %dma_wait3A_187 = tpu.memref_slice %arg14[%dma_wait3A_185, %dma_wait3A_186] : memref<10000x32xf32, #tpu.memory_space<vmem_shared>> -> memref<10000x32xf32, #tpu.memory_space<vmem_shared>>
        %dma_wait3A_188 = tpu.memref_slice %arg12[%rem3A_177] : memref<8x!tpu.dma_semaphore, #tpu.memory_space<semaphore_mem>> -> memref<1x!tpu.dma_semaphore, #tpu.memory_space<semaphore_mem>>
        %dma_wait3A_189 = tpu.memref_squeeze %dma_wait3A_188 : memref<1x!tpu.dma_semaphore, #tpu.memory_space<semaphore_mem>> -> memref<!tpu.dma_semaphore, #tpu.memory_space<semaphore_mem>>
        tpu.wait_indirect_dma semaphore(%dma_wait3A_189 : memref<!tpu.dma_semaphore, #tpu.memory_space<semaphore_mem>>) src(%dma_wait3A_187 : memref<10000x32xf32, #tpu.memory_space<vmem_shared>>) dst(%dma_wait3A_181 : memref<128x32xf32, #tpu.memory_space<vmem>>)
        %dma_start3A_190 = arith.constant 0 : i32
        %dma_start3A_191 = arith.constant 0 : i32
        %dma_start3A_192 = tpu.memref_slice %arg10[%rem3A_177, %dma_start3A_190, %dma_start3A_191] : memref<8x128x32xf32, #tpu.memory_space<vmem>> -> memref<1x128x32xf32, #tpu.memory_space<vmem>>
        %dma_start3A_193 = tpu.memref_squeeze %dma_start3A_192 : memref<1x128x32xf32, #tpu.memory_space<vmem>> -> memref<128x32xf32, #tpu.memory_space<vmem>>
        %dma_start3A_194 = arith.constant 0 : i32
        %dma_start3A_195 = tpu.memref_slice %arg9[%scan3A_165, %dma_start3A_194] : memref<160x128xi32, #tpu.memory_space<vmem>> -> memref<1x128xi32, #tpu.memory_space<vmem>>
        %dma_start3A_196 = tpu.memref_squeeze %dma_start3A_195 : memref<1x128xi32, #tpu.memory_space<vmem>> -> memref<128xi32, #tpu.memory_space<vmem>>
        %dma_start3A_197 = arith.constant 0 : i32
        %dma_start3A_198 = arith.constant 0 : i32
        %dma_start3A_199 = tpu.memref_slice %arg11[%dma_start3A_197, %dma_start3A_198] : memref<10112x32xf32, #tpu.memory_space<vmem_shared>> -> memref<10112x32xf32, #tpu.memory_space<vmem_shared>>
        %dma_start3A_200 = tpu.memref_slice %arg13[%rem3A_177] : memref<8x!tpu.dma_semaphore, #tpu.memory_space<semaphore_mem>> -> memref<1x!tpu.dma_semaphore, #tpu.memory_space<semaphore_mem>>
        %dma_start3A_201 = tpu.memref_squeeze %dma_start3A_200 : memref<1x!tpu.dma_semaphore, #tpu.memory_space<semaphore_mem>> -> memref<!tpu.dma_semaphore, #tpu.memory_space<semaphore_mem>>
        tpu.enqueue_indirect_dma source(%dma_start3A_193 : memref<128x32xf32, #tpu.memory_space<vmem>>) target(%dma_start3A_199 : memref<10112x32xf32, #tpu.memory_space<vmem_shared>>) offsets(%dma_start3A_196 : memref<128xi32, #tpu.memory_space<vmem>>) semaphore(%dma_start3A_201 : memref<!tpu.dma_semaphore, #tpu.memory_space<semaphore_mem>>) {add = true}
        %scan3A_202 = arith.constant 0 : i32
        scf.yield %scan3A_202 : i32
      }
      %scan3A_135 = arith.constant 160 : i32
      %dma_wait3A = arith.constant 6 : i32
      %dma_wait3A_136 = arith.constant 158 : i32
      %dma_wait3A_137 = arith.constant 6 : i32
      %dma_wait3A_138 = arith.constant 0 : i32
      %dma_wait3A_139 = arith.constant 0 : i32
      %dma_wait3A_140 = tpu.memref_slice %arg10[%dma_wait3A, %dma_wait3A_138, %dma_wait3A_139] : memref<8x128x32xf32, #tpu.memory_space<vmem>> -> memref<1x128x32xf32, #tpu.memory_space<vmem>>
      %dma_wait3A_141 = tpu.memref_squeeze %dma_wait3A_140 : memref<1x128x32xf32, #tpu.memory_space<vmem>> -> memref<128x32xf32, #tpu.memory_space<vmem>>
      %dma_wait3A_142 = arith.constant 0 : i32
      %dma_wait3A_143 = tpu.memref_slice %arg9[%dma_wait3A_136, %dma_wait3A_142] : memref<160x128xi32, #tpu.memory_space<vmem>> -> memref<1x128xi32, #tpu.memory_space<vmem>>
      %dma_wait3A_144 = tpu.memref_squeeze %dma_wait3A_143 : memref<1x128xi32, #tpu.memory_space<vmem>> -> memref<128xi32, #tpu.memory_space<vmem>>
      %dma_wait3A_145 = arith.constant 0 : i32
      %dma_wait3A_146 = arith.constant 0 : i32
      %dma_wait3A_147 = tpu.memref_slice %arg11[%dma_wait3A_145, %dma_wait3A_146] : memref<10112x32xf32, #tpu.memory_space<vmem_shared>> -> memref<10112x32xf32, #tpu.memory_space<vmem_shared>>
      %dma_wait3A_148 = tpu.memref_slice %arg13[%dma_wait3A_137] : memref<8x!tpu.dma_semaphore, #tpu.memory_space<semaphore_mem>> -> memref<1x!tpu.dma_semaphore, #tpu.memory_space<semaphore_mem>>
      %dma_wait3A_149 = tpu.memref_squeeze %dma_wait3A_148 : memref<1x!tpu.dma_semaphore, #tpu.memory_space<semaphore_mem>> -> memref<!tpu.dma_semaphore, #tpu.memory_space<semaphore_mem>>
      tpu.wait_indirect_dma semaphore(%dma_wait3A_149 : memref<!tpu.dma_semaphore, #tpu.memory_space<semaphore_mem>>) src(%dma_wait3A_141 : memref<128x32xf32, #tpu.memory_space<vmem>>) dst(%dma_wait3A_147 : memref<10112x32xf32, #tpu.memory_space<vmem_shared>>)
      %dma_wait3A_150 = arith.constant 7 : i32
      %dma_wait3A_151 = arith.constant 159 : i32
      %dma_wait3A_152 = arith.constant 7 : i32
      %dma_wait3A_153 = arith.constant 0 : i32
      %dma_wait3A_154 = arith.constant 0 : i32
      %dma_wait3A_155 = tpu.memref_slice %arg10[%dma_wait3A_150, %dma_wait3A_153, %dma_wait3A_154] : memref<8x128x32xf32, #tpu.memory_space<vmem>> -> memref<1x128x32xf32, #tpu.memory_space<vmem>>
      %dma_wait3A_156 = tpu.memref_squeeze %dma_wait3A_155 : memref<1x128x32xf32, #tpu.memory_space<vmem>> -> memref<128x32xf32, #tpu.memory_space<vmem>>
      %dma_wait3A_157 = arith.constant 0 : i32
      %dma_wait3A_158 = tpu.memref_slice %arg9[%dma_wait3A_151, %dma_wait3A_157] : memref<160x128xi32, #tpu.memory_space<vmem>> -> memref<1x128xi32, #tpu.memory_space<vmem>>
      %dma_wait3A_159 = tpu.memref_squeeze %dma_wait3A_158 : memref<1x128xi32, #tpu.memory_space<vmem>> -> memref<128xi32, #tpu.memory_space<vmem>>
      %dma_wait3A_160 = arith.constant 0 : i32
      %dma_wait3A_161 = arith.constant 0 : i32
      %dma_wait3A_162 = tpu.memref_slice %arg11[%dma_wait3A_160, %dma_wait3A_161] : memref<10112x32xf32, #tpu.memory_space<vmem_shared>> -> memref<10112x32xf32, #tpu.memory_space<vmem_shared>>
      %dma_wait3A_163 = tpu.memref_slice %arg13[%dma_wait3A_152] : memref<8x!tpu.dma_semaphore, #tpu.memory_space<semaphore_mem>> -> memref<1x!tpu.dma_semaphore, #tpu.memory_space<semaphore_mem>>
      %dma_wait3A_164 = tpu.memref_squeeze %dma_wait3A_163 : memref<1x!tpu.dma_semaphore, #tpu.memory_space<semaphore_mem>> -> memref<!tpu.dma_semaphore, #tpu.memory_space<semaphore_mem>>
      tpu.wait_indirect_dma semaphore(%dma_wait3A_164 : memref<!tpu.dma_semaphore, #tpu.memory_space<semaphore_mem>>) src(%dma_wait3A_156 : memref<128x32xf32, #tpu.memory_space<vmem>>) dst(%dma_wait3A_162 : memref<10112x32xf32, #tpu.memory_space<vmem_shared>>)
    } else {
    }
    %eq3A_19 = arith.constant 1 : i32
    %eq3A_20 = arith.cmpi eq, %arg0, %eq3A_19 : i32
    %convert_element_type3A_21 = arith.extui %eq3A_20 : i1 to i32
    %cond3A_22 = arith.constant 0 : i32
    %cond3A_23 = arith.cmpi ne, %convert_element_type3A_21, %cond3A_22 : i32
    scf.if %cond3A_23 {
      %dma_start3A = arith.constant 0 : i32
      %dma_start3A_41 = arith.constant 0 : i32
      %dma_start3A_42 = arith.constant 0 : i32
      %dma_start3A_43 = arith.constant 0 : i32
      %dma_start3A_44 = arith.constant 0 : i32
      %dma_start3A_45 = tpu.memref_slice %arg10[%dma_start3A_41, %dma_start3A_43, %dma_start3A_44] : memref<8x128x32xf32, #tpu.memory_space<vmem>> -> memref<1x128x32xf32, #tpu.memory_space<vmem>>
      %dma_start3A_46 = tpu.memref_squeeze %dma_start3A_45 : memref<1x128x32xf32, #tpu.memory_space<vmem>> -> memref<128x32xf32, #tpu.memory_space<vmem>>
      %dma_start3A_47 = arith.constant 0 : i32
      %dma_start3A_48 = tpu.memref_slice %arg8[%dma_start3A, %dma_start3A_47] : memref<160x128xi32, #tpu.memory_space<vmem>> -> memref<1x128xi32, #tpu.memory_space<vmem>>
      %dma_start3A_49 = tpu.memref_squeeze %dma_start3A_48 : memref<1x128xi32, #tpu.memory_space<vmem>> -> memref<128xi32, #tpu.memory_space<vmem>>
      %dma_start3A_50 = arith.constant 0 : i32
      %dma_start3A_51 = arith.constant 0 : i32
      %dma_start3A_52 = tpu.memref_slice %arg14[%dma_start3A_50, %dma_start3A_51] : memref<10000x32xf32, #tpu.memory_space<vmem_shared>> -> memref<10000x32xf32, #tpu.memory_space<vmem_shared>>
      %dma_start3A_53 = tpu.memref_slice %arg12[%dma_start3A_42] : memref<8x!tpu.dma_semaphore, #tpu.memory_space<semaphore_mem>> -> memref<1x!tpu.dma_semaphore, #tpu.memory_space<semaphore_mem>>
      %dma_start3A_54 = tpu.memref_squeeze %dma_start3A_53 : memref<1x!tpu.dma_semaphore, #tpu.memory_space<semaphore_mem>> -> memref<!tpu.dma_semaphore, #tpu.memory_space<semaphore_mem>>
      tpu.enqueue_indirect_dma source(%dma_start3A_52 : memref<10000x32xf32, #tpu.memory_space<vmem_shared>>) target(%dma_start3A_46 : memref<128x32xf32, #tpu.memory_space<vmem>>) offsets(%dma_start3A_49 : memref<128xi32, #tpu.memory_space<vmem>>) semaphore(%dma_start3A_54 : memref<!tpu.dma_semaphore, #tpu.memory_space<semaphore_mem>>)
      %dma_start3A_55 = arith.constant 1 : i32
      %dma_start3A_56 = arith.constant 1 : i32
      %dma_start3A_57 = arith.constant 1 : i32
      %dma_start3A_58 = arith.constant 0 : i32
      %dma_start3A_59 = arith.constant 0 : i32
      %dma_start3A_60 = tpu.memref_slice %arg10[%dma_start3A_56, %dma_start3A_58, %dma_start3A_59] : memref<8x128x32xf32, #tpu.memory_space<vmem>> -> memref<1x128x32xf32, #tpu.memory_space<vmem>>
      %dma_start3A_61 = tpu.memref_squeeze %dma_start3A_60 : memref<1x128x32xf32, #tpu.memory_space<vmem>> -> memref<128x32xf32, #tpu.memory_space<vmem>>
      %dma_start3A_62 = arith.constant 0 : i32
      %dma_start3A_63 = tpu.memref_slice %arg8[%dma_start3A_55, %dma_start3A_62] : memref<160x128xi32, #tpu.memory_space<vmem>> -> memref<1x128xi32, #tpu.memory_space<vmem>>
      %dma_start3A_64 = tpu.memref_squeeze %dma_start3A_63 : memref<1x128xi32, #tpu.memory_space<vmem>> -> memref<128xi32, #tpu.memory_space<vmem>>
      %dma_start3A_65 = arith.constant 0 : i32
      %dma_start3A_66 = arith.constant 0 : i32
      %dma_start3A_67 = tpu.memref_slice %arg14[%dma_start3A_65, %dma_start3A_66] : memref<10000x32xf32, #tpu.memory_space<vmem_shared>> -> memref<10000x32xf32, #tpu.memory_space<vmem_shared>>
      %dma_start3A_68 = tpu.memref_slice %arg12[%dma_start3A_57] : memref<8x!tpu.dma_semaphore, #tpu.memory_space<semaphore_mem>> -> memref<1x!tpu.dma_semaphore, #tpu.memory_space<semaphore_mem>>
      %dma_start3A_69 = tpu.memref_squeeze %dma_start3A_68 : memref<1x!tpu.dma_semaphore, #tpu.memory_space<semaphore_mem>> -> memref<!tpu.dma_semaphore, #tpu.memory_space<semaphore_mem>>
      tpu.enqueue_indirect_dma source(%dma_start3A_67 : memref<10000x32xf32, #tpu.memory_space<vmem_shared>>) target(%dma_start3A_61 : memref<128x32xf32, #tpu.memory_space<vmem>>) offsets(%dma_start3A_64 : memref<128xi32, #tpu.memory_space<vmem>>) semaphore(%dma_start3A_69 : memref<!tpu.dma_semaphore, #tpu.memory_space<semaphore_mem>>)
      %dma_start3A_70 = arith.constant 2 : i32
      %dma_start3A_71 = arith.constant 2 : i32
      %dma_start3A_72 = arith.constant 2 : i32
      %dma_start3A_73 = arith.constant 0 : i32
      %dma_start3A_74 = arith.constant 0 : i32
      %dma_start3A_75 = tpu.memref_slice %arg10[%dma_start3A_71, %dma_start3A_73, %dma_start3A_74] : memref<8x128x32xf32, #tpu.memory_space<vmem>> -> memref<1x128x32xf32, #tpu.memory_space<vmem>>
      %dma_start3A_76 = tpu.memref_squeeze %dma_start3A_75 : memref<1x128x32xf32, #tpu.memory_space<vmem>> -> memref<128x32xf32, #tpu.memory_space<vmem>>
      %dma_start3A_77 = arith.constant 0 : i32
      %dma_start3A_78 = tpu.memref_slice %arg8[%dma_start3A_70, %dma_start3A_77] : memref<160x128xi32, #tpu.memory_space<vmem>> -> memref<1x128xi32, #tpu.memory_space<vmem>>
      %dma_start3A_79 = tpu.memref_squeeze %dma_start3A_78 : memref<1x128xi32, #tpu.memory_space<vmem>> -> memref<128xi32, #tpu.memory_space<vmem>>
      %dma_start3A_80 = arith.constant 0 : i32
      %dma_start3A_81 = arith.constant 0 : i32
      %dma_start3A_82 = tpu.memref_slice %arg14[%dma_start3A_80, %dma_start3A_81] : memref<10000x32xf32, #tpu.memory_space<vmem_shared>> -> memref<10000x32xf32, #tpu.memory_space<vmem_shared>>
      %dma_start3A_83 = tpu.memref_slice %arg12[%dma_start3A_72] : memref<8x!tpu.dma_semaphore, #tpu.memory_space<semaphore_mem>> -> memref<1x!tpu.dma_semaphore, #tpu.memory_space<semaphore_mem>>
      %dma_start3A_84 = tpu.memref_squeeze %dma_start3A_83 : memref<1x!tpu.dma_semaphore, #tpu.memory_space<semaphore_mem>> -> memref<!tpu.dma_semaphore, #tpu.memory_space<semaphore_mem>>
      tpu.enqueue_indirect_dma source(%dma_start3A_82 : memref<10000x32xf32, #tpu.memory_space<vmem_shared>>) target(%dma_start3A_76 : memref<128x32xf32, #tpu.memory_space<vmem>>) offsets(%dma_start3A_79 : memref<128xi32, #tpu.memory_space<vmem>>) semaphore(%dma_start3A_84 : memref<!tpu.dma_semaphore, #tpu.memory_space<semaphore_mem>>)
      %dma_start3A_85 = arith.constant 3 : i32
      %dma_start3A_86 = arith.constant 3 : i32
      %dma_start3A_87 = arith.constant 3 : i32
      %dma_start3A_88 = arith.constant 0 : i32
      %dma_start3A_89 = arith.constant 0 : i32
      %dma_start3A_90 = tpu.memref_slice %arg10[%dma_start3A_86, %dma_start3A_88, %dma_start3A_89] : memref<8x128x32xf32, #tpu.memory_space<vmem>> -> memref<1x128x32xf32, #tpu.memory_space<vmem>>
      %dma_start3A_91 = tpu.memref_squeeze %dma_start3A_90 : memref<1x128x32xf32, #tpu.memory_space<vmem>> -> memref<128x32xf32, #tpu.memory_space<vmem>>
      %dma_start3A_92 = arith.constant 0 : i32
      %dma_start3A_93 = tpu.memref_slice %arg8[%dma_start3A_85, %dma_start3A_92] : memref<160x128xi32, #tpu.memory_space<vmem>> -> memref<1x128xi32, #tpu.memory_space<vmem>>
      %dma_start3A_94 = tpu.memref_squeeze %dma_start3A_93 : memref<1x128xi32, #tpu.memory_space<vmem>> -> memref<128xi32, #tpu.memory_space<vmem>>
      %dma_start3A_95 = arith.constant 0 : i32
      %dma_start3A_96 = arith.constant 0 : i32
      %dma_start3A_97 = tpu.memref_slice %arg14[%dma_start3A_95, %dma_start3A_96] : memref<10000x32xf32, #tpu.memory_space<vmem_shared>> -> memref<10000x32xf32, #tpu.memory_space<vmem_shared>>
      %dma_start3A_98 = tpu.memref_slice %arg12[%dma_start3A_87] : memref<8x!tpu.dma_semaphore, #tpu.memory_space<semaphore_mem>> -> memref<1x!tpu.dma_semaphore, #tpu.memory_space<semaphore_mem>>
      %dma_start3A_99 = tpu.memref_squeeze %dma_start3A_98 : memref<1x!tpu.dma_semaphore, #tpu.memory_space<semaphore_mem>> -> memref<!tpu.dma_semaphore, #tpu.memory_space<semaphore_mem>>
      tpu.enqueue_indirect_dma source(%dma_start3A_97 : memref<10000x32xf32, #tpu.memory_space<vmem_shared>>) target(%dma_start3A_91 : memref<128x32xf32, #tpu.memory_space<vmem>>) offsets(%dma_start3A_94 : memref<128xi32, #tpu.memory_space<vmem>>) semaphore(%dma_start3A_99 : memref<!tpu.dma_semaphore, #tpu.memory_space<semaphore_mem>>)
      %dma_start3A_100 = arith.constant 4 : i32
      %dma_start3A_101 = arith.constant 4 : i32
      %dma_start3A_102 = arith.constant 4 : i32
      %dma_start3A_103 = arith.constant 0 : i32
      %dma_start3A_104 = arith.constant 0 : i32
      %dma_start3A_105 = tpu.memref_slice %arg10[%dma_start3A_101, %dma_start3A_103, %dma_start3A_104] : memref<8x128x32xf32, #tpu.memory_space<vmem>> -> memref<1x128x32xf32, #tpu.memory_space<vmem>>
      %dma_start3A_106 = tpu.memref_squeeze %dma_start3A_105 : memref<1x128x32xf32, #tpu.memory_space<vmem>> -> memref<128x32xf32, #tpu.memory_space<vmem>>
      %dma_start3A_107 = arith.constant 0 : i32
      %dma_start3A_108 = tpu.memref_slice %arg8[%dma_start3A_100, %dma_start3A_107] : memref<160x128xi32, #tpu.memory_space<vmem>> -> memref<1x128xi32, #tpu.memory_space<vmem>>
      %dma_start3A_109 = tpu.memref_squeeze %dma_start3A_108 : memref<1x128xi32, #tpu.memory_space<vmem>> -> memref<128xi32, #tpu.memory_space<vmem>>
      %dma_start3A_110 = arith.constant 0 : i32
      %dma_start3A_111 = arith.constant 0 : i32
      %dma_start3A_112 = tpu.memref_slice %arg14[%dma_start3A_110, %dma_start3A_111] : memref<10000x32xf32, #tpu.memory_space<vmem_shared>> -> memref<10000x32xf32, #tpu.memory_space<vmem_shared>>
      %dma_start3A_113 = tpu.memref_slice %arg12[%dma_start3A_102] : memref<8x!tpu.dma_semaphore, #tpu.memory_space<semaphore_mem>> -> memref<1x!tpu.dma_semaphore, #tpu.memory_space<semaphore_mem>>
      %dma_start3A_114 = tpu.memref_squeeze %dma_start3A_113 : memref<1x!tpu.dma_semaphore, #tpu.memory_space<semaphore_mem>> -> memref<!tpu.dma_semaphore, #tpu.memory_space<semaphore_mem>>
      tpu.enqueue_indirect_dma source(%dma_start3A_112 : memref<10000x32xf32, #tpu.memory_space<vmem_shared>>) target(%dma_start3A_106 : memref<128x32xf32, #tpu.memory_space<vmem>>) offsets(%dma_start3A_109 : memref<128xi32, #tpu.memory_space<vmem>>) semaphore(%dma_start3A_114 : memref<!tpu.dma_semaphore, #tpu.memory_space<semaphore_mem>>)
      %dma_start3A_115 = arith.constant 5 : i32
      %dma_start3A_116 = arith.constant 5 : i32
      %dma_start3A_117 = arith.constant 5 : i32
      %dma_start3A_118 = arith.constant 0 : i32
      %dma_start3A_119 = arith.constant 0 : i32
      %dma_start3A_120 = tpu.memref_slice %arg10[%dma_start3A_116, %dma_start3A_118, %dma_start3A_119] : memref<8x128x32xf32, #tpu.memory_space<vmem>> -> memref<1x128x32xf32, #tpu.memory_space<vmem>>
      %dma_start3A_121 = tpu.memref_squeeze %dma_start3A_120 : memref<1x128x32xf32, #tpu.memory_space<vmem>> -> memref<128x32xf32, #tpu.memory_space<vmem>>
      %dma_start3A_122 = arith.constant 0 : i32
      %dma_start3A_123 = tpu.memref_slice %arg8[%dma_start3A_115, %dma_start3A_122] : memref<160x128xi32, #tpu.memory_space<vmem>> -> memref<1x128xi32, #tpu.memory_space<vmem>>
      %dma_start3A_124 = tpu.memref_squeeze %dma_start3A_123 : memref<1x128xi32, #tpu.memory_space<vmem>> -> memref<128xi32, #tpu.memory_space<vmem>>
      %dma_start3A_125 = arith.constant 0 : i32
      %dma_start3A_126 = arith.constant 0 : i32
      %dma_start3A_127 = tpu.memref_slice %arg14[%dma_start3A_125, %dma_start3A_126] : memref<10000x32xf32, #tpu.memory_space<vmem_shared>> -> memref<10000x32xf32, #tpu.memory_space<vmem_shared>>
      %dma_start3A_128 = tpu.memref_slice %arg12[%dma_start3A_117] : memref<8x!tpu.dma_semaphore, #tpu.memory_space<semaphore_mem>> -> memref<1x!tpu.dma_semaphore, #tpu.memory_space<semaphore_mem>>
      %dma_start3A_129 = tpu.memref_squeeze %dma_start3A_128 : memref<1x!tpu.dma_semaphore, #tpu.memory_space<semaphore_mem>> -> memref<!tpu.dma_semaphore, #tpu.memory_space<semaphore_mem>>
      tpu.enqueue_indirect_dma source(%dma_start3A_127 : memref<10000x32xf32, #tpu.memory_space<vmem_shared>>) target(%dma_start3A_121 : memref<128x32xf32, #tpu.memory_space<vmem>>) offsets(%dma_start3A_124 : memref<128xi32, #tpu.memory_space<vmem>>) semaphore(%dma_start3A_129 : memref<!tpu.dma_semaphore, #tpu.memory_space<semaphore_mem>>)
      %scan3A = arith.constant 0 : i32
      %scan3A_130 = arith.constant 0 : i32
      %scan3A_131 = arith.constant 160 : i32
      %scan3A_132 = arith.addi %scan3A_130, %scan3A_131 : i32
      %scan3A_133 = arith.constant 1 : i32
      %scan3A_134 = scf.for %scan3A_165 = %scan3A_130 to %scan3A_132 step %scan3A_133 iter_args(%scan3A_166 = %scan3A) -> (i32)  : i32 {
        %ge3A = arith.constant 2 : i32
        %ge3A_167 = arith.cmpi sge, %scan3A_165, %ge3A : i32
        %convert_element_type3A_168 = arith.extui %ge3A_167 : i1 to i32
        %cond3A_169 = arith.constant 0 : i32
        %cond3A_170 = arith.cmpi ne, %convert_element_type3A_168, %cond3A_169 : i32
        scf.if %cond3A_170 {
          %sub3A = arith.constant 2 : i32
          %sub3A_203 = arith.subi %scan3A_165, %sub3A : i32
          %rem3A_204 = arith.constant 8 : i32
          %rem3A_205 = arith.remsi %sub3A_203, %rem3A_204 : i32
          %dma_wait3A_206 = arith.constant 0 : i32
          %dma_wait3A_207 = arith.constant 0 : i32
          %dma_wait3A_208 = tpu.memref_slice %arg10[%rem3A_205, %dma_wait3A_206, %dma_wait3A_207] : memref<8x128x32xf32, #tpu.memory_space<vmem>> -> memref<1x128x32xf32, #tpu.memory_space<vmem>>
          %dma_wait3A_209 = tpu.memref_squeeze %dma_wait3A_208 : memref<1x128x32xf32, #tpu.memory_space<vmem>> -> memref<128x32xf32, #tpu.memory_space<vmem>>
          %dma_wait3A_210 = arith.constant 0 : i32
          %dma_wait3A_211 = tpu.memref_slice %arg9[%sub3A_203, %dma_wait3A_210] : memref<160x128xi32, #tpu.memory_space<vmem>> -> memref<1x128xi32, #tpu.memory_space<vmem>>
          %dma_wait3A_212 = tpu.memref_squeeze %dma_wait3A_211 : memref<1x128xi32, #tpu.memory_space<vmem>> -> memref<128xi32, #tpu.memory_space<vmem>>
          %dma_wait3A_213 = arith.constant 0 : i32
          %dma_wait3A_214 = arith.constant 0 : i32
          %dma_wait3A_215 = tpu.memref_slice %arg11[%dma_wait3A_213, %dma_wait3A_214] : memref<10112x32xf32, #tpu.memory_space<vmem_shared>> -> memref<10112x32xf32, #tpu.memory_space<vmem_shared>>
          %dma_wait3A_216 = tpu.memref_slice %arg13[%rem3A_205] : memref<8x!tpu.dma_semaphore, #tpu.memory_space<semaphore_mem>> -> memref<1x!tpu.dma_semaphore, #tpu.memory_space<semaphore_mem>>
          %dma_wait3A_217 = tpu.memref_squeeze %dma_wait3A_216 : memref<1x!tpu.dma_semaphore, #tpu.memory_space<semaphore_mem>> -> memref<!tpu.dma_semaphore, #tpu.memory_space<semaphore_mem>>
          tpu.wait_indirect_dma semaphore(%dma_wait3A_217 : memref<!tpu.dma_semaphore, #tpu.memory_space<semaphore_mem>>) src(%dma_wait3A_209 : memref<128x32xf32, #tpu.memory_space<vmem>>) dst(%dma_wait3A_215 : memref<10112x32xf32, #tpu.memory_space<vmem_shared>>)
        } else {
        }
        %add3A = arith.constant 6 : i32
        %add3A_171 = arith.addi %scan3A_165, %add3A : i32
        %lt3A_172 = arith.constant 160 : i32
        %lt3A_173 = arith.cmpi slt, %add3A_171, %lt3A_172 : i32
        %convert_element_type3A_174 = arith.extui %lt3A_173 : i1 to i32
        %cond3A_175 = arith.constant 0 : i32
        %cond3A_176 = arith.cmpi ne, %convert_element_type3A_174, %cond3A_175 : i32
        scf.if %cond3A_176 {
          %add3A_203 = arith.constant 6 : i32
          %add3A_204 = arith.addi %scan3A_165, %add3A_203 : i32
          %rem3A_205 = arith.constant 8 : i32
          %rem3A_206 = arith.remsi %add3A_204, %rem3A_205 : i32
          %dma_start3A_207 = arith.constant 0 : i32
          %dma_start3A_208 = arith.constant 0 : i32
          %dma_start3A_209 = tpu.memref_slice %arg10[%rem3A_206, %dma_start3A_207, %dma_start3A_208] : memref<8x128x32xf32, #tpu.memory_space<vmem>> -> memref<1x128x32xf32, #tpu.memory_space<vmem>>
          %dma_start3A_210 = tpu.memref_squeeze %dma_start3A_209 : memref<1x128x32xf32, #tpu.memory_space<vmem>> -> memref<128x32xf32, #tpu.memory_space<vmem>>
          %dma_start3A_211 = arith.constant 0 : i32
          %dma_start3A_212 = tpu.memref_slice %arg8[%add3A_204, %dma_start3A_211] : memref<160x128xi32, #tpu.memory_space<vmem>> -> memref<1x128xi32, #tpu.memory_space<vmem>>
          %dma_start3A_213 = tpu.memref_squeeze %dma_start3A_212 : memref<1x128xi32, #tpu.memory_space<vmem>> -> memref<128xi32, #tpu.memory_space<vmem>>
          %dma_start3A_214 = arith.constant 0 : i32
          %dma_start3A_215 = arith.constant 0 : i32
          %dma_start3A_216 = tpu.memref_slice %arg14[%dma_start3A_214, %dma_start3A_215] : memref<10000x32xf32, #tpu.memory_space<vmem_shared>> -> memref<10000x32xf32, #tpu.memory_space<vmem_shared>>
          %dma_start3A_217 = tpu.memref_slice %arg12[%rem3A_206] : memref<8x!tpu.dma_semaphore, #tpu.memory_space<semaphore_mem>> -> memref<1x!tpu.dma_semaphore, #tpu.memory_space<semaphore_mem>>
          %dma_start3A_218 = tpu.memref_squeeze %dma_start3A_217 : memref<1x!tpu.dma_semaphore, #tpu.memory_space<semaphore_mem>> -> memref<!tpu.dma_semaphore, #tpu.memory_space<semaphore_mem>>
          tpu.enqueue_indirect_dma source(%dma_start3A_216 : memref<10000x32xf32, #tpu.memory_space<vmem_shared>>) target(%dma_start3A_210 : memref<128x32xf32, #tpu.memory_space<vmem>>) offsets(%dma_start3A_213 : memref<128xi32, #tpu.memory_space<vmem>>) semaphore(%dma_start3A_218 : memref<!tpu.dma_semaphore, #tpu.memory_space<semaphore_mem>>)
        } else {
        }
        %rem3A = arith.constant 8 : i32
        %rem3A_177 = arith.remsi %scan3A_165, %rem3A : i32
        %dma_wait3A_178 = arith.constant 0 : i32
        %dma_wait3A_179 = arith.constant 0 : i32
        %dma_wait3A_180 = tpu.memref_slice %arg10[%rem3A_177, %dma_wait3A_178, %dma_wait3A_179] : memref<8x128x32xf32, #tpu.memory_space<vmem>> -> memref<1x128x32xf32, #tpu.memory_space<vmem>>
        %dma_wait3A_181 = tpu.memref_squeeze %dma_wait3A_180 : memref<1x128x32xf32, #tpu.memory_space<vmem>> -> memref<128x32xf32, #tpu.memory_space<vmem>>
        %dma_wait3A_182 = arith.constant 0 : i32
        %dma_wait3A_183 = tpu.memref_slice %arg8[%scan3A_165, %dma_wait3A_182] : memref<160x128xi32, #tpu.memory_space<vmem>> -> memref<1x128xi32, #tpu.memory_space<vmem>>
        %dma_wait3A_184 = tpu.memref_squeeze %dma_wait3A_183 : memref<1x128xi32, #tpu.memory_space<vmem>> -> memref<128xi32, #tpu.memory_space<vmem>>
        %dma_wait3A_185 = arith.constant 0 : i32
        %dma_wait3A_186 = arith.constant 0 : i32
        %dma_wait3A_187 = tpu.memref_slice %arg14[%dma_wait3A_185, %dma_wait3A_186] : memref<10000x32xf32, #tpu.memory_space<vmem_shared>> -> memref<10000x32xf32, #tpu.memory_space<vmem_shared>>
        %dma_wait3A_188 = tpu.memref_slice %arg12[%rem3A_177] : memref<8x!tpu.dma_semaphore, #tpu.memory_space<semaphore_mem>> -> memref<1x!tpu.dma_semaphore, #tpu.memory_space<semaphore_mem>>
        %dma_wait3A_189 = tpu.memref_squeeze %dma_wait3A_188 : memref<1x!tpu.dma_semaphore, #tpu.memory_space<semaphore_mem>> -> memref<!tpu.dma_semaphore, #tpu.memory_space<semaphore_mem>>
        tpu.wait_indirect_dma semaphore(%dma_wait3A_189 : memref<!tpu.dma_semaphore, #tpu.memory_space<semaphore_mem>>) src(%dma_wait3A_187 : memref<10000x32xf32, #tpu.memory_space<vmem_shared>>) dst(%dma_wait3A_181 : memref<128x32xf32, #tpu.memory_space<vmem>>)
        %dma_start3A_190 = arith.constant 0 : i32
        %dma_start3A_191 = arith.constant 0 : i32
        %dma_start3A_192 = tpu.memref_slice %arg10[%rem3A_177, %dma_start3A_190, %dma_start3A_191] : memref<8x128x32xf32, #tpu.memory_space<vmem>> -> memref<1x128x32xf32, #tpu.memory_space<vmem>>
        %dma_start3A_193 = tpu.memref_squeeze %dma_start3A_192 : memref<1x128x32xf32, #tpu.memory_space<vmem>> -> memref<128x32xf32, #tpu.memory_space<vmem>>
        %dma_start3A_194 = arith.constant 0 : i32
        %dma_start3A_195 = tpu.memref_slice %arg9[%scan3A_165, %dma_start3A_194] : memref<160x128xi32, #tpu.memory_space<vmem>> -> memref<1x128xi32, #tpu.memory_space<vmem>>
        %dma_start3A_196 = tpu.memref_squeeze %dma_start3A_195 : memref<1x128xi32, #tpu.memory_space<vmem>> -> memref<128xi32, #tpu.memory_space<vmem>>
        %dma_start3A_197 = arith.constant 0 : i32
        %dma_start3A_198 = arith.constant 0 : i32
        %dma_start3A_199 = tpu.memref_slice %arg11[%dma_start3A_197, %dma_start3A_198] : memref<10112x32xf32, #tpu.memory_space<vmem_shared>> -> memref<10112x32xf32, #tpu.memory_space<vmem_shared>>
        %dma_start3A_200 = tpu.memref_slice %arg13[%rem3A_177] : memref<8x!tpu.dma_semaphore, #tpu.memory_space<semaphore_mem>> -> memref<1x!tpu.dma_semaphore, #tpu.memory_space<semaphore_mem>>
        %dma_start3A_201 = tpu.memref_squeeze %dma_start3A_200 : memref<1x!tpu.dma_semaphore, #tpu.memory_space<semaphore_mem>> -> memref<!tpu.dma_semaphore, #tpu.memory_space<semaphore_mem>>
        tpu.enqueue_indirect_dma source(%dma_start3A_193 : memref<128x32xf32, #tpu.memory_space<vmem>>) target(%dma_start3A_199 : memref<10112x32xf32, #tpu.memory_space<vmem_shared>>) offsets(%dma_start3A_196 : memref<128xi32, #tpu.memory_space<vmem>>) semaphore(%dma_start3A_201 : memref<!tpu.dma_semaphore, #tpu.memory_space<semaphore_mem>>) {add = true}
        %scan3A_202 = arith.constant 0 : i32
        scf.yield %scan3A_202 : i32
      }
      %scan3A_135 = arith.constant 160 : i32
      %dma_wait3A = arith.constant 6 : i32
      %dma_wait3A_136 = arith.constant 158 : i32
      %dma_wait3A_137 = arith.constant 6 : i32
      %dma_wait3A_138 = arith.constant 0 : i32
      %dma_wait3A_139 = arith.constant 0 : i32
      %dma_wait3A_140 = tpu.memref_slice %arg10[%dma_wait3A, %dma_wait3A_138, %dma_wait3A_139] : memref<8x128x32xf32, #tpu.memory_space<vmem>> -> memref<1x128x32xf32, #tpu.memory_space<vmem>>
      %dma_wait3A_141 = tpu.memref_squeeze %dma_wait3A_140 : memref<1x128x32xf32, #tpu.memory_space<vmem>> -> memref<128x32xf32, #tpu.memory_space<vmem>>
      %dma_wait3A_142 = arith.constant 0 : i32
      %dma_wait3A_143 = tpu.memref_slice %arg9[%dma_wait3A_136, %dma_wait3A_142] : memref<160x128xi32, #tpu.memory_space<vmem>> -> memref<1x128xi32, #tpu.memory_space<vmem>>
      %dma_wait3A_144 = tpu.memref_squeeze %dma_wait3A_143 : memref<1x128xi32, #tpu.memory_space<vmem>> -> memref<128xi32, #tpu.memory_space<vmem>>
      %dma_wait3A_145 = arith.constant 0 : i32
      %dma_wait3A_146 = arith.constant 0 : i32
      %dma_wait3A_147 = tpu.memref_slice %arg11[%dma_wait3A_145, %dma_wait3A_146] : memref<10112x32xf32, #tpu.memory_space<vmem_shared>> -> memref<10112x32xf32, #tpu.memory_space<vmem_shared>>
      %dma_wait3A_148 = tpu.memref_slice %arg13[%dma_wait3A_137] : memref<8x!tpu.dma_semaphore, #tpu.memory_space<semaphore_mem>> -> memref<1x!tpu.dma_semaphore, #tpu.memory_space<semaphore_mem>>
      %dma_wait3A_149 = tpu.memref_squeeze %dma_wait3A_148 : memref<1x!tpu.dma_semaphore, #tpu.memory_space<semaphore_mem>> -> memref<!tpu.dma_semaphore, #tpu.memory_space<semaphore_mem>>
      tpu.wait_indirect_dma semaphore(%dma_wait3A_149 : memref<!tpu.dma_semaphore, #tpu.memory_space<semaphore_mem>>) src(%dma_wait3A_141 : memref<128x32xf32, #tpu.memory_space<vmem>>) dst(%dma_wait3A_147 : memref<10112x32xf32, #tpu.memory_space<vmem_shared>>)
      %dma_wait3A_150 = arith.constant 7 : i32
      %dma_wait3A_151 = arith.constant 159 : i32
      %dma_wait3A_152 = arith.constant 7 : i32
      %dma_wait3A_153 = arith.constant 0 : i32
      %dma_wait3A_154 = arith.constant 0 : i32
      %dma_wait3A_155 = tpu.memref_slice %arg10[%dma_wait3A_150, %dma_wait3A_153, %dma_wait3A_154] : memref<8x128x32xf32, #tpu.memory_space<vmem>> -> memref<1x128x32xf32, #tpu.memory_space<vmem>>
      %dma_wait3A_156 = tpu.memref_squeeze %dma_wait3A_155 : memref<1x128x32xf32, #tpu.memory_space<vmem>> -> memref<128x32xf32, #tpu.memory_space<vmem>>
      %dma_wait3A_157 = arith.constant 0 : i32
      %dma_wait3A_158 = tpu.memref_slice %arg9[%dma_wait3A_151, %dma_wait3A_157] : memref<160x128xi32, #tpu.memory_space<vmem>> -> memref<1x128xi32, #tpu.memory_space<vmem>>
      %dma_wait3A_159 = tpu.memref_squeeze %dma_wait3A_158 : memref<1x128xi32, #tpu.memory_space<vmem>> -> memref<128xi32, #tpu.memory_space<vmem>>
      %dma_wait3A_160 = arith.constant 0 : i32
      %dma_wait3A_161 = arith.constant 0 : i32
      %dma_wait3A_162 = tpu.memref_slice %arg11[%dma_wait3A_160, %dma_wait3A_161] : memref<10112x32xf32, #tpu.memory_space<vmem_shared>> -> memref<10112x32xf32, #tpu.memory_space<vmem_shared>>
      %dma_wait3A_163 = tpu.memref_slice %arg13[%dma_wait3A_152] : memref<8x!tpu.dma_semaphore, #tpu.memory_space<semaphore_mem>> -> memref<1x!tpu.dma_semaphore, #tpu.memory_space<semaphore_mem>>
      %dma_wait3A_164 = tpu.memref_squeeze %dma_wait3A_163 : memref<1x!tpu.dma_semaphore, #tpu.memory_space<semaphore_mem>> -> memref<!tpu.dma_semaphore, #tpu.memory_space<semaphore_mem>>
      tpu.wait_indirect_dma semaphore(%dma_wait3A_164 : memref<!tpu.dma_semaphore, #tpu.memory_space<semaphore_mem>>) src(%dma_wait3A_156 : memref<128x32xf32, #tpu.memory_space<vmem>>) dst(%dma_wait3A_162 : memref<10112x32xf32, #tpu.memory_space<vmem_shared>>)
    } else {
    }
    %barrier3A_24 = arith.constant 0 : index
    tpu.barrier barrier_id(%barrier3A_24)
    %eq3A_25 = arith.constant 0 : i32
    %eq3A_26 = arith.cmpi eq, %arg0, %eq3A_25 : i32
    %lt3A_27 = arith.constant 10 : i32
    %lt3A_28 = arith.cmpi slt, %arg1, %lt3A_27 : i32
    %and3A_29 = arith.andi %eq3A_26, %lt3A_28 : i1
    %convert_element_type3A_30 = arith.extui %and3A_29 : i1 to i32
    %cond3A_31 = arith.constant 0 : i32
    %cond3A_32 = arith.cmpi ne, %convert_element_type3A_30, %cond3A_31 : i32
    scf.if %cond3A_32 {
      %mul3A_41 = arith.constant 1000 : i32
      %mul3A_42 = arith.muli %arg1, %mul3A_41 : i32
      %mul3A_43 = arith.constant 1000 : i32
      %mul3A_44 = arith.muli %arg1, %mul3A_43 : i32
      "tpu.region"() ({
        %run_scoped3A = tpu.sem_alloc : memref<!tpu.dma_semaphore, #tpu.memory_space<semaphore_mem>>
        %dma_start3A = arith.constant 0 : i32
        %dma_start3A_45 = tpu.memref_slice %arg6[%mul3A_44, %dma_start3A] : memref<10000x32xf32, #tpu.memory_space<hbm>> -> memref<1000x32xf32, #tpu.memory_space<hbm>>
        %dma_start3A_46 = arith.constant 0 : i32
        %dma_start3A_47 = tpu.memref_slice %arg11[%mul3A_42, %dma_start3A_46] : memref<10112x32xf32, #tpu.memory_space<vmem_shared>> -> memref<1000x32xf32, #tpu.memory_space<vmem_shared>>
        tpu.enqueue_dma source(%dma_start3A_47 : memref<1000x32xf32, #tpu.memory_space<vmem_shared>>) target(%dma_start3A_45 : memref<1000x32xf32, #tpu.memory_space<hbm>>) target_semaphore(%run_scoped3A : memref<!tpu.dma_semaphore, #tpu.memory_space<semaphore_mem>>)
        %dma_wait3A = arith.constant 0 : i32
        %dma_wait3A_48 = tpu.memref_slice %arg6[%mul3A_44, %dma_wait3A] : memref<10000x32xf32, #tpu.memory_space<hbm>> -> memref<1000x32xf32, #tpu.memory_space<hbm>>
        %dma_wait3A_49 = arith.constant 0 : i32
        %dma_wait3A_50 = tpu.memref_slice %arg11[%mul3A_42, %dma_wait3A_49] : memref<10112x32xf32, #tpu.memory_space<vmem_shared>> -> memref<1000x32xf32, #tpu.memory_space<vmem_shared>>
        tpu.wait_dma2 semaphore(%run_scoped3A : memref<!tpu.dma_semaphore, #tpu.memory_space<semaphore_mem>>) src(%dma_wait3A_50 : memref<1000x32xf32, #tpu.memory_space<vmem_shared>>) dst(%dma_wait3A_48 : memref<1000x32xf32, #tpu.memory_space<hbm>>)
        tpu.yield
      }) : () -> ()
    } else {
    }
    %eq3A_33 = arith.constant 1 : i32
    %eq3A_34 = arith.cmpi eq, %arg0, %eq3A_33 : i32
    %lt3A_35 = arith.constant 10 : i32
    %lt3A_36 = arith.cmpi slt, %arg1, %lt3A_35 : i32
    %and3A_37 = arith.andi %eq3A_34, %lt3A_36 : i1
    %convert_element_type3A_38 = arith.extui %and3A_37 : i1 to i32
    %cond3A_39 = arith.constant 0 : i32
    %cond3A_40 = arith.cmpi ne, %convert_element_type3A_38, %cond3A_39 : i32
    scf.if %cond3A_40 {
      %mul3A_41 = arith.constant 1000 : i32
      %mul3A_42 = arith.muli %arg1, %mul3A_41 : i32
      %mul3A_43 = arith.constant 1000 : i32
      %mul3A_44 = arith.muli %arg1, %mul3A_43 : i32
      "tpu.region"() ({
        %run_scoped3A = tpu.sem_alloc : memref<!tpu.dma_semaphore, #tpu.memory_space<semaphore_mem>>
        %dma_start3A = arith.constant 0 : i32
        %dma_start3A_45 = tpu.memref_slice %arg7[%mul3A_44, %dma_start3A] : memref<10000x32xf32, #tpu.memory_space<hbm>> -> memref<1000x32xf32, #tpu.memory_space<hbm>>
        %dma_start3A_46 = arith.constant 0 : i32
        %dma_start3A_47 = tpu.memref_slice %arg11[%mul3A_42, %dma_start3A_46] : memref<10112x32xf32, #tpu.memory_space<vmem_shared>> -> memref<1000x32xf32, #tpu.memory_space<vmem_shared>>
        tpu.enqueue_dma source(%dma_start3A_47 : memref<1000x32xf32, #tpu.memory_space<vmem_shared>>) target(%dma_start3A_45 : memref<1000x32xf32, #tpu.memory_space<hbm>>) target_semaphore(%run_scoped3A : memref<!tpu.dma_semaphore, #tpu.memory_space<semaphore_mem>>)
        %dma_wait3A = arith.constant 0 : i32
        %dma_wait3A_48 = tpu.memref_slice %arg7[%mul3A_44, %dma_wait3A] : memref<10000x32xf32, #tpu.memory_space<hbm>> -> memref<1000x32xf32, #tpu.memory_space<hbm>>
        %dma_wait3A_49 = arith.constant 0 : i32
        %dma_wait3A_50 = tpu.memref_slice %arg11[%mul3A_42, %dma_wait3A_49] : memref<10112x32xf32, #tpu.memory_space<vmem_shared>> -> memref<1000x32xf32, #tpu.memory_space<vmem_shared>>
        tpu.wait_dma2 semaphore(%run_scoped3A : memref<!tpu.dma_semaphore, #tpu.memory_space<semaphore_mem>>) src(%dma_wait3A_50 : memref<1000x32xf32, #tpu.memory_space<vmem_shared>>) dst(%dma_wait3A_48 : memref<1000x32xf32, #tpu.memory_space<hbm>>)
        tpu.yield
      }) : () -> ()
    } else {
    }
    return
  }
}

#map = affine_map<(d0, d1) -> (0, 0)>
#map1 = affine_map<(d0, d1) -> (0, 0, 0)>
module attributes {stable_mosaic.version = 14 : i64} {
  func.func @k(%arg0: i32, %arg1: i32, %arg2: memref<2560x128xi32, #tpu.memory_space<hbm>>, %arg3: memref<2x10112x16xf32, #tpu.memory_space<hbm>>, %arg4: memref<80x128xi32, #tpu.memory_space<vmem>>, %arg5: memref<632x16xf32, #tpu.memory_space<vmem>>, %arg6: memref<10112x16xf32, #tpu.memory_space<vmem_shared>>) attributes {dimension_semantics = [#tpu.dimension_semantics<core_parallel>, #tpu.dimension_semantics<subcore_parallel>], iteration_bounds = array<i64: 2, 16>, scalar_prefetch = 0 : i64, scratch_operands = 3 : i64, tpu.core_type = #tpu.core_type<sc_vector_subcore>, window_params = [{transform_indices = #map}, {transform_indices = #map1}]} {
    %mul3A = arith.constant 16 : i32
    %mul3A_0 = arith.muli %arg0, %mul3A : i32
    %add3A = arith.addi %mul3A_0, %arg1 : i32
    %scan3A = arith.constant 0 : i32
    %scan3A_1 = arith.constant 0 : i32
    %scan3A_2 = arith.constant 632 : i32
    %scan3A_3 = arith.addi %scan3A_1, %scan3A_2 : i32
    %scan3A_4 = arith.constant 1 : i32
    %scan3A_5 = scf.for %scan3A_23 = %scan3A_1 to %scan3A_3 step %scan3A_4 iter_args(%scan3A_24 = %scan3A) -> (i32)  : i32 {
      %broadcast_in_dim3A = arith.constant 1.000000e+00 : f32
      %broadcast_in_dim3A_25 = vector.broadcast %broadcast_in_dim3A : f32 to vector<16xf32>
      %swap3A = arith.index_cast %scan3A_23 : i32 to index
      %swap3A_26 = arith.constant 0 : index
      %swap3A_27 = tpu.vector_load %arg5[%swap3A, %swap3A_26] {strides = array<i32>} : memref<632x16xf32, #tpu.memory_space<vmem>>, vector<1x16xf32>,
      %swap3A_28 = vector.shape_cast %swap3A_27 : vector<1x16xf32> to vector<16xf32>
      %swap3A_29 = vector.shape_cast %broadcast_in_dim3A_25 : vector<16xf32> to vector<1x16xf32>
      tpu.vector_store %arg5[%swap3A, %swap3A_26], %swap3A_29 {strides = array<i32>} : memref<632x16xf32, #tpu.memory_space<vmem>>, vector<1x16xf32>,
      %scan3A_30 = arith.constant 0 : i32
      scf.yield %scan3A_30 : i32
    }
    %scan3A_6 = arith.constant 632 : i32
    %mul3A_7 = arith.constant 632 : i32
    %mul3A_8 = arith.muli %arg1, %mul3A_7 : i32
    "tpu.region"() ({
      %run_scoped3A = tpu.sem_alloc : memref<!tpu.dma_semaphore, #tpu.memory_space<semaphore_mem>>
      %dma_start3A = arith.constant 0 : i32
      %dma_start3A_23 = tpu.memref_slice %arg6[%mul3A_8, %dma_start3A] : memref<10112x16xf32, #tpu.memory_space<vmem_shared>> -> memref<632x16xf32, #tpu.memory_space<vmem_shared>>
      %dma_start3A_24 = arith.constant 0 : i32
      %dma_start3A_25 = tpu.memref_slice %arg6[%mul3A_8, %dma_start3A_24] : memref<10112x16xf32, #tpu.memory_space<vmem_shared>> -> memref<632x16xf32, #tpu.memory_space<vmem_shared>>
      tpu.enqueue_dma source(%arg5 : memref<632x16xf32, #tpu.memory_space<vmem>>) target(%dma_start3A_25 : memref<632x16xf32, #tpu.memory_space<vmem_shared>>) target_semaphore(%run_scoped3A : memref<!tpu.dma_semaphore, #tpu.memory_space<semaphore_mem>>)
      %dma_wait3A = arith.constant 0 : i32
      %dma_wait3A_26 = tpu.memref_slice %arg6[%mul3A_8, %dma_wait3A] : memref<10112x16xf32, #tpu.memory_space<vmem_shared>> -> memref<632x16xf32, #tpu.memory_space<vmem_shared>>
      %dma_wait3A_27 = arith.constant 0 : i32
      %dma_wait3A_28 = tpu.memref_slice %arg6[%mul3A_8, %dma_wait3A_27] : memref<10112x16xf32, #tpu.memory_space<vmem_shared>> -> memref<632x16xf32, #tpu.memory_space<vmem_shared>>
      tpu.wait_dma2 semaphore(%run_scoped3A : memref<!tpu.dma_semaphore, #tpu.memory_space<semaphore_mem>>) src(%arg5 : memref<632x16xf32, #tpu.memory_space<vmem>>) dst(%dma_wait3A_28 : memref<632x16xf32, #tpu.memory_space<vmem_shared>>)
      tpu.yield
    }) : () -> ()
    %mul3A_9 = arith.constant 80 : i32
    %mul3A_10 = arith.muli %add3A, %mul3A_9 : i32
    "tpu.region"() ({
      %run_scoped3A = tpu.sem_alloc : memref<!tpu.dma_semaphore, #tpu.memory_space<semaphore_mem>>
      %dma_start3A = arith.constant 0 : i32
      %dma_start3A_23 = tpu.memref_slice %arg2[%mul3A_10, %dma_start3A] : memref<2560x128xi32, #tpu.memory_space<hbm>> -> memref<80x128xi32, #tpu.memory_space<hbm>>
      %dma_start3A_24 = arith.constant 0 : i32
      %dma_start3A_25 = tpu.memref_slice %arg2[%mul3A_10, %dma_start3A_24] : memref<2560x128xi32, #tpu.memory_space<hbm>> -> memref<80x128xi32, #tpu.memory_space<hbm>>
      tpu.enqueue_dma source(%dma_start3A_25 : memref<80x128xi32, #tpu.memory_space<hbm>>) target(%arg4 : memref<80x128xi32, #tpu.memory_space<vmem>>) target_semaphore(%run_scoped3A : memref<!tpu.dma_semaphore, #tpu.memory_space<semaphore_mem>>)
      %dma_wait3A = arith.constant 0 : i32
      %dma_wait3A_26 = tpu.memref_slice %arg2[%mul3A_10, %dma_wait3A] : memref<2560x128xi32, #tpu.memory_space<hbm>> -> memref<80x128xi32, #tpu.memory_space<hbm>>
      %dma_wait3A_27 = arith.constant 0 : i32
      %dma_wait3A_28 = tpu.memref_slice %arg2[%mul3A_10, %dma_wait3A_27] : memref<2560x128xi32, #tpu.memory_space<hbm>> -> memref<80x128xi32, #tpu.memory_space<hbm>>
      tpu.wait_dma2 semaphore(%run_scoped3A : memref<!tpu.dma_semaphore, #tpu.memory_space<semaphore_mem>>) src(%dma_wait3A_28 : memref<80x128xi32, #tpu.memory_space<hbm>>) dst(%arg4 : memref<80x128xi32, #tpu.memory_space<vmem>>)
      tpu.yield
    }) : () -> ()
    %barrier3A = arith.constant 0 : index
    tpu.barrier barrier_id(%barrier3A)
    %scan3A_11 = arith.constant 0 : i32
    %scan3A_12 = arith.constant 0 : i32
    %scan3A_13 = arith.constant 80 : i32
    %scan3A_14 = arith.addi %scan3A_12, %scan3A_13 : i32
    %scan3A_15 = arith.constant 1 : i32
    %scan3A_16 = scf.for %scan3A_23 = %scan3A_12 to %scan3A_14 step %scan3A_15 iter_args(%scan3A_24 = %scan3A_11) -> (i32)  : i32 {
      "tpu.region"() ({
        %run_scoped3A = tpu.sem_alloc : memref<!tpu.dma_semaphore, #tpu.memory_space<semaphore_mem>>
        %dma_start3A = arith.constant 0 : i32
        %dma_start3A_26 = arith.constant 0 : i32
        %dma_start3A_27 = tpu.memref_slice %arg5[%dma_start3A, %dma_start3A_26] : memref<632x16xf32, #tpu.memory_space<vmem>> -> memref<128x16xf32, #tpu.memory_space<vmem>>
        %dma_start3A_28 = arith.constant 0 : i32
        %dma_start3A_29 = tpu.memref_slice %arg4[%scan3A_23, %dma_start3A_28] : memref<80x128xi32, #tpu.memory_space<vmem>> -> memref<1x128xi32, #tpu.memory_space<vmem>>
        %dma_start3A_30 = tpu.memref_squeeze %dma_start3A_29 : memref<1x128xi32, #tpu.memory_space<vmem>> -> memref<128xi32, #tpu.memory_space<vmem>>
        %dma_start3A_31 = arith.constant 0 : i32
        %dma_start3A_32 = arith.constant 0 : i32
        %dma_start3A_33 = tpu.memref_slice %arg6[%dma_start3A_31, %dma_start3A_32] : memref<10112x16xf32, #tpu.memory_space<vmem_shared>> -> memref<10112x16xf32, #tpu.memory_space<vmem_shared>>
        tpu.enqueue_indirect_dma source(%dma_start3A_27 : memref<128x16xf32, #tpu.memory_space<vmem>>) target(%dma_start3A_33 : memref<10112x16xf32, #tpu.memory_space<vmem_shared>>) offsets(%dma_start3A_30 : memref<128xi32, #tpu.memory_space<vmem>>) semaphore(%run_scoped3A : memref<!tpu.dma_semaphore, #tpu.memory_space<semaphore_mem>>) {add = true}
        %dma_wait3A = arith.constant 0 : i32
        %dma_wait3A_34 = arith.constant 0 : i32
        %dma_wait3A_35 = tpu.memref_slice %arg5[%dma_wait3A, %dma_wait3A_34] : memref<632x16xf32, #tpu.memory_space<vmem>> -> memref<128x16xf32, #tpu.memory_space<vmem>>
        %dma_wait3A_36 = arith.constant 0 : i32
        %dma_wait3A_37 = tpu.memref_slice %arg4[%scan3A_23, %dma_wait3A_36] : memref<80x128xi32, #tpu.memory_space<vmem>> -> memref<1x128xi32, #tpu.memory_space<vmem>>
        %dma_wait3A_38 = tpu.memref_squeeze %dma_wait3A_37 : memref<1x128xi32, #tpu.memory_space<vmem>> -> memref<128xi32, #tpu.memory_space<vmem>>
        %dma_wait3A_39 = arith.constant 0 : i32
        %dma_wait3A_40 = arith.constant 0 : i32
        %dma_wait3A_41 = tpu.memref_slice %arg6[%dma_wait3A_39, %dma_wait3A_40] : memref<10112x16xf32, #tpu.memory_space<vmem_shared>> -> memref<10112x16xf32, #tpu.memory_space<vmem_shared>>
        tpu.wait_indirect_dma semaphore(%run_scoped3A : memref<!tpu.dma_semaphore, #tpu.memory_space<semaphore_mem>>) src(%dma_wait3A_35 : memref<128x16xf32, #tpu.memory_space<vmem>>) dst(%dma_wait3A_41 : memref<10112x16xf32, #tpu.memory_space<vmem_shared>>)
        tpu.yield
      }) : () -> ()
      %scan3A_25 = arith.constant 0 : i32
      scf.yield %scan3A_25 : i32
    }
    %scan3A_17 = arith.constant 80 : i32
    %barrier3A_18 = arith.constant 0 : index
    tpu.barrier barrier_id(%barrier3A_18)
    %mul3A_19 = arith.constant 632 : i32
    %mul3A_20 = arith.muli %arg1, %mul3A_19 : i32
    %mul3A_21 = arith.constant 632 : i32
    %mul3A_22 = arith.muli %arg1, %mul3A_21 : i32
    "tpu.region"() ({
      %run_scoped3A = tpu.sem_alloc : memref<!tpu.dma_semaphore, #tpu.memory_space<semaphore_mem>>
      %dma_start3A = arith.constant 0 : i32
      %dma_start3A_23 = tpu.memref_slice %arg3[%arg0, %mul3A_22, %dma_start3A] : memref<2x10112x16xf32, #tpu.memory_space<hbm>> -> memref<1x632x16xf32, #tpu.memory_space<hbm>>
      %dma_start3A_24 = tpu.memref_squeeze %dma_start3A_23 : memref<1x632x16xf32, #tpu.memory_space<hbm>> -> memref<632x16xf32, #tpu.memory_space<hbm>>
      %dma_start3A_25 = arith.constant 0 : i32
      %dma_start3A_26 = tpu.memref_slice %arg6[%mul3A_20, %dma_start3A_25] : memref<10112x16xf32, #tpu.memory_space<vmem_shared>> -> memref<632x16xf32, #tpu.memory_space<vmem_shared>>
      tpu.enqueue_dma source(%dma_start3A_26 : memref<632x16xf32, #tpu.memory_space<vmem_shared>>) target(%dma_start3A_24 : memref<632x16xf32, #tpu.memory_space<hbm>>) target_semaphore(%run_scoped3A : memref<!tpu.dma_semaphore, #tpu.memory_space<semaphore_mem>>)
      %dma_wait3A = arith.constant 0 : i32
      %dma_wait3A_27 = tpu.memref_slice %arg3[%arg0, %mul3A_22, %dma_wait3A] : memref<2x10112x16xf32, #tpu.memory_space<hbm>> -> memref<1x632x16xf32, #tpu.memory_space<hbm>>
      %dma_wait3A_28 = tpu.memref_squeeze %dma_wait3A_27 : memref<1x632x16xf32, #tpu.memory_space<hbm>> -> memref<632x16xf32, #tpu.memory_space<hbm>>
      %dma_wait3A_29 = arith.constant 0 : i32
      %dma_wait3A_30 = tpu.memref_slice %arg6[%mul3A_20, %dma_wait3A_29] : memref<10112x16xf32, #tpu.memory_space<vmem_shared>> -> memref<632x16xf32, #tpu.memory_space<vmem_shared>>
      tpu.wait_dma2 semaphore(%run_scoped3A : memref<!tpu.dma_semaphore, #tpu.memory_space<semaphore_mem>>) src(%dma_wait3A_30 : memref<632x16xf32, #tpu.memory_space<vmem_shared>>) dst(%dma_wait3A_28 : memref<632x16xf32, #tpu.memory_space<hbm>>)
      tpu.yield
    }) : () -> ()
    return
  }
}

#map = affine_map<(d0, d1) -> (0, 0)>
module attributes {stable_mosaic.version = 14 : i64} {
  func.func @k(%arg0: i32, %arg1: i32, %arg2: memref<10000x32xf32, #tpu.memory_space<hbm>>, %arg3: memref<10000x32xf32, #tpu.memory_space<hbm>>, %arg4: memref<2560x128xi32, #tpu.memory_space<hbm>>, %arg5: memref<2560x128xi32, #tpu.memory_space<hbm>>, %arg6: memref<10000x32xf32, #tpu.memory_space<hbm>>, %arg7: memref<10000x32xf32, #tpu.memory_space<hbm>>, %arg8: memref<160x128xi32, #tpu.memory_space<vmem>>, %arg9: memref<160x128xi32, #tpu.memory_space<vmem>>, %arg10: memref<8x128x32xf32, #tpu.memory_space<vmem>>, %arg11: memref<10112x32xf32, #tpu.memory_space<vmem_shared>>, %arg12: memref<8x!tpu.dma_semaphore, #tpu.memory_space<semaphore_mem>>, %arg13: memref<8x!tpu.dma_semaphore, #tpu.memory_space<semaphore_mem>>, %arg14: memref<10000x32xf32, #tpu.memory_space<vmem_shared>>) attributes {dimension_semantics = [#tpu.dimension_semantics<core_parallel>, #tpu.dimension_semantics<subcore_parallel>], iteration_bounds = array<i64: 2, 16>, scalar_prefetch = 0 : i64, scratch_operands = 7 : i64, tpu.core_type = #tpu.core_type<sc_vector_subcore>, window_params = [{transform_indices = #map}, {transform_indices = #map}, {transform_indices = #map}, {transform_indices = #map}, {transform_indices = #map}, {transform_indices = #map}]} {
    %mul3A = arith.constant 160 : i32
    %mul3A_0 = arith.muli %arg1, %mul3A : i32
    "tpu.region"() ({
      %run_scoped3A = tpu.sem_alloc : memref<!tpu.dma_semaphore, #tpu.memory_space<semaphore_mem>>
      %dma_start3A = arith.constant 0 : i32
      %dma_start3A_41 = tpu.memref_slice %arg4[%mul3A_0, %dma_start3A] : memref<2560x128xi32, #tpu.memory_space<hbm>> -> memref<160x128xi32, #tpu.memory_space<hbm>>
      %dma_start3A_42 = arith.constant 0 : i32
      %dma_start3A_43 = tpu.memref_slice %arg4[%mul3A_0, %dma_start3A_42] : memref<2560x128xi32, #tpu.memory_space<hbm>> -> memref<160x128xi32, #tpu.memory_space<hbm>>
      tpu.enqueue_dma source(%dma_start3A_43 : memref<160x128xi32, #tpu.memory_space<hbm>>) target(%arg8 : memref<160x128xi32, #tpu.memory_space<vmem>>) target_semaphore(%run_scoped3A : memref<!tpu.dma_semaphore, #tpu.memory_space<semaphore_mem>>)
      %dma_wait3A = arith.constant 0 : i32
      %dma_wait3A_44 = tpu.memref_slice %arg4[%mul3A_0, %dma_wait3A] : memref<2560x128xi32, #tpu.memory_space<hbm>> -> memref<160x128xi32, #tpu.memory_space<hbm>>
      %dma_wait3A_45 = arith.constant 0 : i32
      %dma_wait3A_46 = tpu.memref_slice %arg4[%mul3A_0, %dma_wait3A_45] : memref<2560x128xi32, #tpu.memory_space<hbm>> -> memref<160x128xi32, #tpu.memory_space<hbm>>
      tpu.wait_dma2 semaphore(%run_scoped3A : memref<!tpu.dma_semaphore, #tpu.memory_space<semaphore_mem>>) src(%dma_wait3A_46 : memref<160x128xi32, #tpu.memory_space<hbm>>) dst(%arg8 : memref<160x128xi32, #tpu.memory_space<vmem>>)
      tpu.yield
    }) : () -> ()
    %mul3A_1 = arith.constant 160 : i32
    %mul3A_2 = arith.muli %arg1, %mul3A_1 : i32
    "tpu.region"() ({
      %run_scoped3A = tpu.sem_alloc : memref<!tpu.dma_semaphore, #tpu.memory_space<semaphore_mem>>
      %dma_start3A = arith.constant 0 : i32
      %dma_start3A_41 = tpu.memref_slice %arg5[%mul3A_2, %dma_start3A] : memref<2560x128xi32, #tpu.memory_space<hbm>> -> memref<160x128xi32, #tpu.memory_space<hbm>>
      %dma_start3A_42 = arith.constant 0 : i32
      %dma_start3A_43 = tpu.memref_slice %arg5[%mul3A_2, %dma_start3A_42] : memref<2560x128xi32, #tpu.memory_space<hbm>> -> memref<160x128xi32, #tpu.memory_space<hbm>>
      tpu.enqueue_dma source(%dma_start3A_43 : memref<160x128xi32, #tpu.memory_space<hbm>>) target(%arg9 : memref<160x128xi32, #tpu.memory_space<vmem>>) target_semaphore(%run_scoped3A : memref<!tpu.dma_semaphore, #tpu.memory_space<semaphore_mem>>)
      %dma_wait3A = arith.constant 0 : i32
      %dma_wait3A_44 = tpu.memref_slice %arg5[%mul3A_2, %dma_wait3A] : memref<2560x128xi32, #tpu.memory_space<hbm>> -> memref<160x128xi32, #tpu.memory_space<hbm>>
      %dma_wait3A_45 = arith.constant 0 : i32
      %dma_wait3A_46 = tpu.memref_slice %arg5[%mul3A_2, %dma_wait3A_45] : memref<2560x128xi32, #tpu.memory_space<hbm>> -> memref<160x128xi32, #tpu.memory_space<hbm>>
      tpu.wait_dma2 semaphore(%run_scoped3A : memref<!tpu.dma_semaphore, #tpu.memory_space<semaphore_mem>>) src(%dma_wait3A_46 : memref<160x128xi32, #tpu.memory_space<hbm>>) dst(%arg9 : memref<160x128xi32, #tpu.memory_space<vmem>>)
      tpu.yield
    }) : () -> ()
    %eq3A = arith.constant 0 : i32
    %eq3A_3 = arith.cmpi eq, %arg0, %eq3A : i32
    %lt3A = arith.constant 10 : i32
    %lt3A_4 = arith.cmpi slt, %arg1, %lt3A : i32
    %and3A = arith.andi %eq3A_3, %lt3A_4 : i1
    %convert_element_type3A = arith.extui %and3A : i1 to i32
    %cond3A = arith.constant 0 : i32
    %cond3A_5 = arith.cmpi ne, %convert_element_type3A, %cond3A : i32
    scf.if %cond3A_5 {
      %mul3A_41 = arith.constant 1000 : i32
      %mul3A_42 = arith.muli %arg1, %mul3A_41 : i32
      %mul3A_43 = arith.constant 1000 : i32
      %mul3A_44 = arith.muli %arg1, %mul3A_43 : i32
      "tpu.region"() ({
        %run_scoped3A = tpu.sem_alloc : memref<!tpu.dma_semaphore, #tpu.memory_space<semaphore_mem>>
        %dma_start3A = arith.constant 0 : i32
        %dma_start3A_49 = tpu.memref_slice %arg11[%mul3A_44, %dma_start3A] : memref<10112x32xf32, #tpu.memory_space<vmem_shared>> -> memref<1000x32xf32, #tpu.memory_space<vmem_shared>>
        %dma_start3A_50 = arith.constant 0 : i32
        %dma_start3A_51 = tpu.memref_slice %arg2[%mul3A_42, %dma_start3A_50] : memref<10000x32xf32, #tpu.memory_space<hbm>> -> memref<1000x32xf32, #tpu.memory_space<hbm>>
        tpu.enqueue_dma source(%dma_start3A_51 : memref<1000x32xf32, #tpu.memory_space<hbm>>) target(%dma_start3A_49 : memref<1000x32xf32, #tpu.memory_space<vmem_shared>>) target_semaphore(%run_scoped3A : memref<!tpu.dma_semaphore, #tpu.memory_space<semaphore_mem>>)
        %dma_wait3A = arith.constant 0 : i32
        %dma_wait3A_52 = tpu.memref_slice %arg11[%mul3A_44, %dma_wait3A] : memref<10112x32xf32, #tpu.memory_space<vmem_shared>> -> memref<1000x32xf32, #tpu.memory_space<vmem_shared>>
        %dma_wait3A_53 = arith.constant 0 : i32
        %dma_wait3A_54 = tpu.memref_slice %arg2[%mul3A_42, %dma_wait3A_53] : memref<10000x32xf32, #tpu.memory_space<hbm>> -> memref<1000x32xf32, #tpu.memory_space<hbm>>
        tpu.wait_dma2 semaphore(%run_scoped3A : memref<!tpu.dma_semaphore, #tpu.memory_space<semaphore_mem>>) src(%dma_wait3A_54 : memref<1000x32xf32, #tpu.memory_space<hbm>>) dst(%dma_wait3A_52 : memref<1000x32xf32, #tpu.memory_space<vmem_shared>>)
        tpu.yield
      }) : () -> ()
      %mul3A_45 = arith.constant 1000 : i32
      %mul3A_46 = arith.muli %arg1, %mul3A_45 : i32
      %mul3A_47 = arith.constant 1000 : i32
      %mul3A_48 = arith.muli %arg1, %mul3A_47 : i32
      "tpu.region"() ({
        %run_scoped3A = tpu.sem_alloc : memref<!tpu.dma_semaphore, #tpu.memory_space<semaphore_mem>>
        %dma_start3A = arith.constant 0 : i32
        %dma_start3A_49 = tpu.memref_slice %arg14[%mul3A_48, %dma_start3A] : memref<10000x32xf32, #tpu.memory_space<vmem_shared>> -> memref<1000x32xf32, #tpu.memory_space<vmem_shared>>
        %dma_start3A_50 = arith.constant 0 : i32
        %dma_start3A_51 = tpu.memref_slice %arg2[%mul3A_46, %dma_start3A_50] : memref<10000x32xf32, #tpu.memory_space<hbm>> -> memref<1000x32xf32, #tpu.memory_space<hbm>>
        tpu.enqueue_dma source(%dma_start3A_51 : memref<1000x32xf32, #tpu.memory_space<hbm>>) target(%dma_start3A_49 : memref<1000x32xf32, #tpu.memory_space<vmem_shared>>) target_semaphore(%run_scoped3A : memref<!tpu.dma_semaphore, #tpu.memory_space<semaphore_mem>>)
        %dma_wait3A = arith.constant 0 : i32
        %dma_wait3A_52 = tpu.memref_slice %arg14[%mul3A_48, %dma_wait3A] : memref<10000x32xf32, #tpu.memory_space<vmem_shared>> -> memref<1000x32xf32, #tpu.memory_space<vmem_shared>>
        %dma_wait3A_53 = arith.constant 0 : i32
        %dma_wait3A_54 = tpu.memref_slice %arg2[%mul3A_46, %dma_wait3A_53] : memref<10000x32xf32, #tpu.memory_space<hbm>> -> memref<1000x32xf32, #tpu.memory_space<hbm>>
        tpu.wait_dma2 semaphore(%run_scoped3A : memref<!tpu.dma_semaphore, #tpu.memory_space<semaphore_mem>>) src(%dma_wait3A_54 : memref<1000x32xf32, #tpu.memory_space<hbm>>) dst(%dma_wait3A_52 : memref<1000x32xf32, #tpu.memory_space<vmem_shared>>)
        tpu.yield
      }) : () -> ()
    } else {
    }
    %eq3A_6 = arith.constant 1 : i32
    %eq3A_7 = arith.cmpi eq, %arg0, %eq3A_6 : i32
    %lt3A_8 = arith.constant 10 : i32
    %lt3A_9 = arith.cmpi slt, %arg1, %lt3A_8 : i32
    %and3A_10 = arith.andi %eq3A_7, %lt3A_9 : i1
    %convert_element_type3A_11 = arith.extui %and3A_10 : i1 to i32
    %cond3A_12 = arith.constant 0 : i32
    %cond3A_13 = arith.cmpi ne, %convert_element_type3A_11, %cond3A_12 : i32
    scf.if %cond3A_13 {
      %mul3A_41 = arith.constant 1000 : i32
      %mul3A_42 = arith.muli %arg1, %mul3A_41 : i32
      %mul3A_43 = arith.constant 1000 : i32
      %mul3A_44 = arith.muli %arg1, %mul3A_43 : i32
      "tpu.region"() ({
        %run_scoped3A = tpu.sem_alloc : memref<!tpu.dma_semaphore, #tpu.memory_space<semaphore_mem>>
        %dma_start3A = arith.constant 0 : i32
        %dma_start3A_49 = tpu.memref_slice %arg11[%mul3A_44, %dma_start3A] : memref<10112x32xf32, #tpu.memory_space<vmem_shared>> -> memref<1000x32xf32, #tpu.memory_space<vmem_shared>>
        %dma_start3A_50 = arith.constant 0 : i32
        %dma_start3A_51 = tpu.memref_slice %arg3[%mul3A_42, %dma_start3A_50] : memref<10000x32xf32, #tpu.memory_space<hbm>> -> memref<1000x32xf32, #tpu.memory_space<hbm>>
        tpu.enqueue_dma source(%dma_start3A_51 : memref<1000x32xf32, #tpu.memory_space<hbm>>) target(%dma_start3A_49 : memref<1000x32xf32, #tpu.memory_space<vmem_shared>>) target_semaphore(%run_scoped3A : memref<!tpu.dma_semaphore, #tpu.memory_space<semaphore_mem>>)
        %dma_wait3A = arith.constant 0 : i32
        %dma_wait3A_52 = tpu.memref_slice %arg11[%mul3A_44, %dma_wait3A] : memref<10112x32xf32, #tpu.memory_space<vmem_shared>> -> memref<1000x32xf32, #tpu.memory_space<vmem_shared>>
        %dma_wait3A_53 = arith.constant 0 : i32
        %dma_wait3A_54 = tpu.memref_slice %arg3[%mul3A_42, %dma_wait3A_53] : memref<10000x32xf32, #tpu.memory_space<hbm>> -> memref<1000x32xf32, #tpu.memory_space<hbm>>
        tpu.wait_dma2 semaphore(%run_scoped3A : memref<!tpu.dma_semaphore, #tpu.memory_space<semaphore_mem>>) src(%dma_wait3A_54 : memref<1000x32xf32, #tpu.memory_space<hbm>>) dst(%dma_wait3A_52 : memref<1000x32xf32, #tpu.memory_space<vmem_shared>>)
        tpu.yield
      }) : () -> ()
      %mul3A_45 = arith.constant 1000 : i32
      %mul3A_46 = arith.muli %arg1, %mul3A_45 : i32
      %mul3A_47 = arith.constant 1000 : i32
      %mul3A_48 = arith.muli %arg1, %mul3A_47 : i32
      "tpu.region"() ({
        %run_scoped3A = tpu.sem_alloc : memref<!tpu.dma_semaphore, #tpu.memory_space<semaphore_mem>>
        %dma_start3A = arith.constant 0 : i32
        %dma_start3A_49 = tpu.memref_slice %arg14[%mul3A_48, %dma_start3A] : memref<10000x32xf32, #tpu.memory_space<vmem_shared>> -> memref<1000x32xf32, #tpu.memory_space<vmem_shared>>
        %dma_start3A_50 = arith.constant 0 : i32
        %dma_start3A_51 = tpu.memref_slice %arg3[%mul3A_46, %dma_start3A_50] : memref<10000x32xf32, #tpu.memory_space<hbm>> -> memref<1000x32xf32, #tpu.memory_space<hbm>>
        tpu.enqueue_dma source(%dma_start3A_51 : memref<1000x32xf32, #tpu.memory_space<hbm>>) target(%dma_start3A_49 : memref<1000x32xf32, #tpu.memory_space<vmem_shared>>) target_semaphore(%run_scoped3A : memref<!tpu.dma_semaphore, #tpu.memory_space<semaphore_mem>>)
        %dma_wait3A = arith.constant 0 : i32
        %dma_wait3A_52 = tpu.memref_slice %arg14[%mul3A_48, %dma_wait3A] : memref<10000x32xf32, #tpu.memory_space<vmem_shared>> -> memref<1000x32xf32, #tpu.memory_space<vmem_shared>>
        %dma_wait3A_53 = arith.constant 0 : i32
        %dma_wait3A_54 = tpu.memref_slice %arg3[%mul3A_46, %dma_wait3A_53] : memref<10000x32xf32, #tpu.memory_space<hbm>> -> memref<1000x32xf32, #tpu.memory_space<hbm>>
        tpu.wait_dma2 semaphore(%run_scoped3A : memref<!tpu.dma_semaphore, #tpu.memory_space<semaphore_mem>>) src(%dma_wait3A_54 : memref<1000x32xf32, #tpu.memory_space<hbm>>) dst(%dma_wait3A_52 : memref<1000x32xf32, #tpu.memory_space<vmem_shared>>)
        tpu.yield
      }) : () -> ()
    } else {
    }
    %barrier3A = arith.constant 0 : index
    tpu.barrier barrier_id(%barrier3A)
    %eq3A_14 = arith.constant 0 : i32
    %eq3A_15 = arith.cmpi eq, %arg0, %eq3A_14 : i32
    %convert_element_type3A_16 = arith.extui %eq3A_15 : i1 to i32
    %cond3A_17 = arith.constant 0 : i32
    %cond3A_18 = arith.cmpi ne, %convert_element_type3A_16, %cond3A_17 : i32
    scf.if %cond3A_18 {
      %dma_start3A = arith.constant 0 : i32
      %dma_start3A_41 = arith.constant 0 : i32
      %dma_start3A_42 = arith.constant 0 : i32
      %dma_start3A_43 = arith.constant 0 : i32
      %dma_start3A_44 = arith.constant 0 : i32
      %dma_start3A_45 = tpu.memref_slice %arg10[%dma_start3A_41, %dma_start3A_43, %dma_start3A_44] : memref<8x128x32xf32, #tpu.memory_space<vmem>> -> memref<1x128x32xf32, #tpu.memory_space<vmem>>
      %dma_start3A_46 = tpu.memref_squeeze %dma_start3A_45 : memref<1x128x32xf32, #tpu.memory_space<vmem>> -> memref<128x32xf32, #tpu.memory_space<vmem>>
      %dma_start3A_47 = arith.constant 0 : i32
      %dma_start3A_48 = tpu.memref_slice %arg8[%dma_start3A, %dma_start3A_47] : memref<160x128xi32, #tpu.memory_space<vmem>> -> memref<1x128xi32, #tpu.memory_space<vmem>>
      %dma_start3A_49 = tpu.memref_squeeze %dma_start3A_48 : memref<1x128xi32, #tpu.memory_space<vmem>> -> memref<128xi32, #tpu.memory_space<vmem>>
      %dma_start3A_50 = arith.constant 0 : i32
      %dma_start3A_51 = arith.constant 0 : i32
      %dma_start3A_52 = tpu.memref_slice %arg14[%dma_start3A_50, %dma_start3A_51] : memref<10000x32xf32, #tpu.memory_space<vmem_shared>> -> memref<10000x32xf32, #tpu.memory_space<vmem_shared>>
      %dma_start3A_53 = tpu.memref_slice %arg12[%dma_start3A_42] : memref<8x!tpu.dma_semaphore, #tpu.memory_space<semaphore_mem>> -> memref<1x!tpu.dma_semaphore, #tpu.memory_space<semaphore_mem>>
      %dma_start3A_54 = tpu.memref_squeeze %dma_start3A_53 : memref<1x!tpu.dma_semaphore, #tpu.memory_space<semaphore_mem>> -> memref<!tpu.dma_semaphore, #tpu.memory_space<semaphore_mem>>
      tpu.enqueue_indirect_dma source(%dma_start3A_52 : memref<10000x32xf32, #tpu.memory_space<vmem_shared>>) target(%dma_start3A_46 : memref<128x32xf32, #tpu.memory_space<vmem>>) offsets(%dma_start3A_49 : memref<128xi32, #tpu.memory_space<vmem>>) semaphore(%dma_start3A_54 : memref<!tpu.dma_semaphore, #tpu.memory_space<semaphore_mem>>)
      %dma_start3A_55 = arith.constant 1 : i32
      %dma_start3A_56 = arith.constant 1 : i32
      %dma_start3A_57 = arith.constant 1 : i32
      %dma_start3A_58 = arith.constant 0 : i32
      %dma_start3A_59 = arith.constant 0 : i32
      %dma_start3A_60 = tpu.memref_slice %arg10[%dma_start3A_56, %dma_start3A_58, %dma_start3A_59] : memref<8x128x32xf32, #tpu.memory_space<vmem>> -> memref<1x128x32xf32, #tpu.memory_space<vmem>>
      %dma_start3A_61 = tpu.memref_squeeze %dma_start3A_60 : memref<1x128x32xf32, #tpu.memory_space<vmem>> -> memref<128x32xf32, #tpu.memory_space<vmem>>
      %dma_start3A_62 = arith.constant 0 : i32
      %dma_start3A_63 = tpu.memref_slice %arg8[%dma_start3A_55, %dma_start3A_62] : memref<160x128xi32, #tpu.memory_space<vmem>> -> memref<1x128xi32, #tpu.memory_space<vmem>>
      %dma_start3A_64 = tpu.memref_squeeze %dma_start3A_63 : memref<1x128xi32, #tpu.memory_space<vmem>> -> memref<128xi32, #tpu.memory_space<vmem>>
      %dma_start3A_65 = arith.constant 0 : i32
      %dma_start3A_66 = arith.constant 0 : i32
      %dma_start3A_67 = tpu.memref_slice %arg14[%dma_start3A_65, %dma_start3A_66] : memref<10000x32xf32, #tpu.memory_space<vmem_shared>> -> memref<10000x32xf32, #tpu.memory_space<vmem_shared>>
      %dma_start3A_68 = tpu.memref_slice %arg12[%dma_start3A_57] : memref<8x!tpu.dma_semaphore, #tpu.memory_space<semaphore_mem>> -> memref<1x!tpu.dma_semaphore, #tpu.memory_space<semaphore_mem>>
      %dma_start3A_69 = tpu.memref_squeeze %dma_start3A_68 : memref<1x!tpu.dma_semaphore, #tpu.memory_space<semaphore_mem>> -> memref<!tpu.dma_semaphore, #tpu.memory_space<semaphore_mem>>
      tpu.enqueue_indirect_dma source(%dma_start3A_67 : memref<10000x32xf32, #tpu.memory_space<vmem_shared>>) target(%dma_start3A_61 : memref<128x32xf32, #tpu.memory_space<vmem>>) offsets(%dma_start3A_64 : memref<128xi32, #tpu.memory_space<vmem>>) semaphore(%dma_start3A_69 : memref<!tpu.dma_semaphore, #tpu.memory_space<semaphore_mem>>)
      %dma_start3A_70 = arith.constant 2 : i32
      %dma_start3A_71 = arith.constant 2 : i32
      %dma_start3A_72 = arith.constant 2 : i32
      %dma_start3A_73 = arith.constant 0 : i32
      %dma_start3A_74 = arith.constant 0 : i32
      %dma_start3A_75 = tpu.memref_slice %arg10[%dma_start3A_71, %dma_start3A_73, %dma_start3A_74] : memref<8x128x32xf32, #tpu.memory_space<vmem>> -> memref<1x128x32xf32, #tpu.memory_space<vmem>>
      %dma_start3A_76 = tpu.memref_squeeze %dma_start3A_75 : memref<1x128x32xf32, #tpu.memory_space<vmem>> -> memref<128x32xf32, #tpu.memory_space<vmem>>
      %dma_start3A_77 = arith.constant 0 : i32
      %dma_start3A_78 = tpu.memref_slice %arg8[%dma_start3A_70, %dma_start3A_77] : memref<160x128xi32, #tpu.memory_space<vmem>> -> memref<1x128xi32, #tpu.memory_space<vmem>>
      %dma_start3A_79 = tpu.memref_squeeze %dma_start3A_78 : memref<1x128xi32, #tpu.memory_space<vmem>> -> memref<128xi32, #tpu.memory_space<vmem>>
      %dma_start3A_80 = arith.constant 0 : i32
      %dma_start3A_81 = arith.constant 0 : i32
      %dma_start3A_82 = tpu.memref_slice %arg14[%dma_start3A_80, %dma_start3A_81] : memref<10000x32xf32, #tpu.memory_space<vmem_shared>> -> memref<10000x32xf32, #tpu.memory_space<vmem_shared>>
      %dma_start3A_83 = tpu.memref_slice %arg12[%dma_start3A_72] : memref<8x!tpu.dma_semaphore, #tpu.memory_space<semaphore_mem>> -> memref<1x!tpu.dma_semaphore, #tpu.memory_space<semaphore_mem>>
      %dma_start3A_84 = tpu.memref_squeeze %dma_start3A_83 : memref<1x!tpu.dma_semaphore, #tpu.memory_space<semaphore_mem>> -> memref<!tpu.dma_semaphore, #tpu.memory_space<semaphore_mem>>
      tpu.enqueue_indirect_dma source(%dma_start3A_82 : memref<10000x32xf32, #tpu.memory_space<vmem_shared>>) target(%dma_start3A_76 : memref<128x32xf32, #tpu.memory_space<vmem>>) offsets(%dma_start3A_79 : memref<128xi32, #tpu.memory_space<vmem>>) semaphore(%dma_start3A_84 : memref<!tpu.dma_semaphore, #tpu.memory_space<semaphore_mem>>)
      %dma_start3A_85 = arith.constant 3 : i32
      %dma_start3A_86 = arith.constant 3 : i32
      %dma_start3A_87 = arith.constant 3 : i32
      %dma_start3A_88 = arith.constant 0 : i32
      %dma_start3A_89 = arith.constant 0 : i32
      %dma_start3A_90 = tpu.memref_slice %arg10[%dma_start3A_86, %dma_start3A_88, %dma_start3A_89] : memref<8x128x32xf32, #tpu.memory_space<vmem>> -> memref<1x128x32xf32, #tpu.memory_space<vmem>>
      %dma_start3A_91 = tpu.memref_squeeze %dma_start3A_90 : memref<1x128x32xf32, #tpu.memory_space<vmem>> -> memref<128x32xf32, #tpu.memory_space<vmem>>
      %dma_start3A_92 = arith.constant 0 : i32
      %dma_start3A_93 = tpu.memref_slice %arg8[%dma_start3A_85, %dma_start3A_92] : memref<160x128xi32, #tpu.memory_space<vmem>> -> memref<1x128xi32, #tpu.memory_space<vmem>>
      %dma_start3A_94 = tpu.memref_squeeze %dma_start3A_93 : memref<1x128xi32, #tpu.memory_space<vmem>> -> memref<128xi32, #tpu.memory_space<vmem>>
      %dma_start3A_95 = arith.constant 0 : i32
      %dma_start3A_96 = arith.constant 0 : i32
      %dma_start3A_97 = tpu.memref_slice %arg14[%dma_start3A_95, %dma_start3A_96] : memref<10000x32xf32, #tpu.memory_space<vmem_shared>> -> memref<10000x32xf32, #tpu.memory_space<vmem_shared>>
      %dma_start3A_98 = tpu.memref_slice %arg12[%dma_start3A_87] : memref<8x!tpu.dma_semaphore, #tpu.memory_space<semaphore_mem>> -> memref<1x!tpu.dma_semaphore, #tpu.memory_space<semaphore_mem>>
      %dma_start3A_99 = tpu.memref_squeeze %dma_start3A_98 : memref<1x!tpu.dma_semaphore, #tpu.memory_space<semaphore_mem>> -> memref<!tpu.dma_semaphore, #tpu.memory_space<semaphore_mem>>
      tpu.enqueue_indirect_dma source(%dma_start3A_97 : memref<10000x32xf32, #tpu.memory_space<vmem_shared>>) target(%dma_start3A_91 : memref<128x32xf32, #tpu.memory_space<vmem>>) offsets(%dma_start3A_94 : memref<128xi32, #tpu.memory_space<vmem>>) semaphore(%dma_start3A_99 : memref<!tpu.dma_semaphore, #tpu.memory_space<semaphore_mem>>)
      %dma_start3A_100 = arith.constant 4 : i32
      %dma_start3A_101 = arith.constant 4 : i32
      %dma_start3A_102 = arith.constant 4 : i32
      %dma_start3A_103 = arith.constant 0 : i32
      %dma_start3A_104 = arith.constant 0 : i32
      %dma_start3A_105 = tpu.memref_slice %arg10[%dma_start3A_101, %dma_start3A_103, %dma_start3A_104] : memref<8x128x32xf32, #tpu.memory_space<vmem>> -> memref<1x128x32xf32, #tpu.memory_space<vmem>>
      %dma_start3A_106 = tpu.memref_squeeze %dma_start3A_105 : memref<1x128x32xf32, #tpu.memory_space<vmem>> -> memref<128x32xf32, #tpu.memory_space<vmem>>
      %dma_start3A_107 = arith.constant 0 : i32
      %dma_start3A_108 = tpu.memref_slice %arg8[%dma_start3A_100, %dma_start3A_107] : memref<160x128xi32, #tpu.memory_space<vmem>> -> memref<1x128xi32, #tpu.memory_space<vmem>>
      %dma_start3A_109 = tpu.memref_squeeze %dma_start3A_108 : memref<1x128xi32, #tpu.memory_space<vmem>> -> memref<128xi32, #tpu.memory_space<vmem>>
      %dma_start3A_110 = arith.constant 0 : i32
      %dma_start3A_111 = arith.constant 0 : i32
      %dma_start3A_112 = tpu.memref_slice %arg14[%dma_start3A_110, %dma_start3A_111] : memref<10000x32xf32, #tpu.memory_space<vmem_shared>> -> memref<10000x32xf32, #tpu.memory_space<vmem_shared>>
      %dma_start3A_113 = tpu.memref_slice %arg12[%dma_start3A_102] : memref<8x!tpu.dma_semaphore, #tpu.memory_space<semaphore_mem>> -> memref<1x!tpu.dma_semaphore, #tpu.memory_space<semaphore_mem>>
      %dma_start3A_114 = tpu.memref_squeeze %dma_start3A_113 : memref<1x!tpu.dma_semaphore, #tpu.memory_space<semaphore_mem>> -> memref<!tpu.dma_semaphore, #tpu.memory_space<semaphore_mem>>
      tpu.enqueue_indirect_dma source(%dma_start3A_112 : memref<10000x32xf32, #tpu.memory_space<vmem_shared>>) target(%dma_start3A_106 : memref<128x32xf32, #tpu.memory_space<vmem>>) offsets(%dma_start3A_109 : memref<128xi32, #tpu.memory_space<vmem>>) semaphore(%dma_start3A_114 : memref<!tpu.dma_semaphore, #tpu.memory_space<semaphore_mem>>)
      %dma_start3A_115 = arith.constant 5 : i32
      %dma_start3A_116 = arith.constant 5 : i32
      %dma_start3A_117 = arith.constant 5 : i32
      %dma_start3A_118 = arith.constant 0 : i32
      %dma_start3A_119 = arith.constant 0 : i32
      %dma_start3A_120 = tpu.memref_slice %arg10[%dma_start3A_116, %dma_start3A_118, %dma_start3A_119] : memref<8x128x32xf32, #tpu.memory_space<vmem>> -> memref<1x128x32xf32, #tpu.memory_space<vmem>>
      %dma_start3A_121 = tpu.memref_squeeze %dma_start3A_120 : memref<1x128x32xf32, #tpu.memory_space<vmem>> -> memref<128x32xf32, #tpu.memory_space<vmem>>
      %dma_start3A_122 = arith.constant 0 : i32
      %dma_start3A_123 = tpu.memref_slice %arg8[%dma_start3A_115, %dma_start3A_122] : memref<160x128xi32, #tpu.memory_space<vmem>> -> memref<1x128xi32, #tpu.memory_space<vmem>>
      %dma_start3A_124 = tpu.memref_squeeze %dma_start3A_123 : memref<1x128xi32, #tpu.memory_space<vmem>> -> memref<128xi32, #tpu.memory_space<vmem>>
      %dma_start3A_125 = arith.constant 0 : i32
      %dma_start3A_126 = arith.constant 0 : i32
      %dma_start3A_127 = tpu.memref_slice %arg14[%dma_start3A_125, %dma_start3A_126] : memref<10000x32xf32, #tpu.memory_space<vmem_shared>> -> memref<10000x32xf32, #tpu.memory_space<vmem_shared>>
      %dma_start3A_128 = tpu.memref_slice %arg12[%dma_start3A_117] : memref<8x!tpu.dma_semaphore, #tpu.memory_space<semaphore_mem>> -> memref<1x!tpu.dma_semaphore, #tpu.memory_space<semaphore_mem>>
      %dma_start3A_129 = tpu.memref_squeeze %dma_start3A_128 : memref<1x!tpu.dma_semaphore, #tpu.memory_space<semaphore_mem>> -> memref<!tpu.dma_semaphore, #tpu.memory_space<semaphore_mem>>
      tpu.enqueue_indirect_dma source(%dma_start3A_127 : memref<10000x32xf32, #tpu.memory_space<vmem_shared>>) target(%dma_start3A_121 : memref<128x32xf32, #tpu.memory_space<vmem>>) offsets(%dma_start3A_124 : memref<128xi32, #tpu.memory_space<vmem>>) semaphore(%dma_start3A_129 : memref<!tpu.dma_semaphore, #tpu.memory_space<semaphore_mem>>)
      %scan3A = arith.constant 0 : i32
      %scan3A_130 = arith.constant 0 : i32
      %scan3A_131 = arith.constant 160 : i32
      %scan3A_132 = arith.addi %scan3A_130, %scan3A_131 : i32
      %scan3A_133 = arith.constant 1 : i32
      %scan3A_134 = scf.for %scan3A_165 = %scan3A_130 to %scan3A_132 step %scan3A_133 iter_args(%scan3A_166 = %scan3A) -> (i32)  : i32 {
        %ge3A = arith.constant 2 : i32
        %ge3A_167 = arith.cmpi sge, %scan3A_165, %ge3A : i32
        %convert_element_type3A_168 = arith.extui %ge3A_167 : i1 to i32
        %cond3A_169 = arith.constant 0 : i32
        %cond3A_170 = arith.cmpi ne, %convert_element_type3A_168, %cond3A_169 : i32
        scf.if %cond3A_170 {
          %sub3A = arith.constant 2 : i32
          %sub3A_203 = arith.subi %scan3A_165, %sub3A : i32
          %rem3A_204 = arith.constant 8 : i32
          %rem3A_205 = arith.remsi %sub3A_203, %rem3A_204 : i32
          %dma_wait3A_206 = arith.constant 0 : i32
          %dma_wait3A_207 = arith.constant 0 : i32
          %dma_wait3A_208 = tpu.memref_slice %arg10[%rem3A_205, %dma_wait3A_206, %dma_wait3A_207] : memref<8x128x32xf32, #tpu.memory_space<vmem>> -> memref<1x128x32xf32, #tpu.memory_space<vmem>>
          %dma_wait3A_209 = tpu.memref_squeeze %dma_wait3A_208 : memref<1x128x32xf32, #tpu.memory_space<vmem>> -> memref<128x32xf32, #tpu.memory_space<vmem>>
          %dma_wait3A_210 = arith.constant 0 : i32
          %dma_wait3A_211 = tpu.memref_slice %arg9[%sub3A_203, %dma_wait3A_210] : memref<160x128xi32, #tpu.memory_space<vmem>> -> memref<1x128xi32, #tpu.memory_space<vmem>>
          %dma_wait3A_212 = tpu.memref_squeeze %dma_wait3A_211 : memref<1x128xi32, #tpu.memory_space<vmem>> -> memref<128xi32, #tpu.memory_space<vmem>>
          %dma_wait3A_213 = arith.constant 0 : i32
          %dma_wait3A_214 = arith.constant 0 : i32
          %dma_wait3A_215 = tpu.memref_slice %arg11[%dma_wait3A_213, %dma_wait3A_214] : memref<10112x32xf32, #tpu.memory_space<vmem_shared>> -> memref<10112x32xf32, #tpu.memory_space<vmem_shared>>
          %dma_wait3A_216 = tpu.memref_slice %arg13[%rem3A_205] : memref<8x!tpu.dma_semaphore, #tpu.memory_space<semaphore_mem>> -> memref<1x!tpu.dma_semaphore, #tpu.memory_space<semaphore_mem>>
          %dma_wait3A_217 = tpu.memref_squeeze %dma_wait3A_216 : memref<1x!tpu.dma_semaphore, #tpu.memory_space<semaphore_mem>> -> memref<!tpu.dma_semaphore, #tpu.memory_space<semaphore_mem>>
          tpu.wait_indirect_dma semaphore(%dma_wait3A_217 : memref<!tpu.dma_semaphore, #tpu.memory_space<semaphore_mem>>) src(%dma_wait3A_209 : memref<128x32xf32, #tpu.memory_space<vmem>>) dst(%dma_wait3A_215 : memref<10112x32xf32, #tpu.memory_space<vmem_shared>>)
        } else {
        }
        %add3A = arith.constant 6 : i32
        %add3A_171 = arith.addi %scan3A_165, %add3A : i32
        %lt3A_172 = arith.constant 160 : i32
        %lt3A_173 = arith.cmpi slt, %add3A_171, %lt3A_172 : i32
        %convert_element_type3A_174 = arith.extui %lt3A_173 : i1 to i32
        %cond3A_175 = arith.constant 0 : i32
        %cond3A_176 = arith.cmpi ne, %convert_element_type3A_174, %cond3A_175 : i32
        scf.if %cond3A_176 {
          %add3A_203 = arith.constant 6 : i32
          %add3A_204 = arith.addi %scan3A_165, %add3A_203 : i32
          %rem3A_205 = arith.constant 8 : i32
          %rem3A_206 = arith.remsi %add3A_204, %rem3A_205 : i32
          %dma_start3A_207 = arith.constant 0 : i32
          %dma_start3A_208 = arith.constant 0 : i32
          %dma_start3A_209 = tpu.memref_slice %arg10[%rem3A_206, %dma_start3A_207, %dma_start3A_208] : memref<8x128x32xf32, #tpu.memory_space<vmem>> -> memref<1x128x32xf32, #tpu.memory_space<vmem>>
          %dma_start3A_210 = tpu.memref_squeeze %dma_start3A_209 : memref<1x128x32xf32, #tpu.memory_space<vmem>> -> memref<128x32xf32, #tpu.memory_space<vmem>>
          %dma_start3A_211 = arith.constant 0 : i32
          %dma_start3A_212 = tpu.memref_slice %arg8[%add3A_204, %dma_start3A_211] : memref<160x128xi32, #tpu.memory_space<vmem>> -> memref<1x128xi32, #tpu.memory_space<vmem>>
          %dma_start3A_213 = tpu.memref_squeeze %dma_start3A_212 : memref<1x128xi32, #tpu.memory_space<vmem>> -> memref<128xi32, #tpu.memory_space<vmem>>
          %dma_start3A_214 = arith.constant 0 : i32
          %dma_start3A_215 = arith.constant 0 : i32
          %dma_start3A_216 = tpu.memref_slice %arg14[%dma_start3A_214, %dma_start3A_215] : memref<10000x32xf32, #tpu.memory_space<vmem_shared>> -> memref<10000x32xf32, #tpu.memory_space<vmem_shared>>
          %dma_start3A_217 = tpu.memref_slice %arg12[%rem3A_206] : memref<8x!tpu.dma_semaphore, #tpu.memory_space<semaphore_mem>> -> memref<1x!tpu.dma_semaphore, #tpu.memory_space<semaphore_mem>>
          %dma_start3A_218 = tpu.memref_squeeze %dma_start3A_217 : memref<1x!tpu.dma_semaphore, #tpu.memory_space<semaphore_mem>> -> memref<!tpu.dma_semaphore, #tpu.memory_space<semaphore_mem>>
          tpu.enqueue_indirect_dma source(%dma_start3A_216 : memref<10000x32xf32, #tpu.memory_space<vmem_shared>>) target(%dma_start3A_210 : memref<128x32xf32, #tpu.memory_space<vmem>>) offsets(%dma_start3A_213 : memref<128xi32, #tpu.memory_space<vmem>>) semaphore(%dma_start3A_218 : memref<!tpu.dma_semaphore, #tpu.memory_space<semaphore_mem>>)
        } else {
        }
        %rem3A = arith.constant 8 : i32
        %rem3A_177 = arith.remsi %scan3A_165, %rem3A : i32
        %dma_wait3A_178 = arith.constant 0 : i32
        %dma_wait3A_179 = arith.constant 0 : i32
        %dma_wait3A_180 = tpu.memref_slice %arg10[%rem3A_177, %dma_wait3A_178, %dma_wait3A_179] : memref<8x128x32xf32, #tpu.memory_space<vmem>> -> memref<1x128x32xf32, #tpu.memory_space<vmem>>
        %dma_wait3A_181 = tpu.memref_squeeze %dma_wait3A_180 : memref<1x128x32xf32, #tpu.memory_space<vmem>> -> memref<128x32xf32, #tpu.memory_space<vmem>>
        %dma_wait3A_182 = arith.constant 0 : i32
        %dma_wait3A_183 = tpu.memref_slice %arg8[%scan3A_165, %dma_wait3A_182] : memref<160x128xi32, #tpu.memory_space<vmem>> -> memref<1x128xi32, #tpu.memory_space<vmem>>
        %dma_wait3A_184 = tpu.memref_squeeze %dma_wait3A_183 : memref<1x128xi32, #tpu.memory_space<vmem>> -> memref<128xi32, #tpu.memory_space<vmem>>
        %dma_wait3A_185 = arith.constant 0 : i32
        %dma_wait3A_186 = arith.constant 0 : i32
        %dma_wait3A_187 = tpu.memref_slice %arg14[%dma_wait3A_185, %dma_wait3A_186] : memref<10000x32xf32, #tpu.memory_space<vmem_shared>> -> memref<10000x32xf32, #tpu.memory_space<vmem_shared>>
        %dma_wait3A_188 = tpu.memref_slice %arg12[%rem3A_177] : memref<8x!tpu.dma_semaphore, #tpu.memory_space<semaphore_mem>> -> memref<1x!tpu.dma_semaphore, #tpu.memory_space<semaphore_mem>>
        %dma_wait3A_189 = tpu.memref_squeeze %dma_wait3A_188 : memref<1x!tpu.dma_semaphore, #tpu.memory_space<semaphore_mem>> -> memref<!tpu.dma_semaphore, #tpu.memory_space<semaphore_mem>>
        tpu.wait_indirect_dma semaphore(%dma_wait3A_189 : memref<!tpu.dma_semaphore, #tpu.memory_space<semaphore_mem>>) src(%dma_wait3A_187 : memref<10000x32xf32, #tpu.memory_space<vmem_shared>>) dst(%dma_wait3A_181 : memref<128x32xf32, #tpu.memory_space<vmem>>)
        %dma_start3A_190 = arith.constant 0 : i32
        %dma_start3A_191 = arith.constant 0 : i32
        %dma_start3A_192 = tpu.memref_slice %arg10[%rem3A_177, %dma_start3A_190, %dma_start3A_191] : memref<8x128x32xf32, #tpu.memory_space<vmem>> -> memref<1x128x32xf32, #tpu.memory_space<vmem>>
        %dma_start3A_193 = tpu.memref_squeeze %dma_start3A_192 : memref<1x128x32xf32, #tpu.memory_space<vmem>> -> memref<128x32xf32, #tpu.memory_space<vmem>>
        %dma_start3A_194 = arith.constant 0 : i32
        %dma_start3A_195 = tpu.memref_slice %arg9[%scan3A_165, %dma_start3A_194] : memref<160x128xi32, #tpu.memory_space<vmem>> -> memref<1x128xi32, #tpu.memory_space<vmem>>
        %dma_start3A_196 = tpu.memref_squeeze %dma_start3A_195 : memref<1x128xi32, #tpu.memory_space<vmem>> -> memref<128xi32, #tpu.memory_space<vmem>>
        %dma_start3A_197 = arith.constant 0 : i32
        %dma_start3A_198 = arith.constant 0 : i32
        %dma_start3A_199 = tpu.memref_slice %arg11[%dma_start3A_197, %dma_start3A_198] : memref<10112x32xf32, #tpu.memory_space<vmem_shared>> -> memref<10112x32xf32, #tpu.memory_space<vmem_shared>>
        %dma_start3A_200 = tpu.memref_slice %arg13[%rem3A_177] : memref<8x!tpu.dma_semaphore, #tpu.memory_space<semaphore_mem>> -> memref<1x!tpu.dma_semaphore, #tpu.memory_space<semaphore_mem>>
        %dma_start3A_201 = tpu.memref_squeeze %dma_start3A_200 : memref<1x!tpu.dma_semaphore, #tpu.memory_space<semaphore_mem>> -> memref<!tpu.dma_semaphore, #tpu.memory_space<semaphore_mem>>
        tpu.enqueue_indirect_dma source(%dma_start3A_193 : memref<128x32xf32, #tpu.memory_space<vmem>>) target(%dma_start3A_199 : memref<10112x32xf32, #tpu.memory_space<vmem_shared>>) offsets(%dma_start3A_196 : memref<128xi32, #tpu.memory_space<vmem>>) semaphore(%dma_start3A_201 : memref<!tpu.dma_semaphore, #tpu.memory_space<semaphore_mem>>) {add = true}
        %scan3A_202 = arith.constant 0 : i32
        scf.yield %scan3A_202 : i32
      }
      %scan3A_135 = arith.constant 160 : i32
      %dma_wait3A = arith.constant 6 : i32
      %dma_wait3A_136 = arith.constant 158 : i32
      %dma_wait3A_137 = arith.constant 6 : i32
      %dma_wait3A_138 = arith.constant 0 : i32
      %dma_wait3A_139 = arith.constant 0 : i32
      %dma_wait3A_140 = tpu.memref_slice %arg10[%dma_wait3A, %dma_wait3A_138, %dma_wait3A_139] : memref<8x128x32xf32, #tpu.memory_space<vmem>> -> memref<1x128x32xf32, #tpu.memory_space<vmem>>
      %dma_wait3A_141 = tpu.memref_squeeze %dma_wait3A_140 : memref<1x128x32xf32, #tpu.memory_space<vmem>> -> memref<128x32xf32, #tpu.memory_space<vmem>>
      %dma_wait3A_142 = arith.constant 0 : i32
      %dma_wait3A_143 = tpu.memref_slice %arg9[%dma_wait3A_136, %dma_wait3A_142] : memref<160x128xi32, #tpu.memory_space<vmem>> -> memref<1x128xi32, #tpu.memory_space<vmem>>
      %dma_wait3A_144 = tpu.memref_squeeze %dma_wait3A_143 : memref<1x128xi32, #tpu.memory_space<vmem>> -> memref<128xi32, #tpu.memory_space<vmem>>
      %dma_wait3A_145 = arith.constant 0 : i32
      %dma_wait3A_146 = arith.constant 0 : i32
      %dma_wait3A_147 = tpu.memref_slice %arg11[%dma_wait3A_145, %dma_wait3A_146] : memref<10112x32xf32, #tpu.memory_space<vmem_shared>> -> memref<10112x32xf32, #tpu.memory_space<vmem_shared>>
      %dma_wait3A_148 = tpu.memref_slice %arg13[%dma_wait3A_137] : memref<8x!tpu.dma_semaphore, #tpu.memory_space<semaphore_mem>> -> memref<1x!tpu.dma_semaphore, #tpu.memory_space<semaphore_mem>>
      %dma_wait3A_149 = tpu.memref_squeeze %dma_wait3A_148 : memref<1x!tpu.dma_semaphore, #tpu.memory_space<semaphore_mem>> -> memref<!tpu.dma_semaphore, #tpu.memory_space<semaphore_mem>>
      tpu.wait_indirect_dma semaphore(%dma_wait3A_149 : memref<!tpu.dma_semaphore, #tpu.memory_space<semaphore_mem>>) src(%dma_wait3A_141 : memref<128x32xf32, #tpu.memory_space<vmem>>) dst(%dma_wait3A_147 : memref<10112x32xf32, #tpu.memory_space<vmem_shared>>)
      %dma_wait3A_150 = arith.constant 7 : i32
      %dma_wait3A_151 = arith.constant 159 : i32
      %dma_wait3A_152 = arith.constant 7 : i32
      %dma_wait3A_153 = arith.constant 0 : i32
      %dma_wait3A_154 = arith.constant 0 : i32
      %dma_wait3A_155 = tpu.memref_slice %arg10[%dma_wait3A_150, %dma_wait3A_153, %dma_wait3A_154] : memref<8x128x32xf32, #tpu.memory_space<vmem>> -> memref<1x128x32xf32, #tpu.memory_space<vmem>>
      %dma_wait3A_156 = tpu.memref_squeeze %dma_wait3A_155 : memref<1x128x32xf32, #tpu.memory_space<vmem>> -> memref<128x32xf32, #tpu.memory_space<vmem>>
      %dma_wait3A_157 = arith.constant 0 : i32
      %dma_wait3A_158 = tpu.memref_slice %arg9[%dma_wait3A_151, %dma_wait3A_157] : memref<160x128xi32, #tpu.memory_space<vmem>> -> memref<1x128xi32, #tpu.memory_space<vmem>>
      %dma_wait3A_159 = tpu.memref_squeeze %dma_wait3A_158 : memref<1x128xi32, #tpu.memory_space<vmem>> -> memref<128xi32, #tpu.memory_space<vmem>>
      %dma_wait3A_160 = arith.constant 0 : i32
      %dma_wait3A_161 = arith.constant 0 : i32
      %dma_wait3A_162 = tpu.memref_slice %arg11[%dma_wait3A_160, %dma_wait3A_161] : memref<10112x32xf32, #tpu.memory_space<vmem_shared>> -> memref<10112x32xf32, #tpu.memory_space<vmem_shared>>
      %dma_wait3A_163 = tpu.memref_slice %arg13[%dma_wait3A_152] : memref<8x!tpu.dma_semaphore, #tpu.memory_space<semaphore_mem>> -> memref<1x!tpu.dma_semaphore, #tpu.memory_space<semaphore_mem>>
      %dma_wait3A_164 = tpu.memref_squeeze %dma_wait3A_163 : memref<1x!tpu.dma_semaphore, #tpu.memory_space<semaphore_mem>> -> memref<!tpu.dma_semaphore, #tpu.memory_space<semaphore_mem>>
      tpu.wait_indirect_dma semaphore(%dma_wait3A_164 : memref<!tpu.dma_semaphore, #tpu.memory_space<semaphore_mem>>) src(%dma_wait3A_156 : memref<128x32xf32, #tpu.memory_space<vmem>>) dst(%dma_wait3A_162 : memref<10112x32xf32, #tpu.memory_space<vmem_shared>>)
    } else {
    }
    %eq3A_19 = arith.constant 1 : i32
    %eq3A_20 = arith.cmpi eq, %arg0, %eq3A_19 : i32
    %convert_element_type3A_21 = arith.extui %eq3A_20 : i1 to i32
    %cond3A_22 = arith.constant 0 : i32
    %cond3A_23 = arith.cmpi ne, %convert_element_type3A_21, %cond3A_22 : i32
    scf.if %cond3A_23 {
      %dma_start3A = arith.constant 0 : i32
      %dma_start3A_41 = arith.constant 0 : i32
      %dma_start3A_42 = arith.constant 0 : i32
      %dma_start3A_43 = arith.constant 0 : i32
      %dma_start3A_44 = arith.constant 0 : i32
      %dma_start3A_45 = tpu.memref_slice %arg10[%dma_start3A_41, %dma_start3A_43, %dma_start3A_44] : memref<8x128x32xf32, #tpu.memory_space<vmem>> -> memref<1x128x32xf32, #tpu.memory_space<vmem>>
      %dma_start3A_46 = tpu.memref_squeeze %dma_start3A_45 : memref<1x128x32xf32, #tpu.memory_space<vmem>> -> memref<128x32xf32, #tpu.memory_space<vmem>>
      %dma_start3A_47 = arith.constant 0 : i32
      %dma_start3A_48 = tpu.memref_slice %arg8[%dma_start3A, %dma_start3A_47] : memref<160x128xi32, #tpu.memory_space<vmem>> -> memref<1x128xi32, #tpu.memory_space<vmem>>
      %dma_start3A_49 = tpu.memref_squeeze %dma_start3A_48 : memref<1x128xi32, #tpu.memory_space<vmem>> -> memref<128xi32, #tpu.memory_space<vmem>>
      %dma_start3A_50 = arith.constant 0 : i32
      %dma_start3A_51 = arith.constant 0 : i32
      %dma_start3A_52 = tpu.memref_slice %arg14[%dma_start3A_50, %dma_start3A_51] : memref<10000x32xf32, #tpu.memory_space<vmem_shared>> -> memref<10000x32xf32, #tpu.memory_space<vmem_shared>>
      %dma_start3A_53 = tpu.memref_slice %arg12[%dma_start3A_42] : memref<8x!tpu.dma_semaphore, #tpu.memory_space<semaphore_mem>> -> memref<1x!tpu.dma_semaphore, #tpu.memory_space<semaphore_mem>>
      %dma_start3A_54 = tpu.memref_squeeze %dma_start3A_53 : memref<1x!tpu.dma_semaphore, #tpu.memory_space<semaphore_mem>> -> memref<!tpu.dma_semaphore, #tpu.memory_space<semaphore_mem>>
      tpu.enqueue_indirect_dma source(%dma_start3A_52 : memref<10000x32xf32, #tpu.memory_space<vmem_shared>>) target(%dma_start3A_46 : memref<128x32xf32, #tpu.memory_space<vmem>>) offsets(%dma_start3A_49 : memref<128xi32, #tpu.memory_space<vmem>>) semaphore(%dma_start3A_54 : memref<!tpu.dma_semaphore, #tpu.memory_space<semaphore_mem>>)
      %dma_start3A_55 = arith.constant 1 : i32
      %dma_start3A_56 = arith.constant 1 : i32
      %dma_start3A_57 = arith.constant 1 : i32
      %dma_start3A_58 = arith.constant 0 : i32
      %dma_start3A_59 = arith.constant 0 : i32
      %dma_start3A_60 = tpu.memref_slice %arg10[%dma_start3A_56, %dma_start3A_58, %dma_start3A_59] : memref<8x128x32xf32, #tpu.memory_space<vmem>> -> memref<1x128x32xf32, #tpu.memory_space<vmem>>
      %dma_start3A_61 = tpu.memref_squeeze %dma_start3A_60 : memref<1x128x32xf32, #tpu.memory_space<vmem>> -> memref<128x32xf32, #tpu.memory_space<vmem>>
      %dma_start3A_62 = arith.constant 0 : i32
      %dma_start3A_63 = tpu.memref_slice %arg8[%dma_start3A_55, %dma_start3A_62] : memref<160x128xi32, #tpu.memory_space<vmem>> -> memref<1x128xi32, #tpu.memory_space<vmem>>
      %dma_start3A_64 = tpu.memref_squeeze %dma_start3A_63 : memref<1x128xi32, #tpu.memory_space<vmem>> -> memref<128xi32, #tpu.memory_space<vmem>>
      %dma_start3A_65 = arith.constant 0 : i32
      %dma_start3A_66 = arith.constant 0 : i32
      %dma_start3A_67 = tpu.memref_slice %arg14[%dma_start3A_65, %dma_start3A_66] : memref<10000x32xf32, #tpu.memory_space<vmem_shared>> -> memref<10000x32xf32, #tpu.memory_space<vmem_shared>>
      %dma_start3A_68 = tpu.memref_slice %arg12[%dma_start3A_57] : memref<8x!tpu.dma_semaphore, #tpu.memory_space<semaphore_mem>> -> memref<1x!tpu.dma_semaphore, #tpu.memory_space<semaphore_mem>>
      %dma_start3A_69 = tpu.memref_squeeze %dma_start3A_68 : memref<1x!tpu.dma_semaphore, #tpu.memory_space<semaphore_mem>> -> memref<!tpu.dma_semaphore, #tpu.memory_space<semaphore_mem>>
      tpu.enqueue_indirect_dma source(%dma_start3A_67 : memref<10000x32xf32, #tpu.memory_space<vmem_shared>>) target(%dma_start3A_61 : memref<128x32xf32, #tpu.memory_space<vmem>>) offsets(%dma_start3A_64 : memref<128xi32, #tpu.memory_space<vmem>>) semaphore(%dma_start3A_69 : memref<!tpu.dma_semaphore, #tpu.memory_space<semaphore_mem>>)
      %dma_start3A_70 = arith.constant 2 : i32
      %dma_start3A_71 = arith.constant 2 : i32
      %dma_start3A_72 = arith.constant 2 : i32
      %dma_start3A_73 = arith.constant 0 : i32
      %dma_start3A_74 = arith.constant 0 : i32
      %dma_start3A_75 = tpu.memref_slice %arg10[%dma_start3A_71, %dma_start3A_73, %dma_start3A_74] : memref<8x128x32xf32, #tpu.memory_space<vmem>> -> memref<1x128x32xf32, #tpu.memory_space<vmem>>
      %dma_start3A_76 = tpu.memref_squeeze %dma_start3A_75 : memref<1x128x32xf32, #tpu.memory_space<vmem>> -> memref<128x32xf32, #tpu.memory_space<vmem>>
      %dma_start3A_77 = arith.constant 0 : i32
      %dma_start3A_78 = tpu.memref_slice %arg8[%dma_start3A_70, %dma_start3A_77] : memref<160x128xi32, #tpu.memory_space<vmem>> -> memref<1x128xi32, #tpu.memory_space<vmem>>
      %dma_start3A_79 = tpu.memref_squeeze %dma_start3A_78 : memref<1x128xi32, #tpu.memory_space<vmem>> -> memref<128xi32, #tpu.memory_space<vmem>>
      %dma_start3A_80 = arith.constant 0 : i32
      %dma_start3A_81 = arith.constant 0 : i32
      %dma_start3A_82 = tpu.memref_slice %arg14[%dma_start3A_80, %dma_start3A_81] : memref<10000x32xf32, #tpu.memory_space<vmem_shared>> -> memref<10000x32xf32, #tpu.memory_space<vmem_shared>>
      %dma_start3A_83 = tpu.memref_slice %arg12[%dma_start3A_72] : memref<8x!tpu.dma_semaphore, #tpu.memory_space<semaphore_mem>> -> memref<1x!tpu.dma_semaphore, #tpu.memory_space<semaphore_mem>>
      %dma_start3A_84 = tpu.memref_squeeze %dma_start3A_83 : memref<1x!tpu.dma_semaphore, #tpu.memory_space<semaphore_mem>> -> memref<!tpu.dma_semaphore, #tpu.memory_space<semaphore_mem>>
      tpu.enqueue_indirect_dma source(%dma_start3A_82 : memref<10000x32xf32, #tpu.memory_space<vmem_shared>>) target(%dma_start3A_76 : memref<128x32xf32, #tpu.memory_space<vmem>>) offsets(%dma_start3A_79 : memref<128xi32, #tpu.memory_space<vmem>>) semaphore(%dma_start3A_84 : memref<!tpu.dma_semaphore, #tpu.memory_space<semaphore_mem>>)
      %dma_start3A_85 = arith.constant 3 : i32
      %dma_start3A_86 = arith.constant 3 : i32
      %dma_start3A_87 = arith.constant 3 : i32
      %dma_start3A_88 = arith.constant 0 : i32
      %dma_start3A_89 = arith.constant 0 : i32
      %dma_start3A_90 = tpu.memref_slice %arg10[%dma_start3A_86, %dma_start3A_88, %dma_start3A_89] : memref<8x128x32xf32, #tpu.memory_space<vmem>> -> memref<1x128x32xf32, #tpu.memory_space<vmem>>
      %dma_start3A_91 = tpu.memref_squeeze %dma_start3A_90 : memref<1x128x32xf32, #tpu.memory_space<vmem>> -> memref<128x32xf32, #tpu.memory_space<vmem>>
      %dma_start3A_92 = arith.constant 0 : i32
      %dma_start3A_93 = tpu.memref_slice %arg8[%dma_start3A_85, %dma_start3A_92] : memref<160x128xi32, #tpu.memory_space<vmem>> -> memref<1x128xi32, #tpu.memory_space<vmem>>
      %dma_start3A_94 = tpu.memref_squeeze %dma_start3A_93 : memref<1x128xi32, #tpu.memory_space<vmem>> -> memref<128xi32, #tpu.memory_space<vmem>>
      %dma_start3A_95 = arith.constant 0 : i32
      %dma_start3A_96 = arith.constant 0 : i32
      %dma_start3A_97 = tpu.memref_slice %arg14[%dma_start3A_95, %dma_start3A_96] : memref<10000x32xf32, #tpu.memory_space<vmem_shared>> -> memref<10000x32xf32, #tpu.memory_space<vmem_shared>>
      %dma_start3A_98 = tpu.memref_slice %arg12[%dma_start3A_87] : memref<8x!tpu.dma_semaphore, #tpu.memory_space<semaphore_mem>> -> memref<1x!tpu.dma_semaphore, #tpu.memory_space<semaphore_mem>>
      %dma_start3A_99 = tpu.memref_squeeze %dma_start3A_98 : memref<1x!tpu.dma_semaphore, #tpu.memory_space<semaphore_mem>> -> memref<!tpu.dma_semaphore, #tpu.memory_space<semaphore_mem>>
      tpu.enqueue_indirect_dma source(%dma_start3A_97 : memref<10000x32xf32, #tpu.memory_space<vmem_shared>>) target(%dma_start3A_91 : memref<128x32xf32, #tpu.memory_space<vmem>>) offsets(%dma_start3A_94 : memref<128xi32, #tpu.memory_space<vmem>>) semaphore(%dma_start3A_99 : memref<!tpu.dma_semaphore, #tpu.memory_space<semaphore_mem>>)
      %dma_start3A_100 = arith.constant 4 : i32
      %dma_start3A_101 = arith.constant 4 : i32
      %dma_start3A_102 = arith.constant 4 : i32
      %dma_start3A_103 = arith.constant 0 : i32
      %dma_start3A_104 = arith.constant 0 : i32
      %dma_start3A_105 = tpu.memref_slice %arg10[%dma_start3A_101, %dma_start3A_103, %dma_start3A_104] : memref<8x128x32xf32, #tpu.memory_space<vmem>> -> memref<1x128x32xf32, #tpu.memory_space<vmem>>
      %dma_start3A_106 = tpu.memref_squeeze %dma_start3A_105 : memref<1x128x32xf32, #tpu.memory_space<vmem>> -> memref<128x32xf32, #tpu.memory_space<vmem>>
      %dma_start3A_107 = arith.constant 0 : i32
      %dma_start3A_108 = tpu.memref_slice %arg8[%dma_start3A_100, %dma_start3A_107] : memref<160x128xi32, #tpu.memory_space<vmem>> -> memref<1x128xi32, #tpu.memory_space<vmem>>
      %dma_start3A_109 = tpu.memref_squeeze %dma_start3A_108 : memref<1x128xi32, #tpu.memory_space<vmem>> -> memref<128xi32, #tpu.memory_space<vmem>>
      %dma_start3A_110 = arith.constant 0 : i32
      %dma_start3A_111 = arith.constant 0 : i32
      %dma_start3A_112 = tpu.memref_slice %arg14[%dma_start3A_110, %dma_start3A_111] : memref<10000x32xf32, #tpu.memory_space<vmem_shared>> -> memref<10000x32xf32, #tpu.memory_space<vmem_shared>>
      %dma_start3A_113 = tpu.memref_slice %arg12[%dma_start3A_102] : memref<8x!tpu.dma_semaphore, #tpu.memory_space<semaphore_mem>> -> memref<1x!tpu.dma_semaphore, #tpu.memory_space<semaphore_mem>>
      %dma_start3A_114 = tpu.memref_squeeze %dma_start3A_113 : memref<1x!tpu.dma_semaphore, #tpu.memory_space<semaphore_mem>> -> memref<!tpu.dma_semaphore, #tpu.memory_space<semaphore_mem>>
      tpu.enqueue_indirect_dma source(%dma_start3A_112 : memref<10000x32xf32, #tpu.memory_space<vmem_shared>>) target(%dma_start3A_106 : memref<128x32xf32, #tpu.memory_space<vmem>>) offsets(%dma_start3A_109 : memref<128xi32, #tpu.memory_space<vmem>>) semaphore(%dma_start3A_114 : memref<!tpu.dma_semaphore, #tpu.memory_space<semaphore_mem>>)
      %dma_start3A_115 = arith.constant 5 : i32
      %dma_start3A_116 = arith.constant 5 : i32
      %dma_start3A_117 = arith.constant 5 : i32
      %dma_start3A_118 = arith.constant 0 : i32
      %dma_start3A_119 = arith.constant 0 : i32
      %dma_start3A_120 = tpu.memref_slice %arg10[%dma_start3A_116, %dma_start3A_118, %dma_start3A_119] : memref<8x128x32xf32, #tpu.memory_space<vmem>> -> memref<1x128x32xf32, #tpu.memory_space<vmem>>
      %dma_start3A_121 = tpu.memref_squeeze %dma_start3A_120 : memref<1x128x32xf32, #tpu.memory_space<vmem>> -> memref<128x32xf32, #tpu.memory_space<vmem>>
      %dma_start3A_122 = arith.constant 0 : i32
      %dma_start3A_123 = tpu.memref_slice %arg8[%dma_start3A_115, %dma_start3A_122] : memref<160x128xi32, #tpu.memory_space<vmem>> -> memref<1x128xi32, #tpu.memory_space<vmem>>
      %dma_start3A_124 = tpu.memref_squeeze %dma_start3A_123 : memref<1x128xi32, #tpu.memory_space<vmem>> -> memref<128xi32, #tpu.memory_space<vmem>>
      %dma_start3A_125 = arith.constant 0 : i32
      %dma_start3A_126 = arith.constant 0 : i32
      %dma_start3A_127 = tpu.memref_slice %arg14[%dma_start3A_125, %dma_start3A_126] : memref<10000x32xf32, #tpu.memory_space<vmem_shared>> -> memref<10000x32xf32, #tpu.memory_space<vmem_shared>>
      %dma_start3A_128 = tpu.memref_slice %arg12[%dma_start3A_117] : memref<8x!tpu.dma_semaphore, #tpu.memory_space<semaphore_mem>> -> memref<1x!tpu.dma_semaphore, #tpu.memory_space<semaphore_mem>>
      %dma_start3A_129 = tpu.memref_squeeze %dma_start3A_128 : memref<1x!tpu.dma_semaphore, #tpu.memory_space<semaphore_mem>> -> memref<!tpu.dma_semaphore, #tpu.memory_space<semaphore_mem>>
      tpu.enqueue_indirect_dma source(%dma_start3A_127 : memref<10000x32xf32, #tpu.memory_space<vmem_shared>>) target(%dma_start3A_121 : memref<128x32xf32, #tpu.memory_space<vmem>>) offsets(%dma_start3A_124 : memref<128xi32, #tpu.memory_space<vmem>>) semaphore(%dma_start3A_129 : memref<!tpu.dma_semaphore, #tpu.memory_space<semaphore_mem>>)
      %scan3A = arith.constant 0 : i32
      %scan3A_130 = arith.constant 0 : i32
      %scan3A_131 = arith.constant 160 : i32
      %scan3A_132 = arith.addi %scan3A_130, %scan3A_131 : i32
      %scan3A_133 = arith.constant 1 : i32
      %scan3A_134 = scf.for %scan3A_165 = %scan3A_130 to %scan3A_132 step %scan3A_133 iter_args(%scan3A_166 = %scan3A) -> (i32)  : i32 {
        %ge3A = arith.constant 2 : i32
        %ge3A_167 = arith.cmpi sge, %scan3A_165, %ge3A : i32
        %convert_element_type3A_168 = arith.extui %ge3A_167 : i1 to i32
        %cond3A_169 = arith.constant 0 : i32
        %cond3A_170 = arith.cmpi ne, %convert_element_type3A_168, %cond3A_169 : i32
        scf.if %cond3A_170 {
          %sub3A = arith.constant 2 : i32
          %sub3A_203 = arith.subi %scan3A_165, %sub3A : i32
          %rem3A_204 = arith.constant 8 : i32
          %rem3A_205 = arith.remsi %sub3A_203, %rem3A_204 : i32
          %dma_wait3A_206 = arith.constant 0 : i32
          %dma_wait3A_207 = arith.constant 0 : i32
          %dma_wait3A_208 = tpu.memref_slice %arg10[%rem3A_205, %dma_wait3A_206, %dma_wait3A_207] : memref<8x128x32xf32, #tpu.memory_space<vmem>> -> memref<1x128x32xf32, #tpu.memory_space<vmem>>
          %dma_wait3A_209 = tpu.memref_squeeze %dma_wait3A_208 : memref<1x128x32xf32, #tpu.memory_space<vmem>> -> memref<128x32xf32, #tpu.memory_space<vmem>>
          %dma_wait3A_210 = arith.constant 0 : i32
          %dma_wait3A_211 = tpu.memref_slice %arg9[%sub3A_203, %dma_wait3A_210] : memref<160x128xi32, #tpu.memory_space<vmem>> -> memref<1x128xi32, #tpu.memory_space<vmem>>
          %dma_wait3A_212 = tpu.memref_squeeze %dma_wait3A_211 : memref<1x128xi32, #tpu.memory_space<vmem>> -> memref<128xi32, #tpu.memory_space<vmem>>
          %dma_wait3A_213 = arith.constant 0 : i32
          %dma_wait3A_214 = arith.constant 0 : i32
          %dma_wait3A_215 = tpu.memref_slice %arg11[%dma_wait3A_213, %dma_wait3A_214] : memref<10112x32xf32, #tpu.memory_space<vmem_shared>> -> memref<10112x32xf32, #tpu.memory_space<vmem_shared>>
          %dma_wait3A_216 = tpu.memref_slice %arg13[%rem3A_205] : memref<8x!tpu.dma_semaphore, #tpu.memory_space<semaphore_mem>> -> memref<1x!tpu.dma_semaphore, #tpu.memory_space<semaphore_mem>>
          %dma_wait3A_217 = tpu.memref_squeeze %dma_wait3A_216 : memref<1x!tpu.dma_semaphore, #tpu.memory_space<semaphore_mem>> -> memref<!tpu.dma_semaphore, #tpu.memory_space<semaphore_mem>>
          tpu.wait_indirect_dma semaphore(%dma_wait3A_217 : memref<!tpu.dma_semaphore, #tpu.memory_space<semaphore_mem>>) src(%dma_wait3A_209 : memref<128x32xf32, #tpu.memory_space<vmem>>) dst(%dma_wait3A_215 : memref<10112x32xf32, #tpu.memory_space<vmem_shared>>)
        } else {
        }
        %add3A = arith.constant 6 : i32
        %add3A_171 = arith.addi %scan3A_165, %add3A : i32
        %lt3A_172 = arith.constant 160 : i32
        %lt3A_173 = arith.cmpi slt, %add3A_171, %lt3A_172 : i32
        %convert_element_type3A_174 = arith.extui %lt3A_173 : i1 to i32
        %cond3A_175 = arith.constant 0 : i32
        %cond3A_176 = arith.cmpi ne, %convert_element_type3A_174, %cond3A_175 : i32
        scf.if %cond3A_176 {
          %add3A_203 = arith.constant 6 : i32
          %add3A_204 = arith.addi %scan3A_165, %add3A_203 : i32
          %rem3A_205 = arith.constant 8 : i32
          %rem3A_206 = arith.remsi %add3A_204, %rem3A_205 : i32
          %dma_start3A_207 = arith.constant 0 : i32
          %dma_start3A_208 = arith.constant 0 : i32
          %dma_start3A_209 = tpu.memref_slice %arg10[%rem3A_206, %dma_start3A_207, %dma_start3A_208] : memref<8x128x32xf32, #tpu.memory_space<vmem>> -> memref<1x128x32xf32, #tpu.memory_space<vmem>>
          %dma_start3A_210 = tpu.memref_squeeze %dma_start3A_209 : memref<1x128x32xf32, #tpu.memory_space<vmem>> -> memref<128x32xf32, #tpu.memory_space<vmem>>
          %dma_start3A_211 = arith.constant 0 : i32
          %dma_start3A_212 = tpu.memref_slice %arg8[%add3A_204, %dma_start3A_211] : memref<160x128xi32, #tpu.memory_space<vmem>> -> memref<1x128xi32, #tpu.memory_space<vmem>>
          %dma_start3A_213 = tpu.memref_squeeze %dma_start3A_212 : memref<1x128xi32, #tpu.memory_space<vmem>> -> memref<128xi32, #tpu.memory_space<vmem>>
          %dma_start3A_214 = arith.constant 0 : i32
          %dma_start3A_215 = arith.constant 0 : i32
          %dma_start3A_216 = tpu.memref_slice %arg14[%dma_start3A_214, %dma_start3A_215] : memref<10000x32xf32, #tpu.memory_space<vmem_shared>> -> memref<10000x32xf32, #tpu.memory_space<vmem_shared>>
          %dma_start3A_217 = tpu.memref_slice %arg12[%rem3A_206] : memref<8x!tpu.dma_semaphore, #tpu.memory_space<semaphore_mem>> -> memref<1x!tpu.dma_semaphore, #tpu.memory_space<semaphore_mem>>
          %dma_start3A_218 = tpu.memref_squeeze %dma_start3A_217 : memref<1x!tpu.dma_semaphore, #tpu.memory_space<semaphore_mem>> -> memref<!tpu.dma_semaphore, #tpu.memory_space<semaphore_mem>>
          tpu.enqueue_indirect_dma source(%dma_start3A_216 : memref<10000x32xf32, #tpu.memory_space<vmem_shared>>) target(%dma_start3A_210 : memref<128x32xf32, #tpu.memory_space<vmem>>) offsets(%dma_start3A_213 : memref<128xi32, #tpu.memory_space<vmem>>) semaphore(%dma_start3A_218 : memref<!tpu.dma_semaphore, #tpu.memory_space<semaphore_mem>>)
        } else {
        }
        %rem3A = arith.constant 8 : i32
        %rem3A_177 = arith.remsi %scan3A_165, %rem3A : i32
        %dma_wait3A_178 = arith.constant 0 : i32
        %dma_wait3A_179 = arith.constant 0 : i32
        %dma_wait3A_180 = tpu.memref_slice %arg10[%rem3A_177, %dma_wait3A_178, %dma_wait3A_179] : memref<8x128x32xf32, #tpu.memory_space<vmem>> -> memref<1x128x32xf32, #tpu.memory_space<vmem>>
        %dma_wait3A_181 = tpu.memref_squeeze %dma_wait3A_180 : memref<1x128x32xf32, #tpu.memory_space<vmem>> -> memref<128x32xf32, #tpu.memory_space<vmem>>
        %dma_wait3A_182 = arith.constant 0 : i32
        %dma_wait3A_183 = tpu.memref_slice %arg8[%scan3A_165, %dma_wait3A_182] : memref<160x128xi32, #tpu.memory_space<vmem>> -> memref<1x128xi32, #tpu.memory_space<vmem>>
        %dma_wait3A_184 = tpu.memref_squeeze %dma_wait3A_183 : memref<1x128xi32, #tpu.memory_space<vmem>> -> memref<128xi32, #tpu.memory_space<vmem>>
        %dma_wait3A_185 = arith.constant 0 : i32
        %dma_wait3A_186 = arith.constant 0 : i32
        %dma_wait3A_187 = tpu.memref_slice %arg14[%dma_wait3A_185, %dma_wait3A_186] : memref<10000x32xf32, #tpu.memory_space<vmem_shared>> -> memref<10000x32xf32, #tpu.memory_space<vmem_shared>>
        %dma_wait3A_188 = tpu.memref_slice %arg12[%rem3A_177] : memref<8x!tpu.dma_semaphore, #tpu.memory_space<semaphore_mem>> -> memref<1x!tpu.dma_semaphore, #tpu.memory_space<semaphore_mem>>
        %dma_wait3A_189 = tpu.memref_squeeze %dma_wait3A_188 : memref<1x!tpu.dma_semaphore, #tpu.memory_space<semaphore_mem>> -> memref<!tpu.dma_semaphore, #tpu.memory_space<semaphore_mem>>
        tpu.wait_indirect_dma semaphore(%dma_wait3A_189 : memref<!tpu.dma_semaphore, #tpu.memory_space<semaphore_mem>>) src(%dma_wait3A_187 : memref<10000x32xf32, #tpu.memory_space<vmem_shared>>) dst(%dma_wait3A_181 : memref<128x32xf32, #tpu.memory_space<vmem>>)
        %dma_start3A_190 = arith.constant 0 : i32
        %dma_start3A_191 = arith.constant 0 : i32
        %dma_start3A_192 = tpu.memref_slice %arg10[%rem3A_177, %dma_start3A_190, %dma_start3A_191] : memref<8x128x32xf32, #tpu.memory_space<vmem>> -> memref<1x128x32xf32, #tpu.memory_space<vmem>>
        %dma_start3A_193 = tpu.memref_squeeze %dma_start3A_192 : memref<1x128x32xf32, #tpu.memory_space<vmem>> -> memref<128x32xf32, #tpu.memory_space<vmem>>
        %dma_start3A_194 = arith.constant 0 : i32
        %dma_start3A_195 = tpu.memref_slice %arg9[%scan3A_165, %dma_start3A_194] : memref<160x128xi32, #tpu.memory_space<vmem>> -> memref<1x128xi32, #tpu.memory_space<vmem>>
        %dma_start3A_196 = tpu.memref_squeeze %dma_start3A_195 : memref<1x128xi32, #tpu.memory_space<vmem>> -> memref<128xi32, #tpu.memory_space<vmem>>
        %dma_start3A_197 = arith.constant 0 : i32
        %dma_start3A_198 = arith.constant 0 : i32
        %dma_start3A_199 = tpu.memref_slice %arg11[%dma_start3A_197, %dma_start3A_198] : memref<10112x32xf32, #tpu.memory_space<vmem_shared>> -> memref<10112x32xf32, #tpu.memory_space<vmem_shared>>
        %dma_start3A_200 = tpu.memref_slice %arg13[%rem3A_177] : memref<8x!tpu.dma_semaphore, #tpu.memory_space<semaphore_mem>> -> memref<1x!tpu.dma_semaphore, #tpu.memory_space<semaphore_mem>>
        %dma_start3A_201 = tpu.memref_squeeze %dma_start3A_200 : memref<1x!tpu.dma_semaphore, #tpu.memory_space<semaphore_mem>> -> memref<!tpu.dma_semaphore, #tpu.memory_space<semaphore_mem>>
        tpu.enqueue_indirect_dma source(%dma_start3A_193 : memref<128x32xf32, #tpu.memory_space<vmem>>) target(%dma_start3A_199 : memref<10112x32xf32, #tpu.memory_space<vmem_shared>>) offsets(%dma_start3A_196 : memref<128xi32, #tpu.memory_space<vmem>>) semaphore(%dma_start3A_201 : memref<!tpu.dma_semaphore, #tpu.memory_space<semaphore_mem>>) {add = true}
        %scan3A_202 = arith.constant 0 : i32
        scf.yield %scan3A_202 : i32
      }
      %scan3A_135 = arith.constant 160 : i32
      %dma_wait3A = arith.constant 6 : i32
      %dma_wait3A_136 = arith.constant 158 : i32
      %dma_wait3A_137 = arith.constant 6 : i32
      %dma_wait3A_138 = arith.constant 0 : i32
      %dma_wait3A_139 = arith.constant 0 : i32
      %dma_wait3A_140 = tpu.memref_slice %arg10[%dma_wait3A, %dma_wait3A_138, %dma_wait3A_139] : memref<8x128x32xf32, #tpu.memory_space<vmem>> -> memref<1x128x32xf32, #tpu.memory_space<vmem>>
      %dma_wait3A_141 = tpu.memref_squeeze %dma_wait3A_140 : memref<1x128x32xf32, #tpu.memory_space<vmem>> -> memref<128x32xf32, #tpu.memory_space<vmem>>
      %dma_wait3A_142 = arith.constant 0 : i32
      %dma_wait3A_143 = tpu.memref_slice %arg9[%dma_wait3A_136, %dma_wait3A_142] : memref<160x128xi32, #tpu.memory_space<vmem>> -> memref<1x128xi32, #tpu.memory_space<vmem>>
      %dma_wait3A_144 = tpu.memref_squeeze %dma_wait3A_143 : memref<1x128xi32, #tpu.memory_space<vmem>> -> memref<128xi32, #tpu.memory_space<vmem>>
      %dma_wait3A_145 = arith.constant 0 : i32
      %dma_wait3A_146 = arith.constant 0 : i32
      %dma_wait3A_147 = tpu.memref_slice %arg11[%dma_wait3A_145, %dma_wait3A_146] : memref<10112x32xf32, #tpu.memory_space<vmem_shared>> -> memref<10112x32xf32, #tpu.memory_space<vmem_shared>>
      %dma_wait3A_148 = tpu.memref_slice %arg13[%dma_wait3A_137] : memref<8x!tpu.dma_semaphore, #tpu.memory_space<semaphore_mem>> -> memref<1x!tpu.dma_semaphore, #tpu.memory_space<semaphore_mem>>
      %dma_wait3A_149 = tpu.memref_squeeze %dma_wait3A_148 : memref<1x!tpu.dma_semaphore, #tpu.memory_space<semaphore_mem>> -> memref<!tpu.dma_semaphore, #tpu.memory_space<semaphore_mem>>
      tpu.wait_indirect_dma semaphore(%dma_wait3A_149 : memref<!tpu.dma_semaphore, #tpu.memory_space<semaphore_mem>>) src(%dma_wait3A_141 : memref<128x32xf32, #tpu.memory_space<vmem>>) dst(%dma_wait3A_147 : memref<10112x32xf32, #tpu.memory_space<vmem_shared>>)
      %dma_wait3A_150 = arith.constant 7 : i32
      %dma_wait3A_151 = arith.constant 159 : i32
      %dma_wait3A_152 = arith.constant 7 : i32
      %dma_wait3A_153 = arith.constant 0 : i32
      %dma_wait3A_154 = arith.constant 0 : i32
      %dma_wait3A_155 = tpu.memref_slice %arg10[%dma_wait3A_150, %dma_wait3A_153, %dma_wait3A_154] : memref<8x128x32xf32, #tpu.memory_space<vmem>> -> memref<1x128x32xf32, #tpu.memory_space<vmem>>
      %dma_wait3A_156 = tpu.memref_squeeze %dma_wait3A_155 : memref<1x128x32xf32, #tpu.memory_space<vmem>> -> memref<128x32xf32, #tpu.memory_space<vmem>>
      %dma_wait3A_157 = arith.constant 0 : i32
      %dma_wait3A_158 = tpu.memref_slice %arg9[%dma_wait3A_151, %dma_wait3A_157] : memref<160x128xi32, #tpu.memory_space<vmem>> -> memref<1x128xi32, #tpu.memory_space<vmem>>
      %dma_wait3A_159 = tpu.memref_squeeze %dma_wait3A_158 : memref<1x128xi32, #tpu.memory_space<vmem>> -> memref<128xi32, #tpu.memory_space<vmem>>
      %dma_wait3A_160 = arith.constant 0 : i32
      %dma_wait3A_161 = arith.constant 0 : i32
      %dma_wait3A_162 = tpu.memref_slice %arg11[%dma_wait3A_160, %dma_wait3A_161] : memref<10112x32xf32, #tpu.memory_space<vmem_shared>> -> memref<10112x32xf32, #tpu.memory_space<vmem_shared>>
      %dma_wait3A_163 = tpu.memref_slice %arg13[%dma_wait3A_152] : memref<8x!tpu.dma_semaphore, #tpu.memory_space<semaphore_mem>> -> memref<1x!tpu.dma_semaphore, #tpu.memory_space<semaphore_mem>>
      %dma_wait3A_164 = tpu.memref_squeeze %dma_wait3A_163 : memref<1x!tpu.dma_semaphore, #tpu.memory_space<semaphore_mem>> -> memref<!tpu.dma_semaphore, #tpu.memory_space<semaphore_mem>>
      tpu.wait_indirect_dma semaphore(%dma_wait3A_164 : memref<!tpu.dma_semaphore, #tpu.memory_space<semaphore_mem>>) src(%dma_wait3A_156 : memref<128x32xf32, #tpu.memory_space<vmem>>) dst(%dma_wait3A_162 : memref<10112x32xf32, #tpu.memory_space<vmem_shared>>)
    } else {
    }
    %barrier3A_24 = arith.constant 0 : index
    tpu.barrier barrier_id(%barrier3A_24)
    %eq3A_25 = arith.constant 0 : i32
    %eq3A_26 = arith.cmpi eq, %arg0, %eq3A_25 : i32
    %lt3A_27 = arith.constant 10 : i32
    %lt3A_28 = arith.cmpi slt, %arg1, %lt3A_27 : i32
    %and3A_29 = arith.andi %eq3A_26, %lt3A_28 : i1
    %convert_element_type3A_30 = arith.extui %and3A_29 : i1 to i32
    %cond3A_31 = arith.constant 0 : i32
    %cond3A_32 = arith.cmpi ne, %convert_element_type3A_30, %cond3A_31 : i32
    scf.if %cond3A_32 {
      %mul3A_41 = arith.constant 1000 : i32
      %mul3A_42 = arith.muli %arg1, %mul3A_41 : i32
      %mul3A_43 = arith.constant 1000 : i32
      %mul3A_44 = arith.muli %arg1, %mul3A_43 : i32
      "tpu.region"() ({
        %run_scoped3A = tpu.sem_alloc : memref<!tpu.dma_semaphore, #tpu.memory_space<semaphore_mem>>
        %dma_start3A = arith.constant 0 : i32
        %dma_start3A_45 = tpu.memref_slice %arg6[%mul3A_44, %dma_start3A] : memref<10000x32xf32, #tpu.memory_space<hbm>> -> memref<1000x32xf32, #tpu.memory_space<hbm>>
        %dma_start3A_46 = arith.constant 0 : i32
        %dma_start3A_47 = tpu.memref_slice %arg11[%mul3A_42, %dma_start3A_46] : memref<10112x32xf32, #tpu.memory_space<vmem_shared>> -> memref<1000x32xf32, #tpu.memory_space<vmem_shared>>
        tpu.enqueue_dma source(%dma_start3A_47 : memref<1000x32xf32, #tpu.memory_space<vmem_shared>>) target(%dma_start3A_45 : memref<1000x32xf32, #tpu.memory_space<hbm>>) target_semaphore(%run_scoped3A : memref<!tpu.dma_semaphore, #tpu.memory_space<semaphore_mem>>)
        %dma_wait3A = arith.constant 0 : i32
        %dma_wait3A_48 = tpu.memref_slice %arg6[%mul3A_44, %dma_wait3A] : memref<10000x32xf32, #tpu.memory_space<hbm>> -> memref<1000x32xf32, #tpu.memory_space<hbm>>
        %dma_wait3A_49 = arith.constant 0 : i32
        %dma_wait3A_50 = tpu.memref_slice %arg11[%mul3A_42, %dma_wait3A_49] : memref<10112x32xf32, #tpu.memory_space<vmem_shared>> -> memref<1000x32xf32, #tpu.memory_space<vmem_shared>>
        tpu.wait_dma2 semaphore(%run_scoped3A : memref<!tpu.dma_semaphore, #tpu.memory_space<semaphore_mem>>) src(%dma_wait3A_50 : memref<1000x32xf32, #tpu.memory_space<vmem_shared>>) dst(%dma_wait3A_48 : memref<1000x32xf32, #tpu.memory_space<hbm>>)
        tpu.yield
      }) : () -> ()
    } else {
    }
    %eq3A_33 = arith.constant 1 : i32
    %eq3A_34 = arith.cmpi eq, %arg0, %eq3A_33 : i32
    %lt3A_35 = arith.constant 10 : i32
    %lt3A_36 = arith.cmpi slt, %arg1, %lt3A_35 : i32
    %and3A_37 = arith.andi %eq3A_34, %lt3A_36 : i1
    %convert_element_type3A_38 = arith.extui %and3A_37 : i1 to i32
    %cond3A_39 = arith.constant 0 : i32
    %cond3A_40 = arith.cmpi ne, %convert_element_type3A_38, %cond3A_39 : i32
    scf.if %cond3A_40 {
      %mul3A_41 = arith.constant 1000 : i32
      %mul3A_42 = arith.muli %arg1, %mul3A_41 : i32
      %mul3A_43 = arith.constant 1000 : i32
      %mul3A_44 = arith.muli %arg1, %mul3A_43 : i32
      "tpu.region"() ({
        %run_scoped3A = tpu.sem_alloc : memref<!tpu.dma_semaphore, #tpu.memory_space<semaphore_mem>>
        %dma_start3A = arith.constant 0 : i32
        %dma_start3A_45 = tpu.memref_slice %arg7[%mul3A_44, %dma_start3A] : memref<10000x32xf32, #tpu.memory_space<hbm>> -> memref<1000x32xf32, #tpu.memory_space<hbm>>
        %dma_start3A_46 = arith.constant 0 : i32
        %dma_start3A_47 = tpu.memref_slice %arg11[%mul3A_42, %dma_start3A_46] : memref<10112x32xf32, #tpu.memory_space<vmem_shared>> -> memref<1000x32xf32, #tpu.memory_space<vmem_shared>>
        tpu.enqueue_dma source(%dma_start3A_47 : memref<1000x32xf32, #tpu.memory_space<vmem_shared>>) target(%dma_start3A_45 : memref<1000x32xf32, #tpu.memory_space<hbm>>) target_semaphore(%run_scoped3A : memref<!tpu.dma_semaphore, #tpu.memory_space<semaphore_mem>>)
        %dma_wait3A = arith.constant 0 : i32
        %dma_wait3A_48 = tpu.memref_slice %arg7[%mul3A_44, %dma_wait3A] : memref<10000x32xf32, #tpu.memory_space<hbm>> -> memref<1000x32xf32, #tpu.memory_space<hbm>>
        %dma_wait3A_49 = arith.constant 0 : i32
        %dma_wait3A_50 = tpu.memref_slice %arg11[%mul3A_42, %dma_wait3A_49] : memref<10112x32xf32, #tpu.memory_space<vmem_shared>> -> memref<1000x32xf32, #tpu.memory_space<vmem_shared>>
        tpu.wait_dma2 semaphore(%run_scoped3A : memref<!tpu.dma_semaphore, #tpu.memory_space<semaphore_mem>>) src(%dma_wait3A_50 : memref<1000x32xf32, #tpu.memory_space<vmem_shared>>) dst(%dma_wait3A_48 : memref<1000x32xf32, #tpu.memory_space<hbm>>)
        tpu.yield
      }) : () -> ()
    } else {
    }
    return
  }
}

#map = affine_map<(d0, d1) -> (0, 0)>
module attributes {stable_mosaic.version = 14 : i64} {
  func.func @k(%arg0: i32, %arg1: i32, %arg2: memref<10000x32xf32, #tpu.memory_space<hbm>>, %arg3: memref<10000x32xf32, #tpu.memory_space<hbm>>, %arg4: memref<2560x128xi32, #tpu.memory_space<hbm>>, %arg5: memref<2560x128xi32, #tpu.memory_space<hbm>>, %arg6: memref<10000x32xf32, #tpu.memory_space<hbm>>, %arg7: memref<10000x32xf32, #tpu.memory_space<hbm>>, %arg8: memref<160x128xi32, #tpu.memory_space<vmem>>, %arg9: memref<160x128xi32, #tpu.memory_space<vmem>>, %arg10: memref<8x128x32xf32, #tpu.memory_space<vmem>>, %arg11: memref<10112x32xf32, #tpu.memory_space<vmem_shared>>, %arg12: memref<8x!tpu.dma_semaphore, #tpu.memory_space<semaphore_mem>>, %arg13: memref<8x!tpu.dma_semaphore, #tpu.memory_space<semaphore_mem>>, %arg14: memref<10000x32xf32, #tpu.memory_space<vmem_shared>>) attributes {dimension_semantics = [#tpu.dimension_semantics<core_parallel>, #tpu.dimension_semantics<subcore_parallel>], iteration_bounds = array<i64: 2, 16>, scalar_prefetch = 0 : i64, scratch_operands = 7 : i64, tpu.core_type = #tpu.core_type<sc_vector_subcore>, window_params = [{transform_indices = #map}, {transform_indices = #map}, {transform_indices = #map}, {transform_indices = #map}, {transform_indices = #map}, {transform_indices = #map}]} {
    %mul3A = arith.constant 160 : i32
    %mul3A_0 = arith.muli %arg1, %mul3A : i32
    "tpu.region"() ({
      %run_scoped3A = tpu.sem_alloc : memref<!tpu.dma_semaphore, #tpu.memory_space<semaphore_mem>>
      %dma_start3A = arith.constant 0 : i32
      %dma_start3A_41 = tpu.memref_slice %arg4[%mul3A_0, %dma_start3A] : memref<2560x128xi32, #tpu.memory_space<hbm>> -> memref<160x128xi32, #tpu.memory_space<hbm>>
      %dma_start3A_42 = arith.constant 0 : i32
      %dma_start3A_43 = tpu.memref_slice %arg4[%mul3A_0, %dma_start3A_42] : memref<2560x128xi32, #tpu.memory_space<hbm>> -> memref<160x128xi32, #tpu.memory_space<hbm>>
      tpu.enqueue_dma source(%dma_start3A_43 : memref<160x128xi32, #tpu.memory_space<hbm>>) target(%arg8 : memref<160x128xi32, #tpu.memory_space<vmem>>) target_semaphore(%run_scoped3A : memref<!tpu.dma_semaphore, #tpu.memory_space<semaphore_mem>>)
      %dma_wait3A = arith.constant 0 : i32
      %dma_wait3A_44 = tpu.memref_slice %arg4[%mul3A_0, %dma_wait3A] : memref<2560x128xi32, #tpu.memory_space<hbm>> -> memref<160x128xi32, #tpu.memory_space<hbm>>
      %dma_wait3A_45 = arith.constant 0 : i32
      %dma_wait3A_46 = tpu.memref_slice %arg4[%mul3A_0, %dma_wait3A_45] : memref<2560x128xi32, #tpu.memory_space<hbm>> -> memref<160x128xi32, #tpu.memory_space<hbm>>
      tpu.wait_dma2 semaphore(%run_scoped3A : memref<!tpu.dma_semaphore, #tpu.memory_space<semaphore_mem>>) src(%dma_wait3A_46 : memref<160x128xi32, #tpu.memory_space<hbm>>) dst(%arg8 : memref<160x128xi32, #tpu.memory_space<vmem>>)
      tpu.yield
    }) : () -> ()
    %mul3A_1 = arith.constant 160 : i32
    %mul3A_2 = arith.muli %arg1, %mul3A_1 : i32
    "tpu.region"() ({
      %run_scoped3A = tpu.sem_alloc : memref<!tpu.dma_semaphore, #tpu.memory_space<semaphore_mem>>
      %dma_start3A = arith.constant 0 : i32
      %dma_start3A_41 = tpu.memref_slice %arg5[%mul3A_2, %dma_start3A] : memref<2560x128xi32, #tpu.memory_space<hbm>> -> memref<160x128xi32, #tpu.memory_space<hbm>>
      %dma_start3A_42 = arith.constant 0 : i32
      %dma_start3A_43 = tpu.memref_slice %arg5[%mul3A_2, %dma_start3A_42] : memref<2560x128xi32, #tpu.memory_space<hbm>> -> memref<160x128xi32, #tpu.memory_space<hbm>>
      tpu.enqueue_dma source(%dma_start3A_43 : memref<160x128xi32, #tpu.memory_space<hbm>>) target(%arg9 : memref<160x128xi32, #tpu.memory_space<vmem>>) target_semaphore(%run_scoped3A : memref<!tpu.dma_semaphore, #tpu.memory_space<semaphore_mem>>)
      %dma_wait3A = arith.constant 0 : i32
      %dma_wait3A_44 = tpu.memref_slice %arg5[%mul3A_2, %dma_wait3A] : memref<2560x128xi32, #tpu.memory_space<hbm>> -> memref<160x128xi32, #tpu.memory_space<hbm>>
      %dma_wait3A_45 = arith.constant 0 : i32
      %dma_wait3A_46 = tpu.memref_slice %arg5[%mul3A_2, %dma_wait3A_45] : memref<2560x128xi32, #tpu.memory_space<hbm>> -> memref<160x128xi32, #tpu.memory_space<hbm>>
      tpu.wait_dma2 semaphore(%run_scoped3A : memref<!tpu.dma_semaphore, #tpu.memory_space<semaphore_mem>>) src(%dma_wait3A_46 : memref<160x128xi32, #tpu.memory_space<hbm>>) dst(%arg9 : memref<160x128xi32, #tpu.memory_space<vmem>>)
      tpu.yield
    }) : () -> ()
    %eq3A = arith.constant 0 : i32
    %eq3A_3 = arith.cmpi eq, %arg0, %eq3A : i32
    %lt3A = arith.constant 10 : i32
    %lt3A_4 = arith.cmpi slt, %arg1, %lt3A : i32
    %and3A = arith.andi %eq3A_3, %lt3A_4 : i1
    %convert_element_type3A = arith.extui %and3A : i1 to i32
    %cond3A = arith.constant 0 : i32
    %cond3A_5 = arith.cmpi ne, %convert_element_type3A, %cond3A : i32
    scf.if %cond3A_5 {
      %mul3A_41 = arith.constant 1000 : i32
      %mul3A_42 = arith.muli %arg1, %mul3A_41 : i32
      %mul3A_43 = arith.constant 1000 : i32
      %mul3A_44 = arith.muli %arg1, %mul3A_43 : i32
      "tpu.region"() ({
        %run_scoped3A = tpu.sem_alloc : memref<!tpu.dma_semaphore, #tpu.memory_space<semaphore_mem>>
        %dma_start3A = arith.constant 0 : i32
        %dma_start3A_49 = tpu.memref_slice %arg11[%mul3A_44, %dma_start3A] : memref<10112x32xf32, #tpu.memory_space<vmem_shared>> -> memref<1000x32xf32, #tpu.memory_space<vmem_shared>>
        %dma_start3A_50 = arith.constant 0 : i32
        %dma_start3A_51 = tpu.memref_slice %arg2[%mul3A_42, %dma_start3A_50] : memref<10000x32xf32, #tpu.memory_space<hbm>> -> memref<1000x32xf32, #tpu.memory_space<hbm>>
        tpu.enqueue_dma source(%dma_start3A_51 : memref<1000x32xf32, #tpu.memory_space<hbm>>) target(%dma_start3A_49 : memref<1000x32xf32, #tpu.memory_space<vmem_shared>>) target_semaphore(%run_scoped3A : memref<!tpu.dma_semaphore, #tpu.memory_space<semaphore_mem>>)
        %dma_wait3A = arith.constant 0 : i32
        %dma_wait3A_52 = tpu.memref_slice %arg11[%mul3A_44, %dma_wait3A] : memref<10112x32xf32, #tpu.memory_space<vmem_shared>> -> memref<1000x32xf32, #tpu.memory_space<vmem_shared>>
        %dma_wait3A_53 = arith.constant 0 : i32
        %dma_wait3A_54 = tpu.memref_slice %arg2[%mul3A_42, %dma_wait3A_53] : memref<10000x32xf32, #tpu.memory_space<hbm>> -> memref<1000x32xf32, #tpu.memory_space<hbm>>
        tpu.wait_dma2 semaphore(%run_scoped3A : memref<!tpu.dma_semaphore, #tpu.memory_space<semaphore_mem>>) src(%dma_wait3A_54 : memref<1000x32xf32, #tpu.memory_space<hbm>>) dst(%dma_wait3A_52 : memref<1000x32xf32, #tpu.memory_space<vmem_shared>>)
        tpu.yield
      }) : () -> ()
      %mul3A_45 = arith.constant 1000 : i32
      %mul3A_46 = arith.muli %arg1, %mul3A_45 : i32
      %mul3A_47 = arith.constant 1000 : i32
      %mul3A_48 = arith.muli %arg1, %mul3A_47 : i32
      "tpu.region"() ({
        %run_scoped3A = tpu.sem_alloc : memref<!tpu.dma_semaphore, #tpu.memory_space<semaphore_mem>>
        %dma_start3A = arith.constant 0 : i32
        %dma_start3A_49 = tpu.memref_slice %arg14[%mul3A_48, %dma_start3A] : memref<10000x32xf32, #tpu.memory_space<vmem_shared>> -> memref<1000x32xf32, #tpu.memory_space<vmem_shared>>
        %dma_start3A_50 = arith.constant 0 : i32
        %dma_start3A_51 = tpu.memref_slice %arg2[%mul3A_46, %dma_start3A_50] : memref<10000x32xf32, #tpu.memory_space<hbm>> -> memref<1000x32xf32, #tpu.memory_space<hbm>>
        tpu.enqueue_dma source(%dma_start3A_51 : memref<1000x32xf32, #tpu.memory_space<hbm>>) target(%dma_start3A_49 : memref<1000x32xf32, #tpu.memory_space<vmem_shared>>) target_semaphore(%run_scoped3A : memref<!tpu.dma_semaphore, #tpu.memory_space<semaphore_mem>>)
        %dma_wait3A = arith.constant 0 : i32
        %dma_wait3A_52 = tpu.memref_slice %arg14[%mul3A_48, %dma_wait3A] : memref<10000x32xf32, #tpu.memory_space<vmem_shared>> -> memref<1000x32xf32, #tpu.memory_space<vmem_shared>>
        %dma_wait3A_53 = arith.constant 0 : i32
        %dma_wait3A_54 = tpu.memref_slice %arg2[%mul3A_46, %dma_wait3A_53] : memref<10000x32xf32, #tpu.memory_space<hbm>> -> memref<1000x32xf32, #tpu.memory_space<hbm>>
        tpu.wait_dma2 semaphore(%run_scoped3A : memref<!tpu.dma_semaphore, #tpu.memory_space<semaphore_mem>>) src(%dma_wait3A_54 : memref<1000x32xf32, #tpu.memory_space<hbm>>) dst(%dma_wait3A_52 : memref<1000x32xf32, #tpu.memory_space<vmem_shared>>)
        tpu.yield
      }) : () -> ()
    } else {
    }
    %eq3A_6 = arith.constant 1 : i32
    %eq3A_7 = arith.cmpi eq, %arg0, %eq3A_6 : i32
    %lt3A_8 = arith.constant 10 : i32
    %lt3A_9 = arith.cmpi slt, %arg1, %lt3A_8 : i32
    %and3A_10 = arith.andi %eq3A_7, %lt3A_9 : i1
    %convert_element_type3A_11 = arith.extui %and3A_10 : i1 to i32
    %cond3A_12 = arith.constant 0 : i32
    %cond3A_13 = arith.cmpi ne, %convert_element_type3A_11, %cond3A_12 : i32
    scf.if %cond3A_13 {
      %mul3A_41 = arith.constant 1000 : i32
      %mul3A_42 = arith.muli %arg1, %mul3A_41 : i32
      %mul3A_43 = arith.constant 1000 : i32
      %mul3A_44 = arith.muli %arg1, %mul3A_43 : i32
      "tpu.region"() ({
        %run_scoped3A = tpu.sem_alloc : memref<!tpu.dma_semaphore, #tpu.memory_space<semaphore_mem>>
        %dma_start3A = arith.constant 0 : i32
        %dma_start3A_49 = tpu.memref_slice %arg11[%mul3A_44, %dma_start3A] : memref<10112x32xf32, #tpu.memory_space<vmem_shared>> -> memref<1000x32xf32, #tpu.memory_space<vmem_shared>>
        %dma_start3A_50 = arith.constant 0 : i32
        %dma_start3A_51 = tpu.memref_slice %arg3[%mul3A_42, %dma_start3A_50] : memref<10000x32xf32, #tpu.memory_space<hbm>> -> memref<1000x32xf32, #tpu.memory_space<hbm>>
        tpu.enqueue_dma source(%dma_start3A_51 : memref<1000x32xf32, #tpu.memory_space<hbm>>) target(%dma_start3A_49 : memref<1000x32xf32, #tpu.memory_space<vmem_shared>>) target_semaphore(%run_scoped3A : memref<!tpu.dma_semaphore, #tpu.memory_space<semaphore_mem>>)
        %dma_wait3A = arith.constant 0 : i32
        %dma_wait3A_52 = tpu.memref_slice %arg11[%mul3A_44, %dma_wait3A] : memref<10112x32xf32, #tpu.memory_space<vmem_shared>> -> memref<1000x32xf32, #tpu.memory_space<vmem_shared>>
        %dma_wait3A_53 = arith.constant 0 : i32
        %dma_wait3A_54 = tpu.memref_slice %arg3[%mul3A_42, %dma_wait3A_53] : memref<10000x32xf32, #tpu.memory_space<hbm>> -> memref<1000x32xf32, #tpu.memory_space<hbm>>
        tpu.wait_dma2 semaphore(%run_scoped3A : memref<!tpu.dma_semaphore, #tpu.memory_space<semaphore_mem>>) src(%dma_wait3A_54 : memref<1000x32xf32, #tpu.memory_space<hbm>>) dst(%dma_wait3A_52 : memref<1000x32xf32, #tpu.memory_space<vmem_shared>>)
        tpu.yield
      }) : () -> ()
      %mul3A_45 = arith.constant 1000 : i32
      %mul3A_46 = arith.muli %arg1, %mul3A_45 : i32
      %mul3A_47 = arith.constant 1000 : i32
      %mul3A_48 = arith.muli %arg1, %mul3A_47 : i32
      "tpu.region"() ({
        %run_scoped3A = tpu.sem_alloc : memref<!tpu.dma_semaphore, #tpu.memory_space<semaphore_mem>>
        %dma_start3A = arith.constant 0 : i32
        %dma_start3A_49 = tpu.memref_slice %arg14[%mul3A_48, %dma_start3A] : memref<10000x32xf32, #tpu.memory_space<vmem_shared>> -> memref<1000x32xf32, #tpu.memory_space<vmem_shared>>
        %dma_start3A_50 = arith.constant 0 : i32
        %dma_start3A_51 = tpu.memref_slice %arg3[%mul3A_46, %dma_start3A_50] : memref<10000x32xf32, #tpu.memory_space<hbm>> -> memref<1000x32xf32, #tpu.memory_space<hbm>>
        tpu.enqueue_dma source(%dma_start3A_51 : memref<1000x32xf32, #tpu.memory_space<hbm>>) target(%dma_start3A_49 : memref<1000x32xf32, #tpu.memory_space<vmem_shared>>) target_semaphore(%run_scoped3A : memref<!tpu.dma_semaphore, #tpu.memory_space<semaphore_mem>>)
        %dma_wait3A = arith.constant 0 : i32
        %dma_wait3A_52 = tpu.memref_slice %arg14[%mul3A_48, %dma_wait3A] : memref<10000x32xf32, #tpu.memory_space<vmem_shared>> -> memref<1000x32xf32, #tpu.memory_space<vmem_shared>>
        %dma_wait3A_53 = arith.constant 0 : i32
        %dma_wait3A_54 = tpu.memref_slice %arg3[%mul3A_46, %dma_wait3A_53] : memref<10000x32xf32, #tpu.memory_space<hbm>> -> memref<1000x32xf32, #tpu.memory_space<hbm>>
        tpu.wait_dma2 semaphore(%run_scoped3A : memref<!tpu.dma_semaphore, #tpu.memory_space<semaphore_mem>>) src(%dma_wait3A_54 : memref<1000x32xf32, #tpu.memory_space<hbm>>) dst(%dma_wait3A_52 : memref<1000x32xf32, #tpu.memory_space<vmem_shared>>)
        tpu.yield
      }) : () -> ()
    } else {
    }
    %barrier3A = arith.constant 0 : index
    tpu.barrier barrier_id(%barrier3A)
    %eq3A_14 = arith.constant 0 : i32
    %eq3A_15 = arith.cmpi eq, %arg0, %eq3A_14 : i32
    %convert_element_type3A_16 = arith.extui %eq3A_15 : i1 to i32
    %cond3A_17 = arith.constant 0 : i32
    %cond3A_18 = arith.cmpi ne, %convert_element_type3A_16, %cond3A_17 : i32
    scf.if %cond3A_18 {
      %dma_start3A = arith.constant 0 : i32
      %dma_start3A_41 = arith.constant 0 : i32
      %dma_start3A_42 = arith.constant 0 : i32
      %dma_start3A_43 = arith.constant 0 : i32
      %dma_start3A_44 = arith.constant 0 : i32
      %dma_start3A_45 = tpu.memref_slice %arg10[%dma_start3A_41, %dma_start3A_43, %dma_start3A_44] : memref<8x128x32xf32, #tpu.memory_space<vmem>> -> memref<1x128x32xf32, #tpu.memory_space<vmem>>
      %dma_start3A_46 = tpu.memref_squeeze %dma_start3A_45 : memref<1x128x32xf32, #tpu.memory_space<vmem>> -> memref<128x32xf32, #tpu.memory_space<vmem>>
      %dma_start3A_47 = arith.constant 0 : i32
      %dma_start3A_48 = tpu.memref_slice %arg8[%dma_start3A, %dma_start3A_47] : memref<160x128xi32, #tpu.memory_space<vmem>> -> memref<1x128xi32, #tpu.memory_space<vmem>>
      %dma_start3A_49 = tpu.memref_squeeze %dma_start3A_48 : memref<1x128xi32, #tpu.memory_space<vmem>> -> memref<128xi32, #tpu.memory_space<vmem>>
      %dma_start3A_50 = arith.constant 0 : i32
      %dma_start3A_51 = arith.constant 0 : i32
      %dma_start3A_52 = tpu.memref_slice %arg14[%dma_start3A_50, %dma_start3A_51] : memref<10000x32xf32, #tpu.memory_space<vmem_shared>> -> memref<10000x32xf32, #tpu.memory_space<vmem_shared>>
      %dma_start3A_53 = tpu.memref_slice %arg12[%dma_start3A_42] : memref<8x!tpu.dma_semaphore, #tpu.memory_space<semaphore_mem>> -> memref<1x!tpu.dma_semaphore, #tpu.memory_space<semaphore_mem>>
      %dma_start3A_54 = tpu.memref_squeeze %dma_start3A_53 : memref<1x!tpu.dma_semaphore, #tpu.memory_space<semaphore_mem>> -> memref<!tpu.dma_semaphore, #tpu.memory_space<semaphore_mem>>
      tpu.enqueue_indirect_dma source(%dma_start3A_52 : memref<10000x32xf32, #tpu.memory_space<vmem_shared>>) target(%dma_start3A_46 : memref<128x32xf32, #tpu.memory_space<vmem>>) offsets(%dma_start3A_49 : memref<128xi32, #tpu.memory_space<vmem>>) semaphore(%dma_start3A_54 : memref<!tpu.dma_semaphore, #tpu.memory_space<semaphore_mem>>)
      %dma_start3A_55 = arith.constant 1 : i32
      %dma_start3A_56 = arith.constant 1 : i32
      %dma_start3A_57 = arith.constant 1 : i32
      %dma_start3A_58 = arith.constant 0 : i32
      %dma_start3A_59 = arith.constant 0 : i32
      %dma_start3A_60 = tpu.memref_slice %arg10[%dma_start3A_56, %dma_start3A_58, %dma_start3A_59] : memref<8x128x32xf32, #tpu.memory_space<vmem>> -> memref<1x128x32xf32, #tpu.memory_space<vmem>>
      %dma_start3A_61 = tpu.memref_squeeze %dma_start3A_60 : memref<1x128x32xf32, #tpu.memory_space<vmem>> -> memref<128x32xf32, #tpu.memory_space<vmem>>
      %dma_start3A_62 = arith.constant 0 : i32
      %dma_start3A_63 = tpu.memref_slice %arg8[%dma_start3A_55, %dma_start3A_62] : memref<160x128xi32, #tpu.memory_space<vmem>> -> memref<1x128xi32, #tpu.memory_space<vmem>>
      %dma_start3A_64 = tpu.memref_squeeze %dma_start3A_63 : memref<1x128xi32, #tpu.memory_space<vmem>> -> memref<128xi32, #tpu.memory_space<vmem>>
      %dma_start3A_65 = arith.constant 0 : i32
      %dma_start3A_66 = arith.constant 0 : i32
      %dma_start3A_67 = tpu.memref_slice %arg14[%dma_start3A_65, %dma_start3A_66] : memref<10000x32xf32, #tpu.memory_space<vmem_shared>> -> memref<10000x32xf32, #tpu.memory_space<vmem_shared>>
      %dma_start3A_68 = tpu.memref_slice %arg12[%dma_start3A_57] : memref<8x!tpu.dma_semaphore, #tpu.memory_space<semaphore_mem>> -> memref<1x!tpu.dma_semaphore, #tpu.memory_space<semaphore_mem>>
      %dma_start3A_69 = tpu.memref_squeeze %dma_start3A_68 : memref<1x!tpu.dma_semaphore, #tpu.memory_space<semaphore_mem>> -> memref<!tpu.dma_semaphore, #tpu.memory_space<semaphore_mem>>
      tpu.enqueue_indirect_dma source(%dma_start3A_67 : memref<10000x32xf32, #tpu.memory_space<vmem_shared>>) target(%dma_start3A_61 : memref<128x32xf32, #tpu.memory_space<vmem>>) offsets(%dma_start3A_64 : memref<128xi32, #tpu.memory_space<vmem>>) semaphore(%dma_start3A_69 : memref<!tpu.dma_semaphore, #tpu.memory_space<semaphore_mem>>)
      %dma_start3A_70 = arith.constant 2 : i32
      %dma_start3A_71 = arith.constant 2 : i32
      %dma_start3A_72 = arith.constant 2 : i32
      %dma_start3A_73 = arith.constant 0 : i32
      %dma_start3A_74 = arith.constant 0 : i32
      %dma_start3A_75 = tpu.memref_slice %arg10[%dma_start3A_71, %dma_start3A_73, %dma_start3A_74] : memref<8x128x32xf32, #tpu.memory_space<vmem>> -> memref<1x128x32xf32, #tpu.memory_space<vmem>>
      %dma_start3A_76 = tpu.memref_squeeze %dma_start3A_75 : memref<1x128x32xf32, #tpu.memory_space<vmem>> -> memref<128x32xf32, #tpu.memory_space<vmem>>
      %dma_start3A_77 = arith.constant 0 : i32
      %dma_start3A_78 = tpu.memref_slice %arg8[%dma_start3A_70, %dma_start3A_77] : memref<160x128xi32, #tpu.memory_space<vmem>> -> memref<1x128xi32, #tpu.memory_space<vmem>>
      %dma_start3A_79 = tpu.memref_squeeze %dma_start3A_78 : memref<1x128xi32, #tpu.memory_space<vmem>> -> memref<128xi32, #tpu.memory_space<vmem>>
      %dma_start3A_80 = arith.constant 0 : i32
      %dma_start3A_81 = arith.constant 0 : i32
      %dma_start3A_82 = tpu.memref_slice %arg14[%dma_start3A_80, %dma_start3A_81] : memref<10000x32xf32, #tpu.memory_space<vmem_shared>> -> memref<10000x32xf32, #tpu.memory_space<vmem_shared>>
      %dma_start3A_83 = tpu.memref_slice %arg12[%dma_start3A_72] : memref<8x!tpu.dma_semaphore, #tpu.memory_space<semaphore_mem>> -> memref<1x!tpu.dma_semaphore, #tpu.memory_space<semaphore_mem>>
      %dma_start3A_84 = tpu.memref_squeeze %dma_start3A_83 : memref<1x!tpu.dma_semaphore, #tpu.memory_space<semaphore_mem>> -> memref<!tpu.dma_semaphore, #tpu.memory_space<semaphore_mem>>
      tpu.enqueue_indirect_dma source(%dma_start3A_82 : memref<10000x32xf32, #tpu.memory_space<vmem_shared>>) target(%dma_start3A_76 : memref<128x32xf32, #tpu.memory_space<vmem>>) offsets(%dma_start3A_79 : memref<128xi32, #tpu.memory_space<vmem>>) semaphore(%dma_start3A_84 : memref<!tpu.dma_semaphore, #tpu.memory_space<semaphore_mem>>)
      %dma_start3A_85 = arith.constant 3 : i32
      %dma_start3A_86 = arith.constant 3 : i32
      %dma_start3A_87 = arith.constant 3 : i32
      %dma_start3A_88 = arith.constant 0 : i32
      %dma_start3A_89 = arith.constant 0 : i32
      %dma_start3A_90 = tpu.memref_slice %arg10[%dma_start3A_86, %dma_start3A_88, %dma_start3A_89] : memref<8x128x32xf32, #tpu.memory_space<vmem>> -> memref<1x128x32xf32, #tpu.memory_space<vmem>>
      %dma_start3A_91 = tpu.memref_squeeze %dma_start3A_90 : memref<1x128x32xf32, #tpu.memory_space<vmem>> -> memref<128x32xf32, #tpu.memory_space<vmem>>
      %dma_start3A_92 = arith.constant 0 : i32
      %dma_start3A_93 = tpu.memref_slice %arg8[%dma_start3A_85, %dma_start3A_92] : memref<160x128xi32, #tpu.memory_space<vmem>> -> memref<1x128xi32, #tpu.memory_space<vmem>>
      %dma_start3A_94 = tpu.memref_squeeze %dma_start3A_93 : memref<1x128xi32, #tpu.memory_space<vmem>> -> memref<128xi32, #tpu.memory_space<vmem>>
      %dma_start3A_95 = arith.constant 0 : i32
      %dma_start3A_96 = arith.constant 0 : i32
      %dma_start3A_97 = tpu.memref_slice %arg14[%dma_start3A_95, %dma_start3A_96] : memref<10000x32xf32, #tpu.memory_space<vmem_shared>> -> memref<10000x32xf32, #tpu.memory_space<vmem_shared>>
      %dma_start3A_98 = tpu.memref_slice %arg12[%dma_start3A_87] : memref<8x!tpu.dma_semaphore, #tpu.memory_space<semaphore_mem>> -> memref<1x!tpu.dma_semaphore, #tpu.memory_space<semaphore_mem>>
      %dma_start3A_99 = tpu.memref_squeeze %dma_start3A_98 : memref<1x!tpu.dma_semaphore, #tpu.memory_space<semaphore_mem>> -> memref<!tpu.dma_semaphore, #tpu.memory_space<semaphore_mem>>
      tpu.enqueue_indirect_dma source(%dma_start3A_97 : memref<10000x32xf32, #tpu.memory_space<vmem_shared>>) target(%dma_start3A_91 : memref<128x32xf32, #tpu.memory_space<vmem>>) offsets(%dma_start3A_94 : memref<128xi32, #tpu.memory_space<vmem>>) semaphore(%dma_start3A_99 : memref<!tpu.dma_semaphore, #tpu.memory_space<semaphore_mem>>)
      %dma_start3A_100 = arith.constant 4 : i32
      %dma_start3A_101 = arith.constant 4 : i32
      %dma_start3A_102 = arith.constant 4 : i32
      %dma_start3A_103 = arith.constant 0 : i32
      %dma_start3A_104 = arith.constant 0 : i32
      %dma_start3A_105 = tpu.memref_slice %arg10[%dma_start3A_101, %dma_start3A_103, %dma_start3A_104] : memref<8x128x32xf32, #tpu.memory_space<vmem>> -> memref<1x128x32xf32, #tpu.memory_space<vmem>>
      %dma_start3A_106 = tpu.memref_squeeze %dma_start3A_105 : memref<1x128x32xf32, #tpu.memory_space<vmem>> -> memref<128x32xf32, #tpu.memory_space<vmem>>
      %dma_start3A_107 = arith.constant 0 : i32
      %dma_start3A_108 = tpu.memref_slice %arg8[%dma_start3A_100, %dma_start3A_107] : memref<160x128xi32, #tpu.memory_space<vmem>> -> memref<1x128xi32, #tpu.memory_space<vmem>>
      %dma_start3A_109 = tpu.memref_squeeze %dma_start3A_108 : memref<1x128xi32, #tpu.memory_space<vmem>> -> memref<128xi32, #tpu.memory_space<vmem>>
      %dma_start3A_110 = arith.constant 0 : i32
      %dma_start3A_111 = arith.constant 0 : i32
      %dma_start3A_112 = tpu.memref_slice %arg14[%dma_start3A_110, %dma_start3A_111] : memref<10000x32xf32, #tpu.memory_space<vmem_shared>> -> memref<10000x32xf32, #tpu.memory_space<vmem_shared>>
      %dma_start3A_113 = tpu.memref_slice %arg12[%dma_start3A_102] : memref<8x!tpu.dma_semaphore, #tpu.memory_space<semaphore_mem>> -> memref<1x!tpu.dma_semaphore, #tpu.memory_space<semaphore_mem>>
      %dma_start3A_114 = tpu.memref_squeeze %dma_start3A_113 : memref<1x!tpu.dma_semaphore, #tpu.memory_space<semaphore_mem>> -> memref<!tpu.dma_semaphore, #tpu.memory_space<semaphore_mem>>
      tpu.enqueue_indirect_dma source(%dma_start3A_112 : memref<10000x32xf32, #tpu.memory_space<vmem_shared>>) target(%dma_start3A_106 : memref<128x32xf32, #tpu.memory_space<vmem>>) offsets(%dma_start3A_109 : memref<128xi32, #tpu.memory_space<vmem>>) semaphore(%dma_start3A_114 : memref<!tpu.dma_semaphore, #tpu.memory_space<semaphore_mem>>)
      %dma_start3A_115 = arith.constant 5 : i32
      %dma_start3A_116 = arith.constant 5 : i32
      %dma_start3A_117 = arith.constant 5 : i32
      %dma_start3A_118 = arith.constant 0 : i32
      %dma_start3A_119 = arith.constant 0 : i32
      %dma_start3A_120 = tpu.memref_slice %arg10[%dma_start3A_116, %dma_start3A_118, %dma_start3A_119] : memref<8x128x32xf32, #tpu.memory_space<vmem>> -> memref<1x128x32xf32, #tpu.memory_space<vmem>>
      %dma_start3A_121 = tpu.memref_squeeze %dma_start3A_120 : memref<1x128x32xf32, #tpu.memory_space<vmem>> -> memref<128x32xf32, #tpu.memory_space<vmem>>
      %dma_start3A_122 = arith.constant 0 : i32
      %dma_start3A_123 = tpu.memref_slice %arg8[%dma_start3A_115, %dma_start3A_122] : memref<160x128xi32, #tpu.memory_space<vmem>> -> memref<1x128xi32, #tpu.memory_space<vmem>>
      %dma_start3A_124 = tpu.memref_squeeze %dma_start3A_123 : memref<1x128xi32, #tpu.memory_space<vmem>> -> memref<128xi32, #tpu.memory_space<vmem>>
      %dma_start3A_125 = arith.constant 0 : i32
      %dma_start3A_126 = arith.constant 0 : i32
      %dma_start3A_127 = tpu.memref_slice %arg14[%dma_start3A_125, %dma_start3A_126] : memref<10000x32xf32, #tpu.memory_space<vmem_shared>> -> memref<10000x32xf32, #tpu.memory_space<vmem_shared>>
      %dma_start3A_128 = tpu.memref_slice %arg12[%dma_start3A_117] : memref<8x!tpu.dma_semaphore, #tpu.memory_space<semaphore_mem>> -> memref<1x!tpu.dma_semaphore, #tpu.memory_space<semaphore_mem>>
      %dma_start3A_129 = tpu.memref_squeeze %dma_start3A_128 : memref<1x!tpu.dma_semaphore, #tpu.memory_space<semaphore_mem>> -> memref<!tpu.dma_semaphore, #tpu.memory_space<semaphore_mem>>
      tpu.enqueue_indirect_dma source(%dma_start3A_127 : memref<10000x32xf32, #tpu.memory_space<vmem_shared>>) target(%dma_start3A_121 : memref<128x32xf32, #tpu.memory_space<vmem>>) offsets(%dma_start3A_124 : memref<128xi32, #tpu.memory_space<vmem>>) semaphore(%dma_start3A_129 : memref<!tpu.dma_semaphore, #tpu.memory_space<semaphore_mem>>)
      %scan3A = arith.constant 0 : i32
      %scan3A_130 = arith.constant 0 : i32
      %scan3A_131 = arith.constant 160 : i32
      %scan3A_132 = arith.addi %scan3A_130, %scan3A_131 : i32
      %scan3A_133 = arith.constant 1 : i32
      %scan3A_134 = scf.for %scan3A_165 = %scan3A_130 to %scan3A_132 step %scan3A_133 iter_args(%scan3A_166 = %scan3A) -> (i32)  : i32 {
        %ge3A = arith.constant 2 : i32
        %ge3A_167 = arith.cmpi sge, %scan3A_165, %ge3A : i32
        %convert_element_type3A_168 = arith.extui %ge3A_167 : i1 to i32
        %cond3A_169 = arith.constant 0 : i32
        %cond3A_170 = arith.cmpi ne, %convert_element_type3A_168, %cond3A_169 : i32
        scf.if %cond3A_170 {
          %sub3A = arith.constant 2 : i32
          %sub3A_203 = arith.subi %scan3A_165, %sub3A : i32
          %rem3A_204 = arith.constant 8 : i32
          %rem3A_205 = arith.remsi %sub3A_203, %rem3A_204 : i32
          %dma_wait3A_206 = arith.constant 0 : i32
          %dma_wait3A_207 = arith.constant 0 : i32
          %dma_wait3A_208 = tpu.memref_slice %arg10[%rem3A_205, %dma_wait3A_206, %dma_wait3A_207] : memref<8x128x32xf32, #tpu.memory_space<vmem>> -> memref<1x128x32xf32, #tpu.memory_space<vmem>>
          %dma_wait3A_209 = tpu.memref_squeeze %dma_wait3A_208 : memref<1x128x32xf32, #tpu.memory_space<vmem>> -> memref<128x32xf32, #tpu.memory_space<vmem>>
          %dma_wait3A_210 = arith.constant 0 : i32
          %dma_wait3A_211 = tpu.memref_slice %arg9[%sub3A_203, %dma_wait3A_210] : memref<160x128xi32, #tpu.memory_space<vmem>> -> memref<1x128xi32, #tpu.memory_space<vmem>>
          %dma_wait3A_212 = tpu.memref_squeeze %dma_wait3A_211 : memref<1x128xi32, #tpu.memory_space<vmem>> -> memref<128xi32, #tpu.memory_space<vmem>>
          %dma_wait3A_213 = arith.constant 0 : i32
          %dma_wait3A_214 = arith.constant 0 : i32
          %dma_wait3A_215 = tpu.memref_slice %arg11[%dma_wait3A_213, %dma_wait3A_214] : memref<10112x32xf32, #tpu.memory_space<vmem_shared>> -> memref<10112x32xf32, #tpu.memory_space<vmem_shared>>
          %dma_wait3A_216 = tpu.memref_slice %arg13[%rem3A_205] : memref<8x!tpu.dma_semaphore, #tpu.memory_space<semaphore_mem>> -> memref<1x!tpu.dma_semaphore, #tpu.memory_space<semaphore_mem>>
          %dma_wait3A_217 = tpu.memref_squeeze %dma_wait3A_216 : memref<1x!tpu.dma_semaphore, #tpu.memory_space<semaphore_mem>> -> memref<!tpu.dma_semaphore, #tpu.memory_space<semaphore_mem>>
          tpu.wait_indirect_dma semaphore(%dma_wait3A_217 : memref<!tpu.dma_semaphore, #tpu.memory_space<semaphore_mem>>) src(%dma_wait3A_209 : memref<128x32xf32, #tpu.memory_space<vmem>>) dst(%dma_wait3A_215 : memref<10112x32xf32, #tpu.memory_space<vmem_shared>>)
        } else {
        }
        %add3A = arith.constant 6 : i32
        %add3A_171 = arith.addi %scan3A_165, %add3A : i32
        %lt3A_172 = arith.constant 160 : i32
        %lt3A_173 = arith.cmpi slt, %add3A_171, %lt3A_172 : i32
        %convert_element_type3A_174 = arith.extui %lt3A_173 : i1 to i32
        %cond3A_175 = arith.constant 0 : i32
        %cond3A_176 = arith.cmpi ne, %convert_element_type3A_174, %cond3A_175 : i32
        scf.if %cond3A_176 {
          %add3A_203 = arith.constant 6 : i32
          %add3A_204 = arith.addi %scan3A_165, %add3A_203 : i32
          %rem3A_205 = arith.constant 8 : i32
          %rem3A_206 = arith.remsi %add3A_204, %rem3A_205 : i32
          %dma_start3A_207 = arith.constant 0 : i32
          %dma_start3A_208 = arith.constant 0 : i32
          %dma_start3A_209 = tpu.memref_slice %arg10[%rem3A_206, %dma_start3A_207, %dma_start3A_208] : memref<8x128x32xf32, #tpu.memory_space<vmem>> -> memref<1x128x32xf32, #tpu.memory_space<vmem>>
          %dma_start3A_210 = tpu.memref_squeeze %dma_start3A_209 : memref<1x128x32xf32, #tpu.memory_space<vmem>> -> memref<128x32xf32, #tpu.memory_space<vmem>>
          %dma_start3A_211 = arith.constant 0 : i32
          %dma_start3A_212 = tpu.memref_slice %arg8[%add3A_204, %dma_start3A_211] : memref<160x128xi32, #tpu.memory_space<vmem>> -> memref<1x128xi32, #tpu.memory_space<vmem>>
          %dma_start3A_213 = tpu.memref_squeeze %dma_start3A_212 : memref<1x128xi32, #tpu.memory_space<vmem>> -> memref<128xi32, #tpu.memory_space<vmem>>
          %dma_start3A_214 = arith.constant 0 : i32
          %dma_start3A_215 = arith.constant 0 : i32
          %dma_start3A_216 = tpu.memref_slice %arg14[%dma_start3A_214, %dma_start3A_215] : memref<10000x32xf32, #tpu.memory_space<vmem_shared>> -> memref<10000x32xf32, #tpu.memory_space<vmem_shared>>
          %dma_start3A_217 = tpu.memref_slice %arg12[%rem3A_206] : memref<8x!tpu.dma_semaphore, #tpu.memory_space<semaphore_mem>> -> memref<1x!tpu.dma_semaphore, #tpu.memory_space<semaphore_mem>>
          %dma_start3A_218 = tpu.memref_squeeze %dma_start3A_217 : memref<1x!tpu.dma_semaphore, #tpu.memory_space<semaphore_mem>> -> memref<!tpu.dma_semaphore, #tpu.memory_space<semaphore_mem>>
          tpu.enqueue_indirect_dma source(%dma_start3A_216 : memref<10000x32xf32, #tpu.memory_space<vmem_shared>>) target(%dma_start3A_210 : memref<128x32xf32, #tpu.memory_space<vmem>>) offsets(%dma_start3A_213 : memref<128xi32, #tpu.memory_space<vmem>>) semaphore(%dma_start3A_218 : memref<!tpu.dma_semaphore, #tpu.memory_space<semaphore_mem>>)
        } else {
        }
        %rem3A = arith.constant 8 : i32
        %rem3A_177 = arith.remsi %scan3A_165, %rem3A : i32
        %dma_wait3A_178 = arith.constant 0 : i32
        %dma_wait3A_179 = arith.constant 0 : i32
        %dma_wait3A_180 = tpu.memref_slice %arg10[%rem3A_177, %dma_wait3A_178, %dma_wait3A_179] : memref<8x128x32xf32, #tpu.memory_space<vmem>> -> memref<1x128x32xf32, #tpu.memory_space<vmem>>
        %dma_wait3A_181 = tpu.memref_squeeze %dma_wait3A_180 : memref<1x128x32xf32, #tpu.memory_space<vmem>> -> memref<128x32xf32, #tpu.memory_space<vmem>>
        %dma_wait3A_182 = arith.constant 0 : i32
        %dma_wait3A_183 = tpu.memref_slice %arg8[%scan3A_165, %dma_wait3A_182] : memref<160x128xi32, #tpu.memory_space<vmem>> -> memref<1x128xi32, #tpu.memory_space<vmem>>
        %dma_wait3A_184 = tpu.memref_squeeze %dma_wait3A_183 : memref<1x128xi32, #tpu.memory_space<vmem>> -> memref<128xi32, #tpu.memory_space<vmem>>
        %dma_wait3A_185 = arith.constant 0 : i32
        %dma_wait3A_186 = arith.constant 0 : i32
        %dma_wait3A_187 = tpu.memref_slice %arg14[%dma_wait3A_185, %dma_wait3A_186] : memref<10000x32xf32, #tpu.memory_space<vmem_shared>> -> memref<10000x32xf32, #tpu.memory_space<vmem_shared>>
        %dma_wait3A_188 = tpu.memref_slice %arg12[%rem3A_177] : memref<8x!tpu.dma_semaphore, #tpu.memory_space<semaphore_mem>> -> memref<1x!tpu.dma_semaphore, #tpu.memory_space<semaphore_mem>>
        %dma_wait3A_189 = tpu.memref_squeeze %dma_wait3A_188 : memref<1x!tpu.dma_semaphore, #tpu.memory_space<semaphore_mem>> -> memref<!tpu.dma_semaphore, #tpu.memory_space<semaphore_mem>>
        tpu.wait_indirect_dma semaphore(%dma_wait3A_189 : memref<!tpu.dma_semaphore, #tpu.memory_space<semaphore_mem>>) src(%dma_wait3A_187 : memref<10000x32xf32, #tpu.memory_space<vmem_shared>>) dst(%dma_wait3A_181 : memref<128x32xf32, #tpu.memory_space<vmem>>)
        %dma_start3A_190 = arith.constant 0 : i32
        %dma_start3A_191 = arith.constant 0 : i32
        %dma_start3A_192 = tpu.memref_slice %arg10[%rem3A_177, %dma_start3A_190, %dma_start3A_191] : memref<8x128x32xf32, #tpu.memory_space<vmem>> -> memref<1x128x32xf32, #tpu.memory_space<vmem>>
        %dma_start3A_193 = tpu.memref_squeeze %dma_start3A_192 : memref<1x128x32xf32, #tpu.memory_space<vmem>> -> memref<128x32xf32, #tpu.memory_space<vmem>>
        %dma_start3A_194 = arith.constant 0 : i32
        %dma_start3A_195 = tpu.memref_slice %arg9[%scan3A_165, %dma_start3A_194] : memref<160x128xi32, #tpu.memory_space<vmem>> -> memref<1x128xi32, #tpu.memory_space<vmem>>
        %dma_start3A_196 = tpu.memref_squeeze %dma_start3A_195 : memref<1x128xi32, #tpu.memory_space<vmem>> -> memref<128xi32, #tpu.memory_space<vmem>>
        %dma_start3A_197 = arith.constant 0 : i32
        %dma_start3A_198 = arith.constant 0 : i32
        %dma_start3A_199 = tpu.memref_slice %arg11[%dma_start3A_197, %dma_start3A_198] : memref<10112x32xf32, #tpu.memory_space<vmem_shared>> -> memref<10112x32xf32, #tpu.memory_space<vmem_shared>>
        %dma_start3A_200 = tpu.memref_slice %arg13[%rem3A_177] : memref<8x!tpu.dma_semaphore, #tpu.memory_space<semaphore_mem>> -> memref<1x!tpu.dma_semaphore, #tpu.memory_space<semaphore_mem>>
        %dma_start3A_201 = tpu.memref_squeeze %dma_start3A_200 : memref<1x!tpu.dma_semaphore, #tpu.memory_space<semaphore_mem>> -> memref<!tpu.dma_semaphore, #tpu.memory_space<semaphore_mem>>
        tpu.enqueue_indirect_dma source(%dma_start3A_193 : memref<128x32xf32, #tpu.memory_space<vmem>>) target(%dma_start3A_199 : memref<10112x32xf32, #tpu.memory_space<vmem_shared>>) offsets(%dma_start3A_196 : memref<128xi32, #tpu.memory_space<vmem>>) semaphore(%dma_start3A_201 : memref<!tpu.dma_semaphore, #tpu.memory_space<semaphore_mem>>) {add = true}
        %scan3A_202 = arith.constant 0 : i32
        scf.yield %scan3A_202 : i32
      }
      %scan3A_135 = arith.constant 160 : i32
      %dma_wait3A = arith.constant 6 : i32
      %dma_wait3A_136 = arith.constant 158 : i32
      %dma_wait3A_137 = arith.constant 6 : i32
      %dma_wait3A_138 = arith.constant 0 : i32
      %dma_wait3A_139 = arith.constant 0 : i32
      %dma_wait3A_140 = tpu.memref_slice %arg10[%dma_wait3A, %dma_wait3A_138, %dma_wait3A_139] : memref<8x128x32xf32, #tpu.memory_space<vmem>> -> memref<1x128x32xf32, #tpu.memory_space<vmem>>
      %dma_wait3A_141 = tpu.memref_squeeze %dma_wait3A_140 : memref<1x128x32xf32, #tpu.memory_space<vmem>> -> memref<128x32xf32, #tpu.memory_space<vmem>>
      %dma_wait3A_142 = arith.constant 0 : i32
      %dma_wait3A_143 = tpu.memref_slice %arg9[%dma_wait3A_136, %dma_wait3A_142] : memref<160x128xi32, #tpu.memory_space<vmem>> -> memref<1x128xi32, #tpu.memory_space<vmem>>
      %dma_wait3A_144 = tpu.memref_squeeze %dma_wait3A_143 : memref<1x128xi32, #tpu.memory_space<vmem>> -> memref<128xi32, #tpu.memory_space<vmem>>
      %dma_wait3A_145 = arith.constant 0 : i32
      %dma_wait3A_146 = arith.constant 0 : i32
      %dma_wait3A_147 = tpu.memref_slice %arg11[%dma_wait3A_145, %dma_wait3A_146] : memref<10112x32xf32, #tpu.memory_space<vmem_shared>> -> memref<10112x32xf32, #tpu.memory_space<vmem_shared>>
      %dma_wait3A_148 = tpu.memref_slice %arg13[%dma_wait3A_137] : memref<8x!tpu.dma_semaphore, #tpu.memory_space<semaphore_mem>> -> memref<1x!tpu.dma_semaphore, #tpu.memory_space<semaphore_mem>>
      %dma_wait3A_149 = tpu.memref_squeeze %dma_wait3A_148 : memref<1x!tpu.dma_semaphore, #tpu.memory_space<semaphore_mem>> -> memref<!tpu.dma_semaphore, #tpu.memory_space<semaphore_mem>>
      tpu.wait_indirect_dma semaphore(%dma_wait3A_149 : memref<!tpu.dma_semaphore, #tpu.memory_space<semaphore_mem>>) src(%dma_wait3A_141 : memref<128x32xf32, #tpu.memory_space<vmem>>) dst(%dma_wait3A_147 : memref<10112x32xf32, #tpu.memory_space<vmem_shared>>)
      %dma_wait3A_150 = arith.constant 7 : i32
      %dma_wait3A_151 = arith.constant 159 : i32
      %dma_wait3A_152 = arith.constant 7 : i32
      %dma_wait3A_153 = arith.constant 0 : i32
      %dma_wait3A_154 = arith.constant 0 : i32
      %dma_wait3A_155 = tpu.memref_slice %arg10[%dma_wait3A_150, %dma_wait3A_153, %dma_wait3A_154] : memref<8x128x32xf32, #tpu.memory_space<vmem>> -> memref<1x128x32xf32, #tpu.memory_space<vmem>>
      %dma_wait3A_156 = tpu.memref_squeeze %dma_wait3A_155 : memref<1x128x32xf32, #tpu.memory_space<vmem>> -> memref<128x32xf32, #tpu.memory_space<vmem>>
      %dma_wait3A_157 = arith.constant 0 : i32
      %dma_wait3A_158 = tpu.memref_slice %arg9[%dma_wait3A_151, %dma_wait3A_157] : memref<160x128xi32, #tpu.memory_space<vmem>> -> memref<1x128xi32, #tpu.memory_space<vmem>>
      %dma_wait3A_159 = tpu.memref_squeeze %dma_wait3A_158 : memref<1x128xi32, #tpu.memory_space<vmem>> -> memref<128xi32, #tpu.memory_space<vmem>>
      %dma_wait3A_160 = arith.constant 0 : i32
      %dma_wait3A_161 = arith.constant 0 : i32
      %dma_wait3A_162 = tpu.memref_slice %arg11[%dma_wait3A_160, %dma_wait3A_161] : memref<10112x32xf32, #tpu.memory_space<vmem_shared>> -> memref<10112x32xf32, #tpu.memory_space<vmem_shared>>
      %dma_wait3A_163 = tpu.memref_slice %arg13[%dma_wait3A_152] : memref<8x!tpu.dma_semaphore, #tpu.memory_space<semaphore_mem>> -> memref<1x!tpu.dma_semaphore, #tpu.memory_space<semaphore_mem>>
      %dma_wait3A_164 = tpu.memref_squeeze %dma_wait3A_163 : memref<1x!tpu.dma_semaphore, #tpu.memory_space<semaphore_mem>> -> memref<!tpu.dma_semaphore, #tpu.memory_space<semaphore_mem>>
      tpu.wait_indirect_dma semaphore(%dma_wait3A_164 : memref<!tpu.dma_semaphore, #tpu.memory_space<semaphore_mem>>) src(%dma_wait3A_156 : memref<128x32xf32, #tpu.memory_space<vmem>>) dst(%dma_wait3A_162 : memref<10112x32xf32, #tpu.memory_space<vmem_shared>>)
    } else {
    }
    %eq3A_19 = arith.constant 1 : i32
    %eq3A_20 = arith.cmpi eq, %arg0, %eq3A_19 : i32
    %convert_element_type3A_21 = arith.extui %eq3A_20 : i1 to i32
    %cond3A_22 = arith.constant 0 : i32
    %cond3A_23 = arith.cmpi ne, %convert_element_type3A_21, %cond3A_22 : i32
    scf.if %cond3A_23 {
      %dma_start3A = arith.constant 0 : i32
      %dma_start3A_41 = arith.constant 0 : i32
      %dma_start3A_42 = arith.constant 0 : i32
      %dma_start3A_43 = arith.constant 0 : i32
      %dma_start3A_44 = arith.constant 0 : i32
      %dma_start3A_45 = tpu.memref_slice %arg10[%dma_start3A_41, %dma_start3A_43, %dma_start3A_44] : memref<8x128x32xf32, #tpu.memory_space<vmem>> -> memref<1x128x32xf32, #tpu.memory_space<vmem>>
      %dma_start3A_46 = tpu.memref_squeeze %dma_start3A_45 : memref<1x128x32xf32, #tpu.memory_space<vmem>> -> memref<128x32xf32, #tpu.memory_space<vmem>>
      %dma_start3A_47 = arith.constant 0 : i32
      %dma_start3A_48 = tpu.memref_slice %arg8[%dma_start3A, %dma_start3A_47] : memref<160x128xi32, #tpu.memory_space<vmem>> -> memref<1x128xi32, #tpu.memory_space<vmem>>
      %dma_start3A_49 = tpu.memref_squeeze %dma_start3A_48 : memref<1x128xi32, #tpu.memory_space<vmem>> -> memref<128xi32, #tpu.memory_space<vmem>>
      %dma_start3A_50 = arith.constant 0 : i32
      %dma_start3A_51 = arith.constant 0 : i32
      %dma_start3A_52 = tpu.memref_slice %arg14[%dma_start3A_50, %dma_start3A_51] : memref<10000x32xf32, #tpu.memory_space<vmem_shared>> -> memref<10000x32xf32, #tpu.memory_space<vmem_shared>>
      %dma_start3A_53 = tpu.memref_slice %arg12[%dma_start3A_42] : memref<8x!tpu.dma_semaphore, #tpu.memory_space<semaphore_mem>> -> memref<1x!tpu.dma_semaphore, #tpu.memory_space<semaphore_mem>>
      %dma_start3A_54 = tpu.memref_squeeze %dma_start3A_53 : memref<1x!tpu.dma_semaphore, #tpu.memory_space<semaphore_mem>> -> memref<!tpu.dma_semaphore, #tpu.memory_space<semaphore_mem>>
      tpu.enqueue_indirect_dma source(%dma_start3A_52 : memref<10000x32xf32, #tpu.memory_space<vmem_shared>>) target(%dma_start3A_46 : memref<128x32xf32, #tpu.memory_space<vmem>>) offsets(%dma_start3A_49 : memref<128xi32, #tpu.memory_space<vmem>>) semaphore(%dma_start3A_54 : memref<!tpu.dma_semaphore, #tpu.memory_space<semaphore_mem>>)
      %dma_start3A_55 = arith.constant 1 : i32
      %dma_start3A_56 = arith.constant 1 : i32
      %dma_start3A_57 = arith.constant 1 : i32
      %dma_start3A_58 = arith.constant 0 : i32
      %dma_start3A_59 = arith.constant 0 : i32
      %dma_start3A_60 = tpu.memref_slice %arg10[%dma_start3A_56, %dma_start3A_58, %dma_start3A_59] : memref<8x128x32xf32, #tpu.memory_space<vmem>> -> memref<1x128x32xf32, #tpu.memory_space<vmem>>
      %dma_start3A_61 = tpu.memref_squeeze %dma_start3A_60 : memref<1x128x32xf32, #tpu.memory_space<vmem>> -> memref<128x32xf32, #tpu.memory_space<vmem>>
      %dma_start3A_62 = arith.constant 0 : i32
      %dma_start3A_63 = tpu.memref_slice %arg8[%dma_start3A_55, %dma_start3A_62] : memref<160x128xi32, #tpu.memory_space<vmem>> -> memref<1x128xi32, #tpu.memory_space<vmem>>
      %dma_start3A_64 = tpu.memref_squeeze %dma_start3A_63 : memref<1x128xi32, #tpu.memory_space<vmem>> -> memref<128xi32, #tpu.memory_space<vmem>>
      %dma_start3A_65 = arith.constant 0 : i32
      %dma_start3A_66 = arith.constant 0 : i32
      %dma_start3A_67 = tpu.memref_slice %arg14[%dma_start3A_65, %dma_start3A_66] : memref<10000x32xf32, #tpu.memory_space<vmem_shared>> -> memref<10000x32xf32, #tpu.memory_space<vmem_shared>>
      %dma_start3A_68 = tpu.memref_slice %arg12[%dma_start3A_57] : memref<8x!tpu.dma_semaphore, #tpu.memory_space<semaphore_mem>> -> memref<1x!tpu.dma_semaphore, #tpu.memory_space<semaphore_mem>>
      %dma_start3A_69 = tpu.memref_squeeze %dma_start3A_68 : memref<1x!tpu.dma_semaphore, #tpu.memory_space<semaphore_mem>> -> memref<!tpu.dma_semaphore, #tpu.memory_space<semaphore_mem>>
      tpu.enqueue_indirect_dma source(%dma_start3A_67 : memref<10000x32xf32, #tpu.memory_space<vmem_shared>>) target(%dma_start3A_61 : memref<128x32xf32, #tpu.memory_space<vmem>>) offsets(%dma_start3A_64 : memref<128xi32, #tpu.memory_space<vmem>>) semaphore(%dma_start3A_69 : memref<!tpu.dma_semaphore, #tpu.memory_space<semaphore_mem>>)
      %dma_start3A_70 = arith.constant 2 : i32
      %dma_start3A_71 = arith.constant 2 : i32
      %dma_start3A_72 = arith.constant 2 : i32
      %dma_start3A_73 = arith.constant 0 : i32
      %dma_start3A_74 = arith.constant 0 : i32
      %dma_start3A_75 = tpu.memref_slice %arg10[%dma_start3A_71, %dma_start3A_73, %dma_start3A_74] : memref<8x128x32xf32, #tpu.memory_space<vmem>> -> memref<1x128x32xf32, #tpu.memory_space<vmem>>
      %dma_start3A_76 = tpu.memref_squeeze %dma_start3A_75 : memref<1x128x32xf32, #tpu.memory_space<vmem>> -> memref<128x32xf32, #tpu.memory_space<vmem>>
      %dma_start3A_77 = arith.constant 0 : i32
      %dma_start3A_78 = tpu.memref_slice %arg8[%dma_start3A_70, %dma_start3A_77] : memref<160x128xi32, #tpu.memory_space<vmem>> -> memref<1x128xi32, #tpu.memory_space<vmem>>
      %dma_start3A_79 = tpu.memref_squeeze %dma_start3A_78 : memref<1x128xi32, #tpu.memory_space<vmem>> -> memref<128xi32, #tpu.memory_space<vmem>>
      %dma_start3A_80 = arith.constant 0 : i32
      %dma_start3A_81 = arith.constant 0 : i32
      %dma_start3A_82 = tpu.memref_slice %arg14[%dma_start3A_80, %dma_start3A_81] : memref<10000x32xf32, #tpu.memory_space<vmem_shared>> -> memref<10000x32xf32, #tpu.memory_space<vmem_shared>>
      %dma_start3A_83 = tpu.memref_slice %arg12[%dma_start3A_72] : memref<8x!tpu.dma_semaphore, #tpu.memory_space<semaphore_mem>> -> memref<1x!tpu.dma_semaphore, #tpu.memory_space<semaphore_mem>>
      %dma_start3A_84 = tpu.memref_squeeze %dma_start3A_83 : memref<1x!tpu.dma_semaphore, #tpu.memory_space<semaphore_mem>> -> memref<!tpu.dma_semaphore, #tpu.memory_space<semaphore_mem>>
      tpu.enqueue_indirect_dma source(%dma_start3A_82 : memref<10000x32xf32, #tpu.memory_space<vmem_shared>>) target(%dma_start3A_76 : memref<128x32xf32, #tpu.memory_space<vmem>>) offsets(%dma_start3A_79 : memref<128xi32, #tpu.memory_space<vmem>>) semaphore(%dma_start3A_84 : memref<!tpu.dma_semaphore, #tpu.memory_space<semaphore_mem>>)
      %dma_start3A_85 = arith.constant 3 : i32
      %dma_start3A_86 = arith.constant 3 : i32
      %dma_start3A_87 = arith.constant 3 : i32
      %dma_start3A_88 = arith.constant 0 : i32
      %dma_start3A_89 = arith.constant 0 : i32
      %dma_start3A_90 = tpu.memref_slice %arg10[%dma_start3A_86, %dma_start3A_88, %dma_start3A_89] : memref<8x128x32xf32, #tpu.memory_space<vmem>> -> memref<1x128x32xf32, #tpu.memory_space<vmem>>
      %dma_start3A_91 = tpu.memref_squeeze %dma_start3A_90 : memref<1x128x32xf32, #tpu.memory_space<vmem>> -> memref<128x32xf32, #tpu.memory_space<vmem>>
      %dma_start3A_92 = arith.constant 0 : i32
      %dma_start3A_93 = tpu.memref_slice %arg8[%dma_start3A_85, %dma_start3A_92] : memref<160x128xi32, #tpu.memory_space<vmem>> -> memref<1x128xi32, #tpu.memory_space<vmem>>
      %dma_start3A_94 = tpu.memref_squeeze %dma_start3A_93 : memref<1x128xi32, #tpu.memory_space<vmem>> -> memref<128xi32, #tpu.memory_space<vmem>>
      %dma_start3A_95 = arith.constant 0 : i32
      %dma_start3A_96 = arith.constant 0 : i32
      %dma_start3A_97 = tpu.memref_slice %arg14[%dma_start3A_95, %dma_start3A_96] : memref<10000x32xf32, #tpu.memory_space<vmem_shared>> -> memref<10000x32xf32, #tpu.memory_space<vmem_shared>>
      %dma_start3A_98 = tpu.memref_slice %arg12[%dma_start3A_87] : memref<8x!tpu.dma_semaphore, #tpu.memory_space<semaphore_mem>> -> memref<1x!tpu.dma_semaphore, #tpu.memory_space<semaphore_mem>>
      %dma_start3A_99 = tpu.memref_squeeze %dma_start3A_98 : memref<1x!tpu.dma_semaphore, #tpu.memory_space<semaphore_mem>> -> memref<!tpu.dma_semaphore, #tpu.memory_space<semaphore_mem>>
      tpu.enqueue_indirect_dma source(%dma_start3A_97 : memref<10000x32xf32, #tpu.memory_space<vmem_shared>>) target(%dma_start3A_91 : memref<128x32xf32, #tpu.memory_space<vmem>>) offsets(%dma_start3A_94 : memref<128xi32, #tpu.memory_space<vmem>>) semaphore(%dma_start3A_99 : memref<!tpu.dma_semaphore, #tpu.memory_space<semaphore_mem>>)
      %dma_start3A_100 = arith.constant 4 : i32
      %dma_start3A_101 = arith.constant 4 : i32
      %dma_start3A_102 = arith.constant 4 : i32
      %dma_start3A_103 = arith.constant 0 : i32
      %dma_start3A_104 = arith.constant 0 : i32
      %dma_start3A_105 = tpu.memref_slice %arg10[%dma_start3A_101, %dma_start3A_103, %dma_start3A_104] : memref<8x128x32xf32, #tpu.memory_space<vmem>> -> memref<1x128x32xf32, #tpu.memory_space<vmem>>
      %dma_start3A_106 = tpu.memref_squeeze %dma_start3A_105 : memref<1x128x32xf32, #tpu.memory_space<vmem>> -> memref<128x32xf32, #tpu.memory_space<vmem>>
      %dma_start3A_107 = arith.constant 0 : i32
      %dma_start3A_108 = tpu.memref_slice %arg8[%dma_start3A_100, %dma_start3A_107] : memref<160x128xi32, #tpu.memory_space<vmem>> -> memref<1x128xi32, #tpu.memory_space<vmem>>
      %dma_start3A_109 = tpu.memref_squeeze %dma_start3A_108 : memref<1x128xi32, #tpu.memory_space<vmem>> -> memref<128xi32, #tpu.memory_space<vmem>>
      %dma_start3A_110 = arith.constant 0 : i32
      %dma_start3A_111 = arith.constant 0 : i32
      %dma_start3A_112 = tpu.memref_slice %arg14[%dma_start3A_110, %dma_start3A_111] : memref<10000x32xf32, #tpu.memory_space<vmem_shared>> -> memref<10000x32xf32, #tpu.memory_space<vmem_shared>>
      %dma_start3A_113 = tpu.memref_slice %arg12[%dma_start3A_102] : memref<8x!tpu.dma_semaphore, #tpu.memory_space<semaphore_mem>> -> memref<1x!tpu.dma_semaphore, #tpu.memory_space<semaphore_mem>>
      %dma_start3A_114 = tpu.memref_squeeze %dma_start3A_113 : memref<1x!tpu.dma_semaphore, #tpu.memory_space<semaphore_mem>> -> memref<!tpu.dma_semaphore, #tpu.memory_space<semaphore_mem>>
      tpu.enqueue_indirect_dma source(%dma_start3A_112 : memref<10000x32xf32, #tpu.memory_space<vmem_shared>>) target(%dma_start3A_106 : memref<128x32xf32, #tpu.memory_space<vmem>>) offsets(%dma_start3A_109 : memref<128xi32, #tpu.memory_space<vmem>>) semaphore(%dma_start3A_114 : memref<!tpu.dma_semaphore, #tpu.memory_space<semaphore_mem>>)
      %dma_start3A_115 = arith.constant 5 : i32
      %dma_start3A_116 = arith.constant 5 : i32
      %dma_start3A_117 = arith.constant 5 : i32
      %dma_start3A_118 = arith.constant 0 : i32
      %dma_start3A_119 = arith.constant 0 : i32
      %dma_start3A_120 = tpu.memref_slice %arg10[%dma_start3A_116, %dma_start3A_118, %dma_start3A_119] : memref<8x128x32xf32, #tpu.memory_space<vmem>> -> memref<1x128x32xf32, #tpu.memory_space<vmem>>
      %dma_start3A_121 = tpu.memref_squeeze %dma_start3A_120 : memref<1x128x32xf32, #tpu.memory_space<vmem>> -> memref<128x32xf32, #tpu.memory_space<vmem>>
      %dma_start3A_122 = arith.constant 0 : i32
      %dma_start3A_123 = tpu.memref_slice %arg8[%dma_start3A_115, %dma_start3A_122] : memref<160x128xi32, #tpu.memory_space<vmem>> -> memref<1x128xi32, #tpu.memory_space<vmem>>
      %dma_start3A_124 = tpu.memref_squeeze %dma_start3A_123 : memref<1x128xi32, #tpu.memory_space<vmem>> -> memref<128xi32, #tpu.memory_space<vmem>>
      %dma_start3A_125 = arith.constant 0 : i32
      %dma_start3A_126 = arith.constant 0 : i32
      %dma_start3A_127 = tpu.memref_slice %arg14[%dma_start3A_125, %dma_start3A_126] : memref<10000x32xf32, #tpu.memory_space<vmem_shared>> -> memref<10000x32xf32, #tpu.memory_space<vmem_shared>>
      %dma_start3A_128 = tpu.memref_slice %arg12[%dma_start3A_117] : memref<8x!tpu.dma_semaphore, #tpu.memory_space<semaphore_mem>> -> memref<1x!tpu.dma_semaphore, #tpu.memory_space<semaphore_mem>>
      %dma_start3A_129 = tpu.memref_squeeze %dma_start3A_128 : memref<1x!tpu.dma_semaphore, #tpu.memory_space<semaphore_mem>> -> memref<!tpu.dma_semaphore, #tpu.memory_space<semaphore_mem>>
      tpu.enqueue_indirect_dma source(%dma_start3A_127 : memref<10000x32xf32, #tpu.memory_space<vmem_shared>>) target(%dma_start3A_121 : memref<128x32xf32, #tpu.memory_space<vmem>>) offsets(%dma_start3A_124 : memref<128xi32, #tpu.memory_space<vmem>>) semaphore(%dma_start3A_129 : memref<!tpu.dma_semaphore, #tpu.memory_space<semaphore_mem>>)
      %scan3A = arith.constant 0 : i32
      %scan3A_130 = arith.constant 0 : i32
      %scan3A_131 = arith.constant 160 : i32
      %scan3A_132 = arith.addi %scan3A_130, %scan3A_131 : i32
      %scan3A_133 = arith.constant 1 : i32
      %scan3A_134 = scf.for %scan3A_165 = %scan3A_130 to %scan3A_132 step %scan3A_133 iter_args(%scan3A_166 = %scan3A) -> (i32)  : i32 {
        %ge3A = arith.constant 2 : i32
        %ge3A_167 = arith.cmpi sge, %scan3A_165, %ge3A : i32
        %convert_element_type3A_168 = arith.extui %ge3A_167 : i1 to i32
        %cond3A_169 = arith.constant 0 : i32
        %cond3A_170 = arith.cmpi ne, %convert_element_type3A_168, %cond3A_169 : i32
        scf.if %cond3A_170 {
          %sub3A = arith.constant 2 : i32
          %sub3A_203 = arith.subi %scan3A_165, %sub3A : i32
          %rem3A_204 = arith.constant 8 : i32
          %rem3A_205 = arith.remsi %sub3A_203, %rem3A_204 : i32
          %dma_wait3A_206 = arith.constant 0 : i32
          %dma_wait3A_207 = arith.constant 0 : i32
          %dma_wait3A_208 = tpu.memref_slice %arg10[%rem3A_205, %dma_wait3A_206, %dma_wait3A_207] : memref<8x128x32xf32, #tpu.memory_space<vmem>> -> memref<1x128x32xf32, #tpu.memory_space<vmem>>
          %dma_wait3A_209 = tpu.memref_squeeze %dma_wait3A_208 : memref<1x128x32xf32, #tpu.memory_space<vmem>> -> memref<128x32xf32, #tpu.memory_space<vmem>>
          %dma_wait3A_210 = arith.constant 0 : i32
          %dma_wait3A_211 = tpu.memref_slice %arg9[%sub3A_203, %dma_wait3A_210] : memref<160x128xi32, #tpu.memory_space<vmem>> -> memref<1x128xi32, #tpu.memory_space<vmem>>
          %dma_wait3A_212 = tpu.memref_squeeze %dma_wait3A_211 : memref<1x128xi32, #tpu.memory_space<vmem>> -> memref<128xi32, #tpu.memory_space<vmem>>
          %dma_wait3A_213 = arith.constant 0 : i32
          %dma_wait3A_214 = arith.constant 0 : i32
          %dma_wait3A_215 = tpu.memref_slice %arg11[%dma_wait3A_213, %dma_wait3A_214] : memref<10112x32xf32, #tpu.memory_space<vmem_shared>> -> memref<10112x32xf32, #tpu.memory_space<vmem_shared>>
          %dma_wait3A_216 = tpu.memref_slice %arg13[%rem3A_205] : memref<8x!tpu.dma_semaphore, #tpu.memory_space<semaphore_mem>> -> memref<1x!tpu.dma_semaphore, #tpu.memory_space<semaphore_mem>>
          %dma_wait3A_217 = tpu.memref_squeeze %dma_wait3A_216 : memref<1x!tpu.dma_semaphore, #tpu.memory_space<semaphore_mem>> -> memref<!tpu.dma_semaphore, #tpu.memory_space<semaphore_mem>>
          tpu.wait_indirect_dma semaphore(%dma_wait3A_217 : memref<!tpu.dma_semaphore, #tpu.memory_space<semaphore_mem>>) src(%dma_wait3A_209 : memref<128x32xf32, #tpu.memory_space<vmem>>) dst(%dma_wait3A_215 : memref<10112x32xf32, #tpu.memory_space<vmem_shared>>)
        } else {
        }
        %add3A = arith.constant 6 : i32
        %add3A_171 = arith.addi %scan3A_165, %add3A : i32
        %lt3A_172 = arith.constant 160 : i32
        %lt3A_173 = arith.cmpi slt, %add3A_171, %lt3A_172 : i32
        %convert_element_type3A_174 = arith.extui %lt3A_173 : i1 to i32
        %cond3A_175 = arith.constant 0 : i32
        %cond3A_176 = arith.cmpi ne, %convert_element_type3A_174, %cond3A_175 : i32
        scf.if %cond3A_176 {
          %add3A_203 = arith.constant 6 : i32
          %add3A_204 = arith.addi %scan3A_165, %add3A_203 : i32
          %rem3A_205 = arith.constant 8 : i32
          %rem3A_206 = arith.remsi %add3A_204, %rem3A_205 : i32
          %dma_start3A_207 = arith.constant 0 : i32
          %dma_start3A_208 = arith.constant 0 : i32
          %dma_start3A_209 = tpu.memref_slice %arg10[%rem3A_206, %dma_start3A_207, %dma_start3A_208] : memref<8x128x32xf32, #tpu.memory_space<vmem>> -> memref<1x128x32xf32, #tpu.memory_space<vmem>>
          %dma_start3A_210 = tpu.memref_squeeze %dma_start3A_209 : memref<1x128x32xf32, #tpu.memory_space<vmem>> -> memref<128x32xf32, #tpu.memory_space<vmem>>
          %dma_start3A_211 = arith.constant 0 : i32
          %dma_start3A_212 = tpu.memref_slice %arg8[%add3A_204, %dma_start3A_211] : memref<160x128xi32, #tpu.memory_space<vmem>> -> memref<1x128xi32, #tpu.memory_space<vmem>>
          %dma_start3A_213 = tpu.memref_squeeze %dma_start3A_212 : memref<1x128xi32, #tpu.memory_space<vmem>> -> memref<128xi32, #tpu.memory_space<vmem>>
          %dma_start3A_214 = arith.constant 0 : i32
          %dma_start3A_215 = arith.constant 0 : i32
          %dma_start3A_216 = tpu.memref_slice %arg14[%dma_start3A_214, %dma_start3A_215] : memref<10000x32xf32, #tpu.memory_space<vmem_shared>> -> memref<10000x32xf32, #tpu.memory_space<vmem_shared>>
          %dma_start3A_217 = tpu.memref_slice %arg12[%rem3A_206] : memref<8x!tpu.dma_semaphore, #tpu.memory_space<semaphore_mem>> -> memref<1x!tpu.dma_semaphore, #tpu.memory_space<semaphore_mem>>
          %dma_start3A_218 = tpu.memref_squeeze %dma_start3A_217 : memref<1x!tpu.dma_semaphore, #tpu.memory_space<semaphore_mem>> -> memref<!tpu.dma_semaphore, #tpu.memory_space<semaphore_mem>>
          tpu.enqueue_indirect_dma source(%dma_start3A_216 : memref<10000x32xf32, #tpu.memory_space<vmem_shared>>) target(%dma_start3A_210 : memref<128x32xf32, #tpu.memory_space<vmem>>) offsets(%dma_start3A_213 : memref<128xi32, #tpu.memory_space<vmem>>) semaphore(%dma_start3A_218 : memref<!tpu.dma_semaphore, #tpu.memory_space<semaphore_mem>>)
        } else {
        }
        %rem3A = arith.constant 8 : i32
        %rem3A_177 = arith.remsi %scan3A_165, %rem3A : i32
        %dma_wait3A_178 = arith.constant 0 : i32
        %dma_wait3A_179 = arith.constant 0 : i32
        %dma_wait3A_180 = tpu.memref_slice %arg10[%rem3A_177, %dma_wait3A_178, %dma_wait3A_179] : memref<8x128x32xf32, #tpu.memory_space<vmem>> -> memref<1x128x32xf32, #tpu.memory_space<vmem>>
        %dma_wait3A_181 = tpu.memref_squeeze %dma_wait3A_180 : memref<1x128x32xf32, #tpu.memory_space<vmem>> -> memref<128x32xf32, #tpu.memory_space<vmem>>
        %dma_wait3A_182 = arith.constant 0 : i32
        %dma_wait3A_183 = tpu.memref_slice %arg8[%scan3A_165, %dma_wait3A_182] : memref<160x128xi32, #tpu.memory_space<vmem>> -> memref<1x128xi32, #tpu.memory_space<vmem>>
        %dma_wait3A_184 = tpu.memref_squeeze %dma_wait3A_183 : memref<1x128xi32, #tpu.memory_space<vmem>> -> memref<128xi32, #tpu.memory_space<vmem>>
        %dma_wait3A_185 = arith.constant 0 : i32
        %dma_wait3A_186 = arith.constant 0 : i32
        %dma_wait3A_187 = tpu.memref_slice %arg14[%dma_wait3A_185, %dma_wait3A_186] : memref<10000x32xf32, #tpu.memory_space<vmem_shared>> -> memref<10000x32xf32, #tpu.memory_space<vmem_shared>>
        %dma_wait3A_188 = tpu.memref_slice %arg12[%rem3A_177] : memref<8x!tpu.dma_semaphore, #tpu.memory_space<semaphore_mem>> -> memref<1x!tpu.dma_semaphore, #tpu.memory_space<semaphore_mem>>
        %dma_wait3A_189 = tpu.memref_squeeze %dma_wait3A_188 : memref<1x!tpu.dma_semaphore, #tpu.memory_space<semaphore_mem>> -> memref<!tpu.dma_semaphore, #tpu.memory_space<semaphore_mem>>
        tpu.wait_indirect_dma semaphore(%dma_wait3A_189 : memref<!tpu.dma_semaphore, #tpu.memory_space<semaphore_mem>>) src(%dma_wait3A_187 : memref<10000x32xf32, #tpu.memory_space<vmem_shared>>) dst(%dma_wait3A_181 : memref<128x32xf32, #tpu.memory_space<vmem>>)
        %dma_start3A_190 = arith.constant 0 : i32
        %dma_start3A_191 = arith.constant 0 : i32
        %dma_start3A_192 = tpu.memref_slice %arg10[%rem3A_177, %dma_start3A_190, %dma_start3A_191] : memref<8x128x32xf32, #tpu.memory_space<vmem>> -> memref<1x128x32xf32, #tpu.memory_space<vmem>>
        %dma_start3A_193 = tpu.memref_squeeze %dma_start3A_192 : memref<1x128x32xf32, #tpu.memory_space<vmem>> -> memref<128x32xf32, #tpu.memory_space<vmem>>
        %dma_start3A_194 = arith.constant 0 : i32
        %dma_start3A_195 = tpu.memref_slice %arg9[%scan3A_165, %dma_start3A_194] : memref<160x128xi32, #tpu.memory_space<vmem>> -> memref<1x128xi32, #tpu.memory_space<vmem>>
        %dma_start3A_196 = tpu.memref_squeeze %dma_start3A_195 : memref<1x128xi32, #tpu.memory_space<vmem>> -> memref<128xi32, #tpu.memory_space<vmem>>
        %dma_start3A_197 = arith.constant 0 : i32
        %dma_start3A_198 = arith.constant 0 : i32
        %dma_start3A_199 = tpu.memref_slice %arg11[%dma_start3A_197, %dma_start3A_198] : memref<10112x32xf32, #tpu.memory_space<vmem_shared>> -> memref<10112x32xf32, #tpu.memory_space<vmem_shared>>
        %dma_start3A_200 = tpu.memref_slice %arg13[%rem3A_177] : memref<8x!tpu.dma_semaphore, #tpu.memory_space<semaphore_mem>> -> memref<1x!tpu.dma_semaphore, #tpu.memory_space<semaphore_mem>>
        %dma_start3A_201 = tpu.memref_squeeze %dma_start3A_200 : memref<1x!tpu.dma_semaphore, #tpu.memory_space<semaphore_mem>> -> memref<!tpu.dma_semaphore, #tpu.memory_space<semaphore_mem>>
        tpu.enqueue_indirect_dma source(%dma_start3A_193 : memref<128x32xf32, #tpu.memory_space<vmem>>) target(%dma_start3A_199 : memref<10112x32xf32, #tpu.memory_space<vmem_shared>>) offsets(%dma_start3A_196 : memref<128xi32, #tpu.memory_space<vmem>>) semaphore(%dma_start3A_201 : memref<!tpu.dma_semaphore, #tpu.memory_space<semaphore_mem>>) {add = true}
        %scan3A_202 = arith.constant 0 : i32
        scf.yield %scan3A_202 : i32
      }
      %scan3A_135 = arith.constant 160 : i32
      %dma_wait3A = arith.constant 6 : i32
      %dma_wait3A_136 = arith.constant 158 : i32
      %dma_wait3A_137 = arith.constant 6 : i32
      %dma_wait3A_138 = arith.constant 0 : i32
      %dma_wait3A_139 = arith.constant 0 : i32
      %dma_wait3A_140 = tpu.memref_slice %arg10[%dma_wait3A, %dma_wait3A_138, %dma_wait3A_139] : memref<8x128x32xf32, #tpu.memory_space<vmem>> -> memref<1x128x32xf32, #tpu.memory_space<vmem>>
      %dma_wait3A_141 = tpu.memref_squeeze %dma_wait3A_140 : memref<1x128x32xf32, #tpu.memory_space<vmem>> -> memref<128x32xf32, #tpu.memory_space<vmem>>
      %dma_wait3A_142 = arith.constant 0 : i32
      %dma_wait3A_143 = tpu.memref_slice %arg9[%dma_wait3A_136, %dma_wait3A_142] : memref<160x128xi32, #tpu.memory_space<vmem>> -> memref<1x128xi32, #tpu.memory_space<vmem>>
      %dma_wait3A_144 = tpu.memref_squeeze %dma_wait3A_143 : memref<1x128xi32, #tpu.memory_space<vmem>> -> memref<128xi32, #tpu.memory_space<vmem>>
      %dma_wait3A_145 = arith.constant 0 : i32
      %dma_wait3A_146 = arith.constant 0 : i32
      %dma_wait3A_147 = tpu.memref_slice %arg11[%dma_wait3A_145, %dma_wait3A_146] : memref<10112x32xf32, #tpu.memory_space<vmem_shared>> -> memref<10112x32xf32, #tpu.memory_space<vmem_shared>>
      %dma_wait3A_148 = tpu.memref_slice %arg13[%dma_wait3A_137] : memref<8x!tpu.dma_semaphore, #tpu.memory_space<semaphore_mem>> -> memref<1x!tpu.dma_semaphore, #tpu.memory_space<semaphore_mem>>
      %dma_wait3A_149 = tpu.memref_squeeze %dma_wait3A_148 : memref<1x!tpu.dma_semaphore, #tpu.memory_space<semaphore_mem>> -> memref<!tpu.dma_semaphore, #tpu.memory_space<semaphore_mem>>
      tpu.wait_indirect_dma semaphore(%dma_wait3A_149 : memref<!tpu.dma_semaphore, #tpu.memory_space<semaphore_mem>>) src(%dma_wait3A_141 : memref<128x32xf32, #tpu.memory_space<vmem>>) dst(%dma_wait3A_147 : memref<10112x32xf32, #tpu.memory_space<vmem_shared>>)
      %dma_wait3A_150 = arith.constant 7 : i32
      %dma_wait3A_151 = arith.constant 159 : i32
      %dma_wait3A_152 = arith.constant 7 : i32
      %dma_wait3A_153 = arith.constant 0 : i32
      %dma_wait3A_154 = arith.constant 0 : i32
      %dma_wait3A_155 = tpu.memref_slice %arg10[%dma_wait3A_150, %dma_wait3A_153, %dma_wait3A_154] : memref<8x128x32xf32, #tpu.memory_space<vmem>> -> memref<1x128x32xf32, #tpu.memory_space<vmem>>
      %dma_wait3A_156 = tpu.memref_squeeze %dma_wait3A_155 : memref<1x128x32xf32, #tpu.memory_space<vmem>> -> memref<128x32xf32, #tpu.memory_space<vmem>>
      %dma_wait3A_157 = arith.constant 0 : i32
      %dma_wait3A_158 = tpu.memref_slice %arg9[%dma_wait3A_151, %dma_wait3A_157] : memref<160x128xi32, #tpu.memory_space<vmem>> -> memref<1x128xi32, #tpu.memory_space<vmem>>
      %dma_wait3A_159 = tpu.memref_squeeze %dma_wait3A_158 : memref<1x128xi32, #tpu.memory_space<vmem>> -> memref<128xi32, #tpu.memory_space<vmem>>
      %dma_wait3A_160 = arith.constant 0 : i32
      %dma_wait3A_161 = arith.constant 0 : i32
      %dma_wait3A_162 = tpu.memref_slice %arg11[%dma_wait3A_160, %dma_wait3A_161] : memref<10112x32xf32, #tpu.memory_space<vmem_shared>> -> memref<10112x32xf32, #tpu.memory_space<vmem_shared>>
      %dma_wait3A_163 = tpu.memref_slice %arg13[%dma_wait3A_152] : memref<8x!tpu.dma_semaphore, #tpu.memory_space<semaphore_mem>> -> memref<1x!tpu.dma_semaphore, #tpu.memory_space<semaphore_mem>>
      %dma_wait3A_164 = tpu.memref_squeeze %dma_wait3A_163 : memref<1x!tpu.dma_semaphore, #tpu.memory_space<semaphore_mem>> -> memref<!tpu.dma_semaphore, #tpu.memory_space<semaphore_mem>>
      tpu.wait_indirect_dma semaphore(%dma_wait3A_164 : memref<!tpu.dma_semaphore, #tpu.memory_space<semaphore_mem>>) src(%dma_wait3A_156 : memref<128x32xf32, #tpu.memory_space<vmem>>) dst(%dma_wait3A_162 : memref<10112x32xf32, #tpu.memory_space<vmem_shared>>)
    } else {
    }
    %barrier3A_24 = arith.constant 0 : index
    tpu.barrier barrier_id(%barrier3A_24)
    %eq3A_25 = arith.constant 0 : i32
    %eq3A_26 = arith.cmpi eq, %arg0, %eq3A_25 : i32
    %lt3A_27 = arith.constant 10 : i32
    %lt3A_28 = arith.cmpi slt, %arg1, %lt3A_27 : i32
    %and3A_29 = arith.andi %eq3A_26, %lt3A_28 : i1
    %convert_element_type3A_30 = arith.extui %and3A_29 : i1 to i32
    %cond3A_31 = arith.constant 0 : i32
    %cond3A_32 = arith.cmpi ne, %convert_element_type3A_30, %cond3A_31 : i32
    scf.if %cond3A_32 {
      %mul3A_41 = arith.constant 1000 : i32
      %mul3A_42 = arith.muli %arg1, %mul3A_41 : i32
      %mul3A_43 = arith.constant 1000 : i32
      %mul3A_44 = arith.muli %arg1, %mul3A_43 : i32
      "tpu.region"() ({
        %run_scoped3A = tpu.sem_alloc : memref<!tpu.dma_semaphore, #tpu.memory_space<semaphore_mem>>
        %dma_start3A = arith.constant 0 : i32
        %dma_start3A_45 = tpu.memref_slice %arg6[%mul3A_44, %dma_start3A] : memref<10000x32xf32, #tpu.memory_space<hbm>> -> memref<1000x32xf32, #tpu.memory_space<hbm>>
        %dma_start3A_46 = arith.constant 0 : i32
        %dma_start3A_47 = tpu.memref_slice %arg11[%mul3A_42, %dma_start3A_46] : memref<10112x32xf32, #tpu.memory_space<vmem_shared>> -> memref<1000x32xf32, #tpu.memory_space<vmem_shared>>
        tpu.enqueue_dma source(%dma_start3A_47 : memref<1000x32xf32, #tpu.memory_space<vmem_shared>>) target(%dma_start3A_45 : memref<1000x32xf32, #tpu.memory_space<hbm>>) target_semaphore(%run_scoped3A : memref<!tpu.dma_semaphore, #tpu.memory_space<semaphore_mem>>)
        %dma_wait3A = arith.constant 0 : i32
        %dma_wait3A_48 = tpu.memref_slice %arg6[%mul3A_44, %dma_wait3A] : memref<10000x32xf32, #tpu.memory_space<hbm>> -> memref<1000x32xf32, #tpu.memory_space<hbm>>
        %dma_wait3A_49 = arith.constant 0 : i32
        %dma_wait3A_50 = tpu.memref_slice %arg11[%mul3A_42, %dma_wait3A_49] : memref<10112x32xf32, #tpu.memory_space<vmem_shared>> -> memref<1000x32xf32, #tpu.memory_space<vmem_shared>>
        tpu.wait_dma2 semaphore(%run_scoped3A : memref<!tpu.dma_semaphore, #tpu.memory_space<semaphore_mem>>) src(%dma_wait3A_50 : memref<1000x32xf32, #tpu.memory_space<vmem_shared>>) dst(%dma_wait3A_48 : memref<1000x32xf32, #tpu.memory_space<hbm>>)
        tpu.yield
      }) : () -> ()
    } else {
    }
    %eq3A_33 = arith.constant 1 : i32
    %eq3A_34 = arith.cmpi eq, %arg0, %eq3A_33 : i32
    %lt3A_35 = arith.constant 10 : i32
    %lt3A_36 = arith.cmpi slt, %arg1, %lt3A_35 : i32
    %and3A_37 = arith.andi %eq3A_34, %lt3A_36 : i1
    %convert_element_type3A_38 = arith.extui %and3A_37 : i1 to i32
    %cond3A_39 = arith.constant 0 : i32
    %cond3A_40 = arith.cmpi ne, %convert_element_type3A_38, %cond3A_39 : i32
    scf.if %cond3A_40 {
      %mul3A_41 = arith.constant 1000 : i32
      %mul3A_42 = arith.muli %arg1, %mul3A_41 : i32
      %mul3A_43 = arith.constant 1000 : i32
      %mul3A_44 = arith.muli %arg1, %mul3A_43 : i32
      "tpu.region"() ({
        %run_scoped3A = tpu.sem_alloc : memref<!tpu.dma_semaphore, #tpu.memory_space<semaphore_mem>>
        %dma_start3A = arith.constant 0 : i32
        %dma_start3A_45 = tpu.memref_slice %arg7[%mul3A_44, %dma_start3A] : memref<10000x32xf32, #tpu.memory_space<hbm>> -> memref<1000x32xf32, #tpu.memory_space<hbm>>
        %dma_start3A_46 = arith.constant 0 : i32
        %dma_start3A_47 = tpu.memref_slice %arg11[%mul3A_42, %dma_start3A_46] : memref<10112x32xf32, #tpu.memory_space<vmem_shared>> -> memref<1000x32xf32, #tpu.memory_space<vmem_shared>>
        tpu.enqueue_dma source(%dma_start3A_47 : memref<1000x32xf32, #tpu.memory_space<vmem_shared>>) target(%dma_start3A_45 : memref<1000x32xf32, #tpu.memory_space<hbm>>) target_semaphore(%run_scoped3A : memref<!tpu.dma_semaphore, #tpu.memory_space<semaphore_mem>>)
        %dma_wait3A = arith.constant 0 : i32
        %dma_wait3A_48 = tpu.memref_slice %arg7[%mul3A_44, %dma_wait3A] : memref<10000x32xf32, #tpu.memory_space<hbm>> -> memref<1000x32xf32, #tpu.memory_space<hbm>>
        %dma_wait3A_49 = arith.constant 0 : i32
        %dma_wait3A_50 = tpu.memref_slice %arg11[%mul3A_42, %dma_wait3A_49] : memref<10112x32xf32, #tpu.memory_space<vmem_shared>> -> memref<1000x32xf32, #tpu.memory_space<vmem_shared>>
        tpu.wait_dma2 semaphore(%run_scoped3A : memref<!tpu.dma_semaphore, #tpu.memory_space<semaphore_mem>>) src(%dma_wait3A_50 : memref<1000x32xf32, #tpu.memory_space<vmem_shared>>) dst(%dma_wait3A_48 : memref<1000x32xf32, #tpu.memory_space<hbm>>)
        tpu.yield
      }) : () -> ()
    } else {
    }
    return
  }
}

#map = affine_map<(d0, d1) -> (0, 0)>
module attributes {stable_mosaic.version = 14 : i64} {
  func.func @k(%arg0: i32, %arg1: i32, %arg2: memref<10000x32xf32, #tpu.memory_space<hbm>>, %arg3: memref<10000x32xf32, #tpu.memory_space<hbm>>, %arg4: memref<2560x128xi32, #tpu.memory_space<hbm>>, %arg5: memref<2560x128xi32, #tpu.memory_space<hbm>>, %arg6: memref<10000x32xf32, #tpu.memory_space<hbm>>, %arg7: memref<10000x32xf32, #tpu.memory_space<hbm>>, %arg8: memref<160x128xi32, #tpu.memory_space<vmem>>, %arg9: memref<160x128xi32, #tpu.memory_space<vmem>>, %arg10: memref<8x128x32xf32, #tpu.memory_space<vmem>>, %arg11: memref<10112x32xf32, #tpu.memory_space<vmem_shared>>, %arg12: memref<8x!tpu.dma_semaphore, #tpu.memory_space<semaphore_mem>>, %arg13: memref<8x!tpu.dma_semaphore, #tpu.memory_space<semaphore_mem>>, %arg14: memref<10000x32xf32, #tpu.memory_space<vmem_shared>>) attributes {dimension_semantics = [#tpu.dimension_semantics<core_parallel>, #tpu.dimension_semantics<subcore_parallel>], iteration_bounds = array<i64: 2, 16>, scalar_prefetch = 0 : i64, scratch_operands = 7 : i64, tpu.core_type = #tpu.core_type<sc_vector_subcore>, window_params = [{transform_indices = #map}, {transform_indices = #map}, {transform_indices = #map}, {transform_indices = #map}, {transform_indices = #map}, {transform_indices = #map}]} {
    %mul3A = arith.constant 160 : i32
    %mul3A_0 = arith.muli %arg1, %mul3A : i32
    "tpu.region"() ({
      %run_scoped3A = tpu.sem_alloc : memref<!tpu.dma_semaphore, #tpu.memory_space<semaphore_mem>>
      %dma_start3A = arith.constant 0 : i32
      %dma_start3A_41 = tpu.memref_slice %arg4[%mul3A_0, %dma_start3A] : memref<2560x128xi32, #tpu.memory_space<hbm>> -> memref<160x128xi32, #tpu.memory_space<hbm>>
      %dma_start3A_42 = arith.constant 0 : i32
      %dma_start3A_43 = tpu.memref_slice %arg4[%mul3A_0, %dma_start3A_42] : memref<2560x128xi32, #tpu.memory_space<hbm>> -> memref<160x128xi32, #tpu.memory_space<hbm>>
      tpu.enqueue_dma source(%dma_start3A_43 : memref<160x128xi32, #tpu.memory_space<hbm>>) target(%arg8 : memref<160x128xi32, #tpu.memory_space<vmem>>) target_semaphore(%run_scoped3A : memref<!tpu.dma_semaphore, #tpu.memory_space<semaphore_mem>>)
      %dma_wait3A = arith.constant 0 : i32
      %dma_wait3A_44 = tpu.memref_slice %arg4[%mul3A_0, %dma_wait3A] : memref<2560x128xi32, #tpu.memory_space<hbm>> -> memref<160x128xi32, #tpu.memory_space<hbm>>
      %dma_wait3A_45 = arith.constant 0 : i32
      %dma_wait3A_46 = tpu.memref_slice %arg4[%mul3A_0, %dma_wait3A_45] : memref<2560x128xi32, #tpu.memory_space<hbm>> -> memref<160x128xi32, #tpu.memory_space<hbm>>
      tpu.wait_dma2 semaphore(%run_scoped3A : memref<!tpu.dma_semaphore, #tpu.memory_space<semaphore_mem>>) src(%dma_wait3A_46 : memref<160x128xi32, #tpu.memory_space<hbm>>) dst(%arg8 : memref<160x128xi32, #tpu.memory_space<vmem>>)
      tpu.yield
    }) : () -> ()
    %mul3A_1 = arith.constant 160 : i32
    %mul3A_2 = arith.muli %arg1, %mul3A_1 : i32
    "tpu.region"() ({
      %run_scoped3A = tpu.sem_alloc : memref<!tpu.dma_semaphore, #tpu.memory_space<semaphore_mem>>
      %dma_start3A = arith.constant 0 : i32
      %dma_start3A_41 = tpu.memref_slice %arg5[%mul3A_2, %dma_start3A] : memref<2560x128xi32, #tpu.memory_space<hbm>> -> memref<160x128xi32, #tpu.memory_space<hbm>>
      %dma_start3A_42 = arith.constant 0 : i32
      %dma_start3A_43 = tpu.memref_slice %arg5[%mul3A_2, %dma_start3A_42] : memref<2560x128xi32, #tpu.memory_space<hbm>> -> memref<160x128xi32, #tpu.memory_space<hbm>>
      tpu.enqueue_dma source(%dma_start3A_43 : memref<160x128xi32, #tpu.memory_space<hbm>>) target(%arg9 : memref<160x128xi32, #tpu.memory_space<vmem>>) target_semaphore(%run_scoped3A : memref<!tpu.dma_semaphore, #tpu.memory_space<semaphore_mem>>)
      %dma_wait3A = arith.constant 0 : i32
      %dma_wait3A_44 = tpu.memref_slice %arg5[%mul3A_2, %dma_wait3A] : memref<2560x128xi32, #tpu.memory_space<hbm>> -> memref<160x128xi32, #tpu.memory_space<hbm>>
      %dma_wait3A_45 = arith.constant 0 : i32
      %dma_wait3A_46 = tpu.memref_slice %arg5[%mul3A_2, %dma_wait3A_45] : memref<2560x128xi32, #tpu.memory_space<hbm>> -> memref<160x128xi32, #tpu.memory_space<hbm>>
      tpu.wait_dma2 semaphore(%run_scoped3A : memref<!tpu.dma_semaphore, #tpu.memory_space<semaphore_mem>>) src(%dma_wait3A_46 : memref<160x128xi32, #tpu.memory_space<hbm>>) dst(%arg9 : memref<160x128xi32, #tpu.memory_space<vmem>>)
      tpu.yield
    }) : () -> ()
    %eq3A = arith.constant 0 : i32
    %eq3A_3 = arith.cmpi eq, %arg0, %eq3A : i32
    %lt3A = arith.constant 10 : i32
    %lt3A_4 = arith.cmpi slt, %arg1, %lt3A : i32
    %and3A = arith.andi %eq3A_3, %lt3A_4 : i1
    %convert_element_type3A = arith.extui %and3A : i1 to i32
    %cond3A = arith.constant 0 : i32
    %cond3A_5 = arith.cmpi ne, %convert_element_type3A, %cond3A : i32
    scf.if %cond3A_5 {
      %mul3A_41 = arith.constant 1000 : i32
      %mul3A_42 = arith.muli %arg1, %mul3A_41 : i32
      %mul3A_43 = arith.constant 1000 : i32
      %mul3A_44 = arith.muli %arg1, %mul3A_43 : i32
      "tpu.region"() ({
        %run_scoped3A = tpu.sem_alloc : memref<!tpu.dma_semaphore, #tpu.memory_space<semaphore_mem>>
        %dma_start3A = arith.constant 0 : i32
        %dma_start3A_49 = tpu.memref_slice %arg11[%mul3A_44, %dma_start3A] : memref<10112x32xf32, #tpu.memory_space<vmem_shared>> -> memref<1000x32xf32, #tpu.memory_space<vmem_shared>>
        %dma_start3A_50 = arith.constant 0 : i32
        %dma_start3A_51 = tpu.memref_slice %arg2[%mul3A_42, %dma_start3A_50] : memref<10000x32xf32, #tpu.memory_space<hbm>> -> memref<1000x32xf32, #tpu.memory_space<hbm>>
        tpu.enqueue_dma source(%dma_start3A_51 : memref<1000x32xf32, #tpu.memory_space<hbm>>) target(%dma_start3A_49 : memref<1000x32xf32, #tpu.memory_space<vmem_shared>>) target_semaphore(%run_scoped3A : memref<!tpu.dma_semaphore, #tpu.memory_space<semaphore_mem>>)
        %dma_wait3A = arith.constant 0 : i32
        %dma_wait3A_52 = tpu.memref_slice %arg11[%mul3A_44, %dma_wait3A] : memref<10112x32xf32, #tpu.memory_space<vmem_shared>> -> memref<1000x32xf32, #tpu.memory_space<vmem_shared>>
        %dma_wait3A_53 = arith.constant 0 : i32
        %dma_wait3A_54 = tpu.memref_slice %arg2[%mul3A_42, %dma_wait3A_53] : memref<10000x32xf32, #tpu.memory_space<hbm>> -> memref<1000x32xf32, #tpu.memory_space<hbm>>
        tpu.wait_dma2 semaphore(%run_scoped3A : memref<!tpu.dma_semaphore, #tpu.memory_space<semaphore_mem>>) src(%dma_wait3A_54 : memref<1000x32xf32, #tpu.memory_space<hbm>>) dst(%dma_wait3A_52 : memref<1000x32xf32, #tpu.memory_space<vmem_shared>>)
        tpu.yield
      }) : () -> ()
      %mul3A_45 = arith.constant 1000 : i32
      %mul3A_46 = arith.muli %arg1, %mul3A_45 : i32
      %mul3A_47 = arith.constant 1000 : i32
      %mul3A_48 = arith.muli %arg1, %mul3A_47 : i32
      "tpu.region"() ({
        %run_scoped3A = tpu.sem_alloc : memref<!tpu.dma_semaphore, #tpu.memory_space<semaphore_mem>>
        %dma_start3A = arith.constant 0 : i32
        %dma_start3A_49 = tpu.memref_slice %arg14[%mul3A_48, %dma_start3A] : memref<10000x32xf32, #tpu.memory_space<vmem_shared>> -> memref<1000x32xf32, #tpu.memory_space<vmem_shared>>
        %dma_start3A_50 = arith.constant 0 : i32
        %dma_start3A_51 = tpu.memref_slice %arg2[%mul3A_46, %dma_start3A_50] : memref<10000x32xf32, #tpu.memory_space<hbm>> -> memref<1000x32xf32, #tpu.memory_space<hbm>>
        tpu.enqueue_dma source(%dma_start3A_51 : memref<1000x32xf32, #tpu.memory_space<hbm>>) target(%dma_start3A_49 : memref<1000x32xf32, #tpu.memory_space<vmem_shared>>) target_semaphore(%run_scoped3A : memref<!tpu.dma_semaphore, #tpu.memory_space<semaphore_mem>>)
        %dma_wait3A = arith.constant 0 : i32
        %dma_wait3A_52 = tpu.memref_slice %arg14[%mul3A_48, %dma_wait3A] : memref<10000x32xf32, #tpu.memory_space<vmem_shared>> -> memref<1000x32xf32, #tpu.memory_space<vmem_shared>>
        %dma_wait3A_53 = arith.constant 0 : i32
        %dma_wait3A_54 = tpu.memref_slice %arg2[%mul3A_46, %dma_wait3A_53] : memref<10000x32xf32, #tpu.memory_space<hbm>> -> memref<1000x32xf32, #tpu.memory_space<hbm>>
        tpu.wait_dma2 semaphore(%run_scoped3A : memref<!tpu.dma_semaphore, #tpu.memory_space<semaphore_mem>>) src(%dma_wait3A_54 : memref<1000x32xf32, #tpu.memory_space<hbm>>) dst(%dma_wait3A_52 : memref<1000x32xf32, #tpu.memory_space<vmem_shared>>)
        tpu.yield
      }) : () -> ()
    } else {
    }
    %eq3A_6 = arith.constant 1 : i32
    %eq3A_7 = arith.cmpi eq, %arg0, %eq3A_6 : i32
    %lt3A_8 = arith.constant 10 : i32
    %lt3A_9 = arith.cmpi slt, %arg1, %lt3A_8 : i32
    %and3A_10 = arith.andi %eq3A_7, %lt3A_9 : i1
    %convert_element_type3A_11 = arith.extui %and3A_10 : i1 to i32
    %cond3A_12 = arith.constant 0 : i32
    %cond3A_13 = arith.cmpi ne, %convert_element_type3A_11, %cond3A_12 : i32
    scf.if %cond3A_13 {
      %mul3A_41 = arith.constant 1000 : i32
      %mul3A_42 = arith.muli %arg1, %mul3A_41 : i32
      %mul3A_43 = arith.constant 1000 : i32
      %mul3A_44 = arith.muli %arg1, %mul3A_43 : i32
      "tpu.region"() ({
        %run_scoped3A = tpu.sem_alloc : memref<!tpu.dma_semaphore, #tpu.memory_space<semaphore_mem>>
        %dma_start3A = arith.constant 0 : i32
        %dma_start3A_49 = tpu.memref_slice %arg11[%mul3A_44, %dma_start3A] : memref<10112x32xf32, #tpu.memory_space<vmem_shared>> -> memref<1000x32xf32, #tpu.memory_space<vmem_shared>>
        %dma_start3A_50 = arith.constant 0 : i32
        %dma_start3A_51 = tpu.memref_slice %arg3[%mul3A_42, %dma_start3A_50] : memref<10000x32xf32, #tpu.memory_space<hbm>> -> memref<1000x32xf32, #tpu.memory_space<hbm>>
        tpu.enqueue_dma source(%dma_start3A_51 : memref<1000x32xf32, #tpu.memory_space<hbm>>) target(%dma_start3A_49 : memref<1000x32xf32, #tpu.memory_space<vmem_shared>>) target_semaphore(%run_scoped3A : memref<!tpu.dma_semaphore, #tpu.memory_space<semaphore_mem>>)
        %dma_wait3A = arith.constant 0 : i32
        %dma_wait3A_52 = tpu.memref_slice %arg11[%mul3A_44, %dma_wait3A] : memref<10112x32xf32, #tpu.memory_space<vmem_shared>> -> memref<1000x32xf32, #tpu.memory_space<vmem_shared>>
        %dma_wait3A_53 = arith.constant 0 : i32
        %dma_wait3A_54 = tpu.memref_slice %arg3[%mul3A_42, %dma_wait3A_53] : memref<10000x32xf32, #tpu.memory_space<hbm>> -> memref<1000x32xf32, #tpu.memory_space<hbm>>
        tpu.wait_dma2 semaphore(%run_scoped3A : memref<!tpu.dma_semaphore, #tpu.memory_space<semaphore_mem>>) src(%dma_wait3A_54 : memref<1000x32xf32, #tpu.memory_space<hbm>>) dst(%dma_wait3A_52 : memref<1000x32xf32, #tpu.memory_space<vmem_shared>>)
        tpu.yield
      }) : () -> ()
      %mul3A_45 = arith.constant 1000 : i32
      %mul3A_46 = arith.muli %arg1, %mul3A_45 : i32
      %mul3A_47 = arith.constant 1000 : i32
      %mul3A_48 = arith.muli %arg1, %mul3A_47 : i32
      "tpu.region"() ({
        %run_scoped3A = tpu.sem_alloc : memref<!tpu.dma_semaphore, #tpu.memory_space<semaphore_mem>>
        %dma_start3A = arith.constant 0 : i32
        %dma_start3A_49 = tpu.memref_slice %arg14[%mul3A_48, %dma_start3A] : memref<10000x32xf32, #tpu.memory_space<vmem_shared>> -> memref<1000x32xf32, #tpu.memory_space<vmem_shared>>
        %dma_start3A_50 = arith.constant 0 : i32
        %dma_start3A_51 = tpu.memref_slice %arg3[%mul3A_46, %dma_start3A_50] : memref<10000x32xf32, #tpu.memory_space<hbm>> -> memref<1000x32xf32, #tpu.memory_space<hbm>>
        tpu.enqueue_dma source(%dma_start3A_51 : memref<1000x32xf32, #tpu.memory_space<hbm>>) target(%dma_start3A_49 : memref<1000x32xf32, #tpu.memory_space<vmem_shared>>) target_semaphore(%run_scoped3A : memref<!tpu.dma_semaphore, #tpu.memory_space<semaphore_mem>>)
        %dma_wait3A = arith.constant 0 : i32
        %dma_wait3A_52 = tpu.memref_slice %arg14[%mul3A_48, %dma_wait3A] : memref<10000x32xf32, #tpu.memory_space<vmem_shared>> -> memref<1000x32xf32, #tpu.memory_space<vmem_shared>>
        %dma_wait3A_53 = arith.constant 0 : i32
        %dma_wait3A_54 = tpu.memref_slice %arg3[%mul3A_46, %dma_wait3A_53] : memref<10000x32xf32, #tpu.memory_space<hbm>> -> memref<1000x32xf32, #tpu.memory_space<hbm>>
        tpu.wait_dma2 semaphore(%run_scoped3A : memref<!tpu.dma_semaphore, #tpu.memory_space<semaphore_mem>>) src(%dma_wait3A_54 : memref<1000x32xf32, #tpu.memory_space<hbm>>) dst(%dma_wait3A_52 : memref<1000x32xf32, #tpu.memory_space<vmem_shared>>)
        tpu.yield
      }) : () -> ()
    } else {
    }
    %barrier3A = arith.constant 0 : index
    tpu.barrier barrier_id(%barrier3A)
    %eq3A_14 = arith.constant 0 : i32
    %eq3A_15 = arith.cmpi eq, %arg0, %eq3A_14 : i32
    %convert_element_type3A_16 = arith.extui %eq3A_15 : i1 to i32
    %cond3A_17 = arith.constant 0 : i32
    %cond3A_18 = arith.cmpi ne, %convert_element_type3A_16, %cond3A_17 : i32
    scf.if %cond3A_18 {
      %dma_start3A = arith.constant 0 : i32
      %dma_start3A_41 = arith.constant 0 : i32
      %dma_start3A_42 = arith.constant 0 : i32
      %dma_start3A_43 = arith.constant 0 : i32
      %dma_start3A_44 = arith.constant 0 : i32
      %dma_start3A_45 = tpu.memref_slice %arg10[%dma_start3A_41, %dma_start3A_43, %dma_start3A_44] : memref<8x128x32xf32, #tpu.memory_space<vmem>> -> memref<1x128x32xf32, #tpu.memory_space<vmem>>
      %dma_start3A_46 = tpu.memref_squeeze %dma_start3A_45 : memref<1x128x32xf32, #tpu.memory_space<vmem>> -> memref<128x32xf32, #tpu.memory_space<vmem>>
      %dma_start3A_47 = arith.constant 0 : i32
      %dma_start3A_48 = tpu.memref_slice %arg8[%dma_start3A, %dma_start3A_47] : memref<160x128xi32, #tpu.memory_space<vmem>> -> memref<1x128xi32, #tpu.memory_space<vmem>>
      %dma_start3A_49 = tpu.memref_squeeze %dma_start3A_48 : memref<1x128xi32, #tpu.memory_space<vmem>> -> memref<128xi32, #tpu.memory_space<vmem>>
      %dma_start3A_50 = arith.constant 0 : i32
      %dma_start3A_51 = arith.constant 0 : i32
      %dma_start3A_52 = tpu.memref_slice %arg14[%dma_start3A_50, %dma_start3A_51] : memref<10000x32xf32, #tpu.memory_space<vmem_shared>> -> memref<10000x32xf32, #tpu.memory_space<vmem_shared>>
      %dma_start3A_53 = tpu.memref_slice %arg12[%dma_start3A_42] : memref<8x!tpu.dma_semaphore, #tpu.memory_space<semaphore_mem>> -> memref<1x!tpu.dma_semaphore, #tpu.memory_space<semaphore_mem>>
      %dma_start3A_54 = tpu.memref_squeeze %dma_start3A_53 : memref<1x!tpu.dma_semaphore, #tpu.memory_space<semaphore_mem>> -> memref<!tpu.dma_semaphore, #tpu.memory_space<semaphore_mem>>
      tpu.enqueue_indirect_dma source(%dma_start3A_52 : memref<10000x32xf32, #tpu.memory_space<vmem_shared>>) target(%dma_start3A_46 : memref<128x32xf32, #tpu.memory_space<vmem>>) offsets(%dma_start3A_49 : memref<128xi32, #tpu.memory_space<vmem>>) semaphore(%dma_start3A_54 : memref<!tpu.dma_semaphore, #tpu.memory_space<semaphore_mem>>)
      %dma_start3A_55 = arith.constant 1 : i32
      %dma_start3A_56 = arith.constant 1 : i32
      %dma_start3A_57 = arith.constant 1 : i32
      %dma_start3A_58 = arith.constant 0 : i32
      %dma_start3A_59 = arith.constant 0 : i32
      %dma_start3A_60 = tpu.memref_slice %arg10[%dma_start3A_56, %dma_start3A_58, %dma_start3A_59] : memref<8x128x32xf32, #tpu.memory_space<vmem>> -> memref<1x128x32xf32, #tpu.memory_space<vmem>>
      %dma_start3A_61 = tpu.memref_squeeze %dma_start3A_60 : memref<1x128x32xf32, #tpu.memory_space<vmem>> -> memref<128x32xf32, #tpu.memory_space<vmem>>
      %dma_start3A_62 = arith.constant 0 : i32
      %dma_start3A_63 = tpu.memref_slice %arg8[%dma_start3A_55, %dma_start3A_62] : memref<160x128xi32, #tpu.memory_space<vmem>> -> memref<1x128xi32, #tpu.memory_space<vmem>>
      %dma_start3A_64 = tpu.memref_squeeze %dma_start3A_63 : memref<1x128xi32, #tpu.memory_space<vmem>> -> memref<128xi32, #tpu.memory_space<vmem>>
      %dma_start3A_65 = arith.constant 0 : i32
      %dma_start3A_66 = arith.constant 0 : i32
      %dma_start3A_67 = tpu.memref_slice %arg14[%dma_start3A_65, %dma_start3A_66] : memref<10000x32xf32, #tpu.memory_space<vmem_shared>> -> memref<10000x32xf32, #tpu.memory_space<vmem_shared>>
      %dma_start3A_68 = tpu.memref_slice %arg12[%dma_start3A_57] : memref<8x!tpu.dma_semaphore, #tpu.memory_space<semaphore_mem>> -> memref<1x!tpu.dma_semaphore, #tpu.memory_space<semaphore_mem>>
      %dma_start3A_69 = tpu.memref_squeeze %dma_start3A_68 : memref<1x!tpu.dma_semaphore, #tpu.memory_space<semaphore_mem>> -> memref<!tpu.dma_semaphore, #tpu.memory_space<semaphore_mem>>
      tpu.enqueue_indirect_dma source(%dma_start3A_67 : memref<10000x32xf32, #tpu.memory_space<vmem_shared>>) target(%dma_start3A_61 : memref<128x32xf32, #tpu.memory_space<vmem>>) offsets(%dma_start3A_64 : memref<128xi32, #tpu.memory_space<vmem>>) semaphore(%dma_start3A_69 : memref<!tpu.dma_semaphore, #tpu.memory_space<semaphore_mem>>)
      %dma_start3A_70 = arith.constant 2 : i32
      %dma_start3A_71 = arith.constant 2 : i32
      %dma_start3A_72 = arith.constant 2 : i32
      %dma_start3A_73 = arith.constant 0 : i32
      %dma_start3A_74 = arith.constant 0 : i32
      %dma_start3A_75 = tpu.memref_slice %arg10[%dma_start3A_71, %dma_start3A_73, %dma_start3A_74] : memref<8x128x32xf32, #tpu.memory_space<vmem>> -> memref<1x128x32xf32, #tpu.memory_space<vmem>>
      %dma_start3A_76 = tpu.memref_squeeze %dma_start3A_75 : memref<1x128x32xf32, #tpu.memory_space<vmem>> -> memref<128x32xf32, #tpu.memory_space<vmem>>
      %dma_start3A_77 = arith.constant 0 : i32
      %dma_start3A_78 = tpu.memref_slice %arg8[%dma_start3A_70, %dma_start3A_77] : memref<160x128xi32, #tpu.memory_space<vmem>> -> memref<1x128xi32, #tpu.memory_space<vmem>>
      %dma_start3A_79 = tpu.memref_squeeze %dma_start3A_78 : memref<1x128xi32, #tpu.memory_space<vmem>> -> memref<128xi32, #tpu.memory_space<vmem>>
      %dma_start3A_80 = arith.constant 0 : i32
      %dma_start3A_81 = arith.constant 0 : i32
      %dma_start3A_82 = tpu.memref_slice %arg14[%dma_start3A_80, %dma_start3A_81] : memref<10000x32xf32, #tpu.memory_space<vmem_shared>> -> memref<10000x32xf32, #tpu.memory_space<vmem_shared>>
      %dma_start3A_83 = tpu.memref_slice %arg12[%dma_start3A_72] : memref<8x!tpu.dma_semaphore, #tpu.memory_space<semaphore_mem>> -> memref<1x!tpu.dma_semaphore, #tpu.memory_space<semaphore_mem>>
      %dma_start3A_84 = tpu.memref_squeeze %dma_start3A_83 : memref<1x!tpu.dma_semaphore, #tpu.memory_space<semaphore_mem>> -> memref<!tpu.dma_semaphore, #tpu.memory_space<semaphore_mem>>
      tpu.enqueue_indirect_dma source(%dma_start3A_82 : memref<10000x32xf32, #tpu.memory_space<vmem_shared>>) target(%dma_start3A_76 : memref<128x32xf32, #tpu.memory_space<vmem>>) offsets(%dma_start3A_79 : memref<128xi32, #tpu.memory_space<vmem>>) semaphore(%dma_start3A_84 : memref<!tpu.dma_semaphore, #tpu.memory_space<semaphore_mem>>)
      %dma_start3A_85 = arith.constant 3 : i32
      %dma_start3A_86 = arith.constant 3 : i32
      %dma_start3A_87 = arith.constant 3 : i32
      %dma_start3A_88 = arith.constant 0 : i32
      %dma_start3A_89 = arith.constant 0 : i32
      %dma_start3A_90 = tpu.memref_slice %arg10[%dma_start3A_86, %dma_start3A_88, %dma_start3A_89] : memref<8x128x32xf32, #tpu.memory_space<vmem>> -> memref<1x128x32xf32, #tpu.memory_space<vmem>>
      %dma_start3A_91 = tpu.memref_squeeze %dma_start3A_90 : memref<1x128x32xf32, #tpu.memory_space<vmem>> -> memref<128x32xf32, #tpu.memory_space<vmem>>
      %dma_start3A_92 = arith.constant 0 : i32
      %dma_start3A_93 = tpu.memref_slice %arg8[%dma_start3A_85, %dma_start3A_92] : memref<160x128xi32, #tpu.memory_space<vmem>> -> memref<1x128xi32, #tpu.memory_space<vmem>>
      %dma_start3A_94 = tpu.memref_squeeze %dma_start3A_93 : memref<1x128xi32, #tpu.memory_space<vmem>> -> memref<128xi32, #tpu.memory_space<vmem>>
      %dma_start3A_95 = arith.constant 0 : i32
      %dma_start3A_96 = arith.constant 0 : i32
      %dma_start3A_97 = tpu.memref_slice %arg14[%dma_start3A_95, %dma_start3A_96] : memref<10000x32xf32, #tpu.memory_space<vmem_shared>> -> memref<10000x32xf32, #tpu.memory_space<vmem_shared>>
      %dma_start3A_98 = tpu.memref_slice %arg12[%dma_start3A_87] : memref<8x!tpu.dma_semaphore, #tpu.memory_space<semaphore_mem>> -> memref<1x!tpu.dma_semaphore, #tpu.memory_space<semaphore_mem>>
      %dma_start3A_99 = tpu.memref_squeeze %dma_start3A_98 : memref<1x!tpu.dma_semaphore, #tpu.memory_space<semaphore_mem>> -> memref<!tpu.dma_semaphore, #tpu.memory_space<semaphore_mem>>
      tpu.enqueue_indirect_dma source(%dma_start3A_97 : memref<10000x32xf32, #tpu.memory_space<vmem_shared>>) target(%dma_start3A_91 : memref<128x32xf32, #tpu.memory_space<vmem>>) offsets(%dma_start3A_94 : memref<128xi32, #tpu.memory_space<vmem>>) semaphore(%dma_start3A_99 : memref<!tpu.dma_semaphore, #tpu.memory_space<semaphore_mem>>)
      %dma_start3A_100 = arith.constant 4 : i32
      %dma_start3A_101 = arith.constant 4 : i32
      %dma_start3A_102 = arith.constant 4 : i32
      %dma_start3A_103 = arith.constant 0 : i32
      %dma_start3A_104 = arith.constant 0 : i32
      %dma_start3A_105 = tpu.memref_slice %arg10[%dma_start3A_101, %dma_start3A_103, %dma_start3A_104] : memref<8x128x32xf32, #tpu.memory_space<vmem>> -> memref<1x128x32xf32, #tpu.memory_space<vmem>>
      %dma_start3A_106 = tpu.memref_squeeze %dma_start3A_105 : memref<1x128x32xf32, #tpu.memory_space<vmem>> -> memref<128x32xf32, #tpu.memory_space<vmem>>
      %dma_start3A_107 = arith.constant 0 : i32
      %dma_start3A_108 = tpu.memref_slice %arg8[%dma_start3A_100, %dma_start3A_107] : memref<160x128xi32, #tpu.memory_space<vmem>> -> memref<1x128xi32, #tpu.memory_space<vmem>>
      %dma_start3A_109 = tpu.memref_squeeze %dma_start3A_108 : memref<1x128xi32, #tpu.memory_space<vmem>> -> memref<128xi32, #tpu.memory_space<vmem>>
      %dma_start3A_110 = arith.constant 0 : i32
      %dma_start3A_111 = arith.constant 0 : i32
      %dma_start3A_112 = tpu.memref_slice %arg14[%dma_start3A_110, %dma_start3A_111] : memref<10000x32xf32, #tpu.memory_space<vmem_shared>> -> memref<10000x32xf32, #tpu.memory_space<vmem_shared>>
      %dma_start3A_113 = tpu.memref_slice %arg12[%dma_start3A_102] : memref<8x!tpu.dma_semaphore, #tpu.memory_space<semaphore_mem>> -> memref<1x!tpu.dma_semaphore, #tpu.memory_space<semaphore_mem>>
      %dma_start3A_114 = tpu.memref_squeeze %dma_start3A_113 : memref<1x!tpu.dma_semaphore, #tpu.memory_space<semaphore_mem>> -> memref<!tpu.dma_semaphore, #tpu.memory_space<semaphore_mem>>
      tpu.enqueue_indirect_dma source(%dma_start3A_112 : memref<10000x32xf32, #tpu.memory_space<vmem_shared>>) target(%dma_start3A_106 : memref<128x32xf32, #tpu.memory_space<vmem>>) offsets(%dma_start3A_109 : memref<128xi32, #tpu.memory_space<vmem>>) semaphore(%dma_start3A_114 : memref<!tpu.dma_semaphore, #tpu.memory_space<semaphore_mem>>)
      %dma_start3A_115 = arith.constant 5 : i32
      %dma_start3A_116 = arith.constant 5 : i32
      %dma_start3A_117 = arith.constant 5 : i32
      %dma_start3A_118 = arith.constant 0 : i32
      %dma_start3A_119 = arith.constant 0 : i32
      %dma_start3A_120 = tpu.memref_slice %arg10[%dma_start3A_116, %dma_start3A_118, %dma_start3A_119] : memref<8x128x32xf32, #tpu.memory_space<vmem>> -> memref<1x128x32xf32, #tpu.memory_space<vmem>>
      %dma_start3A_121 = tpu.memref_squeeze %dma_start3A_120 : memref<1x128x32xf32, #tpu.memory_space<vmem>> -> memref<128x32xf32, #tpu.memory_space<vmem>>
      %dma_start3A_122 = arith.constant 0 : i32
      %dma_start3A_123 = tpu.memref_slice %arg8[%dma_start3A_115, %dma_start3A_122] : memref<160x128xi32, #tpu.memory_space<vmem>> -> memref<1x128xi32, #tpu.memory_space<vmem>>
      %dma_start3A_124 = tpu.memref_squeeze %dma_start3A_123 : memref<1x128xi32, #tpu.memory_space<vmem>> -> memref<128xi32, #tpu.memory_space<vmem>>
      %dma_start3A_125 = arith.constant 0 : i32
      %dma_start3A_126 = arith.constant 0 : i32
      %dma_start3A_127 = tpu.memref_slice %arg14[%dma_start3A_125, %dma_start3A_126] : memref<10000x32xf32, #tpu.memory_space<vmem_shared>> -> memref<10000x32xf32, #tpu.memory_space<vmem_shared>>
      %dma_start3A_128 = tpu.memref_slice %arg12[%dma_start3A_117] : memref<8x!tpu.dma_semaphore, #tpu.memory_space<semaphore_mem>> -> memref<1x!tpu.dma_semaphore, #tpu.memory_space<semaphore_mem>>
      %dma_start3A_129 = tpu.memref_squeeze %dma_start3A_128 : memref<1x!tpu.dma_semaphore, #tpu.memory_space<semaphore_mem>> -> memref<!tpu.dma_semaphore, #tpu.memory_space<semaphore_mem>>
      tpu.enqueue_indirect_dma source(%dma_start3A_127 : memref<10000x32xf32, #tpu.memory_space<vmem_shared>>) target(%dma_start3A_121 : memref<128x32xf32, #tpu.memory_space<vmem>>) offsets(%dma_start3A_124 : memref<128xi32, #tpu.memory_space<vmem>>) semaphore(%dma_start3A_129 : memref<!tpu.dma_semaphore, #tpu.memory_space<semaphore_mem>>)
      %scan3A = arith.constant 0 : i32
      %scan3A_130 = arith.constant 0 : i32
      %scan3A_131 = arith.constant 160 : i32
      %scan3A_132 = arith.addi %scan3A_130, %scan3A_131 : i32
      %scan3A_133 = arith.constant 1 : i32
      %scan3A_134 = scf.for %scan3A_165 = %scan3A_130 to %scan3A_132 step %scan3A_133 iter_args(%scan3A_166 = %scan3A) -> (i32)  : i32 {
        %ge3A = arith.constant 2 : i32
        %ge3A_167 = arith.cmpi sge, %scan3A_165, %ge3A : i32
        %convert_element_type3A_168 = arith.extui %ge3A_167 : i1 to i32
        %cond3A_169 = arith.constant 0 : i32
        %cond3A_170 = arith.cmpi ne, %convert_element_type3A_168, %cond3A_169 : i32
        scf.if %cond3A_170 {
          %sub3A = arith.constant 2 : i32
          %sub3A_203 = arith.subi %scan3A_165, %sub3A : i32
          %rem3A_204 = arith.constant 8 : i32
          %rem3A_205 = arith.remsi %sub3A_203, %rem3A_204 : i32
          %dma_wait3A_206 = arith.constant 0 : i32
          %dma_wait3A_207 = arith.constant 0 : i32
          %dma_wait3A_208 = tpu.memref_slice %arg10[%rem3A_205, %dma_wait3A_206, %dma_wait3A_207] : memref<8x128x32xf32, #tpu.memory_space<vmem>> -> memref<1x128x32xf32, #tpu.memory_space<vmem>>
          %dma_wait3A_209 = tpu.memref_squeeze %dma_wait3A_208 : memref<1x128x32xf32, #tpu.memory_space<vmem>> -> memref<128x32xf32, #tpu.memory_space<vmem>>
          %dma_wait3A_210 = arith.constant 0 : i32
          %dma_wait3A_211 = tpu.memref_slice %arg9[%sub3A_203, %dma_wait3A_210] : memref<160x128xi32, #tpu.memory_space<vmem>> -> memref<1x128xi32, #tpu.memory_space<vmem>>
          %dma_wait3A_212 = tpu.memref_squeeze %dma_wait3A_211 : memref<1x128xi32, #tpu.memory_space<vmem>> -> memref<128xi32, #tpu.memory_space<vmem>>
          %dma_wait3A_213 = arith.constant 0 : i32
          %dma_wait3A_214 = arith.constant 0 : i32
          %dma_wait3A_215 = tpu.memref_slice %arg11[%dma_wait3A_213, %dma_wait3A_214] : memref<10112x32xf32, #tpu.memory_space<vmem_shared>> -> memref<10112x32xf32, #tpu.memory_space<vmem_shared>>
          %dma_wait3A_216 = tpu.memref_slice %arg13[%rem3A_205] : memref<8x!tpu.dma_semaphore, #tpu.memory_space<semaphore_mem>> -> memref<1x!tpu.dma_semaphore, #tpu.memory_space<semaphore_mem>>
          %dma_wait3A_217 = tpu.memref_squeeze %dma_wait3A_216 : memref<1x!tpu.dma_semaphore, #tpu.memory_space<semaphore_mem>> -> memref<!tpu.dma_semaphore, #tpu.memory_space<semaphore_mem>>
          tpu.wait_indirect_dma semaphore(%dma_wait3A_217 : memref<!tpu.dma_semaphore, #tpu.memory_space<semaphore_mem>>) src(%dma_wait3A_209 : memref<128x32xf32, #tpu.memory_space<vmem>>) dst(%dma_wait3A_215 : memref<10112x32xf32, #tpu.memory_space<vmem_shared>>)
        } else {
        }
        %add3A = arith.constant 6 : i32
        %add3A_171 = arith.addi %scan3A_165, %add3A : i32
        %lt3A_172 = arith.constant 160 : i32
        %lt3A_173 = arith.cmpi slt, %add3A_171, %lt3A_172 : i32
        %convert_element_type3A_174 = arith.extui %lt3A_173 : i1 to i32
        %cond3A_175 = arith.constant 0 : i32
        %cond3A_176 = arith.cmpi ne, %convert_element_type3A_174, %cond3A_175 : i32
        scf.if %cond3A_176 {
          %add3A_203 = arith.constant 6 : i32
          %add3A_204 = arith.addi %scan3A_165, %add3A_203 : i32
          %rem3A_205 = arith.constant 8 : i32
          %rem3A_206 = arith.remsi %add3A_204, %rem3A_205 : i32
          %dma_start3A_207 = arith.constant 0 : i32
          %dma_start3A_208 = arith.constant 0 : i32
          %dma_start3A_209 = tpu.memref_slice %arg10[%rem3A_206, %dma_start3A_207, %dma_start3A_208] : memref<8x128x32xf32, #tpu.memory_space<vmem>> -> memref<1x128x32xf32, #tpu.memory_space<vmem>>
          %dma_start3A_210 = tpu.memref_squeeze %dma_start3A_209 : memref<1x128x32xf32, #tpu.memory_space<vmem>> -> memref<128x32xf32, #tpu.memory_space<vmem>>
          %dma_start3A_211 = arith.constant 0 : i32
          %dma_start3A_212 = tpu.memref_slice %arg8[%add3A_204, %dma_start3A_211] : memref<160x128xi32, #tpu.memory_space<vmem>> -> memref<1x128xi32, #tpu.memory_space<vmem>>
          %dma_start3A_213 = tpu.memref_squeeze %dma_start3A_212 : memref<1x128xi32, #tpu.memory_space<vmem>> -> memref<128xi32, #tpu.memory_space<vmem>>
          %dma_start3A_214 = arith.constant 0 : i32
          %dma_start3A_215 = arith.constant 0 : i32
          %dma_start3A_216 = tpu.memref_slice %arg14[%dma_start3A_214, %dma_start3A_215] : memref<10000x32xf32, #tpu.memory_space<vmem_shared>> -> memref<10000x32xf32, #tpu.memory_space<vmem_shared>>
          %dma_start3A_217 = tpu.memref_slice %arg12[%rem3A_206] : memref<8x!tpu.dma_semaphore, #tpu.memory_space<semaphore_mem>> -> memref<1x!tpu.dma_semaphore, #tpu.memory_space<semaphore_mem>>
          %dma_start3A_218 = tpu.memref_squeeze %dma_start3A_217 : memref<1x!tpu.dma_semaphore, #tpu.memory_space<semaphore_mem>> -> memref<!tpu.dma_semaphore, #tpu.memory_space<semaphore_mem>>
          tpu.enqueue_indirect_dma source(%dma_start3A_216 : memref<10000x32xf32, #tpu.memory_space<vmem_shared>>) target(%dma_start3A_210 : memref<128x32xf32, #tpu.memory_space<vmem>>) offsets(%dma_start3A_213 : memref<128xi32, #tpu.memory_space<vmem>>) semaphore(%dma_start3A_218 : memref<!tpu.dma_semaphore, #tpu.memory_space<semaphore_mem>>)
        } else {
        }
        %rem3A = arith.constant 8 : i32
        %rem3A_177 = arith.remsi %scan3A_165, %rem3A : i32
        %dma_wait3A_178 = arith.constant 0 : i32
        %dma_wait3A_179 = arith.constant 0 : i32
        %dma_wait3A_180 = tpu.memref_slice %arg10[%rem3A_177, %dma_wait3A_178, %dma_wait3A_179] : memref<8x128x32xf32, #tpu.memory_space<vmem>> -> memref<1x128x32xf32, #tpu.memory_space<vmem>>
        %dma_wait3A_181 = tpu.memref_squeeze %dma_wait3A_180 : memref<1x128x32xf32, #tpu.memory_space<vmem>> -> memref<128x32xf32, #tpu.memory_space<vmem>>
        %dma_wait3A_182 = arith.constant 0 : i32
        %dma_wait3A_183 = tpu.memref_slice %arg8[%scan3A_165, %dma_wait3A_182] : memref<160x128xi32, #tpu.memory_space<vmem>> -> memref<1x128xi32, #tpu.memory_space<vmem>>
        %dma_wait3A_184 = tpu.memref_squeeze %dma_wait3A_183 : memref<1x128xi32, #tpu.memory_space<vmem>> -> memref<128xi32, #tpu.memory_space<vmem>>
        %dma_wait3A_185 = arith.constant 0 : i32
        %dma_wait3A_186 = arith.constant 0 : i32
        %dma_wait3A_187 = tpu.memref_slice %arg14[%dma_wait3A_185, %dma_wait3A_186] : memref<10000x32xf32, #tpu.memory_space<vmem_shared>> -> memref<10000x32xf32, #tpu.memory_space<vmem_shared>>
        %dma_wait3A_188 = tpu.memref_slice %arg12[%rem3A_177] : memref<8x!tpu.dma_semaphore, #tpu.memory_space<semaphore_mem>> -> memref<1x!tpu.dma_semaphore, #tpu.memory_space<semaphore_mem>>
        %dma_wait3A_189 = tpu.memref_squeeze %dma_wait3A_188 : memref<1x!tpu.dma_semaphore, #tpu.memory_space<semaphore_mem>> -> memref<!tpu.dma_semaphore, #tpu.memory_space<semaphore_mem>>
        tpu.wait_indirect_dma semaphore(%dma_wait3A_189 : memref<!tpu.dma_semaphore, #tpu.memory_space<semaphore_mem>>) src(%dma_wait3A_187 : memref<10000x32xf32, #tpu.memory_space<vmem_shared>>) dst(%dma_wait3A_181 : memref<128x32xf32, #tpu.memory_space<vmem>>)
        %dma_start3A_190 = arith.constant 0 : i32
        %dma_start3A_191 = arith.constant 0 : i32
        %dma_start3A_192 = tpu.memref_slice %arg10[%rem3A_177, %dma_start3A_190, %dma_start3A_191] : memref<8x128x32xf32, #tpu.memory_space<vmem>> -> memref<1x128x32xf32, #tpu.memory_space<vmem>>
        %dma_start3A_193 = tpu.memref_squeeze %dma_start3A_192 : memref<1x128x32xf32, #tpu.memory_space<vmem>> -> memref<128x32xf32, #tpu.memory_space<vmem>>
        %dma_start3A_194 = arith.constant 0 : i32
        %dma_start3A_195 = tpu.memref_slice %arg9[%scan3A_165, %dma_start3A_194] : memref<160x128xi32, #tpu.memory_space<vmem>> -> memref<1x128xi32, #tpu.memory_space<vmem>>
        %dma_start3A_196 = tpu.memref_squeeze %dma_start3A_195 : memref<1x128xi32, #tpu.memory_space<vmem>> -> memref<128xi32, #tpu.memory_space<vmem>>
        %dma_start3A_197 = arith.constant 0 : i32
        %dma_start3A_198 = arith.constant 0 : i32
        %dma_start3A_199 = tpu.memref_slice %arg11[%dma_start3A_197, %dma_start3A_198] : memref<10112x32xf32, #tpu.memory_space<vmem_shared>> -> memref<10112x32xf32, #tpu.memory_space<vmem_shared>>
        %dma_start3A_200 = tpu.memref_slice %arg13[%rem3A_177] : memref<8x!tpu.dma_semaphore, #tpu.memory_space<semaphore_mem>> -> memref<1x!tpu.dma_semaphore, #tpu.memory_space<semaphore_mem>>
        %dma_start3A_201 = tpu.memref_squeeze %dma_start3A_200 : memref<1x!tpu.dma_semaphore, #tpu.memory_space<semaphore_mem>> -> memref<!tpu.dma_semaphore, #tpu.memory_space<semaphore_mem>>
        tpu.enqueue_indirect_dma source(%dma_start3A_193 : memref<128x32xf32, #tpu.memory_space<vmem>>) target(%dma_start3A_199 : memref<10112x32xf32, #tpu.memory_space<vmem_shared>>) offsets(%dma_start3A_196 : memref<128xi32, #tpu.memory_space<vmem>>) semaphore(%dma_start3A_201 : memref<!tpu.dma_semaphore, #tpu.memory_space<semaphore_mem>>) {add = true}
        %scan3A_202 = arith.constant 0 : i32
        scf.yield %scan3A_202 : i32
      }
      %scan3A_135 = arith.constant 160 : i32
      %dma_wait3A = arith.constant 6 : i32
      %dma_wait3A_136 = arith.constant 158 : i32
      %dma_wait3A_137 = arith.constant 6 : i32
      %dma_wait3A_138 = arith.constant 0 : i32
      %dma_wait3A_139 = arith.constant 0 : i32
      %dma_wait3A_140 = tpu.memref_slice %arg10[%dma_wait3A, %dma_wait3A_138, %dma_wait3A_139] : memref<8x128x32xf32, #tpu.memory_space<vmem>> -> memref<1x128x32xf32, #tpu.memory_space<vmem>>
      %dma_wait3A_141 = tpu.memref_squeeze %dma_wait3A_140 : memref<1x128x32xf32, #tpu.memory_space<vmem>> -> memref<128x32xf32, #tpu.memory_space<vmem>>
      %dma_wait3A_142 = arith.constant 0 : i32
      %dma_wait3A_143 = tpu.memref_slice %arg9[%dma_wait3A_136, %dma_wait3A_142] : memref<160x128xi32, #tpu.memory_space<vmem>> -> memref<1x128xi32, #tpu.memory_space<vmem>>
      %dma_wait3A_144 = tpu.memref_squeeze %dma_wait3A_143 : memref<1x128xi32, #tpu.memory_space<vmem>> -> memref<128xi32, #tpu.memory_space<vmem>>
      %dma_wait3A_145 = arith.constant 0 : i32
      %dma_wait3A_146 = arith.constant 0 : i32
      %dma_wait3A_147 = tpu.memref_slice %arg11[%dma_wait3A_145, %dma_wait3A_146] : memref<10112x32xf32, #tpu.memory_space<vmem_shared>> -> memref<10112x32xf32, #tpu.memory_space<vmem_shared>>
      %dma_wait3A_148 = tpu.memref_slice %arg13[%dma_wait3A_137] : memref<8x!tpu.dma_semaphore, #tpu.memory_space<semaphore_mem>> -> memref<1x!tpu.dma_semaphore, #tpu.memory_space<semaphore_mem>>
      %dma_wait3A_149 = tpu.memref_squeeze %dma_wait3A_148 : memref<1x!tpu.dma_semaphore, #tpu.memory_space<semaphore_mem>> -> memref<!tpu.dma_semaphore, #tpu.memory_space<semaphore_mem>>
      tpu.wait_indirect_dma semaphore(%dma_wait3A_149 : memref<!tpu.dma_semaphore, #tpu.memory_space<semaphore_mem>>) src(%dma_wait3A_141 : memref<128x32xf32, #tpu.memory_space<vmem>>) dst(%dma_wait3A_147 : memref<10112x32xf32, #tpu.memory_space<vmem_shared>>)
      %dma_wait3A_150 = arith.constant 7 : i32
      %dma_wait3A_151 = arith.constant 159 : i32
      %dma_wait3A_152 = arith.constant 7 : i32
      %dma_wait3A_153 = arith.constant 0 : i32
      %dma_wait3A_154 = arith.constant 0 : i32
      %dma_wait3A_155 = tpu.memref_slice %arg10[%dma_wait3A_150, %dma_wait3A_153, %dma_wait3A_154] : memref<8x128x32xf32, #tpu.memory_space<vmem>> -> memref<1x128x32xf32, #tpu.memory_space<vmem>>
      %dma_wait3A_156 = tpu.memref_squeeze %dma_wait3A_155 : memref<1x128x32xf32, #tpu.memory_space<vmem>> -> memref<128x32xf32, #tpu.memory_space<vmem>>
      %dma_wait3A_157 = arith.constant 0 : i32
      %dma_wait3A_158 = tpu.memref_slice %arg9[%dma_wait3A_151, %dma_wait3A_157] : memref<160x128xi32, #tpu.memory_space<vmem>> -> memref<1x128xi32, #tpu.memory_space<vmem>>
      %dma_wait3A_159 = tpu.memref_squeeze %dma_wait3A_158 : memref<1x128xi32, #tpu.memory_space<vmem>> -> memref<128xi32, #tpu.memory_space<vmem>>
      %dma_wait3A_160 = arith.constant 0 : i32
      %dma_wait3A_161 = arith.constant 0 : i32
      %dma_wait3A_162 = tpu.memref_slice %arg11[%dma_wait3A_160, %dma_wait3A_161] : memref<10112x32xf32, #tpu.memory_space<vmem_shared>> -> memref<10112x32xf32, #tpu.memory_space<vmem_shared>>
      %dma_wait3A_163 = tpu.memref_slice %arg13[%dma_wait3A_152] : memref<8x!tpu.dma_semaphore, #tpu.memory_space<semaphore_mem>> -> memref<1x!tpu.dma_semaphore, #tpu.memory_space<semaphore_mem>>
      %dma_wait3A_164 = tpu.memref_squeeze %dma_wait3A_163 : memref<1x!tpu.dma_semaphore, #tpu.memory_space<semaphore_mem>> -> memref<!tpu.dma_semaphore, #tpu.memory_space<semaphore_mem>>
      tpu.wait_indirect_dma semaphore(%dma_wait3A_164 : memref<!tpu.dma_semaphore, #tpu.memory_space<semaphore_mem>>) src(%dma_wait3A_156 : memref<128x32xf32, #tpu.memory_space<vmem>>) dst(%dma_wait3A_162 : memref<10112x32xf32, #tpu.memory_space<vmem_shared>>)
    } else {
    }
    %eq3A_19 = arith.constant 1 : i32
    %eq3A_20 = arith.cmpi eq, %arg0, %eq3A_19 : i32
    %convert_element_type3A_21 = arith.extui %eq3A_20 : i1 to i32
    %cond3A_22 = arith.constant 0 : i32
    %cond3A_23 = arith.cmpi ne, %convert_element_type3A_21, %cond3A_22 : i32
    scf.if %cond3A_23 {
      %dma_start3A = arith.constant 0 : i32
      %dma_start3A_41 = arith.constant 0 : i32
      %dma_start3A_42 = arith.constant 0 : i32
      %dma_start3A_43 = arith.constant 0 : i32
      %dma_start3A_44 = arith.constant 0 : i32
      %dma_start3A_45 = tpu.memref_slice %arg10[%dma_start3A_41, %dma_start3A_43, %dma_start3A_44] : memref<8x128x32xf32, #tpu.memory_space<vmem>> -> memref<1x128x32xf32, #tpu.memory_space<vmem>>
      %dma_start3A_46 = tpu.memref_squeeze %dma_start3A_45 : memref<1x128x32xf32, #tpu.memory_space<vmem>> -> memref<128x32xf32, #tpu.memory_space<vmem>>
      %dma_start3A_47 = arith.constant 0 : i32
      %dma_start3A_48 = tpu.memref_slice %arg8[%dma_start3A, %dma_start3A_47] : memref<160x128xi32, #tpu.memory_space<vmem>> -> memref<1x128xi32, #tpu.memory_space<vmem>>
      %dma_start3A_49 = tpu.memref_squeeze %dma_start3A_48 : memref<1x128xi32, #tpu.memory_space<vmem>> -> memref<128xi32, #tpu.memory_space<vmem>>
      %dma_start3A_50 = arith.constant 0 : i32
      %dma_start3A_51 = arith.constant 0 : i32
      %dma_start3A_52 = tpu.memref_slice %arg14[%dma_start3A_50, %dma_start3A_51] : memref<10000x32xf32, #tpu.memory_space<vmem_shared>> -> memref<10000x32xf32, #tpu.memory_space<vmem_shared>>
      %dma_start3A_53 = tpu.memref_slice %arg12[%dma_start3A_42] : memref<8x!tpu.dma_semaphore, #tpu.memory_space<semaphore_mem>> -> memref<1x!tpu.dma_semaphore, #tpu.memory_space<semaphore_mem>>
      %dma_start3A_54 = tpu.memref_squeeze %dma_start3A_53 : memref<1x!tpu.dma_semaphore, #tpu.memory_space<semaphore_mem>> -> memref<!tpu.dma_semaphore, #tpu.memory_space<semaphore_mem>>
      tpu.enqueue_indirect_dma source(%dma_start3A_52 : memref<10000x32xf32, #tpu.memory_space<vmem_shared>>) target(%dma_start3A_46 : memref<128x32xf32, #tpu.memory_space<vmem>>) offsets(%dma_start3A_49 : memref<128xi32, #tpu.memory_space<vmem>>) semaphore(%dma_start3A_54 : memref<!tpu.dma_semaphore, #tpu.memory_space<semaphore_mem>>)
      %dma_start3A_55 = arith.constant 1 : i32
      %dma_start3A_56 = arith.constant 1 : i32
      %dma_start3A_57 = arith.constant 1 : i32
      %dma_start3A_58 = arith.constant 0 : i32
      %dma_start3A_59 = arith.constant 0 : i32
      %dma_start3A_60 = tpu.memref_slice %arg10[%dma_start3A_56, %dma_start3A_58, %dma_start3A_59] : memref<8x128x32xf32, #tpu.memory_space<vmem>> -> memref<1x128x32xf32, #tpu.memory_space<vmem>>
      %dma_start3A_61 = tpu.memref_squeeze %dma_start3A_60 : memref<1x128x32xf32, #tpu.memory_space<vmem>> -> memref<128x32xf32, #tpu.memory_space<vmem>>
      %dma_start3A_62 = arith.constant 0 : i32
      %dma_start3A_63 = tpu.memref_slice %arg8[%dma_start3A_55, %dma_start3A_62] : memref<160x128xi32, #tpu.memory_space<vmem>> -> memref<1x128xi32, #tpu.memory_space<vmem>>
      %dma_start3A_64 = tpu.memref_squeeze %dma_start3A_63 : memref<1x128xi32, #tpu.memory_space<vmem>> -> memref<128xi32, #tpu.memory_space<vmem>>
      %dma_start3A_65 = arith.constant 0 : i32
      %dma_start3A_66 = arith.constant 0 : i32
      %dma_start3A_67 = tpu.memref_slice %arg14[%dma_start3A_65, %dma_start3A_66] : memref<10000x32xf32, #tpu.memory_space<vmem_shared>> -> memref<10000x32xf32, #tpu.memory_space<vmem_shared>>
      %dma_start3A_68 = tpu.memref_slice %arg12[%dma_start3A_57] : memref<8x!tpu.dma_semaphore, #tpu.memory_space<semaphore_mem>> -> memref<1x!tpu.dma_semaphore, #tpu.memory_space<semaphore_mem>>
      %dma_start3A_69 = tpu.memref_squeeze %dma_start3A_68 : memref<1x!tpu.dma_semaphore, #tpu.memory_space<semaphore_mem>> -> memref<!tpu.dma_semaphore, #tpu.memory_space<semaphore_mem>>
      tpu.enqueue_indirect_dma source(%dma_start3A_67 : memref<10000x32xf32, #tpu.memory_space<vmem_shared>>) target(%dma_start3A_61 : memref<128x32xf32, #tpu.memory_space<vmem>>) offsets(%dma_start3A_64 : memref<128xi32, #tpu.memory_space<vmem>>) semaphore(%dma_start3A_69 : memref<!tpu.dma_semaphore, #tpu.memory_space<semaphore_mem>>)
      %dma_start3A_70 = arith.constant 2 : i32
      %dma_start3A_71 = arith.constant 2 : i32
      %dma_start3A_72 = arith.constant 2 : i32
      %dma_start3A_73 = arith.constant 0 : i32
      %dma_start3A_74 = arith.constant 0 : i32
      %dma_start3A_75 = tpu.memref_slice %arg10[%dma_start3A_71, %dma_start3A_73, %dma_start3A_74] : memref<8x128x32xf32, #tpu.memory_space<vmem>> -> memref<1x128x32xf32, #tpu.memory_space<vmem>>
      %dma_start3A_76 = tpu.memref_squeeze %dma_start3A_75 : memref<1x128x32xf32, #tpu.memory_space<vmem>> -> memref<128x32xf32, #tpu.memory_space<vmem>>
      %dma_start3A_77 = arith.constant 0 : i32
      %dma_start3A_78 = tpu.memref_slice %arg8[%dma_start3A_70, %dma_start3A_77] : memref<160x128xi32, #tpu.memory_space<vmem>> -> memref<1x128xi32, #tpu.memory_space<vmem>>
      %dma_start3A_79 = tpu.memref_squeeze %dma_start3A_78 : memref<1x128xi32, #tpu.memory_space<vmem>> -> memref<128xi32, #tpu.memory_space<vmem>>
      %dma_start3A_80 = arith.constant 0 : i32
      %dma_start3A_81 = arith.constant 0 : i32
      %dma_start3A_82 = tpu.memref_slice %arg14[%dma_start3A_80, %dma_start3A_81] : memref<10000x32xf32, #tpu.memory_space<vmem_shared>> -> memref<10000x32xf32, #tpu.memory_space<vmem_shared>>
      %dma_start3A_83 = tpu.memref_slice %arg12[%dma_start3A_72] : memref<8x!tpu.dma_semaphore, #tpu.memory_space<semaphore_mem>> -> memref<1x!tpu.dma_semaphore, #tpu.memory_space<semaphore_mem>>
      %dma_start3A_84 = tpu.memref_squeeze %dma_start3A_83 : memref<1x!tpu.dma_semaphore, #tpu.memory_space<semaphore_mem>> -> memref<!tpu.dma_semaphore, #tpu.memory_space<semaphore_mem>>
      tpu.enqueue_indirect_dma source(%dma_start3A_82 : memref<10000x32xf32, #tpu.memory_space<vmem_shared>>) target(%dma_start3A_76 : memref<128x32xf32, #tpu.memory_space<vmem>>) offsets(%dma_start3A_79 : memref<128xi32, #tpu.memory_space<vmem>>) semaphore(%dma_start3A_84 : memref<!tpu.dma_semaphore, #tpu.memory_space<semaphore_mem>>)
      %dma_start3A_85 = arith.constant 3 : i32
      %dma_start3A_86 = arith.constant 3 : i32
      %dma_start3A_87 = arith.constant 3 : i32
      %dma_start3A_88 = arith.constant 0 : i32
      %dma_start3A_89 = arith.constant 0 : i32
      %dma_start3A_90 = tpu.memref_slice %arg10[%dma_start3A_86, %dma_start3A_88, %dma_start3A_89] : memref<8x128x32xf32, #tpu.memory_space<vmem>> -> memref<1x128x32xf32, #tpu.memory_space<vmem>>
      %dma_start3A_91 = tpu.memref_squeeze %dma_start3A_90 : memref<1x128x32xf32, #tpu.memory_space<vmem>> -> memref<128x32xf32, #tpu.memory_space<vmem>>
      %dma_start3A_92 = arith.constant 0 : i32
      %dma_start3A_93 = tpu.memref_slice %arg8[%dma_start3A_85, %dma_start3A_92] : memref<160x128xi32, #tpu.memory_space<vmem>> -> memref<1x128xi32, #tpu.memory_space<vmem>>
      %dma_start3A_94 = tpu.memref_squeeze %dma_start3A_93 : memref<1x128xi32, #tpu.memory_space<vmem>> -> memref<128xi32, #tpu.memory_space<vmem>>
      %dma_start3A_95 = arith.constant 0 : i32
      %dma_start3A_96 = arith.constant 0 : i32
      %dma_start3A_97 = tpu.memref_slice %arg14[%dma_start3A_95, %dma_start3A_96] : memref<10000x32xf32, #tpu.memory_space<vmem_shared>> -> memref<10000x32xf32, #tpu.memory_space<vmem_shared>>
      %dma_start3A_98 = tpu.memref_slice %arg12[%dma_start3A_87] : memref<8x!tpu.dma_semaphore, #tpu.memory_space<semaphore_mem>> -> memref<1x!tpu.dma_semaphore, #tpu.memory_space<semaphore_mem>>
      %dma_start3A_99 = tpu.memref_squeeze %dma_start3A_98 : memref<1x!tpu.dma_semaphore, #tpu.memory_space<semaphore_mem>> -> memref<!tpu.dma_semaphore, #tpu.memory_space<semaphore_mem>>
      tpu.enqueue_indirect_dma source(%dma_start3A_97 : memref<10000x32xf32, #tpu.memory_space<vmem_shared>>) target(%dma_start3A_91 : memref<128x32xf32, #tpu.memory_space<vmem>>) offsets(%dma_start3A_94 : memref<128xi32, #tpu.memory_space<vmem>>) semaphore(%dma_start3A_99 : memref<!tpu.dma_semaphore, #tpu.memory_space<semaphore_mem>>)
      %dma_start3A_100 = arith.constant 4 : i32
      %dma_start3A_101 = arith.constant 4 : i32
      %dma_start3A_102 = arith.constant 4 : i32
      %dma_start3A_103 = arith.constant 0 : i32
      %dma_start3A_104 = arith.constant 0 : i32
      %dma_start3A_105 = tpu.memref_slice %arg10[%dma_start3A_101, %dma_start3A_103, %dma_start3A_104] : memref<8x128x32xf32, #tpu.memory_space<vmem>> -> memref<1x128x32xf32, #tpu.memory_space<vmem>>
      %dma_start3A_106 = tpu.memref_squeeze %dma_start3A_105 : memref<1x128x32xf32, #tpu.memory_space<vmem>> -> memref<128x32xf32, #tpu.memory_space<vmem>>
      %dma_start3A_107 = arith.constant 0 : i32
      %dma_start3A_108 = tpu.memref_slice %arg8[%dma_start3A_100, %dma_start3A_107] : memref<160x128xi32, #tpu.memory_space<vmem>> -> memref<1x128xi32, #tpu.memory_space<vmem>>
      %dma_start3A_109 = tpu.memref_squeeze %dma_start3A_108 : memref<1x128xi32, #tpu.memory_space<vmem>> -> memref<128xi32, #tpu.memory_space<vmem>>
      %dma_start3A_110 = arith.constant 0 : i32
      %dma_start3A_111 = arith.constant 0 : i32
      %dma_start3A_112 = tpu.memref_slice %arg14[%dma_start3A_110, %dma_start3A_111] : memref<10000x32xf32, #tpu.memory_space<vmem_shared>> -> memref<10000x32xf32, #tpu.memory_space<vmem_shared>>
      %dma_start3A_113 = tpu.memref_slice %arg12[%dma_start3A_102] : memref<8x!tpu.dma_semaphore, #tpu.memory_space<semaphore_mem>> -> memref<1x!tpu.dma_semaphore, #tpu.memory_space<semaphore_mem>>
      %dma_start3A_114 = tpu.memref_squeeze %dma_start3A_113 : memref<1x!tpu.dma_semaphore, #tpu.memory_space<semaphore_mem>> -> memref<!tpu.dma_semaphore, #tpu.memory_space<semaphore_mem>>
      tpu.enqueue_indirect_dma source(%dma_start3A_112 : memref<10000x32xf32, #tpu.memory_space<vmem_shared>>) target(%dma_start3A_106 : memref<128x32xf32, #tpu.memory_space<vmem>>) offsets(%dma_start3A_109 : memref<128xi32, #tpu.memory_space<vmem>>) semaphore(%dma_start3A_114 : memref<!tpu.dma_semaphore, #tpu.memory_space<semaphore_mem>>)
      %dma_start3A_115 = arith.constant 5 : i32
      %dma_start3A_116 = arith.constant 5 : i32
      %dma_start3A_117 = arith.constant 5 : i32
      %dma_start3A_118 = arith.constant 0 : i32
      %dma_start3A_119 = arith.constant 0 : i32
      %dma_start3A_120 = tpu.memref_slice %arg10[%dma_start3A_116, %dma_start3A_118, %dma_start3A_119] : memref<8x128x32xf32, #tpu.memory_space<vmem>> -> memref<1x128x32xf32, #tpu.memory_space<vmem>>
      %dma_start3A_121 = tpu.memref_squeeze %dma_start3A_120 : memref<1x128x32xf32, #tpu.memory_space<vmem>> -> memref<128x32xf32, #tpu.memory_space<vmem>>
      %dma_start3A_122 = arith.constant 0 : i32
      %dma_start3A_123 = tpu.memref_slice %arg8[%dma_start3A_115, %dma_start3A_122] : memref<160x128xi32, #tpu.memory_space<vmem>> -> memref<1x128xi32, #tpu.memory_space<vmem>>
      %dma_start3A_124 = tpu.memref_squeeze %dma_start3A_123 : memref<1x128xi32, #tpu.memory_space<vmem>> -> memref<128xi32, #tpu.memory_space<vmem>>
      %dma_start3A_125 = arith.constant 0 : i32
      %dma_start3A_126 = arith.constant 0 : i32
      %dma_start3A_127 = tpu.memref_slice %arg14[%dma_start3A_125, %dma_start3A_126] : memref<10000x32xf32, #tpu.memory_space<vmem_shared>> -> memref<10000x32xf32, #tpu.memory_space<vmem_shared>>
      %dma_start3A_128 = tpu.memref_slice %arg12[%dma_start3A_117] : memref<8x!tpu.dma_semaphore, #tpu.memory_space<semaphore_mem>> -> memref<1x!tpu.dma_semaphore, #tpu.memory_space<semaphore_mem>>
      %dma_start3A_129 = tpu.memref_squeeze %dma_start3A_128 : memref<1x!tpu.dma_semaphore, #tpu.memory_space<semaphore_mem>> -> memref<!tpu.dma_semaphore, #tpu.memory_space<semaphore_mem>>
      tpu.enqueue_indirect_dma source(%dma_start3A_127 : memref<10000x32xf32, #tpu.memory_space<vmem_shared>>) target(%dma_start3A_121 : memref<128x32xf32, #tpu.memory_space<vmem>>) offsets(%dma_start3A_124 : memref<128xi32, #tpu.memory_space<vmem>>) semaphore(%dma_start3A_129 : memref<!tpu.dma_semaphore, #tpu.memory_space<semaphore_mem>>)
      %scan3A = arith.constant 0 : i32
      %scan3A_130 = arith.constant 0 : i32
      %scan3A_131 = arith.constant 160 : i32
      %scan3A_132 = arith.addi %scan3A_130, %scan3A_131 : i32
      %scan3A_133 = arith.constant 1 : i32
      %scan3A_134 = scf.for %scan3A_165 = %scan3A_130 to %scan3A_132 step %scan3A_133 iter_args(%scan3A_166 = %scan3A) -> (i32)  : i32 {
        %ge3A = arith.constant 2 : i32
        %ge3A_167 = arith.cmpi sge, %scan3A_165, %ge3A : i32
        %convert_element_type3A_168 = arith.extui %ge3A_167 : i1 to i32
        %cond3A_169 = arith.constant 0 : i32
        %cond3A_170 = arith.cmpi ne, %convert_element_type3A_168, %cond3A_169 : i32
        scf.if %cond3A_170 {
          %sub3A = arith.constant 2 : i32
          %sub3A_203 = arith.subi %scan3A_165, %sub3A : i32
          %rem3A_204 = arith.constant 8 : i32
          %rem3A_205 = arith.remsi %sub3A_203, %rem3A_204 : i32
          %dma_wait3A_206 = arith.constant 0 : i32
          %dma_wait3A_207 = arith.constant 0 : i32
          %dma_wait3A_208 = tpu.memref_slice %arg10[%rem3A_205, %dma_wait3A_206, %dma_wait3A_207] : memref<8x128x32xf32, #tpu.memory_space<vmem>> -> memref<1x128x32xf32, #tpu.memory_space<vmem>>
          %dma_wait3A_209 = tpu.memref_squeeze %dma_wait3A_208 : memref<1x128x32xf32, #tpu.memory_space<vmem>> -> memref<128x32xf32, #tpu.memory_space<vmem>>
          %dma_wait3A_210 = arith.constant 0 : i32
          %dma_wait3A_211 = tpu.memref_slice %arg9[%sub3A_203, %dma_wait3A_210] : memref<160x128xi32, #tpu.memory_space<vmem>> -> memref<1x128xi32, #tpu.memory_space<vmem>>
          %dma_wait3A_212 = tpu.memref_squeeze %dma_wait3A_211 : memref<1x128xi32, #tpu.memory_space<vmem>> -> memref<128xi32, #tpu.memory_space<vmem>>
          %dma_wait3A_213 = arith.constant 0 : i32
          %dma_wait3A_214 = arith.constant 0 : i32
          %dma_wait3A_215 = tpu.memref_slice %arg11[%dma_wait3A_213, %dma_wait3A_214] : memref<10112x32xf32, #tpu.memory_space<vmem_shared>> -> memref<10112x32xf32, #tpu.memory_space<vmem_shared>>
          %dma_wait3A_216 = tpu.memref_slice %arg13[%rem3A_205] : memref<8x!tpu.dma_semaphore, #tpu.memory_space<semaphore_mem>> -> memref<1x!tpu.dma_semaphore, #tpu.memory_space<semaphore_mem>>
          %dma_wait3A_217 = tpu.memref_squeeze %dma_wait3A_216 : memref<1x!tpu.dma_semaphore, #tpu.memory_space<semaphore_mem>> -> memref<!tpu.dma_semaphore, #tpu.memory_space<semaphore_mem>>
          tpu.wait_indirect_dma semaphore(%dma_wait3A_217 : memref<!tpu.dma_semaphore, #tpu.memory_space<semaphore_mem>>) src(%dma_wait3A_209 : memref<128x32xf32, #tpu.memory_space<vmem>>) dst(%dma_wait3A_215 : memref<10112x32xf32, #tpu.memory_space<vmem_shared>>)
        } else {
        }
        %add3A = arith.constant 6 : i32
        %add3A_171 = arith.addi %scan3A_165, %add3A : i32
        %lt3A_172 = arith.constant 160 : i32
        %lt3A_173 = arith.cmpi slt, %add3A_171, %lt3A_172 : i32
        %convert_element_type3A_174 = arith.extui %lt3A_173 : i1 to i32
        %cond3A_175 = arith.constant 0 : i32
        %cond3A_176 = arith.cmpi ne, %convert_element_type3A_174, %cond3A_175 : i32
        scf.if %cond3A_176 {
          %add3A_203 = arith.constant 6 : i32
          %add3A_204 = arith.addi %scan3A_165, %add3A_203 : i32
          %rem3A_205 = arith.constant 8 : i32
          %rem3A_206 = arith.remsi %add3A_204, %rem3A_205 : i32
          %dma_start3A_207 = arith.constant 0 : i32
          %dma_start3A_208 = arith.constant 0 : i32
          %dma_start3A_209 = tpu.memref_slice %arg10[%rem3A_206, %dma_start3A_207, %dma_start3A_208] : memref<8x128x32xf32, #tpu.memory_space<vmem>> -> memref<1x128x32xf32, #tpu.memory_space<vmem>>
          %dma_start3A_210 = tpu.memref_squeeze %dma_start3A_209 : memref<1x128x32xf32, #tpu.memory_space<vmem>> -> memref<128x32xf32, #tpu.memory_space<vmem>>
          %dma_start3A_211 = arith.constant 0 : i32
          %dma_start3A_212 = tpu.memref_slice %arg8[%add3A_204, %dma_start3A_211] : memref<160x128xi32, #tpu.memory_space<vmem>> -> memref<1x128xi32, #tpu.memory_space<vmem>>
          %dma_start3A_213 = tpu.memref_squeeze %dma_start3A_212 : memref<1x128xi32, #tpu.memory_space<vmem>> -> memref<128xi32, #tpu.memory_space<vmem>>
          %dma_start3A_214 = arith.constant 0 : i32
          %dma_start3A_215 = arith.constant 0 : i32
          %dma_start3A_216 = tpu.memref_slice %arg14[%dma_start3A_214, %dma_start3A_215] : memref<10000x32xf32, #tpu.memory_space<vmem_shared>> -> memref<10000x32xf32, #tpu.memory_space<vmem_shared>>
          %dma_start3A_217 = tpu.memref_slice %arg12[%rem3A_206] : memref<8x!tpu.dma_semaphore, #tpu.memory_space<semaphore_mem>> -> memref<1x!tpu.dma_semaphore, #tpu.memory_space<semaphore_mem>>
          %dma_start3A_218 = tpu.memref_squeeze %dma_start3A_217 : memref<1x!tpu.dma_semaphore, #tpu.memory_space<semaphore_mem>> -> memref<!tpu.dma_semaphore, #tpu.memory_space<semaphore_mem>>
          tpu.enqueue_indirect_dma source(%dma_start3A_216 : memref<10000x32xf32, #tpu.memory_space<vmem_shared>>) target(%dma_start3A_210 : memref<128x32xf32, #tpu.memory_space<vmem>>) offsets(%dma_start3A_213 : memref<128xi32, #tpu.memory_space<vmem>>) semaphore(%dma_start3A_218 : memref<!tpu.dma_semaphore, #tpu.memory_space<semaphore_mem>>)
        } else {
        }
        %rem3A = arith.constant 8 : i32
        %rem3A_177 = arith.remsi %scan3A_165, %rem3A : i32
        %dma_wait3A_178 = arith.constant 0 : i32
        %dma_wait3A_179 = arith.constant 0 : i32
        %dma_wait3A_180 = tpu.memref_slice %arg10[%rem3A_177, %dma_wait3A_178, %dma_wait3A_179] : memref<8x128x32xf32, #tpu.memory_space<vmem>> -> memref<1x128x32xf32, #tpu.memory_space<vmem>>
        %dma_wait3A_181 = tpu.memref_squeeze %dma_wait3A_180 : memref<1x128x32xf32, #tpu.memory_space<vmem>> -> memref<128x32xf32, #tpu.memory_space<vmem>>
        %dma_wait3A_182 = arith.constant 0 : i32
        %dma_wait3A_183 = tpu.memref_slice %arg8[%scan3A_165, %dma_wait3A_182] : memref<160x128xi32, #tpu.memory_space<vmem>> -> memref<1x128xi32, #tpu.memory_space<vmem>>
        %dma_wait3A_184 = tpu.memref_squeeze %dma_wait3A_183 : memref<1x128xi32, #tpu.memory_space<vmem>> -> memref<128xi32, #tpu.memory_space<vmem>>
        %dma_wait3A_185 = arith.constant 0 : i32
        %dma_wait3A_186 = arith.constant 0 : i32
        %dma_wait3A_187 = tpu.memref_slice %arg14[%dma_wait3A_185, %dma_wait3A_186] : memref<10000x32xf32, #tpu.memory_space<vmem_shared>> -> memref<10000x32xf32, #tpu.memory_space<vmem_shared>>
        %dma_wait3A_188 = tpu.memref_slice %arg12[%rem3A_177] : memref<8x!tpu.dma_semaphore, #tpu.memory_space<semaphore_mem>> -> memref<1x!tpu.dma_semaphore, #tpu.memory_space<semaphore_mem>>
        %dma_wait3A_189 = tpu.memref_squeeze %dma_wait3A_188 : memref<1x!tpu.dma_semaphore, #tpu.memory_space<semaphore_mem>> -> memref<!tpu.dma_semaphore, #tpu.memory_space<semaphore_mem>>
        tpu.wait_indirect_dma semaphore(%dma_wait3A_189 : memref<!tpu.dma_semaphore, #tpu.memory_space<semaphore_mem>>) src(%dma_wait3A_187 : memref<10000x32xf32, #tpu.memory_space<vmem_shared>>) dst(%dma_wait3A_181 : memref<128x32xf32, #tpu.memory_space<vmem>>)
        %dma_start3A_190 = arith.constant 0 : i32
        %dma_start3A_191 = arith.constant 0 : i32
        %dma_start3A_192 = tpu.memref_slice %arg10[%rem3A_177, %dma_start3A_190, %dma_start3A_191] : memref<8x128x32xf32, #tpu.memory_space<vmem>> -> memref<1x128x32xf32, #tpu.memory_space<vmem>>
        %dma_start3A_193 = tpu.memref_squeeze %dma_start3A_192 : memref<1x128x32xf32, #tpu.memory_space<vmem>> -> memref<128x32xf32, #tpu.memory_space<vmem>>
        %dma_start3A_194 = arith.constant 0 : i32
        %dma_start3A_195 = tpu.memref_slice %arg9[%scan3A_165, %dma_start3A_194] : memref<160x128xi32, #tpu.memory_space<vmem>> -> memref<1x128xi32, #tpu.memory_space<vmem>>
        %dma_start3A_196 = tpu.memref_squeeze %dma_start3A_195 : memref<1x128xi32, #tpu.memory_space<vmem>> -> memref<128xi32, #tpu.memory_space<vmem>>
        %dma_start3A_197 = arith.constant 0 : i32
        %dma_start3A_198 = arith.constant 0 : i32
        %dma_start3A_199 = tpu.memref_slice %arg11[%dma_start3A_197, %dma_start3A_198] : memref<10112x32xf32, #tpu.memory_space<vmem_shared>> -> memref<10112x32xf32, #tpu.memory_space<vmem_shared>>
        %dma_start3A_200 = tpu.memref_slice %arg13[%rem3A_177] : memref<8x!tpu.dma_semaphore, #tpu.memory_space<semaphore_mem>> -> memref<1x!tpu.dma_semaphore, #tpu.memory_space<semaphore_mem>>
        %dma_start3A_201 = tpu.memref_squeeze %dma_start3A_200 : memref<1x!tpu.dma_semaphore, #tpu.memory_space<semaphore_mem>> -> memref<!tpu.dma_semaphore, #tpu.memory_space<semaphore_mem>>
        tpu.enqueue_indirect_dma source(%dma_start3A_193 : memref<128x32xf32, #tpu.memory_space<vmem>>) target(%dma_start3A_199 : memref<10112x32xf32, #tpu.memory_space<vmem_shared>>) offsets(%dma_start3A_196 : memref<128xi32, #tpu.memory_space<vmem>>) semaphore(%dma_start3A_201 : memref<!tpu.dma_semaphore, #tpu.memory_space<semaphore_mem>>) {add = true}
        %scan3A_202 = arith.constant 0 : i32
        scf.yield %scan3A_202 : i32
      }
      %scan3A_135 = arith.constant 160 : i32
      %dma_wait3A = arith.constant 6 : i32
      %dma_wait3A_136 = arith.constant 158 : i32
      %dma_wait3A_137 = arith.constant 6 : i32
      %dma_wait3A_138 = arith.constant 0 : i32
      %dma_wait3A_139 = arith.constant 0 : i32
      %dma_wait3A_140 = tpu.memref_slice %arg10[%dma_wait3A, %dma_wait3A_138, %dma_wait3A_139] : memref<8x128x32xf32, #tpu.memory_space<vmem>> -> memref<1x128x32xf32, #tpu.memory_space<vmem>>
      %dma_wait3A_141 = tpu.memref_squeeze %dma_wait3A_140 : memref<1x128x32xf32, #tpu.memory_space<vmem>> -> memref<128x32xf32, #tpu.memory_space<vmem>>
      %dma_wait3A_142 = arith.constant 0 : i32
      %dma_wait3A_143 = tpu.memref_slice %arg9[%dma_wait3A_136, %dma_wait3A_142] : memref<160x128xi32, #tpu.memory_space<vmem>> -> memref<1x128xi32, #tpu.memory_space<vmem>>
      %dma_wait3A_144 = tpu.memref_squeeze %dma_wait3A_143 : memref<1x128xi32, #tpu.memory_space<vmem>> -> memref<128xi32, #tpu.memory_space<vmem>>
      %dma_wait3A_145 = arith.constant 0 : i32
      %dma_wait3A_146 = arith.constant 0 : i32
      %dma_wait3A_147 = tpu.memref_slice %arg11[%dma_wait3A_145, %dma_wait3A_146] : memref<10112x32xf32, #tpu.memory_space<vmem_shared>> -> memref<10112x32xf32, #tpu.memory_space<vmem_shared>>
      %dma_wait3A_148 = tpu.memref_slice %arg13[%dma_wait3A_137] : memref<8x!tpu.dma_semaphore, #tpu.memory_space<semaphore_mem>> -> memref<1x!tpu.dma_semaphore, #tpu.memory_space<semaphore_mem>>
      %dma_wait3A_149 = tpu.memref_squeeze %dma_wait3A_148 : memref<1x!tpu.dma_semaphore, #tpu.memory_space<semaphore_mem>> -> memref<!tpu.dma_semaphore, #tpu.memory_space<semaphore_mem>>
      tpu.wait_indirect_dma semaphore(%dma_wait3A_149 : memref<!tpu.dma_semaphore, #tpu.memory_space<semaphore_mem>>) src(%dma_wait3A_141 : memref<128x32xf32, #tpu.memory_space<vmem>>) dst(%dma_wait3A_147 : memref<10112x32xf32, #tpu.memory_space<vmem_shared>>)
      %dma_wait3A_150 = arith.constant 7 : i32
      %dma_wait3A_151 = arith.constant 159 : i32
      %dma_wait3A_152 = arith.constant 7 : i32
      %dma_wait3A_153 = arith.constant 0 : i32
      %dma_wait3A_154 = arith.constant 0 : i32
      %dma_wait3A_155 = tpu.memref_slice %arg10[%dma_wait3A_150, %dma_wait3A_153, %dma_wait3A_154] : memref<8x128x32xf32, #tpu.memory_space<vmem>> -> memref<1x128x32xf32, #tpu.memory_space<vmem>>
      %dma_wait3A_156 = tpu.memref_squeeze %dma_wait3A_155 : memref<1x128x32xf32, #tpu.memory_space<vmem>> -> memref<128x32xf32, #tpu.memory_space<vmem>>
      %dma_wait3A_157 = arith.constant 0 : i32
      %dma_wait3A_158 = tpu.memref_slice %arg9[%dma_wait3A_151, %dma_wait3A_157] : memref<160x128xi32, #tpu.memory_space<vmem>> -> memref<1x128xi32, #tpu.memory_space<vmem>>
      %dma_wait3A_159 = tpu.memref_squeeze %dma_wait3A_158 : memref<1x128xi32, #tpu.memory_space<vmem>> -> memref<128xi32, #tpu.memory_space<vmem>>
      %dma_wait3A_160 = arith.constant 0 : i32
      %dma_wait3A_161 = arith.constant 0 : i32
      %dma_wait3A_162 = tpu.memref_slice %arg11[%dma_wait3A_160, %dma_wait3A_161] : memref<10112x32xf32, #tpu.memory_space<vmem_shared>> -> memref<10112x32xf32, #tpu.memory_space<vmem_shared>>
      %dma_wait3A_163 = tpu.memref_slice %arg13[%dma_wait3A_152] : memref<8x!tpu.dma_semaphore, #tpu.memory_space<semaphore_mem>> -> memref<1x!tpu.dma_semaphore, #tpu.memory_space<semaphore_mem>>
      %dma_wait3A_164 = tpu.memref_squeeze %dma_wait3A_163 : memref<1x!tpu.dma_semaphore, #tpu.memory_space<semaphore_mem>> -> memref<!tpu.dma_semaphore, #tpu.memory_space<semaphore_mem>>
      tpu.wait_indirect_dma semaphore(%dma_wait3A_164 : memref<!tpu.dma_semaphore, #tpu.memory_space<semaphore_mem>>) src(%dma_wait3A_156 : memref<128x32xf32, #tpu.memory_space<vmem>>) dst(%dma_wait3A_162 : memref<10112x32xf32, #tpu.memory_space<vmem_shared>>)
    } else {
    }
    %barrier3A_24 = arith.constant 0 : index
    tpu.barrier barrier_id(%barrier3A_24)
    %eq3A_25 = arith.constant 0 : i32
    %eq3A_26 = arith.cmpi eq, %arg0, %eq3A_25 : i32
    %lt3A_27 = arith.constant 10 : i32
    %lt3A_28 = arith.cmpi slt, %arg1, %lt3A_27 : i32
    %and3A_29 = arith.andi %eq3A_26, %lt3A_28 : i1
    %convert_element_type3A_30 = arith.extui %and3A_29 : i1 to i32
    %cond3A_31 = arith.constant 0 : i32
    %cond3A_32 = arith.cmpi ne, %convert_element_type3A_30, %cond3A_31 : i32
    scf.if %cond3A_32 {
      %mul3A_41 = arith.constant 1000 : i32
      %mul3A_42 = arith.muli %arg1, %mul3A_41 : i32
      %mul3A_43 = arith.constant 1000 : i32
      %mul3A_44 = arith.muli %arg1, %mul3A_43 : i32
      "tpu.region"() ({
        %run_scoped3A = tpu.sem_alloc : memref<!tpu.dma_semaphore, #tpu.memory_space<semaphore_mem>>
        %dma_start3A = arith.constant 0 : i32
        %dma_start3A_45 = tpu.memref_slice %arg6[%mul3A_44, %dma_start3A] : memref<10000x32xf32, #tpu.memory_space<hbm>> -> memref<1000x32xf32, #tpu.memory_space<hbm>>
        %dma_start3A_46 = arith.constant 0 : i32
        %dma_start3A_47 = tpu.memref_slice %arg11[%mul3A_42, %dma_start3A_46] : memref<10112x32xf32, #tpu.memory_space<vmem_shared>> -> memref<1000x32xf32, #tpu.memory_space<vmem_shared>>
        tpu.enqueue_dma source(%dma_start3A_47 : memref<1000x32xf32, #tpu.memory_space<vmem_shared>>) target(%dma_start3A_45 : memref<1000x32xf32, #tpu.memory_space<hbm>>) target_semaphore(%run_scoped3A : memref<!tpu.dma_semaphore, #tpu.memory_space<semaphore_mem>>)
        %dma_wait3A = arith.constant 0 : i32
        %dma_wait3A_48 = tpu.memref_slice %arg6[%mul3A_44, %dma_wait3A] : memref<10000x32xf32, #tpu.memory_space<hbm>> -> memref<1000x32xf32, #tpu.memory_space<hbm>>
        %dma_wait3A_49 = arith.constant 0 : i32
        %dma_wait3A_50 = tpu.memref_slice %arg11[%mul3A_42, %dma_wait3A_49] : memref<10112x32xf32, #tpu.memory_space<vmem_shared>> -> memref<1000x32xf32, #tpu.memory_space<vmem_shared>>
        tpu.wait_dma2 semaphore(%run_scoped3A : memref<!tpu.dma_semaphore, #tpu.memory_space<semaphore_mem>>) src(%dma_wait3A_50 : memref<1000x32xf32, #tpu.memory_space<vmem_shared>>) dst(%dma_wait3A_48 : memref<1000x32xf32, #tpu.memory_space<hbm>>)
        tpu.yield
      }) : () -> ()
    } else {
    }
    %eq3A_33 = arith.constant 1 : i32
    %eq3A_34 = arith.cmpi eq, %arg0, %eq3A_33 : i32
    %lt3A_35 = arith.constant 10 : i32
    %lt3A_36 = arith.cmpi slt, %arg1, %lt3A_35 : i32
    %and3A_37 = arith.andi %eq3A_34, %lt3A_36 : i1
    %convert_element_type3A_38 = arith.extui %and3A_37 : i1 to i32
    %cond3A_39 = arith.constant 0 : i32
    %cond3A_40 = arith.cmpi ne, %convert_element_type3A_38, %cond3A_39 : i32
    scf.if %cond3A_40 {
      %mul3A_41 = arith.constant 1000 : i32
      %mul3A_42 = arith.muli %arg1, %mul3A_41 : i32
      %mul3A_43 = arith.constant 1000 : i32
      %mul3A_44 = arith.muli %arg1, %mul3A_43 : i32
      "tpu.region"() ({
        %run_scoped3A = tpu.sem_alloc : memref<!tpu.dma_semaphore, #tpu.memory_space<semaphore_mem>>
        %dma_start3A = arith.constant 0 : i32
        %dma_start3A_45 = tpu.memref_slice %arg7[%mul3A_44, %dma_start3A] : memref<10000x32xf32, #tpu.memory_space<hbm>> -> memref<1000x32xf32, #tpu.memory_space<hbm>>
        %dma_start3A_46 = arith.constant 0 : i32
        %dma_start3A_47 = tpu.memref_slice %arg11[%mul3A_42, %dma_start3A_46] : memref<10112x32xf32, #tpu.memory_space<vmem_shared>> -> memref<1000x32xf32, #tpu.memory_space<vmem_shared>>
        tpu.enqueue_dma source(%dma_start3A_47 : memref<1000x32xf32, #tpu.memory_space<vmem_shared>>) target(%dma_start3A_45 : memref<1000x32xf32, #tpu.memory_space<hbm>>) target_semaphore(%run_scoped3A : memref<!tpu.dma_semaphore, #tpu.memory_space<semaphore_mem>>)
        %dma_wait3A = arith.constant 0 : i32
        %dma_wait3A_48 = tpu.memref_slice %arg7[%mul3A_44, %dma_wait3A] : memref<10000x32xf32, #tpu.memory_space<hbm>> -> memref<1000x32xf32, #tpu.memory_space<hbm>>
        %dma_wait3A_49 = arith.constant 0 : i32
        %dma_wait3A_50 = tpu.memref_slice %arg11[%mul3A_42, %dma_wait3A_49] : memref<10112x32xf32, #tpu.memory_space<vmem_shared>> -> memref<1000x32xf32, #tpu.memory_space<vmem_shared>>
        tpu.wait_dma2 semaphore(%run_scoped3A : memref<!tpu.dma_semaphore, #tpu.memory_space<semaphore_mem>>) src(%dma_wait3A_50 : memref<1000x32xf32, #tpu.memory_space<vmem_shared>>) dst(%dma_wait3A_48 : memref<1000x32xf32, #tpu.memory_space<hbm>>)
        tpu.yield
      }) : () -> ()
    } else {
    }
    return
  }
}

module attributes {stable_mosaic.version = 14 : i64} {
  func.func @_stage_a(%arg0: i32, %arg1: memref<2x1000x16xf32, #tpu.memory_space<vmem>>, %arg2: memref<1000x128xf32, #tpu.memory_space<vmem>>, %arg3: memref<128x128xf32, #tpu.memory_space<vmem>>, %arg4: memref<1000x1xf32, #tpu.memory_space<vmem>>, %arg5: memref<1000x32xf32, #tpu.memory_space<vmem>>, %arg6: memref<1000x32xf32, #tpu.memory_space<vmem>>, %arg7: memref<1000x32xf32, #tpu.memory_space<vmem>>, %arg8: memref<1000x32xf32, #tpu.memory_space<vmem>>) attributes {dimension_semantics = [#tpu.dimension_semantics<arbitrary>], iteration_bounds = array<i64: 10>, scalar_prefetch = 0 : i64, scratch_operands = 0 : i64, tpu.core_type = #tpu.core_type<tc>, window_params = [{transform_indices = @transform_0, window_bounds = array<i64: 2, 1000, 16>}, {transform_indices = @transform_1, window_bounds = array<i64: 1000, 128>}, {pipeline_mode = #tpu.pipeline_mode<synchronous>, transform_indices = @transform_2, window_bounds = array<i64: 128, 128>}, {transform_indices = @transform_3, window_bounds = array<i64: 1000, 1>}, {transform_indices = @transform_4, window_bounds = array<i64: 1000, 32>}, {transform_indices = @transform_5, window_bounds = array<i64: 1000, 32>}, {transform_indices = @transform_6, window_bounds = array<i64: 1000, 32>}, {transform_indices = @transform_7, window_bounds = array<i64: 1000, 32>}]} {
    %get3A = arith.constant 0 : index
    %get3A_0 = arith.constant 0 : index
    %get3A_1 = arith.constant 0 : index
    %get3A_2 = vector.load %arg1[%get3A, %get3A_0, %get3A_1] : memref<2x1000x16xf32, #tpu.memory_space<vmem>>, vector<1x1000x1xf32>
    %get3A_3 = vector.shape_cast %get3A_2 : vector<1x1000x1xf32> to vector<1000xf32>
    %get3A_4 = arith.constant 1 : index
    %get3A_5 = arith.constant 0 : index
    %get3A_6 = arith.constant 0 : index
    %get3A_7 = vector.load %arg1[%get3A_4, %get3A_5, %get3A_6] : memref<2x1000x16xf32, #tpu.memory_space<vmem>>, vector<1x1000x1xf32>
    %get3A_8 = vector.shape_cast %get3A_7 : vector<1x1000x1xf32> to vector<1000xf32>
    %add3A = arith.addf %get3A_3, %get3A_8 : vector<1000xf32>
    %sub3A = arith.constant 1.000000e+00 : f32
    %sub3A_9 = vector.broadcast %sub3A : f32 to vector<1000xf32>
    %sub3A_10 = arith.subf %add3A, %sub3A_9 : vector<1000xf32>
    %rsqrt3A = math.rsqrt %sub3A_10 : vector<1000xf32>
    %broadcast_in_dim3A = vector.shape_cast %rsqrt3A : vector<1000xf32> to vector<1000x1xf32>
    %swap3A = arith.constant 0 : index
    %swap3A_11 = arith.constant 0 : index
    %swap3A_12 = vector.load %arg4[%swap3A, %swap3A_11] : memref<1000x1xf32, #tpu.memory_space<vmem>>, vector<1000x1xf32>
    tpu.vector_store %arg4[%swap3A, %swap3A_11], %broadcast_in_dim3A {strides = array<i32>} : memref<1000x1xf32, #tpu.memory_space<vmem>>, vector<1000x1xf32>,
    %get3A_13 = arith.constant 0 : index
    %get3A_14 = arith.constant 0 : index
    %get3A_15 = vector.load %arg2[%get3A_13, %get3A_14] : memref<1000x128xf32, #tpu.memory_space<vmem>>, vector<1000x128xf32>
    %mul3A = vector.broadcast %broadcast_in_dim3A : vector<1000x1xf32> to vector<1000x128xf32>
    %mul3A_16 = arith.mulf %get3A_15, %mul3A : vector<1000x128xf32>
    %get3A_17 = arith.constant 0 : index
    %get3A_18 = arith.constant 0 : index
    %get3A_19 = vector.load %arg3[%get3A_17, %get3A_18] : memref<128x128xf32, #tpu.memory_space<vmem>>, vector<128x128xf32>
    %dot_general3A = arith.constant dense<0.000000e+00> : vector<1000x128xf32>
    %dot_general3A_20 = tpu.matmul %mul3A_16, %get3A_19, %dot_general3A {dimension_numbers = #tpu.dot_dimension_numbers<[1], [0], [0], [1], [0, 0, 1, 1], [], []>, transpose_lhs_hint = false} : vector<1000x128xf32>, vector<128x128xf32>, vector<1000x128xf32> -> vector<1000x128xf32>
    %slice3A = vector.extract_strided_slice %dot_general3A_20 {offsets = [0, 0], sizes = [1000, 32], strides = [1, 1]} : vector<1000x128xf32> to vector<1000x32xf32>
    %swap3A_21 = arith.constant 0 : index
    %swap3A_22 = arith.constant 0 : index
    %swap3A_23 = vector.load %arg5[%swap3A_21, %swap3A_22] : memref<1000x32xf32, #tpu.memory_space<vmem>>, vector<1000x32xf32>
    tpu.vector_store %arg5[%swap3A_21, %swap3A_22], %slice3A {strides = array<i32>} : memref<1000x32xf32, #tpu.memory_space<vmem>>, vector<1000x32xf32>,
    %slice3A_24 = vector.extract_strided_slice %dot_general3A_20 {offsets = [0, 32], sizes = [1000, 32], strides = [1, 1]} : vector<1000x128xf32> to vector<1000x32xf32>
    %swap3A_25 = arith.constant 0 : index
    %swap3A_26 = arith.constant 0 : index
    %swap3A_27 = vector.load %arg6[%swap3A_25, %swap3A_26] : memref<1000x32xf32, #tpu.memory_space<vmem>>, vector<1000x32xf32>
    tpu.vector_store %arg6[%swap3A_25, %swap3A_26], %slice3A_24 {strides = array<i32>} : memref<1000x32xf32, #tpu.memory_space<vmem>>, vector<1000x32xf32>,
    %slice3A_28 = vector.extract_strided_slice %dot_general3A_20 {offsets = [0, 64], sizes = [1000, 32], strides = [1, 1]} : vector<1000x128xf32> to vector<1000x32xf32>
    %swap3A_29 = arith.constant 0 : index
    %swap3A_30 = arith.constant 0 : index
    %swap3A_31 = vector.load %arg7[%swap3A_29, %swap3A_30] : memref<1000x32xf32, #tpu.memory_space<vmem>>, vector<1000x32xf32>
    tpu.vector_store %arg7[%swap3A_29, %swap3A_30], %slice3A_28 {strides = array<i32>} : memref<1000x32xf32, #tpu.memory_space<vmem>>, vector<1000x32xf32>,
    %slice3A_32 = vector.extract_strided_slice %dot_general3A_20 {offsets = [0, 96], sizes = [1000, 32], strides = [1, 1]} : vector<1000x128xf32> to vector<1000x32xf32>
    %swap3A_33 = arith.constant 0 : index
    %swap3A_34 = arith.constant 0 : index
    %swap3A_35 = vector.load %arg8[%swap3A_33, %swap3A_34] : memref<1000x32xf32, #tpu.memory_space<vmem>>, vector<1000x32xf32>
    tpu.vector_store %arg8[%swap3A_33, %swap3A_34], %slice3A_32 {strides = array<i32>} : memref<1000x32xf32, #tpu.memory_space<vmem>>, vector<1000x32xf32>,
    return
  }
  func.func @transform_0(%arg0: i32) -> (i32, i32, i32) {
    %c0_i32 = arith.constant 0 : i32
    %c0_i32_0 = arith.constant 0 : i32
    %c0_i32_1 = arith.constant 0 : i32
    return %c0_i32, %arg0, %c0_i32_0 : i32, i32, i32
  }
  func.func @transform_1(%arg0: i32) -> (i32, i32) {
    %c0_i32 = arith.constant 0 : i32
    %c0_i32_0 = arith.constant 0 : i32
    return %arg0, %c0_i32 : i32, i32
  }
  func.func @transform_2(%arg0: i32) -> (i32, i32) {
    %c0_i32 = arith.constant 0 : i32
    %c0_i32_0 = arith.constant 0 : i32
    %c0_i32_1 = arith.constant 0 : i32
    return %c0_i32, %c0_i32_0 : i32, i32
  }
  func.func @transform_3(%arg0: i32) -> (i32, i32) {
    %c0_i32 = arith.constant 0 : i32
    %c0_i32_0 = arith.constant 0 : i32
    return %arg0, %c0_i32 : i32, i32
  }
  func.func @transform_4(%arg0: i32) -> (i32, i32) {
    %c0_i32 = arith.constant 0 : i32
    %c0_i32_0 = arith.constant 0 : i32
    return %arg0, %c0_i32 : i32, i32
  }
  func.func @transform_5(%arg0: i32) -> (i32, i32) {
    %c0_i32 = arith.constant 0 : i32
    %c0_i32_0 = arith.constant 0 : i32
    return %arg0, %c0_i32 : i32, i32
  }
  func.func @transform_6(%arg0: i32) -> (i32, i32) {
    %c0_i32 = arith.constant 0 : i32
    %c0_i32_0 = arith.constant 0 : i32
    return %arg0, %c0_i32 : i32, i32
  }
  func.func @transform_7(%arg0: i32) -> (i32, i32) {
    %c0_i32 = arith.constant 0 : i32
    %c0_i32_0 = arith.constant 0 : i32
    return %arg0, %c0_i32 : i32, i32
  }
}

module attributes {stable_mosaic.version = 14 : i64} {
  func.func @_stage_b(%arg0: i32, %arg1: memref<1000x32xf32, #tpu.memory_space<vmem>>, %arg2: memref<1000x32xf32, #tpu.memory_space<vmem>>, %arg3: memref<1000x32xf32, #tpu.memory_space<vmem>>, %arg4: memref<1000x32xf32, #tpu.memory_space<vmem>>, %arg5: memref<1000x1xf32, #tpu.memory_space<vmem>>, %arg6: memref<1x128xf32, #tpu.memory_space<vmem>>, %arg7: memref<128x64xf32, #tpu.memory_space<vmem>>, %arg8: memref<1000x32xf32, #tpu.memory_space<vmem>>, %arg9: memref<1000x32xf32, #tpu.memory_space<vmem>>) attributes {dimension_semantics = [#tpu.dimension_semantics<arbitrary>], iteration_bounds = array<i64: 10>, scalar_prefetch = 0 : i64, scratch_operands = 0 : i64, tpu.core_type = #tpu.core_type<tc>, window_params = [{transform_indices = @transform_0, window_bounds = array<i64: 1000, 32>}, {transform_indices = @transform_1, window_bounds = array<i64: 1000, 32>}, {transform_indices = @transform_2, window_bounds = array<i64: 1000, 32>}, {transform_indices = @transform_3, window_bounds = array<i64: 1000, 32>}, {transform_indices = @transform_4, window_bounds = array<i64: 1000, 1>}, {pipeline_mode = #tpu.pipeline_mode<synchronous>, transform_indices = @transform_5, window_bounds = array<i64: 1, 128>}, {pipeline_mode = #tpu.pipeline_mode<synchronous>, transform_indices = @transform_6, window_bounds = array<i64: 128, 64>}, {transform_indices = @transform_7, window_bounds = array<i64: 1000, 32>}, {transform_indices = @transform_8, window_bounds = array<i64: 1000, 32>}]} {
    %get3A = arith.constant 0 : index
    %get3A_0 = arith.constant 0 : index
    %get3A_1 = vector.load %arg1[%get3A, %get3A_0] : memref<1000x32xf32, #tpu.memory_space<vmem>>, vector<1000x32xf32>
    %get3A_2 = arith.constant 0 : index
    %get3A_3 = arith.constant 0 : index
    %get3A_4 = vector.load %arg2[%get3A_2, %get3A_3] : memref<1000x32xf32, #tpu.memory_space<vmem>>, vector<1000x32xf32>
    %get3A_5 = arith.constant 0 : index
    %get3A_6 = arith.constant 0 : index
    %get3A_7 = vector.load %arg3[%get3A_5, %get3A_6] : memref<1000x32xf32, #tpu.memory_space<vmem>>, vector<1000x32xf32>
    %get3A_8 = arith.constant 0 : index
    %get3A_9 = arith.constant 0 : index
    %get3A_10 = vector.load %arg4[%get3A_8, %get3A_9] : memref<1000x32xf32, #tpu.memory_space<vmem>>, vector<1000x32xf32>
    %concatenate3A = tpu.concatenate %get3A_1, %get3A_4, %get3A_7, %get3A_10 in 1 : vector<1000x32xf32>, vector<1000x32xf32>, vector<1000x32xf32>, vector<1000x32xf32> -> vector<1000x128xf32>
    %get3A_11 = arith.constant 0 : index
    %get3A_12 = arith.constant 0 : index
    %get3A_13 = vector.load %arg5[%get3A_11, %get3A_12] : memref<1000x1xf32, #tpu.memory_space<vmem>>, vector<1000x1xf32>
    %mul3A = vector.broadcast %get3A_13 : vector<1000x1xf32> to vector<1000x128xf32>
    %mul3A_14 = arith.mulf %concatenate3A, %mul3A : vector<1000x128xf32>
    %get3A_15 = arith.constant 0 : index
    %get3A_16 = arith.constant 0 : index
    %get3A_17 = vector.load %arg6[%get3A_15, %get3A_16] : memref<1x128xf32, #tpu.memory_space<vmem>>, vector<1x128xf32>
    %add3A = vector.broadcast %get3A_17 : vector<1x128xf32> to vector<1000x128xf32>
    %add3A_18 = arith.addf %mul3A_14, %add3A : vector<1000x128xf32>
    %max3A = arith.constant 0.000000e+00 : f32
    %max3A_19 = vector.broadcast %max3A : f32 to vector<1000x128xf32>
    %max3A_20 = arith.maximumf %add3A_18, %max3A_19 : vector<1000x128xf32>
    %mul3A_21 = vector.broadcast %get3A_13 : vector<1000x1xf32> to vector<1000x128xf32>
    %mul3A_22 = arith.mulf %max3A_20, %mul3A_21 : vector<1000x128xf32>
    %get3A_23 = arith.constant 0 : index
    %get3A_24 = arith.constant 0 : index
    %get3A_25 = vector.load %arg7[%get3A_23, %get3A_24] : memref<128x64xf32, #tpu.memory_space<vmem>>, vector<128x64xf32>
    %dot_general3A = arith.constant dense<0.000000e+00> : vector<1000x64xf32>
    %dot_general3A_26 = tpu.matmul %mul3A_22, %get3A_25, %dot_general3A {dimension_numbers = #tpu.dot_dimension_numbers<[1], [0], [0], [1], [0, 0, 1, 1], [], []>, transpose_lhs_hint = false} : vector<1000x128xf32>, vector<128x64xf32>, vector<1000x64xf32> -> vector<1000x64xf32>
    %slice3A = vector.extract_strided_slice %dot_general3A_26 {offsets = [0, 0], sizes = [1000, 32], strides = [1, 1]} : vector<1000x64xf32> to vector<1000x32xf32>
    %swap3A = arith.constant 0 : index
    %swap3A_27 = arith.constant 0 : index
    %swap3A_28 = vector.load %arg8[%swap3A, %swap3A_27] : memref<1000x32xf32, #tpu.memory_space<vmem>>, vector<1000x32xf32>
    tpu.vector_store %arg8[%swap3A, %swap3A_27], %slice3A {strides = array<i32>} : memref<1000x32xf32, #tpu.memory_space<vmem>>, vector<1000x32xf32>,
    %slice3A_29 = vector.extract_strided_slice %dot_general3A_26 {offsets = [0, 32], sizes = [1000, 32], strides = [1, 1]} : vector<1000x64xf32> to vector<1000x32xf32>
    %swap3A_30 = arith.constant 0 : index
    %swap3A_31 = arith.constant 0 : index
    %swap3A_32 = vector.load %arg9[%swap3A_30, %swap3A_31] : memref<1000x32xf32, #tpu.memory_space<vmem>>, vector<1000x32xf32>
    tpu.vector_store %arg9[%swap3A_30, %swap3A_31], %slice3A_29 {strides = array<i32>} : memref<1000x32xf32, #tpu.memory_space<vmem>>, vector<1000x32xf32>,
    return
  }
  func.func @transform_0(%arg0: i32) -> (i32, i32) {
    %c0_i32 = arith.constant 0 : i32
    %c0_i32_0 = arith.constant 0 : i32
    return %arg0, %c0_i32 : i32, i32
  }
  func.func @transform_1(%arg0: i32) -> (i32, i32) {
    %c0_i32 = arith.constant 0 : i32
    %c0_i32_0 = arith.constant 0 : i32
    return %arg0, %c0_i32 : i32, i32
  }
  func.func @transform_2(%arg0: i32) -> (i32, i32) {
    %c0_i32 = arith.constant 0 : i32
    %c0_i32_0 = arith.constant 0 : i32
    return %arg0, %c0_i32 : i32, i32
  }
  func.func @transform_3(%arg0: i32) -> (i32, i32) {
    %c0_i32 = arith.constant 0 : i32
    %c0_i32_0 = arith.constant 0 : i32
    return %arg0, %c0_i32 : i32, i32
  }
  func.func @transform_4(%arg0: i32) -> (i32, i32) {
    %c0_i32 = arith.constant 0 : i32
    %c0_i32_0 = arith.constant 0 : i32
    return %arg0, %c0_i32 : i32, i32
  }
  func.func @transform_5(%arg0: i32) -> (i32, i32) {
    %c0_i32 = arith.constant 0 : i32
    %c0_i32_0 = arith.constant 0 : i32
    %c0_i32_1 = arith.constant 0 : i32
    return %c0_i32, %c0_i32_0 : i32, i32
  }
  func.func @transform_6(%arg0: i32) -> (i32, i32) {
    %c0_i32 = arith.constant 0 : i32
    %c0_i32_0 = arith.constant 0 : i32
    %c0_i32_1 = arith.constant 0 : i32
    return %c0_i32, %c0_i32_0 : i32, i32
  }
  func.func @transform_7(%arg0: i32) -> (i32, i32) {
    %c0_i32 = arith.constant 0 : i32
    %c0_i32_0 = arith.constant 0 : i32
    return %arg0, %c0_i32 : i32, i32
  }
  func.func @transform_8(%arg0: i32) -> (i32, i32) {
    %c0_i32 = arith.constant 0 : i32
    %c0_i32_0 = arith.constant 0 : i32
    return %arg0, %c0_i32 : i32, i32
  }
}

module attributes {stable_mosaic.version = 14 : i64} {
  func.func @_stage_c(%arg0: i32, %arg1: memref<1000x32xf32, #tpu.memory_space<vmem>>, %arg2: memref<1000x32xf32, #tpu.memory_space<vmem>>, %arg3: memref<1000x1xf32, #tpu.memory_space<vmem>>, %arg4: memref<1x64xf32, #tpu.memory_space<vmem>>, %arg5: memref<64x64xf32, #tpu.memory_space<vmem>>, %arg6: memref<1000x64xf32, #tpu.memory_space<vmem>>, %arg7: memref<1000x32xf32, #tpu.memory_space<vmem>>, %arg8: memref<1000x32xf32, #tpu.memory_space<vmem>>) attributes {dimension_semantics = [#tpu.dimension_semantics<arbitrary>], iteration_bounds = array<i64: 10>, scalar_prefetch = 0 : i64, scratch_operands = 0 : i64, tpu.core_type = #tpu.core_type<tc>, window_params = [{transform_indices = @transform_0, window_bounds = array<i64: 1000, 32>}, {transform_indices = @transform_1, window_bounds = array<i64: 1000, 32>}, {transform_indices = @transform_2, window_bounds = array<i64: 1000, 1>}, {pipeline_mode = #tpu.pipeline_mode<synchronous>, transform_indices = @transform_3, window_bounds = array<i64: 1, 64>}, {pipeline_mode = #tpu.pipeline_mode<synchronous>, transform_indices = @transform_4, window_bounds = array<i64: 64, 64>}, {transform_indices = @transform_5, window_bounds = array<i64: 1000, 64>}, {transform_indices = @transform_6, window_bounds = array<i64: 1000, 32>}, {transform_indices = @transform_7, window_bounds = array<i64: 1000, 32>}]} {
    %get3A = arith.constant 0 : index
    %get3A_0 = arith.constant 0 : index
    %get3A_1 = vector.load %arg1[%get3A, %get3A_0] : memref<1000x32xf32, #tpu.memory_space<vmem>>, vector<1000x32xf32>
    %get3A_2 = arith.constant 0 : index
    %get3A_3 = arith.constant 0 : index
    %get3A_4 = vector.load %arg2[%get3A_2, %get3A_3] : memref<1000x32xf32, #tpu.memory_space<vmem>>, vector<1000x32xf32>
    %concatenate3A = tpu.concatenate %get3A_1, %get3A_4 in 1 : vector<1000x32xf32>, vector<1000x32xf32> -> vector<1000x64xf32>
    %get3A_5 = arith.constant 0 : index
    %get3A_6 = arith.constant 0 : index
    %get3A_7 = vector.load %arg3[%get3A_5, %get3A_6] : memref<1000x1xf32, #tpu.memory_space<vmem>>, vector<1000x1xf32>
    %mul3A = vector.broadcast %get3A_7 : vector<1000x1xf32> to vector<1000x64xf32>
    %mul3A_8 = arith.mulf %concatenate3A, %mul3A : vector<1000x64xf32>
    %get3A_9 = arith.constant 0 : index
    %get3A_10 = arith.constant 0 : index
    %get3A_11 = vector.load %arg4[%get3A_9, %get3A_10] : memref<1x64xf32, #tpu.memory_space<vmem>>, vector<1x64xf32>
    %add3A = vector.broadcast %get3A_11 : vector<1x64xf32> to vector<1000x64xf32>
    %add3A_12 = arith.addf %mul3A_8, %add3A : vector<1000x64xf32>
    %swap3A = arith.constant 0 : index
    %swap3A_13 = arith.constant 0 : index
    %swap3A_14 = vector.load %arg6[%swap3A, %swap3A_13] : memref<1000x64xf32, #tpu.memory_space<vmem>>, vector<1000x64xf32>
    tpu.vector_store %arg6[%swap3A, %swap3A_13], %add3A_12 {strides = array<i32>} : memref<1000x64xf32, #tpu.memory_space<vmem>>, vector<1000x64xf32>,
    %mul3A_15 = vector.broadcast %get3A_7 : vector<1000x1xf32> to vector<1000x64xf32>
    %mul3A_16 = arith.mulf %add3A_12, %mul3A_15 : vector<1000x64xf32>
    %get3A_17 = arith.constant 0 : index
    %get3A_18 = arith.constant 0 : index
    %get3A_19 = vector.load %arg5[%get3A_17, %get3A_18] : memref<64x64xf32, #tpu.memory_space<vmem>>, vector<64x64xf32>
    %dot_general3A = arith.constant dense<0.000000e+00> : vector<1000x64xf32>
    %dot_general3A_20 = tpu.matmul %mul3A_16, %get3A_19, %dot_general3A {dimension_numbers = #tpu.dot_dimension_numbers<[1], [0], [0], [1], [0, 0, 1, 1], [], []>, transpose_lhs_hint = false} : vector<1000x64xf32>, vector<64x64xf32>, vector<1000x64xf32> -> vector<1000x64xf32>
    %slice3A = vector.extract_strided_slice %dot_general3A_20 {offsets = [0, 0], sizes = [1000, 32], strides = [1, 1]} : vector<1000x64xf32> to vector<1000x32xf32>
    %swap3A_21 = arith.constant 0 : index
    %swap3A_22 = arith.constant 0 : index
    %swap3A_23 = vector.load %arg7[%swap3A_21, %swap3A_22] : memref<1000x32xf32, #tpu.memory_space<vmem>>, vector<1000x32xf32>
    tpu.vector_store %arg7[%swap3A_21, %swap3A_22], %slice3A {strides = array<i32>} : memref<1000x32xf32, #tpu.memory_space<vmem>>, vector<1000x32xf32>,
    %slice3A_24 = vector.extract_strided_slice %dot_general3A_20 {offsets = [0, 32], sizes = [1000, 32], strides = [1, 1]} : vector<1000x64xf32> to vector<1000x32xf32>
    %swap3A_25 = arith.constant 0 : index
    %swap3A_26 = arith.constant 0 : index
    %swap3A_27 = vector.load %arg8[%swap3A_25, %swap3A_26] : memref<1000x32xf32, #tpu.memory_space<vmem>>, vector<1000x32xf32>
    tpu.vector_store %arg8[%swap3A_25, %swap3A_26], %slice3A_24 {strides = array<i32>} : memref<1000x32xf32, #tpu.memory_space<vmem>>, vector<1000x32xf32>,
    return
  }
  func.func @transform_0(%arg0: i32) -> (i32, i32) {
    %c0_i32 = arith.constant 0 : i32
    %c0_i32_0 = arith.constant 0 : i32
    return %arg0, %c0_i32 : i32, i32
  }
  func.func @transform_1(%arg0: i32) -> (i32, i32) {
    %c0_i32 = arith.constant 0 : i32
    %c0_i32_0 = arith.constant 0 : i32
    return %arg0, %c0_i32 : i32, i32
  }
  func.func @transform_2(%arg0: i32) -> (i32, i32) {
    %c0_i32 = arith.constant 0 : i32
    %c0_i32_0 = arith.constant 0 : i32
    return %arg0, %c0_i32 : i32, i32
  }
  func.func @transform_3(%arg0: i32) -> (i32, i32) {
    %c0_i32 = arith.constant 0 : i32
    %c0_i32_0 = arith.constant 0 : i32
    %c0_i32_1 = arith.constant 0 : i32
    return %c0_i32, %c0_i32_0 : i32, i32
  }
  func.func @transform_4(%arg0: i32) -> (i32, i32) {
    %c0_i32 = arith.constant 0 : i32
    %c0_i32_0 = arith.constant 0 : i32
    %c0_i32_1 = arith.constant 0 : i32
    return %c0_i32, %c0_i32_0 : i32, i32
  }
  func.func @transform_5(%arg0: i32) -> (i32, i32) {
    %c0_i32 = arith.constant 0 : i32
    %c0_i32_0 = arith.constant 0 : i32
    return %arg0, %c0_i32 : i32, i32
  }
  func.func @transform_6(%arg0: i32) -> (i32, i32) {
    %c0_i32 = arith.constant 0 : i32
    %c0_i32_0 = arith.constant 0 : i32
    return %arg0, %c0_i32 : i32, i32
  }
  func.func @transform_7(%arg0: i32) -> (i32, i32) {
    %c0_i32 = arith.constant 0 : i32
    %c0_i32_0 = arith.constant 0 : i32
    return %arg0, %c0_i32 : i32, i32
  }
}

module attributes {stable_mosaic.version = 14 : i64} {
  func.func @_stage_d(%arg0: i32, %arg1: memref<1000x32xf32, #tpu.memory_space<vmem>>, %arg2: memref<1000x32xf32, #tpu.memory_space<vmem>>, %arg3: memref<1000x1xf32, #tpu.memory_space<vmem>>, %arg4: memref<1x64xf32, #tpu.memory_space<vmem>>, %arg5: memref<1000x64xf32, #tpu.memory_space<vmem>>) attributes {dimension_semantics = [#tpu.dimension_semantics<arbitrary>], iteration_bounds = array<i64: 10>, scalar_prefetch = 0 : i64, scratch_operands = 0 : i64, tpu.core_type = #tpu.core_type<tc>, window_params = [{transform_indices = @transform_0, window_bounds = array<i64: 1000, 32>}, {transform_indices = @transform_1, window_bounds = array<i64: 1000, 32>}, {transform_indices = @transform_2, window_bounds = array<i64: 1000, 1>}, {pipeline_mode = #tpu.pipeline_mode<synchronous>, transform_indices = @transform_3, window_bounds = array<i64: 1, 64>}, {transform_indices = @transform_4, window_bounds = array<i64: 1000, 64>}]} {
    %get3A = arith.constant 0 : index
    %get3A_0 = arith.constant 0 : index
    %get3A_1 = vector.load %arg1[%get3A, %get3A_0] : memref<1000x32xf32, #tpu.memory_space<vmem>>, vector<1000x32xf32>
    %get3A_2 = arith.constant 0 : index
    %get3A_3 = arith.constant 0 : index
    %get3A_4 = vector.load %arg2[%get3A_2, %get3A_3] : memref<1000x32xf32, #tpu.memory_space<vmem>>, vector<1000x32xf32>
    %concatenate3A = tpu.concatenate %get3A_1, %get3A_4 in 1 : vector<1000x32xf32>, vector<1000x32xf32> -> vector<1000x64xf32>
    %get3A_5 = arith.constant 0 : index
    %get3A_6 = arith.constant 0 : index
    %get3A_7 = vector.load %arg3[%get3A_5, %get3A_6] : memref<1000x1xf32, #tpu.memory_space<vmem>>, vector<1000x1xf32>
    %mul3A = vector.broadcast %get3A_7 : vector<1000x1xf32> to vector<1000x64xf32>
    %mul3A_8 = arith.mulf %concatenate3A, %mul3A : vector<1000x64xf32>
    %get3A_9 = arith.constant 0 : index
    %get3A_10 = arith.constant 0 : index
    %get3A_11 = vector.load %arg4[%get3A_9, %get3A_10] : memref<1x64xf32, #tpu.memory_space<vmem>>, vector<1x64xf32>
    %add3A = vector.broadcast %get3A_11 : vector<1x64xf32> to vector<1000x64xf32>
    %add3A_12 = arith.addf %mul3A_8, %add3A : vector<1000x64xf32>
    %swap3A = arith.constant 0 : index
    %swap3A_13 = arith.constant 0 : index
    %swap3A_14 = vector.load %arg5[%swap3A, %swap3A_13] : memref<1000x64xf32, #tpu.memory_space<vmem>>, vector<1000x64xf32>
    tpu.vector_store %arg5[%swap3A, %swap3A_13], %add3A_12 {strides = array<i32>} : memref<1000x64xf32, #tpu.memory_space<vmem>>, vector<1000x64xf32>,
    return
  }
  func.func @transform_0(%arg0: i32) -> (i32, i32) {
    %c0_i32 = arith.constant 0 : i32
    %c0_i32_0 = arith.constant 0 : i32
    return %arg0, %c0_i32 : i32, i32
  }
  func.func @transform_1(%arg0: i32) -> (i32, i32) {
    %c0_i32 = arith.constant 0 : i32
    %c0_i32_0 = arith.constant 0 : i32
    return %arg0, %c0_i32 : i32, i32
  }
  func.func @transform_2(%arg0: i32) -> (i32, i32) {
    %c0_i32 = arith.constant 0 : i32
    %c0_i32_0 = arith.constant 0 : i32
    return %arg0, %c0_i32 : i32, i32
  }
  func.func @transform_3(%arg0: i32) -> (i32, i32) {
    %c0_i32 = arith.constant 0 : i32
    %c0_i32_0 = arith.constant 0 : i32
    %c0_i32_1 = arith.constant 0 : i32
    return %c0_i32, %c0_i32_0 : i32, i32
  }
  func.func @transform_4(%arg0: i32) -> (i32, i32) {
    %c0_i32 = arith.constant 0 : i32
    %c0_i32_0 = arith.constant 0 : i32
    return %arg0, %c0_i32 : i32, i32
  }
}

</mosaic_0001>

<sc_bundles>
// kernel: kernel.11.cloned.1.call-start
scs
__scs_entry_jumppad:
0x0: {  	(pc) =	sbr.rel $0x88, $3  }
0x1: {  	(tag) =	ssettag $0x0;
	lr =	simm.s32 $0x1  }
0x2: {  	[smem:$0x3F99] =	sst lr;
	_ =	strace $0xD0000000  }
0x3: {  	_ = 	snop  }
0x4: {  	_ = 	snop  }
0x5: {  	_ = 	snop  }
0x6: {  	_ = 	snop  }
0x7: {  	_ = 	snop  }
__scs_overlays_trampoline_lowered:
0x8: {  	[smem:$0x3FA8] =	sst s0  }
0x9: {  	[smem:$0x3FA9] =	sst s1  }
0xa: {  	[smem:$0x3FAA] =	sst s2  }
0xb: {  	[smem:$0x3FAB] =	sst s3  }
0xc: {  	[smem:$0x3FAC] =	sst s4  }
0xd: {  	[smem:$0x3FAD] =	sst s5  }
0xe: {  	[smem:$0x3FAE] =	sst s6  }
0xf: {  	[smem:$0x3FAF] =	sst s7  }
0x10: {  	[smem:$0x3FB0] =	sst s8  }
0x11: {  	[smem:$0x3FB1] =	sst s9;
	s0 =	simm.s32 @!p0 $0x0  }
0x12: {  	s1 =	sld [smem:$0x3F97];
	s0 =	simm.s32 @p0 $0x1  }
0x13: {  	[smem:$0x3FB2] =	sst s0;
	s0 =	simm.s32 @!p1 $0x0  }
0x14: {  	s2 =	sld [smem:$0x3F96];
	s0 =	simm.s32 @p1 $0x1  }
0x15: {  	[smem:$0x3FB3] =	sst s0;
	s0 =	simm.s32 @!p2 $0x0  }
0x16: {  	s3 =	sld [smem:$0x3FDB];
	s0 =	simm.s32 @p2 $0x1  }
0x17: {  	s4 =	simm.s32 $0x1BF5;
	[smem:$0x3FB5] =	sst s0  }
0x18: {  	s0 =	sld [smem:$0x3F98];
	_ =	swait.ge [sflag:s4], $0x0  }
0x19: {  	s7 =	sld [smem:$0x3F99]  }
0x1a: {  	s8 =	sadd.s32 $0xFFFFE003, lr  }
0x1b: {  	s9 =	sadd.s32 $0xFFFFFEF7, lr;
	s5 =	simm.s32 $0xFFFFFFFF;
	p2 =	slt.u32 s8, $0xFFFFF086  }
0x1c: {  	p1 =	slt.u32 s9, $0xF7A;
	s5 =	simm.s32 @!p2 $0x0  }
0x1d: {  	s5 =	simm.s32 @p1 $0x1;
	p0 =	seq.s32 s7, s2  }
0x1e: {  	s7 =	smul.u32 @!p0 $0xF7A, s2;
	p2 =	seq.s32 @!p0 s5, $0x0  }
0x1f: {  	s9 =	smul.u32 $0xF7A, s1;
	s8 =	simm.s32 @!p0 $0x1BF5;
	p2 =	por !p2, p0  }
0x20: {  	[sflag:s8] =	ssyncset.s32 @!p0 $0xFFFFF086;
	s6 =	sadd.s32 @!p0 s3, s7;
	s7 =	simm.s32 @!p0 $0x108  }
0x21: {  	s3 =	sadd.s32 s3, s9;
	s6 =	sadd.s32 @!p0 $0x88, s6;
	s7 =	simm.s32 @p2 $0x1082  }
0x22: {  	[simem:s7], [sflag:s8] =	dma.local @!p0 [hbm:s6], $0xF7A  }
0x23: {  	s9 =	sor.u32 $0xD0000000, s2;
	s6 =	simm.s32 $0x108;
	_ =	swait.ge @!p0 [sflag:s8], $0x0  }
0x24: {  	s3 =	sadd.s32 $0x88, s3;
	s6 =	simm.s32 @!p1 $0x1082;
	[sflag:s4] =	ssyncset.s32 $0xFFFFF086  }
0x25: {  	[simem:s6], [sflag:s4] =	dma.local [hbm:s3], $0xF7A  }
0x26: {  	[smem:$0x3F99] =	sst s1;
	(tag) =	ssettag s2;
	_ =	strace s9  }
0x27: {  	s1 =	sld [smem:$0x3FA9]  }
0x28: {  	s2 =	sld [smem:$0x3FAA]  }
0x29: {  	s4 =	sld [smem:$0x3FAC]  }
0x2a: {  	p0 =	seq.s32 s5, $0x0;
	s5 =	sld [smem:$0x3FAD]  }
0x2b: {  	s6 =	sld [smem:$0x3FAE]  }
0x2c: {  	s7 =	sld [smem:$0x3FAF]  }
0x2d: {  	s3 =	simm.s32 $0x108;
	s8 =	sld [smem:$0x3FB0]  }
0x2e: {  	s3 =	simm.s32 @!p0 $0x1082;
	s9 =	sld [smem:$0x3FB1]  }
0x2f: {  	lr =	sadd.s32 s0, s3;
	s0 =	sld [smem:$0x3FA8]  }
0x30: {  	s3 =	sld [smem:$0x3FAB]  }
0x31: {  	[smem:$0x3FB4] =	sst s10  }
0x32: {  	s10 =	sld [smem:$0x3FB2];
	_ =	sdelay $0x3  }
0x33: {  	p0 =	seq.s32 s10, $0x1;
	s10 =	sld [smem:$0x3FB4];
	_ =	sdelay $0x3  }
0x34: {  	[smem:$0x3FB4] =	sst s10  }
0x35: {  	s10 =	sld [smem:$0x3FB3];
	_ =	sdelay $0x3  }
0x36: {  	p1 =	seq.s32 s10, $0x1;
	s10 =	sld [smem:$0x3FB4];
	_ =	sdelay $0x3  }
0x37: {  	[smem:$0x3FB4] =	sst s10  }
0x38: {  	s10 =	sld [smem:$0x3FB5]  }
0x39: {  	_ = 	snop;
	(pc) =	sbr.ind lr, $3  }
0x3a: {  	_ = 	snop  }
0x3b: {  	_ = 	snop  }
0x3c: {  	p2 =	seq.s32 s10, $0x1;
	s10 =	sld [smem:$0x3FB4]  }
0x3d: {  	_ =	shalt  }
0x3e: {  	_ =	shalt  }
0x3f: {  	_ =	shalt  }
0x40: {  	_ =	shalt  }
0x41: {  	_ =	shalt  }
0x42: {  	_ =	shalt  }
0x43: {  	_ =	shalt  }
0x44: {  	_ =	shalt  }
0x45: {  	_ =	shalt  }
0x46: {  	_ =	shalt  }
0x47: {  	_ =	shalt  }
0x48: {  	_ =	shalt  }
0x49: {  	_ =	shalt  }
0x4a: {  	_ =	shalt  }
0x4b: {  	_ =	shalt  }
0x4c: {  	_ =	shalt  }
0x4d: {  	_ =	shalt  }
0x4e: {  	_ =	shalt  }
0x4f: {  	_ =	shalt  }
0x50: {  	_ =	shalt  }
0x51: {  	_ =	shalt  }
0x52: {  	_ =	shalt  }
0x53: {  	_ =	shalt  }
0x54: {  	_ =	shalt  }
0x55: {  	_ =	shalt  }
0x56: {  	_ =	shalt  }
0x57: {  	_ =	shalt  }
0x58: {  	_ =	shalt  }
0x59: {  	_ =	shalt  }
0x5a: {  	_ =	shalt  }
0x5b: {  	_ =	shalt  }
0x5c: {  	_ =	shalt  }
0x5d: {  	_ =	shalt  }
0x5e: {  	_ =	shalt  }
0x5f: {  	_ =	shalt  }
0x60: {  	_ =	shalt  }
0x61: {  	_ =	shalt  }
0x62: {  	_ =	shalt  }
0x63: {  	_ =	shalt  }
0x64: {  	_ =	shalt  }
0x65: {  	_ =	shalt  }
0x66: {  	_ =	shalt  }
0x67: {  	_ =	shalt  }
0x68: {  	_ =	shalt  }
0x69: {  	_ =	shalt  }
0x6a: {  	_ =	shalt  }
0x6b: {  	_ =	shalt  }
0x6c: {  	_ =	shalt  }
0x6d: {  	_ =	shalt  }
0x6e: {  	_ =	shalt  }
0x6f: {  	_ =	shalt  }
0x70: {  	_ =	shalt  }
0x71: {  	_ =	shalt  }
0x72: {  	_ =	shalt  }
0x73: {  	_ =	shalt  }
0x74: {  	_ =	shalt  }
0x75: {  	_ =	shalt  }
0x76: {  	_ =	shalt  }
0x77: {  	_ =	shalt  }
0x78: {  	_ =	shalt  }
0x79: {  	_ =	shalt  }
0x7a: {  	_ =	shalt  }
0x7b: {  	_ =	shalt  }
0x7c: {  	_ =	shalt  }
0x7d: {  	_ =	shalt  }
0x7e: {  	_ =	shalt  }
0x7f: {  	_ =	shalt  }
0x80: {  	_ =	shalt  }
0x81: {  	_ =	shalt  }
0x82: {  	_ =	shalt  }
0x83: {  	_ =	shalt  }
0x84: {  	_ =	shalt  }
0x85: {  	_ =	shalt  }
0x86: {  	_ =	shalt  }
0x87: {  	_ =	shalt  }
.Lfunc_end0:
.L_simem_size_0:
called_computation_lowered:
.L_overlay_start_0:
0x88: {  	s2 =	sld [smem:$0x3FD9]  }
0x89: {  	s3 =	sld [smem:$0x3FFE];
	_ =	sdelay $0x1  }
0x8a: {  	s1 =	srdreg.scid  }
0x8b: {  	s0 =	sand.u32 $0x1, s1  }
0x8c: {  	s15 =	sshll.u32 s0, $0xA;
	s2 =	sadd.s32 s3, s2  }
0x8d: {  	s2 =	sadd.s32 s2, s15  }
0x8e: {  	[smem:$0x3FC0] =	sst s2  }
0x8f: {  	_ = 	snop  }
0x90: {  	s2 =	sld [smem:$0x3FD0];
	_ =	sdelay $0x2  }
0x91: {  	s16 =	simm.s32 $0xB;
	s4 =	simm.s32 $0x10  }
0x92: {  	[smem:s4], [sflag:s16] =	dma.local [hbm:s2], $0x1  }
0x93: {  	_ =	swait.eq [sflag:s16], $0x1  }
0x94: {  	[sflag:s16] =	ssyncset.done $0x0  }
0x95: {  	s17 =	sld [smem:$0x10];
	[sflag:s16] =	ssyncadd.s32 $0xFFFFFFFF  }
0x96: {  	s18 =	sld [smem:$0x11];
	(tm) =	ssettm $0x1  }
0x97: {  	s19 =	sld [smem:$0x3FFB];
	_ =	sdelay $0x3  }
0x98: {  	_ =	strace s19  }
0x99: {  	s4 =	sld [smem:$0x3FFC];
	_ =	sdelay $0x3  }
0x9a: {  	_ =	strace s4  }
0x9b: {  	s4 =	sld [smem:$0x3FFD];
	_ =	sdelay $0x3  }
0x9c: {  	_ =	strace s4  }
0x9d: {  	_ =	strace $0x8FFFFFFF  }
0x9e: {  	s20 =	sld [smem:$0x3FDB];
	_ =	sdelay $0x1  }
0x9f: {  	s5 =	simm.s32 $_scs_section_size  }
0xa0: {  	s6 =	simm.s32 $_size__tile_overlayer_lowered;
	s7 =	simm.s32 $_tile_overlayer_lowered  }
0xa1: {  	s23 =	simm.s32 $0x1BFF;
	s22 =	sshll.u32 s7, $0x1;
	s4 =	sadd.s32 s5, s20  }
0xa2: {  	s8 =	simm.s32 $0x0;
	s21 =	sshll.u32 s6, $0x1;
	s6 =	sadd.s32 s22, s4  }
0xa3: {  	[timem:s8], [sflag:s23] =	dma.local [hbm:s6], s21  }
0xa4: {  	_ =	swait.ge [sflag:s23], s21  }
0xa5: {  	s5 =	ssub.s32 $0x0, s21;
	[sflag:s23] =	ssyncset.done $0x0  }
0xa6: {  	[sflag:s23] =	ssyncadd.s32 s5;
	_ =	sdelay $0x1  }
0xa7: {  	s24 =	simm.s32 $0x1B8B  }
0xa8: {  	_ =	swait.ge [sflag:s24], $0x1  }
0xa9: {  	[sflag:s24] =	ssyncset.done $0x0  }
0xaa: {  	s25 =	simm.s32 $0x1B8E;
	[sflag:s24] =	ssyncadd.s32 $0xFFFFFFFF  }
0xab: {  	s26 =	simm.s32 $execute0_lowered;
	[smem:$0x3FD2] =	sst s25  }
0xac: {  	s5 =	sshll.u32 s26, $0x1;
	_ =	strace $0x80000046;
	[dreg:$0x1] =	wrdreg $0xFFFFFFFF  }
0xad: {  	s28 =	simm.s32 $_size_execute0_lowered;
	s4 =	sadd.s32 s4, s5;
	[dreg:$0x0] =	wrdreg $0x0  }
0xae: {  	s5 =	sshll.u32 s28, $0x1;
	[dreg:$0x2] =	wrdreg s4  }
0xaf: {  	[dreg:$0x3] =	wrdreg s5  }
0xb0: {  	[dreg:$0x4] =	wrdreg $0xC0  }
0xb1: {  	_ =	task [dreg:s8], $0x5FFFF  }
0xb2: {  	[dreg:$0x1] =	wrdreg $0xFFFFFFFF  }
0xb3: {  	[dreg:$0x0] =	wrdreg $0x60  }
0xb4: {  	[dreg:$0x2] =	wrdreg s18  }
0xb5: {  	[dreg:$0x3] =	wrdreg s17  }
0xb6: {  	[dreg:$0x4] =	wrdreg $0x4F800  }
0xb7: {  	[dreg:$0x5] =	wrdreg $0x9  }
0xb8: {  	_ =	task.clear_ibuf [dreg:s8], $0x6FFFF;
	_ =	strace $0x90000046  }
0xb9: {  	s29 =	simm.s32 $0x9;
	_ =	strace $0x80000048  }
0xba: {  	_ =	swait.ge [sflag:s29], $0x1  }
0xbb: {  	[sflag:s29] =	ssyncadd.s32 $0xFFFFFFFF  }
0xbc: {  	_ =	strace $0x90000048  }
0xbd: {  	_ =	sfence  }
0xbe: {  	s30 =	sld [smem:$0x0];
	_ =	sdelay $0x2  }
0xbf: {  	s31 =	sshll.u32 s1, $0xD;
	s1 =	sshrl.u32 s1, $0x2  }
0xc0: {  	s3 =	sand.u32 $0x4000, s31;
	s1 =	sadd.s32 s1, s30  }
0xc1: {  	s0 =	sor.u32 s3, s0;
	s1 =	sshll.u32 s1, $0x11  }
0xc2: {  	s0 =	sor.u32 s1, s0  }
0xc3: {  	s0 =	sadd.s32 $0x8F2B, s0  }
0xc4: {  	[sflag:s0] =	ssyncadd.remote.s32 $0x1  }
0xc5: {  	_ =	sfence.sel $0xFFFF  }
0xc6: {  	[dreg:$0x0] =	wrdreg $0xFFFFFFFF;
	(pc) =	sbr.abs _section_cstart, $3  }
0xc7: {  	[dreg:$0x1] =	wrdreg $0xFFFFFFFF  }
0xc8: {  	_ =	task.clear_ibuf [dreg:s8], $0x2FFFF;
	_ =	strace $0x9FFFFFFF  }
0xc9: {  	(tm) =	ssettm $0x7FFFFFFF  }
tec
execute0_lowered:
.L_overlay_start_1:
0x0: {  	(tag) =	ssettag $0x1  }
0x1: {  	s5 =	rddreg [dreg:$0x0]  }
0x2: {  	s6 =	rddreg [dreg:$0x1]  }
0x3: {  	s2 =	rddreg [dreg:$0x2]  }
0x4: {  	s0 =	rddreg [dreg:$0x3]  }
0x5: {  	s4 =	srdreg.scid;
	s1 =	stileid.u32  }
0x6: {  	s3 =	simm.s32 $0x0;
	s4 =	sand.u32 $0x1, s4;
	s7 =	smul.u32 $0x2780, s1  }
0x7: {  	[smem:$0x7FF] =	sst s3;
	s11 =	sshll.u32 s1, $0x6;
	s8 =	sshll.u32 s4, $0x4  }
0x8: {  	s9 =	smul.u32 $0x27800, s4;
	_ =	strace $0x80000047;
	s4 =	ssub.s32 $0x2, s4  }
0x9: {  	s11 =	sor.u32 $0x1C01, s11;
	s8 =	sor.u32 s1, s8;
	s10 =	sshrl.u32 s4, $0x1  }
0xa: {  	s8 =	smul.u32 $0x500, s8;
	s9 =	sadd.s32 s7, s9;
	s10 =	ssub.s32 s4, s10  }
0xb: {  	s4 =	sadd.s32 s7, s2;
	s31 =	sshrl.u32 s9, $0x3;
	s7 =	smax.u32 s10, $0x1  }
0xc: {  	s9 =	simm.s32 $0x1;
	s10 =	simm.s32 $0x80;
	s12 =	sshrl.u32 s4, $0x3  }
0xd: {  	v0 =	vimm.f32 $1.000000000e+00;
	s5 =	sadd.s32 s5, s8;
	s6 =	sadd.s32 s6, s31;
	s8 =	simm.s32 $0x2800  }
.LBB2_1:
0xe: {  	s13 =	simm.s32 $0x40;
	s14 =	simm.s32 $0x0  }
.LBB2_2:
0xf: {  	p0 =	sne.s32 s13, $0x9DC0;
	[tilespmem:s14+$0x2800] =	vst v0;
	s14 =	smov.u32 s13;
	s13 =	sadd.s32 $0x40, s13  }
.Ltmp0:
0x10: {  	(pc) =	sbr.rel @p0 .LBB2_2-.Ltmp0, $2  }
0x11: {  	_ =	sdelay $0x2  }
0x12: {  	s14 =	sshra.s32 s14, $0x2  }
0x13: {  	[tilespmem:s14+$0x2800] =	vst v0  }
0x14: {  	[spmem:s4] =	stream.linear.scatter [tilespmem:s8], [sflag:$0x1], $0x2780, $0x38;
	[tilespmem:$0x7700] =	vst v63  }
0x15: {  	_ =	swait.ge [sflag:s9], $0x2780  }
0x16: {  	[sflag:s9] =	ssyncset.done $0x0  }
0x17: {  	s13 =	simm.s32 $0x0;
	[sflag:s9] =	ssyncadd.s32 $0xFFFFD880  }
0x18: {  	[tilespmem:s13], [sflag:$0x1] =	stream.linear.gather [hbm4b:s5+s13], $0x2800, $0x38;
	[tilespmem:$0x7700] =	vst v63  }
0x19: {  	_ =	swait.ge [sflag:s9], $0x2800  }
0x1a: {  	[sflag:s9] =	ssyncset.done $0x0  }
0x1b: {  	[sflag:s9] =	ssyncadd.s32 $0xFFFFD800  }
0x1c: {  	s31 =	simm.s32 $0x0;
	[bflag:$0x0] =	sbarrier.arrive $0xFFFF  }
0x1d: {  	[spmem:s2] =	stream.indirect.scatter.add.f32 [tilespmem:s8], [sflag:$0x1], $0x10, s31, s10, $0xb8;
	[tilespmem:$0x7700] =	vst v63  }
0x1e: {  	_ =	swait.ge [sflag:s9], $0x800  }
0x1f: {  	s13 =	simm.s32 $0x200;
	[sflag:s9] =	ssyncset.done $0x0  }
.LBB2_4:
0x20: {  	s14 =	sshra.s32 s13, $0x2;
	[sflag:s9] =	ssyncadd.s32 $0xFFFFF800;
	p0 =	sne.s32 s13, $0x9E00  }
0x21: {  	[spmem:s2] =	stream.indirect.scatter.add.f32 [tilespmem:s8], [sflag:$0x1], $0x10, s14, s10, $0xb8;
	[tilespmem:$0x7700] =	vst v63  }
.Ltmp1:
0x22: {  	_ = 	snop;
	(pc) =	sbr.rel @p0 .LBB2_4-.Ltmp1, $4  }
0x23: {  	_ = 	snop  }
0x24: {  	s13 =	sadd.s32 $0x200, s13  }
0x25: {  	_ =	swait.ge [sflag:s9], $0x800  }
0x26: {  	[sflag:s9] =	ssyncset.done $0x0  }
0x27: {  	s3 =	sadd.s32 $0x1, s3  }
0x28: {  	[sflag:s9] =	ssyncadd.s32 $0xFFFFF800;
	p0 =	sne.s32 s3, s7  }
.Ltmp2:
0x29: {  	[bflag:$0x0] =	sbarrier.arrive $0xFFFF;
	(pc) =	sbr.rel @p0 .LBB2_1-.Ltmp2, $4  }
0x2a: {  	[hbm:s6], [sflag:s11] =	dma.local [spmem:s12], $0x4F0  }
0x2b: {  	_ =	swait.ge [sflag:s9], $0x4F0  }
0x2c: {  	[sflag:s9] =	ssyncset.done $0x0  }
0x2d: {  	[sflag:s9] =	ssyncadd.s32 $0xFFFFFB10  }
0x2e: {  	_ =	sfence.sel $0x180000  }
0x2f: {  	[bflag:$0x0] =	sbarrier.arrive $0xFFFF  }
0x30: {  	p0 =	sne.s32 s1, $0x0;
	_ =	strace $0x90000047  }
0x31: {  	s0 =	sadd.s32 @!p0 $0x100000, s0;
	[bflag:$0x2] =	sbarrier.arrive $0xFFFF  }
0x32: {  	[sflag:s0] =	ssyncadd.tile.s32 @!p0 $0x1;
	_ =	shalt  }
.Lfunc_end2:
_tile_overlayer_lowered:
.L_overlay_start_2:
0x33: {  	(tag) =	ssettag $0x2  }
0x34: {  	s0 =	rddreg [dreg:$0x0];
	s2 =	stileid.u32  }
0x35: {  	s1 =	rddreg [dreg:$0x1];
	p0 =	sne.s32 s2, $0x0  }
0x36: {  	s3 =	rddreg [dreg:$0x2];
	[bflag:$0x3] =	sbarrier.arrive $0xFFFF;
	s2 =	simm.s32 @!p0 $0x1C01  }
0x37: {  	[timem:s3], [sflag:s2] =	dma.local @!p0 [hbm:s0], s1  }
0x38: {  	s0 =	simm.s32 @!p0 $0x1  }
0x39: {  	_ =	swait.ge @!p0 [sflag:s0], s1  }
0x3a: {  	s1 =	ssub.s32 @!p0 $0x0, s1;
	[sflag:s0] =	ssyncset.done @!p0 $0x0  }
0x3b: {  	[sflag:s0] =	ssyncadd.s32 @!p0 s1  }
0x3c: {  	[bflag:$0x3] =	sbarrier.arrive $0xFFFF  }
0x3d: {  	_ =	shalt  }

// kernel: kernel.14.cloned.1.call-start
scs
__scs_entry_jumppad:
0x0: {  	(pc) =	sbr.rel $0x88, $3  }
0x1: {  	(tag) =	ssettag $0x0;
	lr =	simm.s32 $0x1  }
0x2: {  	[smem:$0x3F99] =	sst lr;
	_ =	strace $0xD0000000  }
0x3: {  	_ = 	snop  }
0x4: {  	_ = 	snop  }
0x5: {  	_ = 	snop  }
0x6: {  	_ = 	snop  }
0x7: {  	_ = 	snop  }
__scs_overlays_trampoline_lowered:
0x8: {  	[smem:$0x3FA8] =	sst s0  }
0x9: {  	[smem:$0x3FA9] =	sst s1  }
0xa: {  	[smem:$0x3FAA] =	sst s2  }
0xb: {  	[smem:$0x3FAB] =	sst s3  }
0xc: {  	[smem:$0x3FAC] =	sst s4  }
0xd: {  	[smem:$0x3FAD] =	sst s5  }
0xe: {  	[smem:$0x3FAE] =	sst s6  }
0xf: {  	[smem:$0x3FAF] =	sst s7  }
0x10: {  	[smem:$0x3FB0] =	sst s8  }
0x11: {  	[smem:$0x3FB1] =	sst s9;
	s0 =	simm.s32 @!p0 $0x0  }
0x12: {  	s1 =	sld [smem:$0x3F97];
	s0 =	simm.s32 @p0 $0x1  }
0x13: {  	[smem:$0x3FB2] =	sst s0;
	s0 =	simm.s32 @!p1 $0x0  }
0x14: {  	s2 =	sld [smem:$0x3F96];
	s0 =	simm.s32 @p1 $0x1  }
0x15: {  	[smem:$0x3FB3] =	sst s0;
	s0 =	simm.s32 @!p2 $0x0  }
0x16: {  	s3 =	sld [smem:$0x3FDB];
	s0 =	simm.s32 @p2 $0x1  }
0x17: {  	s4 =	simm.s32 $0x1BF5;
	[smem:$0x3FB5] =	sst s0  }
0x18: {  	s0 =	sld [smem:$0x3F98];
	_ =	swait.ge [sflag:s4], $0x0  }
0x19: {  	s7 =	sld [smem:$0x3F99]  }
0x1a: {  	s8 =	sadd.s32 $0xFFFFE003, lr  }
0x1b: {  	s9 =	sadd.s32 $0xFFFFFEF7, lr;
	s5 =	simm.s32 $0xFFFFFFFF;
	p2 =	slt.u32 s8, $0xFFFFF086  }
0x1c: {  	p1 =	slt.u32 s9, $0xF7A;
	s5 =	simm.s32 @!p2 $0x0  }
0x1d: {  	s5 =	simm.s32 @p1 $0x1;
	p0 =	seq.s32 s7, s2  }
0x1e: {  	s7 =	smul.u32 @!p0 $0xF7A, s2;
	p2 =	seq.s32 @!p0 s5, $0x0  }
0x1f: {  	s9 =	smul.u32 $0xF7A, s1;
	s8 =	simm.s32 @!p0 $0x1BF5;
	p2 =	por !p2, p0  }
0x20: {  	[sflag:s8] =	ssyncset.s32 @!p0 $0xFFFFF086;
	s6 =	sadd.s32 @!p0 s3, s7;
	s7 =	simm.s32 @!p0 $0x108  }
0x21: {  	s3 =	sadd.s32 s3, s9;
	s6 =	sadd.s32 @!p0 $0x88, s6;
	s7 =	simm.s32 @p2 $0x1082  }
0x22: {  	[simem:s7], [sflag:s8] =	dma.local @!p0 [hbm:s6], $0xF7A  }
0x23: {  	s9 =	sor.u32 $0xD0000000, s2;
	s6 =	simm.s32 $0x108;
	_ =	swait.ge @!p0 [sflag:s8], $0x0  }
0x24: {  	s3 =	sadd.s32 $0x88, s3;
	s6 =	simm.s32 @!p1 $0x1082;
	[sflag:s4] =	ssyncset.s32 $0xFFFFF086  }
0x25: {  	[simem:s6], [sflag:s4] =	dma.local [hbm:s3], $0xF7A  }
0x26: {  	[smem:$0x3F99] =	sst s1;
	(tag) =	ssettag s2;
	_ =	strace s9  }
0x27: {  	s1 =	sld [smem:$0x3FA9]  }
0x28: {  	s2 =	sld [smem:$0x3FAA]  }
0x29: {  	s4 =	sld [smem:$0x3FAC]  }
0x2a: {  	p0 =	seq.s32 s5, $0x0;
	s5 =	sld [smem:$0x3FAD]  }
0x2b: {  	s6 =	sld [smem:$0x3FAE]  }
0x2c: {  	s7 =	sld [smem:$0x3FAF]  }
0x2d: {  	s3 =	simm.s32 $0x108;
	s8 =	sld [smem:$0x3FB0]  }
0x2e: {  	s3 =	simm.s32 @!p0 $0x1082;
	s9 =	sld [smem:$0x3FB1]  }
0x2f: {  	lr =	sadd.s32 s0, s3;
	s0 =	sld [smem:$0x3FA8]  }
0x30: {  	s3 =	sld [smem:$0x3FAB]  }
0x31: {  	[smem:$0x3FB4] =	sst s10  }
0x32: {  	s10 =	sld [smem:$0x3FB2];
	_ =	sdelay $0x3  }
0x33: {  	p0 =	seq.s32 s10, $0x1;
	s10 =	sld [smem:$0x3FB4];
	_ =	sdelay $0x3  }
0x34: {  	[smem:$0x3FB4] =	sst s10  }
0x35: {  	s10 =	sld [smem:$0x3FB3];
	_ =	sdelay $0x3  }
0x36: {  	p1 =	seq.s32 s10, $0x1;
	s10 =	sld [smem:$0x3FB4];
	_ =	sdelay $0x3  }
0x37: {  	[smem:$0x3FB4] =	sst s10  }
0x38: {  	s10 =	sld [smem:$0x3FB5]  }
0x39: {  	_ = 	snop;
	(pc) =	sbr.ind lr, $3  }
0x3a: {  	_ = 	snop  }
0x3b: {  	_ = 	snop  }
0x3c: {  	p2 =	seq.s32 s10, $0x1;
	s10 =	sld [smem:$0x3FB4]  }
0x3d: {  	_ =	shalt  }
0x3e: {  	_ =	shalt  }
0x3f: {  	_ =	shalt  }
0x40: {  	_ =	shalt  }
0x41: {  	_ =	shalt  }
0x42: {  	_ =	shalt  }
0x43: {  	_ =	shalt  }
0x44: {  	_ =	shalt  }
0x45: {  	_ =	shalt  }
0x46: {  	_ =	shalt  }
0x47: {  	_ =	shalt  }
0x48: {  	_ =	shalt  }
0x49: {  	_ =	shalt  }
0x4a: {  	_ =	shalt  }
0x4b: {  	_ =	shalt  }
0x4c: {  	_ =	shalt  }
0x4d: {  	_ =	shalt  }
0x4e: {  	_ =	shalt  }
0x4f: {  	_ =	shalt  }
0x50: {  	_ =	shalt  }
0x51: {  	_ =	shalt  }
0x52: {  	_ =	shalt  }
0x53: {  	_ =	shalt  }
0x54: {  	_ =	shalt  }
0x55: {  	_ =	shalt  }
0x56: {  	_ =	shalt  }
0x57: {  	_ =	shalt  }
0x58: {  	_ =	shalt  }
0x59: {  	_ =	shalt  }
0x5a: {  	_ =	shalt  }
0x5b: {  	_ =	shalt  }
0x5c: {  	_ =	shalt  }
0x5d: {  	_ =	shalt  }
0x5e: {  	_ =	shalt  }
0x5f: {  	_ =	shalt  }
0x60: {  	_ =	shalt  }
0x61: {  	_ =	shalt  }
0x62: {  	_ =	shalt  }
0x63: {  	_ =	shalt  }
0x64: {  	_ =	shalt  }
0x65: {  	_ =	shalt  }
0x66: {  	_ =	shalt  }
0x67: {  	_ =	shalt  }
0x68: {  	_ =	shalt  }
0x69: {  	_ =	shalt  }
0x6a: {  	_ =	shalt  }
0x6b: {  	_ =	shalt  }
0x6c: {  	_ =	shalt  }
0x6d: {  	_ =	shalt  }
0x6e: {  	_ =	shalt  }
0x6f: {  	_ =	shalt  }
0x70: {  	_ =	shalt  }
0x71: {  	_ =	shalt  }
0x72: {  	_ =	shalt  }
0x73: {  	_ =	shalt  }
0x74: {  	_ =	shalt  }
0x75: {  	_ =	shalt  }
0x76: {  	_ =	shalt  }
0x77: {  	_ =	shalt  }
0x78: {  	_ =	shalt  }
0x79: {  	_ =	shalt  }
0x7a: {  	_ =	shalt  }
0x7b: {  	_ =	shalt  }
0x7c: {  	_ =	shalt  }
0x7d: {  	_ =	shalt  }
0x7e: {  	_ =	shalt  }
0x7f: {  	_ =	shalt  }
0x80: {  	_ =	shalt  }
0x81: {  	_ =	shalt  }
0x82: {  	_ =	shalt  }
0x83: {  	_ =	shalt  }
0x84: {  	_ =	shalt  }
0x85: {  	_ =	shalt  }
0x86: {  	_ =	shalt  }
0x87: {  	_ =	shalt  }
.Lfunc_end0:
.L_simem_size_0:
called_computation.1_lowered:
.L_overlay_start_0:
0x88: {  	s2 =	sld [smem:$0x3FD9]  }
0x89: {  	s3 =	sld [smem:$0x3FFE];
	_ =	sdelay $0x1  }
0x8a: {  	s1 =	srdreg.scid  }
0x8b: {  	s0 =	sand.u32 $0x1, s1  }
0x8c: {  	s15 =	sshll.u32 s0, $0xA;
	s2 =	sadd.s32 s3, s2  }
0x8d: {  	s2 =	sadd.s32 s2, s15  }
0x8e: {  	[smem:$0x3FC0] =	sst s2  }
0x8f: {  	_ = 	snop  }
0x90: {  	s2 =	sld [smem:$0x3FD0];
	_ =	sdelay $0x2  }
0x91: {  	s4 =	simm.s32 $0xB;
	s16 =	simm.s32 $0x10  }
0x92: {  	[smem:s16], [sflag:s4] =	dma.local [hbm:s2], $0x1  }
0x93: {  	_ =	swait.eq [sflag:s4], $0x1  }
0x94: {  	[sflag:s4] =	ssyncset.done $0x0  }
0x95: {  	s17 =	sld [smem:$0x10];
	[sflag:s4] =	ssyncadd.s32 $0xFFFFFFFF  }
0x96: {  	s18 =	sld [smem:$0x11];
	(tm) =	ssettm $0x1  }
0x97: {  	s19 =	sld [smem:$0x3FFB];
	_ =	sdelay $0x3  }
0x98: {  	_ =	strace s19  }
0x99: {  	s2 =	sld [smem:$0x3FFC];
	_ =	sdelay $0x3  }
0x9a: {  	_ =	strace s2  }
0x9b: {  	s2 =	sld [smem:$0x3FFD];
	_ =	sdelay $0x3  }
0x9c: {  	_ =	strace s2  }
0x9d: {  	_ =	strace $0x8FFFFFFF  }
0x9e: {  	s20 =	sld [smem:$0x3FDB];
	_ =	sdelay $0x1  }
0x9f: {  	s5 =	simm.s32 $_scs_section_size  }
0xa0: {  	s6 =	simm.s32 $_size__tile_overlayer_lowered;
	s7 =	simm.s32 $_tile_overlayer_lowered  }
0xa1: {  	s8 =	simm.s32 $0x1BFF;
	s21 =	sshll.u32 s7, $0x1;
	s5 =	sadd.s32 s5, s20  }
0xa2: {  	s22 =	simm.s32 $0x0;
	s6 =	sshll.u32 s6, $0x1;
	s7 =	sadd.s32 s21, s5  }
0xa3: {  	[timem:s22], [sflag:s8] =	dma.local [hbm:s7], s6  }
0xa4: {  	_ =	swait.ge [sflag:s8], s6  }
0xa5: {  	s6 =	ssub.s32 $0x0, s6;
	[sflag:s8] =	ssyncset.done $0x0  }
0xa6: {  	[sflag:s8] =	ssyncadd.s32 s6;
	_ =	sdelay $0x1  }
0xa7: {  	s23 =	simm.s32 $0x1B8B  }
0xa8: {  	_ =	swait.ge [sflag:s23], $0x1  }
0xa9: {  	[sflag:s23] =	ssyncset.done $0x0  }
0xaa: {  	[sflag:s23] =	ssyncadd.s32 $0xFFFFFFFF  }
0xab: {  	s6 =	sld [smem:$0x0]  }
0xac: {  	s7 =	sand.u32 $0xFFFFFFFE, s1  }
0xad: {  	p0 =	sne.s32 s1, s7  }
0xae: {  	s7 =	sshll.u32 @p0 s7, $0xE  }
0xaf: {  	s7 =	sadd.s32 @p0 $0x11B8D, s7;
	s8 =	sshll.u32 @p0 s6, $0x11  }
0xb0: {  	s7 =	sor.u32 @p0 s8, s7  }
0xb1: {  	[sflag:s7] =	ssyncadd.remote.s32 @p0 $0x1;
	_ =	sdelay $0x1  }
0xb2: {  	s7 =	simm.s32 @p0 $0x1B8D  }
0xb3: {  	_ =	swait.eq @p0 [sflag:s7], $0x1  }
0xb4: {  	[sflag:s7] =	ssyncadd.s32 @p0 $0xFFFFFFFF  }
0xb5: {  	s8 =	sshll.u32 @!p0 s1, $0xE  }
0xb6: {  	s8 =	sor.u32 @!p0 $0x4000, s8;
	s7 =	simm.s32 @!p0 $0x1B8D  }
0xb7: {  	s6 =	sshll.u32 @!p0 s6, $0x11;
	s8 =	sadd.s32 @!p0 $0x11B8D, s8;
	_ =	swait.eq @!p0 [sflag:s7], $0x1  }
0xb8: {  	s6 =	sor.u32 @!p0 s6, s8;
	[sflag:s7] =	ssyncadd.s32 @!p0 $0xFFFFFFFF  }
0xb9: {  	s25 =	simm.s32 $0x1B8E;
	s24 =	sld [smem:$0x3FFE];
	[sflag:s6] =	ssyncadd.remote.s32 @!p0 $0x1  }
0xba: {  	s26 =	simm.s32 $execute0_lowered;
	[smem:$0x3FD2] =	sst s25  }
0xbb: {  	s7 =	sshll.u32 s26, $0x1;
	_ =	strace $0x8000004C;
	[dreg:$0x1] =	wrdreg $0xFFFFFFFF  }
0xbc: {  	s28 =	simm.s32 $_size_execute0_lowered;
	s5 =	sadd.s32 s5, s7;
	[dreg:$0x0] =	wrdreg $0x0  }
0xbd: {  	s7 =	sshll.u32 s28, $0x1;
	[dreg:$0x2] =	wrdreg s5  }
0xbe: {  	[dreg:$0x3] =	wrdreg s7  }
0xbf: {  	[dreg:$0x4] =	wrdreg $0xC0  }
0xc0: {  	_ =	task [dreg:s22], $0x5FFFF  }
0xc1: {  	[dreg:$0x1] =	wrdreg $0xFFFFFFFF  }
0xc2: {  	[dreg:$0x0] =	wrdreg $0x60  }
0xc3: {  	[dreg:$0x2] =	wrdreg s17  }
0xc4: {  	[dreg:$0x3] =	wrdreg s24  }
0xc5: {  	[dreg:$0x4] =	wrdreg s18  }
0xc6: {  	[dreg:$0x5] =	wrdreg $0x120000  }
0xc7: {  	[dreg:$0x6] =	wrdreg $0x16F000  }
0xc8: {  	[dreg:$0x7] =	wrdreg $0x9  }
0xc9: {  	_ =	task.clear_ibuf [dreg:s22], $0x8FFFF;
	_ =	strace $0x9000004C  }
0xca: {  	s29 =	simm.s32 $0x9;
	_ =	strace $0x8000004E  }
0xcb: {  	_ =	swait.ge [sflag:s29], $0x1  }
0xcc: {  	[sflag:s29] =	ssyncadd.s32 $0xFFFFFFFF  }
0xcd: {  	_ =	strace $0x9000004E  }
0xce: {  	_ =	sfence  }
0xcf: {  	s30 =	sld [smem:$0x0];
	_ =	sdelay $0x2  }
0xd0: {  	s31 =	sshll.u32 s1, $0xD;
	s1 =	sshrl.u32 s1, $0x2  }
0xd1: {  	s4 =	sand.u32 $0x4000, s31;
	s1 =	sadd.s32 s1, s30  }
0xd2: {  	s0 =	sor.u32 s4, s0;
	s1 =	sshll.u32 s1, $0x11  }
0xd3: {  	s0 =	sor.u32 s1, s0  }
0xd4: {  	s0 =	sadd.s32 $0x8F2B, s0  }
0xd5: {  	[sflag:s0] =	ssyncadd.remote.s32 $0x1  }
0xd6: {  	_ =	sfence.sel $0xFFFF  }
0xd7: {  	[dreg:$0x0] =	wrdreg $0xFFFFFFFF;
	(pc) =	sbr.abs _section_cstart, $3  }
0xd8: {  	[dreg:$0x1] =	wrdreg $0xFFFFFFFF  }
0xd9: {  	_ =	task.clear_ibuf [dreg:s22], $0x2FFFF;
	_ =	strace $0x9FFFFFFF  }
0xda: {  	(tm) =	ssettm $0x7FFFFFFF  }
0xdb: {  	_ =	shalt  }
tec
execute0_lowered:
.L_overlay_start_1:
0x0: {  	(tag) =	ssettag $0x1  }
0x1: {  	s0 =	rddreg [dreg:$0x0]  }
0x2: {  	s1 =	rddreg [dreg:$0x1]  }
0x3: {  	s5 =	rddreg [dreg:$0x2]  }
0x4: {  	s2 =	rddreg [dreg:$0x3]  }
0x5: {  	s3 =	rddreg [dreg:$0x4]  }
0x6: {  	s13 =	stileid.u32;
	s6 =	srdreg.scid  }
0x7: {  	s4 =	simm.s32 $0x0;
	s20 =	simm.s32 $0x80;
	s21 =	simm.s32 $0xA000  }
0x8: {  	s22 =	simm.s32 $0xB000;
	s23 =	simm.s32 $0x1;
	s29 =	simm.s32 $0xF  }
0x9: {  	s30 =	simm.s32 $0x10;
	s31 =	simm.s32 $0x0;
	s8 =	smul.u32 $0x7D00, s13  }
0xa: {  	s6 =	sand.u32 $0x1, s6;
	[smem:$0x7FF] =	sst s4;
	s7 =	smul.u32 $0xA00, s13  }
0xb: {  	p2 =	slt.u32 s13, $0xA;
	s9 =	ssub.s32 $0x2, s6;
	_ =	strace $0x8000004D  }
0xc: {  	p0 =	seq.s32 s6, $0x0;
	p3 =	sne.s32 s6, $0x0;
	s10 =	sshrl.u32 s8, $0x3  }
0xd: {  	s11 =	sshrl.u32 s9, $0x1;
	s12 =	sadd.s32 s7, s1;
	s5 =	sadd.s32 s5, s7  }
0xe: {  	p1 =	por !p0, !p2;
	p0 =	seq.s32 s6, $0x1;
	s1 =	sadd.s32 s10, s1  }
0xf: {  	s11 =	ssub.s32 s9, s11;
	s26 =	sadd.s32 $0x4000, s12;
	[dreg:$0x7] =	wrdreg s5  }
0x10: {  	p1 =	por !p1, !p1;
	s5 =	sadd.s32 s8, s2;
	p2 =	por !p2, !p0  }
0x11: {  	s7 =	sadd.s32 s0, s10;
	s0 =	sadd.s32 s8, s3;
	s12 =	simm.s32 $0x11  }
0x12: {  	s9 =	simm.s32 $0x5000;
	[dreg:$0x6] =	wrdreg s26;
	p2 =	por !p2, !p2  }
.Ltmp0:
0x13: {  	s8 =	sadd.s32 $0x5CA00, s1;
	s28 =	sadd.s32 $0x70600, s1;
	(pc) =	sbr.rel .LBB2_1-.Ltmp0, $4  }
0x14: {  	s10 =	sadd.s32 $0x66800, s1;
	s11 =	smax.u32 s11, $0x1;
	s1 =	sshll.u32 @p1 s13, $0x6  }
0x15: {  	s15 =	sshrl.u32 @p1 s5, $0x3;
	s16 =	sshrl.u32 @p1 s0, $0x3;
	s26 =	simm.s32 $0x2  }
0x16: {  	[dreg:$0x8] =	wrdreg s28;
	s14 =	sor.u32 @p1 $0x1C11, s1;
	s1 =	sshll.u32 @p2 s13, $0x6  }
0x17: {  	s18 =	sshrl.u32 @p2 s5, $0x3;
	s19 =	sshrl.u32 @p2 s0, $0x3;
	s17 =	sor.u32 @p2 $0x1C11, s1  }
.LBB2_8:
0x18: {  	[sflag:s28] =	ssyncadd.s32 $0xFFFFF000  }
0x19: {  	[spmem:s2] =	stream.indirect.scatter.add.f32 [tilespmem:s5], [sflag:s6], $0x20, s25, s20, $0xb8;
	[tilespmem:$0x1BD20] =	vst v63  }
0x1a: {  	_ =	swait.ge [sflag:s29], $0x1000  }
0x1b: {  	[sflag:s29] =	ssyncset.done $0x0  }
0x1c: {  	[sflag:s29] =	ssyncadd.s32 $0xFFFFF000  }
0x1d: {  	_ =	swait.ge [sflag:s30], $0x1000  }
0x1e: {  	[sflag:s30] =	ssyncset.done $0x0  }
0x1f: {  	s9 =	simm.s32 $0x5000;
	[sflag:s30] =	ssyncadd.s32 $0xFFFFF000  }
.LBB2_9:
0x20: {  	[bflag:$0x0] =	sbarrier.arrive $0xFFFF  }
0x21: {  	s0 =	rddreg [dreg:$0x8]  }
0x22: {  	[hbm:s0], [sflag:s14] =	dma.local @p1 [spmem:s15], $0xFA0  }
0x23: {  	s0 =	simm.s32 @p1 $0x11  }
0x24: {  	s31 =	sadd.s32 $0x1, s31;
	_ =	swait.ge @p1 [sflag:s0], $0xFA0  }
0x25: {  	p4 =	sne.s32 s31, s11;
	[sflag:s0] =	ssyncset.done @p1 $0x0  }
.Ltmp1:
0x26: {  	[sflag:s0] =	ssyncadd.s32 @p1 $0xFFFFF060;
	s0 =	simm.s32 @p2 $0x11;
	(pc) =	sbr.rel @!p4 .LBB2_10-.Ltmp1, $4  }
0x27: {  	[hbm:s10], [sflag:s17] =	dma.local @p2 [spmem:s18], $0xFA0  }
0x28: {  	_ =	swait.ge @p2 [sflag:s0], $0xFA0  }
0x29: {  	[sflag:s0] =	ssyncset.done @p2 $0x0  }
0x2a: {  	[sflag:s0] =	ssyncadd.s32 @p2 $0xFFFFF060  }
.LBB2_1:
0x2b: {  	s0 =	rddreg [dreg:$0x6]  }
0x2c: {  	[tilespmem:s4], [sflag:$0x11] =	stream.linear.gather [hbm4b:s0+s4], $0x5000, $0x38;
	[tilespmem:$0x1BD20] =	vst v63  }
0x2d: {  	_ =	swait.ge [sflag:s12], $0x5000  }
0x2e: {  	[sflag:s12] =	ssyncset.done $0x0  }
0x2f: {  	s28 =	rddreg [dreg:$0x7];
	[sflag:s12] =	ssyncadd.s32 $0xFFFFB000  }
0x30: {  	[tilespmem:s9], [sflag:$0x11] =	stream.linear.gather [hbm4b:s28+s4], $0x5000, $0x38;
	[tilespmem:$0x1BD20] =	vst v63  }
0x31: {  	_ =	swait.ge [sflag:s12], $0x5000  }
0x32: {  	[sflag:s12] =	ssyncset.done $0x0  }
0x33: {  	s0 =	simm.s32 @p1 $0x11;
	[sflag:s12] =	ssyncadd.s32 $0xFFFFB000  }
0x34: {  	[spmem:s15], [sflag:s14] =	dma.local @p1 [hbm:s7], $0xFA0  }
0x35: {  	_ =	swait.ge @p1 [sflag:s0], $0xFA0  }
0x36: {  	[sflag:s0] =	ssyncset.done @p1 $0x0  }
0x37: {  	[sflag:s0] =	ssyncadd.s32 @p1 $0xFFFFF060  }
0x38: {  	[spmem:s16], [sflag:s14] =	dma.local @p1 [hbm:s7], $0xFA0  }
0x39: {  	_ =	swait.ge @p1 [sflag:s0], $0xFA0  }
0x3a: {  	[sflag:s0] =	ssyncset.done @p1 $0x0  }
0x3b: {  	[sflag:s0] =	ssyncadd.s32 @p1 $0xFFFFF060;
	s0 =	simm.s32 @p2 $0x11  }
0x3c: {  	[spmem:s18], [sflag:s17] =	dma.local @p2 [hbm:s8], $0xFA0  }
0x3d: {  	_ =	swait.ge @p2 [sflag:s0], $0xFA0  }
0x3e: {  	[sflag:s0] =	ssyncset.done @p2 $0x0  }
0x3f: {  	[sflag:s0] =	ssyncadd.s32 @p2 $0xFFFFF060  }
0x40: {  	[spmem:s19], [sflag:s17] =	dma.local @p2 [hbm:s8], $0xFA0  }
.Ltmp2:
0x41: {  	_ =	swait.ge @p2 [sflag:s0], $0xFA0;
	(pc) =	sbr.rel @p3 .LBB2_5-.Ltmp2, $3  }
0x42: {  	[sflag:s0] =	ssyncset.done @p2 $0x0  }
0x43: {  	[sflag:s0] =	ssyncadd.s32 @p2 $0xFFFFF060  }
0x44: {  	[bflag:$0x0] =	sbarrier.arrive $0xFFFF;
	_ =	sdelay $0x1  }
0x45: {  	[tilespmem:s21], [sflag:$0x1] =	stream.indirect.gather [spmem:s3], $0x20, s4, s20, $0xb8;
	[tilespmem:$0x1BD20] =	vst v63  }
0x46: {  	_ = 	snop  }
0x47: {  	[tilespmem:s22], [sflag:$0x2] =	stream.indirect.gather [spmem:s3], $0x20, s20, s20, $0xb8;
	[tilespmem:$0x1BD20] =	vst v63  }
0x48: {  	s0 =	simm.s32 $0x100;
	s1 =	simm.s32 $0xC000  }
0x49: {  	[tilespmem:s1], [sflag:$0x3] =	stream.indirect.gather [spmem:s3], $0x20, s0, s20, $0xb8;
	[tilespmem:$0x1BD20] =	vst v63  }
0x4a: {  	s5 =	simm.s32 $0xD000;
	s1 =	simm.s32 $0x180  }
0x4b: {  	[tilespmem:s5], [sflag:$0x4] =	stream.indirect.gather [spmem:s3], $0x20, s1, s20, $0xb8;
	[tilespmem:$0x1BD20] =	vst v63  }
0x4c: {  	s6 =	simm.s32 $0x200;
	s13 =	simm.s32 $0xE000  }
0x4d: {  	[tilespmem:s13], [sflag:$0x5] =	stream.indirect.gather [spmem:s3], $0x20, s6, s20, $0xb8;
	[tilespmem:$0x1BD20] =	vst v63  }
0x4e: {  	s24 =	simm.s32 $0x280;
	s25 =	simm.s32 $0xF000  }
0x4f: {  	[tilespmem:s25], [sflag:$0x6] =	stream.indirect.gather [spmem:s3], $0x20, s24, s20, $0xb8;
	[tilespmem:$0x1BD20] =	vst v63  }
0x50: {  	s1 =	simm.s32 $0x300;
	s5 =	simm.s32 $0x10000  }
0x51: {  	[tilespmem:s5], [sflag:$0x7] =	stream.indirect.gather [spmem:s3], $0x20, s1, s20, $0xb8;
	[tilespmem:$0x1BD20] =	vst v63  }
0x52: {  	_ =	swait.ge [sflag:s23], $0x1000  }
0x53: {  	[sflag:s23] =	ssyncset.done $0x0  }
0x54: {  	[sflag:s23] =	ssyncadd.s32 $0xFFFFF000  }
0x55: {  	[spmem:s2] =	stream.indirect.scatter.add.f32 [tilespmem:s21], [sflag:$0x9], $0x20, s9, s20, $0xb8;
	[tilespmem:$0x1BD20] =	vst v63  }
0x56: {  	p4 =	por $0x0, $0x0;
	s6 =	simm.s32 $0x380;
	s9 =	simm.s32 $0x11000  }
0x57: {  	[tilespmem:s9], [sflag:$0x8] =	stream.indirect.gather [spmem:s3], $0x20, s6, s20, $0xb8;
	[tilespmem:$0x1BD20] =	vst v63  }
0x58: {  	s28 =	simm.s32 @!p4 $0x80;
	s24 =	simm.s32 $0x8;
	_ =	swait.ge [sflag:s26], $0x1000  }
0x59: {  	s0 =	simm.s32 $0x5100;
	s1 =	sand.u32 $0x7, s24;
	[sflag:s26] =	ssyncset.done $0x0  }
0x5a: {  	s13 =	simm.s32 $0x5080;
	s24 =	sadd.s32 $0x9, s1;
	[sflag:s26] =	ssyncadd.s32 $0xFFFFF000  }
0x5b: {  	[spmem:s2] =	stream.indirect.scatter.add.f32 [tilespmem:s22], [sflag:$0xA], $0x20, s13, s20, $0xb8;
	[tilespmem:$0x1BD20] =	vst v63  }
0x5c: {  	s5 =	simm.s32 $0x400;
	s25 =	sshll.u32 @!p4 s1, $0xC;
	_ =	swait.ge [sflag:s24], $0x1000  }
0x5d: {  	s1 =	sadd.s32 @!p4 $0x1, s1;
	s6 =	simm.s32 $0x2;
	[sflag:s24] =	ssyncset.done $0x0  }
0x5e: {  	s6 =	sand.u32 $0x7, s6;
	[sflag:s24] =	ssyncadd.s32 $0xFFFFF000;
	s24 =	sadd.s32 @!p4 $0xA000, s25  }
0x5f: {  	[tilespmem:s24], [sflag:s1] =	stream.indirect.gather @!p4 [spmem:s3], $0x20, s5, s28, $0xb8;
	[tilespmem:$0x1BD20] =	vst v63  }
0x60: {  	s25 =	sshll.u32 s6, $0xC;
	s1 =	simm.s32 $0x9;
	s28 =	sadd.s32 $0x1, s6  }
0x61: {  	s24 =	simm.s32 $0x480;
	s5 =	sadd.s32 $0xA000, s25;
	_ =	swait.ge [sflag:s28], $0x1000  }
0x62: {  	s6 =	sadd.s32 $0x9, s6;
	s25 =	simm.s32 $0x5100;
	[sflag:s28] =	ssyncset.done $0x0  }
.LBB2_3:
0x63: {  	[sflag:s28] =	ssyncadd.s32 $0xFFFFF000  }
0x64: {  	s0 =	sadd.s32 $0x80, s0;
	s28 =	smov.u32 s1;
	s1 =	sadd.s32 $0x1, s1  }
0x65: {  	[spmem:s2] =	stream.indirect.scatter.add.f32 [tilespmem:s5], [sflag:s6], $0x20, s25, s20, $0xb8;
	[tilespmem:$0x1BD20] =	vst v63  }
0x66: {  	s5 =	sand.u32 $0x7, s28  }
0x67: {  	p4 =	sne.s32 s1, $0xA6;
	s25 =	smov.u32 s0;
	s6 =	sadd.s32 $0xFFFFFFFA, s28  }
0x68: {  	s28 =	sadd.s32 $0x9, s5;
	p5 =	sgt.u32 s6, $0x99  }
0x69: {  	s6 =	sand.u32 $0x7, s6;
	s9 =	sshll.u32 @!p5 s5, $0xC;
	_ =	swait.ge [sflag:s28], $0x1000  }
0x6a: {  	s13 =	simm.s32 @!p5 $0x80;
	s5 =	sadd.s32 @!p5 $0x1, s5;
	[sflag:s28] =	ssyncset.done $0x0  }
.Ltmp3:
0x6b: {  	s9 =	sadd.s32 @!p5 $0xA000, s9;
	[sflag:s28] =	ssyncadd.s32 $0xFFFFF000;
	(pc) =	sbr.rel @p4 .LBB2_3-.Ltmp3, $4  }
0x6c: {  	[tilespmem:s9], [sflag:s5] =	stream.indirect.gather @!p5 [spmem:s3], $0x20, s24, s13, $0xb8;
	[tilespmem:$0x1BD20] =	vst v63  }
0x6d: {  	s28 =	sadd.s32 $0x1, s6;
	s5 =	sshll.u32 s6, $0xC  }
0x6e: {  	s24 =	sadd.s32 $0x80, s24;
	_ =	swait.ge [sflag:s28], $0x1000  }
0x6f: {  	s6 =	sadd.s32 $0x9, s6;
	s5 =	sadd.s32 $0xA000, s5;
	[sflag:s28] =	ssyncset.done $0x0  }
0x70: {  	[sflag:s28] =	ssyncadd.s32 $0xFFFFF000  }
0x71: {  	[spmem:s2] =	stream.indirect.scatter.add.f32 [tilespmem:s5], [sflag:s6], $0x20, s25, s20, $0xb8;
	[tilespmem:$0x1BD20] =	vst v63  }
0x72: {  	_ =	swait.ge [sflag:s29], $0x1000  }
0x73: {  	[sflag:s29] =	ssyncset.done $0x0  }
0x74: {  	[sflag:s29] =	ssyncadd.s32 $0xFFFFF000  }
0x75: {  	_ =	swait.ge [sflag:s30], $0x1000  }
0x76: {  	[sflag:s30] =	ssyncset.done $0x0  }
0x77: {  	s9 =	simm.s32 $0x5000;
	[sflag:s30] =	ssyncadd.s32 $0xFFFFF000  }
.LBB2_5:
.Ltmp4:
0x78: {  	(pc) =	sbr.rel @!p0 .LBB2_9-.Ltmp4, $1  }
0x79: {  	_ =	sdelay $0x3  }
0x7a: {  	[tilespmem:s21], [sflag:$0x1] =	stream.indirect.gather [spmem:s3], $0x20, s4, s20, $0xb8;
	[tilespmem:$0x1BD20] =	vst v63  }
0x7b: {  	_ = 	snop  }
0x7c: {  	[tilespmem:s22], [sflag:$0x2] =	stream.indirect.gather [spmem:s3], $0x20, s20, s20, $0xb8;
	[tilespmem:$0x1BD20] =	vst v63  }
0x7d: {  	s0 =	simm.s32 $0x100;
	s1 =	simm.s32 $0xC000  }
0x7e: {  	[tilespmem:s1], [sflag:$0x3] =	stream.indirect.gather [spmem:s3], $0x20, s0, s20, $0xb8;
	[tilespmem:$0x1BD20] =	vst v63  }
0x7f: {  	s5 =	simm.s32 $0xD000;
	s1 =	simm.s32 $0x180  }
0x80: {  	[tilespmem:s5], [sflag:$0x4] =	stream.indirect.gather [spmem:s3], $0x20, s1, s20, $0xb8;
	[tilespmem:$0x1BD20] =	vst v63  }
0x81: {  	s6 =	simm.s32 $0x200;
	s13 =	simm.s32 $0xE000  }
0x82: {  	[tilespmem:s13], [sflag:$0x5] =	stream.indirect.gather [spmem:s3], $0x20, s6, s20, $0xb8;
	[tilespmem:$0x1BD20] =	vst v63  }
0x83: {  	s24 =	simm.s32 $0x280;
	s25 =	simm.s32 $0xF000  }
0x84: {  	[tilespmem:s25], [sflag:$0x6] =	stream.indirect.gather [spmem:s3], $0x20, s24, s20, $0xb8;
	[tilespmem:$0x1BD20] =	vst v63  }
0x85: {  	s1 =	simm.s32 $0x300;
	s5 =	simm.s32 $0x10000  }
0x86: {  	[tilespmem:s5], [sflag:$0x7] =	stream.indirect.gather [spmem:s3], $0x20, s1, s20, $0xb8;
	[tilespmem:$0x1BD20] =	vst v63  }
0x87: {  	_ =	swait.ge [sflag:s23], $0x1000  }
0x88: {  	p4 =	por $0x0, $0x0;
	[sflag:s23] =	ssyncset.done $0x0  }
0x89: {  	s0 =	simm.s32 $0x5100;
	s6 =	simm.s32 $0x380;
	[sflag:s23] =	ssyncadd.s32 $0xFFFFF000  }
0x8a: {  	[spmem:s2] =	stream.indirect.scatter.add.f32 [tilespmem:s21], [sflag:$0x9], $0x20, s9, s20, $0xb8;
	[tilespmem:$0x1BD20] =	vst v63  }
0x8b: {  	s13 =	simm.s32 $0x5080;
	s24 =	simm.s32 $0x8;
	s9 =	simm.s32 $0x11000  }
0x8c: {  	[tilespmem:s9], [sflag:$0x8] =	stream.indirect.gather [spmem:s3], $0x20, s6, s20, $0xb8;
	[tilespmem:$0x1BD20] =	vst v63  }
0x8d: {  	s1 =	sand.u32 $0x7, s24;
	s5 =	simm.s32 $0x400;
	_ =	swait.ge [sflag:s26], $0x1000  }
0x8e: {  	s24 =	simm.s32 @!p4 $0x80;
	s6 =	simm.s32 $0x2;
	[sflag:s26] =	ssyncset.done $0x0  }
0x8f: {  	s25 =	sadd.s32 $0x9, s1;
	s6 =	sand.u32 $0x7, s6;
	[sflag:s26] =	ssyncadd.s32 $0xFFFFF000  }
0x90: {  	[spmem:s2] =	stream.indirect.scatter.add.f32 [tilespmem:s22], [sflag:$0xA], $0x20, s13, s20, $0xb8;
	[tilespmem:$0x1BD20] =	vst v63  }
0x91: {  	s28 =	sadd.s32 $0x1, s6;
	s13 =	sshll.u32 @!p4 s1, $0xC;
	_ =	swait.ge [sflag:s25], $0x1000  }
0x92: {  	s1 =	sadd.s32 @!p4 $0x1, s1;
	s9 =	sadd.s32 @!p4 $0xA000, s13;
	[sflag:s25] =	ssyncset.done $0x0  }
0x93: {  	[sflag:s25] =	ssyncadd.s32 $0xFFFFF000;
	s25 =	sshll.u32 s6, $0xC;
	s6 =	sadd.s32 $0x9, s6  }
0x94: {  	[tilespmem:s9], [sflag:s1] =	stream.indirect.gather @!p4 [spmem:s3], $0x20, s5, s24, $0xb8;
	[tilespmem:$0x1BD20] =	vst v63  }
0x95: {  	s1 =	simm.s32 $0x9;
	s24 =	simm.s32 $0x480;
	_ =	swait.ge [sflag:s28], $0x1000  }
0x96: {  	s5 =	sadd.s32 $0xA000, s25;
	s25 =	simm.s32 $0x5100;
	[sflag:s28] =	ssyncset.done $0x0  }
.LBB2_7:
0x97: {  	[sflag:s28] =	ssyncadd.s32 $0xFFFFF000  }
0x98: {  	s0 =	sadd.s32 $0x80, s0;
	s9 =	smov.u32 s1;
	s1 =	sadd.s32 $0x1, s1  }
0x99: {  	[spmem:s2] =	stream.indirect.scatter.add.f32 [tilespmem:s5], [sflag:s6], $0x20, s25, s20, $0xb8;
	[tilespmem:$0x1BD20] =	vst v63  }
0x9a: {  	s5 =	sand.u32 $0x7, s9  }
0x9b: {  	p4 =	sne.s32 s1, $0xA6;
	s25 =	smov.u32 s0;
	s6 =	sadd.s32 $0xFFFFFFFA, s9  }
0x9c: {  	s9 =	sadd.s32 $0x9, s5;
	p5 =	sgt.u32 s6, $0x99  }
0x9d: {  	s6 =	sand.u32 $0x7, s6;
	s13 =	sshll.u32 @!p5 s5, $0xC;
	_ =	swait.ge [sflag:s9], $0x1000  }
0x9e: {  	s28 =	simm.s32 @!p5 $0x80;
	s5 =	sadd.s32 @!p5 $0x1, s5;
	[sflag:s9] =	ssyncset.done $0x0  }
.Ltmp5:
0x9f: {  	[sflag:s9] =	ssyncadd.s32 $0xFFFFF000;
	s9 =	sadd.s32 @!p5 $0xA000, s13;
	(pc) =	sbr.rel @p4 .LBB2_7-.Ltmp5, $4  }
0xa0: {  	[tilespmem:s9], [sflag:s5] =	stream.indirect.gather @!p5 [spmem:s3], $0x20, s24, s28, $0xb8;
	[tilespmem:$0x1BD20] =	vst v63  }
0xa1: {  	s5 =	sshll.u32 s6, $0xC;
	s28 =	sadd.s32 $0x1, s6  }
0xa2: {  	s24 =	sadd.s32 $0x80, s24;
	_ =	swait.ge [sflag:s28], $0x1000  }
0xa3: {  	s6 =	sadd.s32 $0x9, s6;
	s5 =	sadd.s32 $0xA000, s5;
	[sflag:s28] =	ssyncset.done $0x0  }
.Ltmp6:
0xa4: {  	_ = 	snop;
	(pc) =	sbr.rel .LBB2_8-.Ltmp6, $1  }
0xa5: {  	_ =	sdelay $0x3  }
.LBB2_10:
0xa6: {  	_ =	sfence.sel $0x180000  }
0xa7: {  	[bflag:$0x0] =	sbarrier.arrive $0xFFFF  }
0xa8: {  	_ =	strace $0x9000004D  }
0xa9: {  	s0 =	stileid.u32;
	[bflag:$0x2] =	sbarrier.arrive $0xFFFF  }
0xaa: {  	p0 =	sne.s32 s0, $0x0;
	s0 =	rddreg [dreg:$0x5]  }
0xab: {  	s0 =	sadd.s32 @!p0 $0x100000, s0  }
0xac: {  	[sflag:s0] =	ssyncadd.tile.s32 @!p0 $0x1;
	_ =	shalt  }
.Lfunc_end2:
_tile_overlayer_lowered:
.L_overlay_start_2:
0xad: {  	(tag) =	ssettag $0x2  }
0xae: {  	s0 =	rddreg [dreg:$0x0];
	s2 =	stileid.u32  }
0xaf: {  	s1 =	rddreg [dreg:$0x1];
	p0 =	sne.s32 s2, $0x0  }
0xb0: {  	s3 =	rddreg [dreg:$0x2];
	[bflag:$0x3] =	sbarrier.arrive $0xFFFF;
	s2 =	simm.s32 @!p0 $0x1C11  }
0xb1: {  	[timem:s3], [sflag:s2] =	dma.local @!p0 [hbm:s0], s1  }
0xb2: {  	s0 =	simm.s32 @!p0 $0x11  }
0xb3: {  	_ =	swait.ge @!p0 [sflag:s0], s1  }
0xb4: {  	s1 =	ssub.s32 @!p0 $0x0, s1;
	[sflag:s0] =	ssyncset.done @!p0 $0x0  }
0xb5: {  	[sflag:s0] =	ssyncadd.s32 @!p0 s1  }
0xb6: {  	[bflag:$0x3] =	sbarrier.arrive $0xFFFF  }
0xb7: {  	_ =	shalt  }

// kernel: kernel.17.cloned.1.call-start
scs
__scs_entry_jumppad:
0x0: {  	(pc) =	sbr.rel $0x88, $3  }
0x1: {  	(tag) =	ssettag $0x0;
	lr =	simm.s32 $0x1  }
0x2: {  	[smem:$0x3F99] =	sst lr;
	_ =	strace $0xD0000000  }
0x3: {  	_ = 	snop  }
0x4: {  	_ = 	snop  }
0x5: {  	_ = 	snop  }
0x6: {  	_ = 	snop  }
0x7: {  	_ = 	snop  }
__scs_overlays_trampoline_lowered:
0x8: {  	[smem:$0x3FA8] =	sst s0  }
0x9: {  	[smem:$0x3FA9] =	sst s1  }
0xa: {  	[smem:$0x3FAA] =	sst s2  }
0xb: {  	[smem:$0x3FAB] =	sst s3  }
0xc: {  	[smem:$0x3FAC] =	sst s4  }
0xd: {  	[smem:$0x3FAD] =	sst s5  }
0xe: {  	[smem:$0x3FAE] =	sst s6  }
0xf: {  	[smem:$0x3FAF] =	sst s7  }
0x10: {  	[smem:$0x3FB0] =	sst s8  }
0x11: {  	[smem:$0x3FB1] =	sst s9;
	s0 =	simm.s32 @!p0 $0x0  }
0x12: {  	s1 =	sld [smem:$0x3F97];
	s0 =	simm.s32 @p0 $0x1  }
0x13: {  	[smem:$0x3FB2] =	sst s0;
	s0 =	simm.s32 @!p1 $0x0  }
0x14: {  	s2 =	sld [smem:$0x3F96];
	s0 =	simm.s32 @p1 $0x1  }
0x15: {  	[smem:$0x3FB3] =	sst s0;
	s0 =	simm.s32 @!p2 $0x0  }
0x16: {  	s3 =	sld [smem:$0x3FDB];
	s0 =	simm.s32 @p2 $0x1  }
0x17: {  	s4 =	simm.s32 $0x1BF5;
	[smem:$0x3FB5] =	sst s0  }
0x18: {  	s0 =	sld [smem:$0x3F98];
	_ =	swait.ge [sflag:s4], $0x0  }
0x19: {  	s7 =	sld [smem:$0x3F99]  }
0x1a: {  	s8 =	sadd.s32 $0xFFFFE003, lr  }
0x1b: {  	s9 =	sadd.s32 $0xFFFFFEF7, lr;
	s5 =	simm.s32 $0xFFFFFFFF;
	p2 =	slt.u32 s8, $0xFFFFF086  }
0x1c: {  	p1 =	slt.u32 s9, $0xF7A;
	s5 =	simm.s32 @!p2 $0x0  }
0x1d: {  	s5 =	simm.s32 @p1 $0x1;
	p0 =	seq.s32 s7, s2  }
0x1e: {  	s7 =	smul.u32 @!p0 $0xF7A, s2;
	p2 =	seq.s32 @!p0 s5, $0x0  }
0x1f: {  	s9 =	smul.u32 $0xF7A, s1;
	s8 =	simm.s32 @!p0 $0x1BF5;
	p2 =	por !p2, p0  }
0x20: {  	[sflag:s8] =	ssyncset.s32 @!p0 $0xFFFFF086;
	s6 =	sadd.s32 @!p0 s3, s7;
	s7 =	simm.s32 @!p0 $0x108  }
0x21: {  	s3 =	sadd.s32 s3, s9;
	s6 =	sadd.s32 @!p0 $0x88, s6;
	s7 =	simm.s32 @p2 $0x1082  }
0x22: {  	[simem:s7], [sflag:s8] =	dma.local @!p0 [hbm:s6], $0xF7A  }
0x23: {  	s9 =	sor.u32 $0xD0000000, s2;
	s6 =	simm.s32 $0x108;
	_ =	swait.ge @!p0 [sflag:s8], $0x0  }
0x24: {  	s3 =	sadd.s32 $0x88, s3;
	s6 =	simm.s32 @!p1 $0x1082;
	[sflag:s4] =	ssyncset.s32 $0xFFFFF086  }
0x25: {  	[simem:s6], [sflag:s4] =	dma.local [hbm:s3], $0xF7A  }
0x26: {  	[smem:$0x3F99] =	sst s1;
	(tag) =	ssettag s2;
	_ =	strace s9  }
0x27: {  	s1 =	sld [smem:$0x3FA9]  }
0x28: {  	s2 =	sld [smem:$0x3FAA]  }
0x29: {  	s4 =	sld [smem:$0x3FAC]  }
0x2a: {  	p0 =	seq.s32 s5, $0x0;
	s5 =	sld [smem:$0x3FAD]  }
0x2b: {  	s6 =	sld [smem:$0x3FAE]  }
0x2c: {  	s7 =	sld [smem:$0x3FAF]  }
0x2d: {  	s3 =	simm.s32 $0x108;
	s8 =	sld [smem:$0x3FB0]  }
0x2e: {  	s3 =	simm.s32 @!p0 $0x1082;
	s9 =	sld [smem:$0x3FB1]  }
0x2f: {  	lr =	sadd.s32 s0, s3;
	s0 =	sld [smem:$0x3FA8]  }
0x30: {  	s3 =	sld [smem:$0x3FAB]  }
0x31: {  	[smem:$0x3FB4] =	sst s10  }
0x32: {  	s10 =	sld [smem:$0x3FB2];
	_ =	sdelay $0x3  }
0x33: {  	p0 =	seq.s32 s10, $0x1;
	s10 =	sld [smem:$0x3FB4];
	_ =	sdelay $0x3  }
0x34: {  	[smem:$0x3FB4] =	sst s10  }
0x35: {  	s10 =	sld [smem:$0x3FB3];
	_ =	sdelay $0x3  }
0x36: {  	p1 =	seq.s32 s10, $0x1;
	s10 =	sld [smem:$0x3FB4];
	_ =	sdelay $0x3  }
0x37: {  	[smem:$0x3FB4] =	sst s10  }
0x38: {  	s10 =	sld [smem:$0x3FB5]  }
0x39: {  	_ = 	snop;
	(pc) =	sbr.ind lr, $3  }
0x3a: {  	_ = 	snop  }
0x3b: {  	_ = 	snop  }
0x3c: {  	p2 =	seq.s32 s10, $0x1;
	s10 =	sld [smem:$0x3FB4]  }
0x3d: {  	_ =	shalt  }
0x3e: {  	_ =	shalt  }
0x3f: {  	_ =	shalt  }
0x40: {  	_ =	shalt  }
0x41: {  	_ =	shalt  }
0x42: {  	_ =	shalt  }
0x43: {  	_ =	shalt  }
0x44: {  	_ =	shalt  }
0x45: {  	_ =	shalt  }
0x46: {  	_ =	shalt  }
0x47: {  	_ =	shalt  }
0x48: {  	_ =	shalt  }
0x49: {  	_ =	shalt  }
0x4a: {  	_ =	shalt  }
0x4b: {  	_ =	shalt  }
0x4c: {  	_ =	shalt  }
0x4d: {  	_ =	shalt  }
0x4e: {  	_ =	shalt  }
0x4f: {  	_ =	shalt  }
0x50: {  	_ =	shalt  }
0x51: {  	_ =	shalt  }
0x52: {  	_ =	shalt  }
0x53: {  	_ =	shalt  }
0x54: {  	_ =	shalt  }
0x55: {  	_ =	shalt  }
0x56: {  	_ =	shalt  }
0x57: {  	_ =	shalt  }
0x58: {  	_ =	shalt  }
0x59: {  	_ =	shalt  }
0x5a: {  	_ =	shalt  }
0x5b: {  	_ =	shalt  }
0x5c: {  	_ =	shalt  }
0x5d: {  	_ =	shalt  }
0x5e: {  	_ =	shalt  }
0x5f: {  	_ =	shalt  }
0x60: {  	_ =	shalt  }
0x61: {  	_ =	shalt  }
0x62: {  	_ =	shalt  }
0x63: {  	_ =	shalt  }
0x64: {  	_ =	shalt  }
0x65: {  	_ =	shalt  }
0x66: {  	_ =	shalt  }
0x67: {  	_ =	shalt  }
0x68: {  	_ =	shalt  }
0x69: {  	_ =	shalt  }
0x6a: {  	_ =	shalt  }
0x6b: {  	_ =	shalt  }
0x6c: {  	_ =	shalt  }
0x6d: {  	_ =	shalt  }
0x6e: {  	_ =	shalt  }
0x6f: {  	_ =	shalt  }
0x70: {  	_ =	shalt  }
0x71: {  	_ =	shalt  }
0x72: {  	_ =	shalt  }
0x73: {  	_ =	shalt  }
0x74: {  	_ =	shalt  }
0x75: {  	_ =	shalt  }
0x76: {  	_ =	shalt  }
0x77: {  	_ =	shalt  }
0x78: {  	_ =	shalt  }
0x79: {  	_ =	shalt  }
0x7a: {  	_ =	shalt  }
0x7b: {  	_ =	shalt  }
0x7c: {  	_ =	shalt  }
0x7d: {  	_ =	shalt  }
0x7e: {  	_ =	shalt  }
0x7f: {  	_ =	shalt  }
0x80: {  	_ =	shalt  }
0x81: {  	_ =	shalt  }
0x82: {  	_ =	shalt  }
0x83: {  	_ =	shalt  }
0x84: {  	_ =	shalt  }
0x85: {  	_ =	shalt  }
0x86: {  	_ =	shalt  }
0x87: {  	_ =	shalt  }
.Lfunc_end0:
.L_simem_size_0:
called_computation.2_lowered:
.L_overlay_start_0:
0x88: {  	s2 =	sld [smem:$0x3FD9]  }
0x89: {  	s3 =	sld [smem:$0x3FFE];
	_ =	sdelay $0x1  }
0x8a: {  	s1 =	srdreg.scid  }
0x8b: {  	s0 =	sand.u32 $0x1, s1  }
0x8c: {  	s14 =	sshll.u32 s0, $0xA;
	s2 =	sadd.s32 s3, s2  }
0x8d: {  	s2 =	sadd.s32 s2, s14  }
0x8e: {  	[smem:$0x3FC0] =	sst s2  }
0x8f: {  	_ = 	snop  }
0x90: {  	s2 =	sld [smem:$0x3FD0];
	_ =	sdelay $0x2  }
0x91: {  	s15 =	simm.s32 $0xB;
	s4 =	simm.s32 $0x10  }
0x92: {  	[smem:s4], [sflag:s15] =	dma.local [hbm:s2], $0x1  }
0x93: {  	_ =	swait.eq [sflag:s15], $0x1  }
0x94: {  	[sflag:s15] =	ssyncset.done $0x0  }
0x95: {  	[sflag:s15] =	ssyncadd.s32 $0xFFFFFFFF  }
0x96: {  	s16 =	sld [smem:$0x11];
	(tm) =	ssettm $0x1  }
0x97: {  	s17 =	sld [smem:$0x3FFB];
	_ =	sdelay $0x3  }
0x98: {  	_ =	strace s17  }
0x99: {  	s3 =	sld [smem:$0x3FFC];
	_ =	sdelay $0x3  }
0x9a: {  	_ =	strace s3  }
0x9b: {  	s3 =	sld [smem:$0x3FFD];
	_ =	sdelay $0x3  }
0x9c: {  	_ =	strace s3  }
0x9d: {  	_ =	strace $0x8FFFFFFF  }
0x9e: {  	s18 =	sld [smem:$0x3FDB];
	_ =	sdelay $0x1  }
0x9f: {  	s19 =	simm.s32 $_scs_section_size  }
0xa0: {  	s5 =	simm.s32 $_size__tile_overlayer_lowered;
	s6 =	simm.s32 $_tile_overlayer_lowered  }
0xa1: {  	s22 =	simm.s32 $0x1BFF;
	s21 =	sshll.u32 s6, $0x1;
	s3 =	sadd.s32 s19, s18  }
0xa2: {  	s7 =	simm.s32 $0x0;
	s20 =	sshll.u32 s5, $0x1;
	s5 =	sadd.s32 s21, s3  }
0xa3: {  	[timem:s7], [sflag:s22] =	dma.local [hbm:s5], s20  }
0xa4: {  	_ =	swait.ge [sflag:s22], s20  }
0xa5: {  	s4 =	ssub.s32 $0x0, s20;
	[sflag:s22] =	ssyncset.done $0x0  }
0xa6: {  	[sflag:s22] =	ssyncadd.s32 s4;
	_ =	sdelay $0x1  }
0xa7: {  	s23 =	simm.s32 $0x1B8B  }
0xa8: {  	_ =	swait.ge [sflag:s23], $0x1  }
0xa9: {  	[sflag:s23] =	ssyncset.done $0x0  }
0xaa: {  	s25 =	simm.s32 $0x1B8E;
	s24 =	sld [smem:$0x3FFE];
	[sflag:s23] =	ssyncadd.s32 $0xFFFFFFFF  }
0xab: {  	s26 =	simm.s32 $execute0_lowered;
	[smem:$0x3FD2] =	sst s25  }
0xac: {  	s5 =	sshll.u32 s26, $0x1;
	_ =	strace $0x80000049;
	[dreg:$0x1] =	wrdreg $0xFFFFFFFF  }
0xad: {  	s28 =	simm.s32 $_size_execute0_lowered;
	s3 =	sadd.s32 s3, s5;
	[dreg:$0x0] =	wrdreg $0x0  }
0xae: {  	s5 =	sshll.u32 s28, $0x1;
	[dreg:$0x2] =	wrdreg s3  }
0xaf: {  	[dreg:$0x3] =	wrdreg s5  }
0xb0: {  	[dreg:$0x4] =	wrdreg $0xC0  }
0xb1: {  	_ =	task [dreg:s7], $0x5FFFF  }
0xb2: {  	[dreg:$0x1] =	wrdreg $0xFFFFFFFF  }
0xb3: {  	[dreg:$0x0] =	wrdreg $0x60  }
0xb4: {  	[dreg:$0x2] =	wrdreg s24  }
0xb5: {  	[dreg:$0x3] =	wrdreg s16  }
0xb6: {  	[dreg:$0x4] =	wrdreg $0x120000  }
0xb7: {  	[dreg:$0x5] =	wrdreg $0x16F000  }
0xb8: {  	[dreg:$0x6] =	wrdreg $0xA  }
0xb9: {  	_ =	task.clear_ibuf [dreg:s7], $0x7FFFF;
	_ =	strace $0x90000049  }
0xba: {  	s29 =	simm.s32 $0xA;
	_ =	strace $0x8000004B  }
0xbb: {  	_ =	swait.ge [sflag:s29], $0x1  }
0xbc: {  	[sflag:s29] =	ssyncadd.s32 $0xFFFFFFFF  }
0xbd: {  	_ =	strace $0x9000004B  }
0xbe: {  	_ =	sfence  }
0xbf: {  	s30 =	sld [smem:$0x0];
	_ =	sdelay $0x2  }
0xc0: {  	s31 =	sshll.u32 s1, $0xD;
	s1 =	sshrl.u32 s1, $0x2  }
0xc1: {  	s3 =	sand.u32 $0x4000, s31;
	s1 =	sadd.s32 s1, s30  }
0xc2: {  	s0 =	sor.u32 s3, s0;
	s1 =	sshll.u32 s1, $0x11  }
0xc3: {  	s0 =	sor.u32 s1, s0  }
0xc4: {  	s0 =	sadd.s32 $0x8F2B, s0  }
0xc5: {  	[sflag:s0] =	ssyncadd.remote.s32 $0x1  }
0xc6: {  	_ =	sfence.sel $0xFFFF  }
0xc7: {  	[dreg:$0x0] =	wrdreg $0xFFFFFFFF;
	(pc) =	sbr.abs _section_cstart, $3  }
0xc8: {  	[dreg:$0x1] =	wrdreg $0xFFFFFFFF  }
0xc9: {  	_ =	task.clear_ibuf [dreg:s7], $0x2FFFF;
	_ =	strace $0x9FFFFFFF  }
0xca: {  	(tm) =	ssettm $0x7FFFFFFF  }
0xcb: {  	_ =	shalt  }
tec
execute0_lowered:
.L_overlay_start_1:
0x0: {  	(tag) =	ssettag $0x1  }
0x1: {  	s0 =	rddreg [dreg:$0x0]  }
0x2: {  	s1 =	rddreg [dreg:$0x1]  }
0x3: {  	s2 =	rddreg [dreg:$0x2]  }
0x4: {  	s3 =	rddreg [dreg:$0x3]  }
0x5: {  	s13 =	stileid.u32;
	s5 =	srdreg.scid  }
0x6: {  	s4 =	simm.s32 $0x0;
	s20 =	simm.s32 $0x80;
	s21 =	simm.s32 $0xA000  }
0x7: {  	s22 =	simm.s32 $0xB000;
	s23 =	simm.s32 $0x1;
	s26 =	simm.s32 $0x2  }
0x8: {  	s29 =	simm.s32 $0xF;
	s30 =	simm.s32 $0x10;
	s31 =	simm.s32 $0x0  }
0x9: {  	s6 =	smul.u32 $0x7D00, s13;
	s5 =	sand.u32 $0x1, s5;
	[smem:$0x7FF] =	sst s4  }
0xa: {  	s7 =	smul.u32 $0xA00, s13;
	p2 =	slt.u32 s13, $0xA;
	s8 =	ssub.s32 $0x2, s5  }
0xb: {  	_ =	strace $0x8000004A;
	p0 =	seq.s32 s5, $0x0;
	p3 =	sne.s32 s5, $0x0  }
0xc: {  	s9 =	sshrl.u32 s6, $0x3;
	s10 =	sshrl.u32 s8, $0x1;
	s11 =	sadd.s32 s7, s0  }
0xd: {  	s1 =	sadd.s32 s1, s7;
	p1 =	por !p0, !p2;
	p0 =	seq.s32 s5, $0x1  }
0xe: {  	s0 =	sadd.s32 s9, s0;
	s12 =	ssub.s32 s8, s10;
	s28 =	sadd.s32 $0x4000, s11  }
0xf: {  	[dreg:$0x6] =	wrdreg s1;
	p1 =	por !p1, !p1;
	s1 =	sadd.s32 s6, s2  }
0x10: {  	p2 =	por !p2, !p0;
	s6 =	sadd.s32 s6, s3;
	[dreg:$0x5] =	wrdreg s28  }
0x11: {  	s7 =	sadd.s32 $0x3F000, s0;
	p2 =	por !p2, !p2;
	s8 =	sadd.s32 $0x35200, s0  }
.Ltmp0:
0x12: {  	s9 =	sadd.s32 $0x52C00, s0;
	s10 =	sadd.s32 $0x48E00, s0;
	(pc) =	sbr.rel .LBB2_1-.Ltmp0, $4  }
0x13: {  	s11 =	smax.u32 s12, $0x1;
	s12 =	simm.s32 $0x11;
	s0 =	sshll.u32 @p1 s13, $0x6  }
0x14: {  	s15 =	sshrl.u32 @p1 s1, $0x3;
	s16 =	sshrl.u32 @p1 s6, $0x3;
	[dreg:$0x7] =	wrdreg s9  }
0x15: {  	s9 =	simm.s32 $0x5000;
	s14 =	sor.u32 @p1 $0x1C11, s0;
	s0 =	sshll.u32 @p2 s13, $0x6  }
0x16: {  	s18 =	sshrl.u32 @p2 s1, $0x3;
	s19 =	sshrl.u32 @p2 s6, $0x3;
	s17 =	sor.u32 @p2 $0x1C11, s0  }
.LBB2_8:
0x17: {  	[sflag:s28] =	ssyncadd.s32 $0xFFFFF000  }
0x18: {  	[spmem:s2] =	stream.indirect.scatter.add.f32 [tilespmem:s5], [sflag:s6], $0x20, s25, s20, $0xb8;
	[tilespmem:$0x1BD20] =	vst v63  }
0x19: {  	_ =	swait.ge [sflag:s29], $0x1000  }
0x1a: {  	[sflag:s29] =	ssyncset.done $0x0  }
0x1b: {  	[sflag:s29] =	ssyncadd.s32 $0xFFFFF000  }
0x1c: {  	_ =	swait.ge [sflag:s30], $0x1000  }
0x1d: {  	[sflag:s30] =	ssyncset.done $0x0  }
0x1e: {  	s9 =	simm.s32 $0x5000;
	[sflag:s30] =	ssyncadd.s32 $0xFFFFF000  }
.LBB2_9:
0x1f: {  	[bflag:$0x0] =	sbarrier.arrive $0xFFFF  }
0x20: {  	s0 =	rddreg [dreg:$0x7]  }
0x21: {  	[hbm:s0], [sflag:s14] =	dma.local @p1 [spmem:s15], $0xFA0  }
0x22: {  	s0 =	simm.s32 @p1 $0x11  }
0x23: {  	s31 =	sadd.s32 $0x1, s31;
	_ =	swait.ge @p1 [sflag:s0], $0xFA0  }
0x24: {  	p4 =	sne.s32 s31, s11;
	[sflag:s0] =	ssyncset.done @p1 $0x0  }
.Ltmp1:
0x25: {  	[sflag:s0] =	ssyncadd.s32 @p1 $0xFFFFF060;
	s0 =	simm.s32 @p2 $0x11;
	(pc) =	sbr.rel @!p4 .LBB2_10-.Ltmp1, $4  }
0x26: {  	[hbm:s10], [sflag:s17] =	dma.local @p2 [spmem:s18], $0xFA0  }
0x27: {  	_ =	swait.ge @p2 [sflag:s0], $0xFA0  }
0x28: {  	[sflag:s0] =	ssyncset.done @p2 $0x0  }
0x29: {  	[sflag:s0] =	ssyncadd.s32 @p2 $0xFFFFF060  }
.LBB2_1:
0x2a: {  	s0 =	rddreg [dreg:$0x5]  }
0x2b: {  	[tilespmem:s4], [sflag:$0x11] =	stream.linear.gather [hbm4b:s0+s4], $0x5000, $0x38;
	[tilespmem:$0x1BD20] =	vst v63  }
0x2c: {  	_ =	swait.ge [sflag:s12], $0x5000  }
0x2d: {  	[sflag:s12] =	ssyncset.done $0x0  }
0x2e: {  	s28 =	rddreg [dreg:$0x6];
	[sflag:s12] =	ssyncadd.s32 $0xFFFFB000  }
0x2f: {  	[tilespmem:s9], [sflag:$0x11] =	stream.linear.gather [hbm4b:s28+s4], $0x5000, $0x38;
	[tilespmem:$0x1BD20] =	vst v63  }
0x30: {  	_ =	swait.ge [sflag:s12], $0x5000  }
0x31: {  	[sflag:s12] =	ssyncset.done $0x0  }
0x32: {  	s0 =	simm.s32 @p1 $0x11;
	[sflag:s12] =	ssyncadd.s32 $0xFFFFB000  }
0x33: {  	[spmem:s15], [sflag:s14] =	dma.local @p1 [hbm:s7], $0xFA0  }
0x34: {  	_ =	swait.ge @p1 [sflag:s0], $0xFA0  }
0x35: {  	[sflag:s0] =	ssyncset.done @p1 $0x0  }
0x36: {  	[sflag:s0] =	ssyncadd.s32 @p1 $0xFFFFF060  }
0x37: {  	[spmem:s16], [sflag:s14] =	dma.local @p1 [hbm:s7], $0xFA0  }
0x38: {  	_ =	swait.ge @p1 [sflag:s0], $0xFA0  }
0x39: {  	[sflag:s0] =	ssyncset.done @p1 $0x0  }
0x3a: {  	[sflag:s0] =	ssyncadd.s32 @p1 $0xFFFFF060;
	s0 =	simm.s32 @p2 $0x11  }
0x3b: {  	[spmem:s18], [sflag:s17] =	dma.local @p2 [hbm:s8], $0xFA0  }
0x3c: {  	_ =	swait.ge @p2 [sflag:s0], $0xFA0  }
0x3d: {  	[sflag:s0] =	ssyncset.done @p2 $0x0  }
0x3e: {  	[sflag:s0] =	ssyncadd.s32 @p2 $0xFFFFF060  }
0x3f: {  	[spmem:s19], [sflag:s17] =	dma.local @p2 [hbm:s8], $0xFA0  }
.Ltmp2:
0x40: {  	_ =	swait.ge @p2 [sflag:s0], $0xFA0;
	(pc) =	sbr.rel @p3 .LBB2_5-.Ltmp2, $3  }
0x41: {  	[sflag:s0] =	ssyncset.done @p2 $0x0  }
0x42: {  	[sflag:s0] =	ssyncadd.s32 @p2 $0xFFFFF060  }
0x43: {  	[bflag:$0x0] =	sbarrier.arrive $0xFFFF;
	_ =	sdelay $0x1  }
0x44: {  	[tilespmem:s21], [sflag:$0x1] =	stream.indirect.gather [spmem:s3], $0x20, s4, s20, $0xb8;
	[tilespmem:$0x1BD20] =	vst v63  }
0x45: {  	_ = 	snop  }
0x46: {  	[tilespmem:s22], [sflag:$0x2] =	stream.indirect.gather [spmem:s3], $0x20, s20, s20, $0xb8;
	[tilespmem:$0x1BD20] =	vst v63  }
0x47: {  	s0 =	simm.s32 $0x100;
	s1 =	simm.s32 $0xC000  }
0x48: {  	[tilespmem:s1], [sflag:$0x3] =	stream.indirect.gather [spmem:s3], $0x20, s0, s20, $0xb8;
	[tilespmem:$0x1BD20] =	vst v63  }
0x49: {  	s5 =	simm.s32 $0xD000;
	s1 =	simm.s32 $0x180  }
0x4a: {  	[tilespmem:s5], [sflag:$0x4] =	stream.indirect.gather [spmem:s3], $0x20, s1, s20, $0xb8;
	[tilespmem:$0x1BD20] =	vst v63  }
0x4b: {  	s6 =	simm.s32 $0x200;
	s13 =	simm.s32 $0xE000  }
0x4c: {  	[tilespmem:s13], [sflag:$0x5] =	stream.indirect.gather [spmem:s3], $0x20, s6, s20, $0xb8;
	[tilespmem:$0x1BD20] =	vst v63  }
0x4d: {  	s24 =	simm.s32 $0x280;
	s25 =	simm.s32 $0xF000  }
0x4e: {  	[tilespmem:s25], [sflag:$0x6] =	stream.indirect.gather [spmem:s3], $0x20, s24, s20, $0xb8;
	[tilespmem:$0x1BD20] =	vst v63  }
0x4f: {  	s1 =	simm.s32 $0x300;
	s5 =	simm.s32 $0x10000  }
0x50: {  	[tilespmem:s5], [sflag:$0x7] =	stream.indirect.gather [spmem:s3], $0x20, s1, s20, $0xb8;
	[tilespmem:$0x1BD20] =	vst v63  }
0x51: {  	_ =	swait.ge [sflag:s23], $0x1000  }
0x52: {  	[sflag:s23] =	ssyncset.done $0x0  }
0x53: {  	[sflag:s23] =	ssyncadd.s32 $0xFFFFF000  }
0x54: {  	[spmem:s2] =	stream.indirect.scatter.add.f32 [tilespmem:s21], [sflag:$0x9], $0x20, s9, s20, $0xb8;
	[tilespmem:$0x1BD20] =	vst v63  }
0x55: {  	p4 =	por $0x0, $0x0;
	s6 =	simm.s32 $0x380;
	s9 =	simm.s32 $0x11000  }
0x56: {  	[tilespmem:s9], [sflag:$0x8] =	stream.indirect.gather [spmem:s3], $0x20, s6, s20, $0xb8;
	[tilespmem:$0x1BD20] =	vst v63  }
0x57: {  	s28 =	simm.s32 @!p4 $0x80;
	s24 =	simm.s32 $0x8;
	_ =	swait.ge [sflag:s26], $0x1000  }
0x58: {  	s0 =	simm.s32 $0x5100;
	s1 =	sand.u32 $0x7, s24;
	[sflag:s26] =	ssyncset.done $0x0  }
0x59: {  	s13 =	simm.s32 $0x5080;
	s24 =	sadd.s32 $0x9, s1;
	[sflag:s26] =	ssyncadd.s32 $0xFFFFF000  }
0x5a: {  	[spmem:s2] =	stream.indirect.scatter.add.f32 [tilespmem:s22], [sflag:$0xA], $0x20, s13, s20, $0xb8;
	[tilespmem:$0x1BD20] =	vst v63  }
0x5b: {  	s5 =	simm.s32 $0x400;
	s25 =	sshll.u32 @!p4 s1, $0xC;
	_ =	swait.ge [sflag:s24], $0x1000  }
0x5c: {  	s1 =	sadd.s32 @!p4 $0x1, s1;
	s6 =	simm.s32 $0x2;
	[sflag:s24] =	ssyncset.done $0x0  }
0x5d: {  	s6 =	sand.u32 $0x7, s6;
	[sflag:s24] =	ssyncadd.s32 $0xFFFFF000;
	s24 =	sadd.s32 @!p4 $0xA000, s25  }
0x5e: {  	[tilespmem:s24], [sflag:s1] =	stream.indirect.gather @!p4 [spmem:s3], $0x20, s5, s28, $0xb8;
	[tilespmem:$0x1BD20] =	vst v63  }
0x5f: {  	s25 =	sshll.u32 s6, $0xC;
	s1 =	simm.s32 $0x9;
	s28 =	sadd.s32 $0x1, s6  }
0x60: {  	s24 =	simm.s32 $0x480;
	s5 =	sadd.s32 $0xA000, s25;
	_ =	swait.ge [sflag:s28], $0x1000  }
0x61: {  	s6 =	sadd.s32 $0x9, s6;
	s25 =	simm.s32 $0x5100;
	[sflag:s28] =	ssyncset.done $0x0  }
.LBB2_3:
0x62: {  	[sflag:s28] =	ssyncadd.s32 $0xFFFFF000  }
0x63: {  	s0 =	sadd.s32 $0x80, s0;
	s28 =	smov.u32 s1;
	s1 =	sadd.s32 $0x1, s1  }
0x64: {  	[spmem:s2] =	stream.indirect.scatter.add.f32 [tilespmem:s5], [sflag:s6], $0x20, s25, s20, $0xb8;
	[tilespmem:$0x1BD20] =	vst v63  }
0x65: {  	s5 =	sand.u32 $0x7, s28  }
0x66: {  	p4 =	sne.s32 s1, $0xA6;
	s25 =	smov.u32 s0;
	s6 =	sadd.s32 $0xFFFFFFFA, s28  }
0x67: {  	s28 =	sadd.s32 $0x9, s5;
	p5 =	sgt.u32 s6, $0x99  }
0x68: {  	s6 =	sand.u32 $0x7, s6;
	s9 =	sshll.u32 @!p5 s5, $0xC;
	_ =	swait.ge [sflag:s28], $0x1000  }
0x69: {  	s13 =	simm.s32 @!p5 $0x80;
	s5 =	sadd.s32 @!p5 $0x1, s5;
	[sflag:s28] =	ssyncset.done $0x0  }
.Ltmp3:
0x6a: {  	s9 =	sadd.s32 @!p5 $0xA000, s9;
	[sflag:s28] =	ssyncadd.s32 $0xFFFFF000;
	(pc) =	sbr.rel @p4 .LBB2_3-.Ltmp3, $4  }
0x6b: {  	[tilespmem:s9], [sflag:s5] =	stream.indirect.gather @!p5 [spmem:s3], $0x20, s24, s13, $0xb8;
	[tilespmem:$0x1BD20] =	vst v63  }
0x6c: {  	s28 =	sadd.s32 $0x1, s6;
	s5 =	sshll.u32 s6, $0xC  }
0x6d: {  	s24 =	sadd.s32 $0x80, s24;
	_ =	swait.ge [sflag:s28], $0x1000  }
0x6e: {  	s6 =	sadd.s32 $0x9, s6;
	s5 =	sadd.s32 $0xA000, s5;
	[sflag:s28] =	ssyncset.done $0x0  }
0x6f: {  	[sflag:s28] =	ssyncadd.s32 $0xFFFFF000  }
0x70: {  	[spmem:s2] =	stream.indirect.scatter.add.f32 [tilespmem:s5], [sflag:s6], $0x20, s25, s20, $0xb8;
	[tilespmem:$0x1BD20] =	vst v63  }
0x71: {  	_ =	swait.ge [sflag:s29], $0x1000  }
0x72: {  	[sflag:s29] =	ssyncset.done $0x0  }
0x73: {  	[sflag:s29] =	ssyncadd.s32 $0xFFFFF000  }
0x74: {  	_ =	swait.ge [sflag:s30], $0x1000  }
0x75: {  	[sflag:s30] =	ssyncset.done $0x0  }
0x76: {  	s9 =	simm.s32 $0x5000;
	[sflag:s30] =	ssyncadd.s32 $0xFFFFF000  }
.LBB2_5:
.Ltmp4:
0x77: {  	(pc) =	sbr.rel @!p0 .LBB2_9-.Ltmp4, $1  }
0x78: {  	_ =	sdelay $0x3  }
0x79: {  	[tilespmem:s21], [sflag:$0x1] =	stream.indirect.gather [spmem:s3], $0x20, s4, s20, $0xb8;
	[tilespmem:$0x1BD20] =	vst v63  }
0x7a: {  	_ = 	snop  }
0x7b: {  	[tilespmem:s22], [sflag:$0x2] =	stream.indirect.gather [spmem:s3], $0x20, s20, s20, $0xb8;
	[tilespmem:$0x1BD20] =	vst v63  }
0x7c: {  	s0 =	simm.s32 $0x100;
	s1 =	simm.s32 $0xC000  }
0x7d: {  	[tilespmem:s1], [sflag:$0x3] =	stream.indirect.gather [spmem:s3], $0x20, s0, s20, $0xb8;
	[tilespmem:$0x1BD20] =	vst v63  }
0x7e: {  	s5 =	simm.s32 $0xD000;
	s1 =	simm.s32 $0x180  }
0x7f: {  	[tilespmem:s5], [sflag:$0x4] =	stream.indirect.gather [spmem:s3], $0x20, s1, s20, $0xb8;
	[tilespmem:$0x1BD20] =	vst v63  }
0x80: {  	s6 =	simm.s32 $0x200;
	s13 =	simm.s32 $0xE000  }
0x81: {  	[tilespmem:s13], [sflag:$0x5] =	stream.indirect.gather [spmem:s3], $0x20, s6, s20, $0xb8;
	[tilespmem:$0x1BD20] =	vst v63  }
0x82: {  	s24 =	simm.s32 $0x280;
	s25 =	simm.s32 $0xF000  }
0x83: {  	[tilespmem:s25], [sflag:$0x6] =	stream.indirect.gather [spmem:s3], $0x20, s24, s20, $0xb8;
	[tilespmem:$0x1BD20] =	vst v63  }
0x84: {  	s1 =	simm.s32 $0x300;
	s5 =	simm.s32 $0x10000  }
0x85: {  	[tilespmem:s5], [sflag:$0x7] =	stream.indirect.gather [spmem:s3], $0x20, s1, s20, $0xb8;
	[tilespmem:$0x1BD20] =	vst v63  }
0x86: {  	_ =	swait.ge [sflag:s23], $0x1000  }
0x87: {  	p4 =	por $0x0, $0x0;
	[sflag:s23] =	ssyncset.done $0x0  }
0x88: {  	s0 =	simm.s32 $0x5100;
	s6 =	simm.s32 $0x380;
	[sflag:s23] =	ssyncadd.s32 $0xFFFFF000  }
0x89: {  	[spmem:s2] =	stream.indirect.scatter.add.f32 [tilespmem:s21], [sflag:$0x9], $0x20, s9, s20, $0xb8;
	[tilespmem:$0x1BD20] =	vst v63  }
0x8a: {  	s13 =	simm.s32 $0x5080;
	s24 =	simm.s32 $0x8;
	s9 =	simm.s32 $0x11000  }
0x8b: {  	[tilespmem:s9], [sflag:$0x8] =	stream.indirect.gather [spmem:s3], $0x20, s6, s20, $0xb8;
	[tilespmem:$0x1BD20] =	vst v63  }
0x8c: {  	s1 =	sand.u32 $0x7, s24;
	s5 =	simm.s32 $0x400;
	_ =	swait.ge [sflag:s26], $0x1000  }
0x8d: {  	s24 =	simm.s32 @!p4 $0x80;
	s6 =	simm.s32 $0x2;
	[sflag:s26] =	ssyncset.done $0x0  }
0x8e: {  	s25 =	sadd.s32 $0x9, s1;
	s6 =	sand.u32 $0x7, s6;
	[sflag:s26] =	ssyncadd.s32 $0xFFFFF000  }
0x8f: {  	[spmem:s2] =	stream.indirect.scatter.add.f32 [tilespmem:s22], [sflag:$0xA], $0x20, s13, s20, $0xb8;
	[tilespmem:$0x1BD20] =	vst v63  }
0x90: {  	s28 =	sadd.s32 $0x1, s6;
	s13 =	sshll.u32 @!p4 s1, $0xC;
	_ =	swait.ge [sflag:s25], $0x1000  }
0x91: {  	s1 =	sadd.s32 @!p4 $0x1, s1;
	s9 =	sadd.s32 @!p4 $0xA000, s13;
	[sflag:s25] =	ssyncset.done $0x0  }
0x92: {  	[sflag:s25] =	ssyncadd.s32 $0xFFFFF000;
	s25 =	sshll.u32 s6, $0xC;
	s6 =	sadd.s32 $0x9, s6  }
0x93: {  	[tilespmem:s9], [sflag:s1] =	stream.indirect.gather @!p4 [spmem:s3], $0x20, s5, s24, $0xb8;
	[tilespmem:$0x1BD20] =	vst v63  }
0x94: {  	s1 =	simm.s32 $0x9;
	s24 =	simm.s32 $0x480;
	_ =	swait.ge [sflag:s28], $0x1000  }
0x95: {  	s5 =	sadd.s32 $0xA000, s25;
	s25 =	simm.s32 $0x5100;
	[sflag:s28] =	ssyncset.done $0x0  }
.LBB2_7:
0x96: {  	[sflag:s28] =	ssyncadd.s32 $0xFFFFF000  }
0x97: {  	s0 =	sadd.s32 $0x80, s0;
	s9 =	smov.u32 s1;
	s1 =	sadd.s32 $0x1, s1  }
0x98: {  	[spmem:s2] =	stream.indirect.scatter.add.f32 [tilespmem:s5], [sflag:s6], $0x20, s25, s20, $0xb8;
	[tilespmem:$0x1BD20] =	vst v63  }
0x99: {  	s5 =	sand.u32 $0x7, s9  }
0x9a: {  	p4 =	sne.s32 s1, $0xA6;
	s25 =	smov.u32 s0;
	s6 =	sadd.s32 $0xFFFFFFFA, s9  }
0x9b: {  	s9 =	sadd.s32 $0x9, s5;
	p5 =	sgt.u32 s6, $0x99  }
0x9c: {  	s6 =	sand.u32 $0x7, s6;
	s13 =	sshll.u32 @!p5 s5, $0xC;
	_ =	swait.ge [sflag:s9], $0x1000  }
0x9d: {  	s28 =	simm.s32 @!p5 $0x80;
	s5 =	sadd.s32 @!p5 $0x1, s5;
	[sflag:s9] =	ssyncset.done $0x0  }
.Ltmp5:
0x9e: {  	[sflag:s9] =	ssyncadd.s32 $0xFFFFF000;
	s9 =	sadd.s32 @!p5 $0xA000, s13;
	(pc) =	sbr.rel @p4 .LBB2_7-.Ltmp5, $4  }
0x9f: {  	[tilespmem:s9], [sflag:s5] =	stream.indirect.gather @!p5 [spmem:s3], $0x20, s24, s28, $0xb8;
	[tilespmem:$0x1BD20] =	vst v63  }
0xa0: {  	s5 =	sshll.u32 s6, $0xC;
	s28 =	sadd.s32 $0x1, s6  }
0xa1: {  	s24 =	sadd.s32 $0x80, s24;
	_ =	swait.ge [sflag:s28], $0x1000  }
0xa2: {  	s6 =	sadd.s32 $0x9, s6;
	s5 =	sadd.s32 $0xA000, s5;
	[sflag:s28] =	ssyncset.done $0x0  }
.Ltmp6:
0xa3: {  	_ = 	snop;
	(pc) =	sbr.rel .LBB2_8-.Ltmp6, $1  }
0xa4: {  	_ =	sdelay $0x3  }
.LBB2_10:
0xa5: {  	_ =	sfence.sel $0x180000  }
0xa6: {  	[bflag:$0x0] =	sbarrier.arrive $0xFFFF  }
0xa7: {  	_ =	strace $0x9000004A  }
0xa8: {  	s0 =	stileid.u32;
	[bflag:$0x2] =	sbarrier.arrive $0xFFFF  }
0xa9: {  	p0 =	sne.s32 s0, $0x0;
	s0 =	rddreg [dreg:$0x4]  }
0xaa: {  	s0 =	sadd.s32 @!p0 $0x100000, s0  }
0xab: {  	[sflag:s0] =	ssyncadd.tile.s32 @!p0 $0x1;
	_ =	shalt  }
.Lfunc_end2:
_tile_overlayer_lowered:
.L_overlay_start_2:
0xac: {  	(tag) =	ssettag $0x2  }
0xad: {  	s0 =	rddreg [dreg:$0x0];
	s2 =	stileid.u32  }
0xae: {  	s1 =	rddreg [dreg:$0x1];
	p0 =	sne.s32 s2, $0x0  }
0xaf: {  	s3 =	rddreg [dreg:$0x2];
	[bflag:$0x3] =	sbarrier.arrive $0xFFFF;
	s2 =	simm.s32 @!p0 $0x1C11  }
0xb0: {  	[timem:s3], [sflag:s2] =	dma.local @!p0 [hbm:s0], s1  }
0xb1: {  	s0 =	simm.s32 @!p0 $0x11  }
0xb2: {  	_ =	swait.ge @!p0 [sflag:s0], s1  }
0xb3: {  	s1 =	ssub.s32 @!p0 $0x0, s1;
	[sflag:s0] =	ssyncset.done @!p0 $0x0  }
0xb4: {  	[sflag:s0] =	ssyncadd.s32 @!p0 s1  }
0xb5: {  	[bflag:$0x3] =	sbarrier.arrive $0xFFFF  }
0xb6: {  	_ =	shalt  }

// kernel: kernel.20.cloned.1.call-start
scs
__scs_entry_jumppad:
0x0: {  	(pc) =	sbr.rel $0x88, $3  }
0x1: {  	(tag) =	ssettag $0x0;
	lr =	simm.s32 $0x1  }
0x2: {  	[smem:$0x3F99] =	sst lr;
	_ =	strace $0xD0000000  }
0x3: {  	_ = 	snop  }
0x4: {  	_ = 	snop  }
0x5: {  	_ = 	snop  }
0x6: {  	_ = 	snop  }
0x7: {  	_ = 	snop  }
__scs_overlays_trampoline_lowered:
0x8: {  	[smem:$0x3FA8] =	sst s0  }
0x9: {  	[smem:$0x3FA9] =	sst s1  }
0xa: {  	[smem:$0x3FAA] =	sst s2  }
0xb: {  	[smem:$0x3FAB] =	sst s3  }
0xc: {  	[smem:$0x3FAC] =	sst s4  }
0xd: {  	[smem:$0x3FAD] =	sst s5  }
0xe: {  	[smem:$0x3FAE] =	sst s6  }
0xf: {  	[smem:$0x3FAF] =	sst s7  }
0x10: {  	[smem:$0x3FB0] =	sst s8  }
0x11: {  	[smem:$0x3FB1] =	sst s9;
	s0 =	simm.s32 @!p0 $0x0  }
0x12: {  	s1 =	sld [smem:$0x3F97];
	s0 =	simm.s32 @p0 $0x1  }
0x13: {  	[smem:$0x3FB2] =	sst s0;
	s0 =	simm.s32 @!p1 $0x0  }
0x14: {  	s2 =	sld [smem:$0x3F96];
	s0 =	simm.s32 @p1 $0x1  }
0x15: {  	[smem:$0x3FB3] =	sst s0;
	s0 =	simm.s32 @!p2 $0x0  }
0x16: {  	s3 =	sld [smem:$0x3FDB];
	s0 =	simm.s32 @p2 $0x1  }
0x17: {  	s4 =	simm.s32 $0x1BF5;
	[smem:$0x3FB5] =	sst s0  }
0x18: {  	s0 =	sld [smem:$0x3F98];
	_ =	swait.ge [sflag:s4], $0x0  }
0x19: {  	s7 =	sld [smem:$0x3F99]  }
0x1a: {  	s8 =	sadd.s32 $0xFFFFE003, lr  }
0x1b: {  	s9 =	sadd.s32 $0xFFFFFEF7, lr;
	s5 =	simm.s32 $0xFFFFFFFF;
	p2 =	slt.u32 s8, $0xFFFFF086  }
0x1c: {  	p1 =	slt.u32 s9, $0xF7A;
	s5 =	simm.s32 @!p2 $0x0  }
0x1d: {  	s5 =	simm.s32 @p1 $0x1;
	p0 =	seq.s32 s7, s2  }
0x1e: {  	s7 =	smul.u32 @!p0 $0xF7A, s2;
	p2 =	seq.s32 @!p0 s5, $0x0  }
0x1f: {  	s9 =	smul.u32 $0xF7A, s1;
	s8 =	simm.s32 @!p0 $0x1BF5;
	p2 =	por !p2, p0  }
0x20: {  	[sflag:s8] =	ssyncset.s32 @!p0 $0xFFFFF086;
	s6 =	sadd.s32 @!p0 s3, s7;
	s7 =	simm.s32 @!p0 $0x108  }
0x21: {  	s3 =	sadd.s32 s3, s9;
	s6 =	sadd.s32 @!p0 $0x88, s6;
	s7 =	simm.s32 @p2 $0x1082  }
0x22: {  	[simem:s7], [sflag:s8] =	dma.local @!p0 [hbm:s6], $0xF7A  }
0x23: {  	s9 =	sor.u32 $0xD0000000, s2;
	s6 =	simm.s32 $0x108;
	_ =	swait.ge @!p0 [sflag:s8], $0x0  }
0x24: {  	s3 =	sadd.s32 $0x88, s3;
	s6 =	simm.s32 @!p1 $0x1082;
	[sflag:s4] =	ssyncset.s32 $0xFFFFF086  }
0x25: {  	[simem:s6], [sflag:s4] =	dma.local [hbm:s3], $0xF7A  }
0x26: {  	[smem:$0x3F99] =	sst s1;
	(tag) =	ssettag s2;
	_ =	strace s9  }
0x27: {  	s1 =	sld [smem:$0x3FA9]  }
0x28: {  	s2 =	sld [smem:$0x3FAA]  }
0x29: {  	s4 =	sld [smem:$0x3FAC]  }
0x2a: {  	p0 =	seq.s32 s5, $0x0;
	s5 =	sld [smem:$0x3FAD]  }
0x2b: {  	s6 =	sld [smem:$0x3FAE]  }
0x2c: {  	s7 =	sld [smem:$0x3FAF]  }
0x2d: {  	s3 =	simm.s32 $0x108;
	s8 =	sld [smem:$0x3FB0]  }
0x2e: {  	s3 =	simm.s32 @!p0 $0x1082;
	s9 =	sld [smem:$0x3FB1]  }
0x2f: {  	lr =	sadd.s32 s0, s3;
	s0 =	sld [smem:$0x3FA8]  }
0x30: {  	s3 =	sld [smem:$0x3FAB]  }
0x31: {  	[smem:$0x3FB4] =	sst s10  }
0x32: {  	s10 =	sld [smem:$0x3FB2];
	_ =	sdelay $0x3  }
0x33: {  	p0 =	seq.s32 s10, $0x1;
	s10 =	sld [smem:$0x3FB4];
	_ =	sdelay $0x3  }
0x34: {  	[smem:$0x3FB4] =	sst s10  }
0x35: {  	s10 =	sld [smem:$0x3FB3];
	_ =	sdelay $0x3  }
0x36: {  	p1 =	seq.s32 s10, $0x1;
	s10 =	sld [smem:$0x3FB4];
	_ =	sdelay $0x3  }
0x37: {  	[smem:$0x3FB4] =	sst s10  }
0x38: {  	s10 =	sld [smem:$0x3FB5]  }
0x39: {  	_ = 	snop;
	(pc) =	sbr.ind lr, $3  }
0x3a: {  	_ = 	snop  }
0x3b: {  	_ = 	snop  }
0x3c: {  	p2 =	seq.s32 s10, $0x1;
	s10 =	sld [smem:$0x3FB4]  }
0x3d: {  	_ =	shalt  }
0x3e: {  	_ =	shalt  }
0x3f: {  	_ =	shalt  }
0x40: {  	_ =	shalt  }
0x41: {  	_ =	shalt  }
0x42: {  	_ =	shalt  }
0x43: {  	_ =	shalt  }
0x44: {  	_ =	shalt  }
0x45: {  	_ =	shalt  }
0x46: {  	_ =	shalt  }
0x47: {  	_ =	shalt  }
0x48: {  	_ =	shalt  }
0x49: {  	_ =	shalt  }
0x4a: {  	_ =	shalt  }
0x4b: {  	_ =	shalt  }
0x4c: {  	_ =	shalt  }
0x4d: {  	_ =	shalt  }
0x4e: {  	_ =	shalt  }
0x4f: {  	_ =	shalt  }
0x50: {  	_ =	shalt  }
0x51: {  	_ =	shalt  }
0x52: {  	_ =	shalt  }
0x53: {  	_ =	shalt  }
0x54: {  	_ =	shalt  }
0x55: {  	_ =	shalt  }
0x56: {  	_ =	shalt  }
0x57: {  	_ =	shalt  }
0x58: {  	_ =	shalt  }
0x59: {  	_ =	shalt  }
0x5a: {  	_ =	shalt  }
0x5b: {  	_ =	shalt  }
0x5c: {  	_ =	shalt  }
0x5d: {  	_ =	shalt  }
0x5e: {  	_ =	shalt  }
0x5f: {  	_ =	shalt  }
0x60: {  	_ =	shalt  }
0x61: {  	_ =	shalt  }
0x62: {  	_ =	shalt  }
0x63: {  	_ =	shalt  }
0x64: {  	_ =	shalt  }
0x65: {  	_ =	shalt  }
0x66: {  	_ =	shalt  }
0x67: {  	_ =	shalt  }
0x68: {  	_ =	shalt  }
0x69: {  	_ =	shalt  }
0x6a: {  	_ =	shalt  }
0x6b: {  	_ =	shalt  }
0x6c: {  	_ =	shalt  }
0x6d: {  	_ =	shalt  }
0x6e: {  	_ =	shalt  }
0x6f: {  	_ =	shalt  }
0x70: {  	_ =	shalt  }
0x71: {  	_ =	shalt  }
0x72: {  	_ =	shalt  }
0x73: {  	_ =	shalt  }
0x74: {  	_ =	shalt  }
0x75: {  	_ =	shalt  }
0x76: {  	_ =	shalt  }
0x77: {  	_ =	shalt  }
0x78: {  	_ =	shalt  }
0x79: {  	_ =	shalt  }
0x7a: {  	_ =	shalt  }
0x7b: {  	_ =	shalt  }
0x7c: {  	_ =	shalt  }
0x7d: {  	_ =	shalt  }
0x7e: {  	_ =	shalt  }
0x7f: {  	_ =	shalt  }
0x80: {  	_ =	shalt  }
0x81: {  	_ =	shalt  }
0x82: {  	_ =	shalt  }
0x83: {  	_ =	shalt  }
0x84: {  	_ =	shalt  }
0x85: {  	_ =	shalt  }
0x86: {  	_ =	shalt  }
0x87: {  	_ =	shalt  }
.Lfunc_end0:
.L_simem_size_0:
called_computation.3_lowered:
.L_overlay_start_0:
0x88: {  	s2 =	sld [smem:$0x3FD9]  }
0x89: {  	s3 =	sld [smem:$0x3FFE];
	_ =	sdelay $0x1  }
0x8a: {  	s1 =	srdreg.scid  }
0x8b: {  	s0 =	sand.u32 $0x1, s1  }
0x8c: {  	s14 =	sshll.u32 s0, $0xA;
	s2 =	sadd.s32 s3, s2  }
0x8d: {  	s2 =	sadd.s32 s2, s14  }
0x8e: {  	[smem:$0x3FC0] =	sst s2  }
0x8f: {  	_ = 	snop  }
0x90: {  	s2 =	sld [smem:$0x3FD0];
	_ =	sdelay $0x2  }
0x91: {  	s15 =	simm.s32 $0xB;
	s4 =	simm.s32 $0x10  }
0x92: {  	[smem:s4], [sflag:s15] =	dma.local [hbm:s2], $0x1  }
0x93: {  	_ =	swait.eq [sflag:s15], $0x1  }
0x94: {  	[sflag:s15] =	ssyncset.done $0x0  }
0x95: {  	s16 =	sld [smem:$0x10];
	[sflag:s15] =	ssyncadd.s32 $0xFFFFFFFF  }
0x96: {  	s17 =	sld [smem:$0x11];
	(tm) =	ssettm $0x1  }
0x97: {  	s18 =	sld [smem:$0x3FFB];
	_ =	sdelay $0x3  }
0x98: {  	_ =	strace s18  }
0x99: {  	s4 =	sld [smem:$0x3FFC];
	_ =	sdelay $0x3  }
0x9a: {  	_ =	strace s4  }
0x9b: {  	s4 =	sld [smem:$0x3FFD];
	_ =	sdelay $0x3  }
0x9c: {  	_ =	strace s4  }
0x9d: {  	_ =	strace $0x8FFFFFFF  }
0x9e: {  	s19 =	sld [smem:$0x3FDB];
	_ =	sdelay $0x1  }
0x9f: {  	s5 =	simm.s32 $_scs_section_size  }
0xa0: {  	s6 =	simm.s32 $_size__tile_overlayer_lowered;
	s7 =	simm.s32 $_tile_overlayer_lowered  }
0xa1: {  	s22 =	simm.s32 $0x1BFF;
	s21 =	sshll.u32 s7, $0x1;
	s4 =	sadd.s32 s5, s19  }
0xa2: {  	s8 =	simm.s32 $0x0;
	s20 =	sshll.u32 s6, $0x1;
	s6 =	sadd.s32 s21, s4  }
0xa3: {  	[timem:s8], [sflag:s22] =	dma.local [hbm:s6], s20  }
0xa4: {  	_ =	swait.ge [sflag:s22], s20  }
0xa5: {  	s5 =	ssub.s32 $0x0, s20;
	[sflag:s22] =	ssyncset.done $0x0  }
0xa6: {  	[sflag:s22] =	ssyncadd.s32 s5;
	_ =	sdelay $0x1  }
0xa7: {  	s23 =	simm.s32 $0x1B8B  }
0xa8: {  	_ =	swait.ge [sflag:s23], $0x1  }
0xa9: {  	[sflag:s23] =	ssyncset.done $0x0  }
0xaa: {  	s25 =	simm.s32 $0x1B8E;
	s24 =	sld [smem:$0x3FFE];
	[sflag:s23] =	ssyncadd.s32 $0xFFFFFFFF  }
0xab: {  	s26 =	simm.s32 $execute0_lowered;
	[smem:$0x3FD2] =	sst s25  }
0xac: {  	s6 =	sshll.u32 s26, $0x1;
	_ =	strace $0x8000004F;
	[dreg:$0x1] =	wrdreg $0xFFFFFFFF  }
0xad: {  	s28 =	simm.s32 $_size_execute0_lowered;
	s4 =	sadd.s32 s4, s6;
	[dreg:$0x0] =	wrdreg $0x0  }
0xae: {  	s6 =	sshll.u32 s28, $0x1;
	[dreg:$0x2] =	wrdreg s4  }
0xaf: {  	[dreg:$0x3] =	wrdreg s6  }
0xb0: {  	[dreg:$0x4] =	wrdreg $0xC0  }
0xb1: {  	_ =	task [dreg:s8], $0x5FFFF  }
0xb2: {  	[dreg:$0x1] =	wrdreg $0xFFFFFFFF  }
0xb3: {  	[dreg:$0x0] =	wrdreg $0x60  }
0xb4: {  	[dreg:$0x2] =	wrdreg s16  }
0xb5: {  	[dreg:$0x3] =	wrdreg s24  }
0xb6: {  	[dreg:$0x4] =	wrdreg s17  }
0xb7: {  	[dreg:$0x5] =	wrdreg $0x120000  }
0xb8: {  	[dreg:$0x6] =	wrdreg $0x16F000  }
0xb9: {  	[dreg:$0x7] =	wrdreg $0x9  }
0xba: {  	_ =	task.clear_ibuf [dreg:s8], $0x8FFFF;
	_ =	strace $0x9000004F  }
0xbb: {  	s29 =	simm.s32 $0x9;
	_ =	strace $0x80000051  }
0xbc: {  	_ =	swait.ge [sflag:s29], $0x1  }
0xbd: {  	[sflag:s29] =	ssyncadd.s32 $0xFFFFFFFF  }
0xbe: {  	_ =	strace $0x90000051  }
0xbf: {  	_ =	sfence  }
0xc0: {  	s30 =	sld [smem:$0x0];
	_ =	sdelay $0x2  }
0xc1: {  	s31 =	sshll.u32 s1, $0xD;
	s1 =	sshrl.u32 s1, $0x2  }
0xc2: {  	s3 =	sand.u32 $0x4000, s31;
	s1 =	sadd.s32 s1, s30  }
0xc3: {  	s0 =	sor.u32 s3, s0;
	s1 =	sshll.u32 s1, $0x11  }
0xc4: {  	s0 =	sor.u32 s1, s0  }
0xc5: {  	s0 =	sadd.s32 $0x8F2B, s0  }
0xc6: {  	[sflag:s0] =	ssyncadd.remote.s32 $0x1  }
0xc7: {  	_ =	sfence.sel $0xFFFF  }
0xc8: {  	[dreg:$0x0] =	wrdreg $0xFFFFFFFF;
	(pc) =	sbr.abs _section_cstart, $3  }
0xc9: {  	[dreg:$0x1] =	wrdreg $0xFFFFFFFF  }
0xca: {  	_ =	task.clear_ibuf [dreg:s8], $0x2FFFF;
	_ =	strace $0x9FFFFFFF  }
0xcb: {  	(tm) =	ssettm $0x7FFFFFFF  }
tec
execute0_lowered:
.L_overlay_start_1:
0x0: {  	(tag) =	ssettag $0x1  }
0x1: {  	s0 =	rddreg [dreg:$0x0]  }
0x2: {  	s1 =	rddreg [dreg:$0x1]  }
0x3: {  	s5 =	rddreg [dreg:$0x2]  }
0x4: {  	s2 =	rddreg [dreg:$0x3]  }
0x5: {  	s3 =	rddreg [dreg:$0x4]  }
0x6: {  	s13 =	stileid.u32;
	s6 =	srdreg.scid  }
0x7: {  	s4 =	simm.s32 $0x0;
	s20 =	simm.s32 $0x80;
	s21 =	simm.s32 $0xA000  }
0x8: {  	s22 =	simm.s32 $0xB000;
	s23 =	simm.s32 $0x1;
	s29 =	simm.s32 $0xF  }
0x9: {  	s30 =	simm.s32 $0x10;
	s31 =	simm.s32 $0x0;
	s8 =	smul.u32 $0x7D00, s13  }
0xa: {  	s6 =	sand.u32 $0x1, s6;
	[smem:$0x7FF] =	sst s4;
	s7 =	smul.u32 $0xA00, s13  }
0xb: {  	p2 =	slt.u32 s13, $0xA;
	s9 =	ssub.s32 $0x2, s6;
	_ =	strace $0x80000050  }
0xc: {  	p0 =	seq.s32 s6, $0x0;
	p3 =	sne.s32 s6, $0x0;
	s10 =	sshrl.u32 s8, $0x3  }
0xd: {  	s11 =	sshrl.u32 s9, $0x1;
	s12 =	sadd.s32 s7, s1;
	s5 =	sadd.s32 s5, s7  }
0xe: {  	p1 =	por !p0, !p2;
	p0 =	seq.s32 s6, $0x1;
	s1 =	sadd.s32 s10, s1  }
0xf: {  	s11 =	ssub.s32 s9, s11;
	s26 =	sadd.s32 $0x4000, s12;
	[dreg:$0x7] =	wrdreg s5  }
0x10: {  	p1 =	por !p1, !p1;
	s5 =	sadd.s32 s8, s2;
	p2 =	por !p2, !p0  }
0x11: {  	s7 =	sadd.s32 s0, s10;
	s0 =	sadd.s32 s8, s3;
	s12 =	simm.s32 $0x11  }
0x12: {  	s9 =	simm.s32 $0x5000;
	[dreg:$0x6] =	wrdreg s26;
	p2 =	por !p2, !p2  }
.Ltmp0:
0x13: {  	s8 =	sadd.s32 $0x35200, s1;
	s28 =	sadd.s32 $0x48E00, s1;
	(pc) =	sbr.rel .LBB2_1-.Ltmp0, $4  }
0x14: {  	s10 =	sadd.s32 $0x3F000, s1;
	s11 =	smax.u32 s11, $0x1;
	s1 =	sshll.u32 @p1 s13, $0x6  }
0x15: {  	s15 =	sshrl.u32 @p1 s5, $0x3;
	s16 =	sshrl.u32 @p1 s0, $0x3;
	s26 =	simm.s32 $0x2  }
0x16: {  	[dreg:$0x8] =	wrdreg s28;
	s14 =	sor.u32 @p1 $0x1C11, s1;
	s1 =	sshll.u32 @p2 s13, $0x6  }
0x17: {  	s18 =	sshrl.u32 @p2 s5, $0x3;
	s19 =	sshrl.u32 @p2 s0, $0x3;
	s17 =	sor.u32 @p2 $0x1C11, s1  }
.LBB2_8:
0x18: {  	[sflag:s28] =	ssyncadd.s32 $0xFFFFF000  }
0x19: {  	[spmem:s2] =	stream.indirect.scatter.add.f32 [tilespmem:s5], [sflag:s6], $0x20, s25, s20, $0xb8;
	[tilespmem:$0x1BD20] =	vst v63  }
0x1a: {  	_ =	swait.ge [sflag:s29], $0x1000  }
0x1b: {  	[sflag:s29] =	ssyncset.done $0x0  }
0x1c: {  	[sflag:s29] =	ssyncadd.s32 $0xFFFFF000  }
0x1d: {  	_ =	swait.ge [sflag:s30], $0x1000  }
0x1e: {  	[sflag:s30] =	ssyncset.done $0x0  }
0x1f: {  	s9 =	simm.s32 $0x5000;
	[sflag:s30] =	ssyncadd.s32 $0xFFFFF000  }
.LBB2_9:
0x20: {  	[bflag:$0x0] =	sbarrier.arrive $0xFFFF  }
0x21: {  	s0 =	rddreg [dreg:$0x8]  }
0x22: {  	[hbm:s0], [sflag:s14] =	dma.local @p1 [spmem:s15], $0xFA0  }
0x23: {  	s0 =	simm.s32 @p1 $0x11  }
0x24: {  	s31 =	sadd.s32 $0x1, s31;
	_ =	swait.ge @p1 [sflag:s0], $0xFA0  }
0x25: {  	p4 =	sne.s32 s31, s11;
	[sflag:s0] =	ssyncset.done @p1 $0x0  }
.Ltmp1:
0x26: {  	[sflag:s0] =	ssyncadd.s32 @p1 $0xFFFFF060;
	s0 =	simm.s32 @p2 $0x11;
	(pc) =	sbr.rel @!p4 .LBB2_10-.Ltmp1, $4  }
0x27: {  	[hbm:s10], [sflag:s17] =	dma.local @p2 [spmem:s18], $0xFA0  }
0x28: {  	_ =	swait.ge @p2 [sflag:s0], $0xFA0  }
0x29: {  	[sflag:s0] =	ssyncset.done @p2 $0x0  }
0x2a: {  	[sflag:s0] =	ssyncadd.s32 @p2 $0xFFFFF060  }
.LBB2_1:
0x2b: {  	s0 =	rddreg [dreg:$0x6]  }
0x2c: {  	[tilespmem:s4], [sflag:$0x11] =	stream.linear.gather [hbm4b:s0+s4], $0x5000, $0x38;
	[tilespmem:$0x1BD20] =	vst v63  }
0x2d: {  	_ =	swait.ge [sflag:s12], $0x5000  }
0x2e: {  	[sflag:s12] =	ssyncset.done $0x0  }
0x2f: {  	s28 =	rddreg [dreg:$0x7];
	[sflag:s12] =	ssyncadd.s32 $0xFFFFB000  }
0x30: {  	[tilespmem:s9], [sflag:$0x11] =	stream.linear.gather [hbm4b:s28+s4], $0x5000, $0x38;
	[tilespmem:$0x1BD20] =	vst v63  }
0x31: {  	_ =	swait.ge [sflag:s12], $0x5000  }
0x32: {  	[sflag:s12] =	ssyncset.done $0x0  }
0x33: {  	s0 =	simm.s32 @p1 $0x11;
	[sflag:s12] =	ssyncadd.s32 $0xFFFFB000  }
0x34: {  	[spmem:s15], [sflag:s14] =	dma.local @p1 [hbm:s7], $0xFA0  }
0x35: {  	_ =	swait.ge @p1 [sflag:s0], $0xFA0  }
0x36: {  	[sflag:s0] =	ssyncset.done @p1 $0x0  }
0x37: {  	[sflag:s0] =	ssyncadd.s32 @p1 $0xFFFFF060  }
0x38: {  	[spmem:s16], [sflag:s14] =	dma.local @p1 [hbm:s7], $0xFA0  }
0x39: {  	_ =	swait.ge @p1 [sflag:s0], $0xFA0  }
0x3a: {  	[sflag:s0] =	ssyncset.done @p1 $0x0  }
0x3b: {  	[sflag:s0] =	ssyncadd.s32 @p1 $0xFFFFF060;
	s0 =	simm.s32 @p2 $0x11  }
0x3c: {  	[spmem:s18], [sflag:s17] =	dma.local @p2 [hbm:s8], $0xFA0  }
0x3d: {  	_ =	swait.ge @p2 [sflag:s0], $0xFA0  }
0x3e: {  	[sflag:s0] =	ssyncset.done @p2 $0x0  }
0x3f: {  	[sflag:s0] =	ssyncadd.s32 @p2 $0xFFFFF060  }
0x40: {  	[spmem:s19], [sflag:s17] =	dma.local @p2 [hbm:s8], $0xFA0  }
.Ltmp2:
0x41: {  	_ =	swait.ge @p2 [sflag:s0], $0xFA0;
	(pc) =	sbr.rel @p3 .LBB2_5-.Ltmp2, $3  }
0x42: {  	[sflag:s0] =	ssyncset.done @p2 $0x0  }
0x43: {  	[sflag:s0] =	ssyncadd.s32 @p2 $0xFFFFF060  }
0x44: {  	[bflag:$0x0] =	sbarrier.arrive $0xFFFF;
	_ =	sdelay $0x1  }
0x45: {  	[tilespmem:s21], [sflag:$0x1] =	stream.indirect.gather [spmem:s3], $0x20, s4, s20, $0xb8;
	[tilespmem:$0x1BD20] =	vst v63  }
0x46: {  	_ = 	snop  }
0x47: {  	[tilespmem:s22], [sflag:$0x2] =	stream.indirect.gather [spmem:s3], $0x20, s20, s20, $0xb8;
	[tilespmem:$0x1BD20] =	vst v63  }
0x48: {  	s0 =	simm.s32 $0x100;
	s1 =	simm.s32 $0xC000  }
0x49: {  	[tilespmem:s1], [sflag:$0x3] =	stream.indirect.gather [spmem:s3], $0x20, s0, s20, $0xb8;
	[tilespmem:$0x1BD20] =	vst v63  }
0x4a: {  	s5 =	simm.s32 $0xD000;
	s1 =	simm.s32 $0x180  }
0x4b: {  	[tilespmem:s5], [sflag:$0x4] =	stream.indirect.gather [spmem:s3], $0x20, s1, s20, $0xb8;
	[tilespmem:$0x1BD20] =	vst v63  }
0x4c: {  	s6 =	simm.s32 $0x200;
	s13 =	simm.s32 $0xE000  }
0x4d: {  	[tilespmem:s13], [sflag:$0x5] =	stream.indirect.gather [spmem:s3], $0x20, s6, s20, $0xb8;
	[tilespmem:$0x1BD20] =	vst v63  }
0x4e: {  	s24 =	simm.s32 $0x280;
	s25 =	simm.s32 $0xF000  }
0x4f: {  	[tilespmem:s25], [sflag:$0x6] =	stream.indirect.gather [spmem:s3], $0x20, s24, s20, $0xb8;
	[tilespmem:$0x1BD20] =	vst v63  }
0x50: {  	s1 =	simm.s32 $0x300;
	s5 =	simm.s32 $0x10000  }
0x51: {  	[tilespmem:s5], [sflag:$0x7] =	stream.indirect.gather [spmem:s3], $0x20, s1, s20, $0xb8;
	[tilespmem:$0x1BD20] =	vst v63  }
0x52: {  	_ =	swait.ge [sflag:s23], $0x1000  }
0x53: {  	[sflag:s23] =	ssyncset.done $0x0  }
0x54: {  	[sflag:s23] =	ssyncadd.s32 $0xFFFFF000  }
0x55: {  	[spmem:s2] =	stream.indirect.scatter.add.f32 [tilespmem:s21], [sflag:$0x9], $0x20, s9, s20, $0xb8;
	[tilespmem:$0x1BD20] =	vst v63  }
0x56: {  	p4 =	por $0x0, $0x0;
	s6 =	simm.s32 $0x380;
	s9 =	simm.s32 $0x11000  }
0x57: {  	[tilespmem:s9], [sflag:$0x8] =	stream.indirect.gather [spmem:s3], $0x20, s6, s20, $0xb8;
	[tilespmem:$0x1BD20] =	vst v63  }
0x58: {  	s28 =	simm.s32 @!p4 $0x80;
	s24 =	simm.s32 $0x8;
	_ =	swait.ge [sflag:s26], $0x1000  }
0x59: {  	s0 =	simm.s32 $0x5100;
	s1 =	sand.u32 $0x7, s24;
	[sflag:s26] =	ssyncset.done $0x0  }
0x5a: {  	s13 =	simm.s32 $0x5080;
	s24 =	sadd.s32 $0x9, s1;
	[sflag:s26] =	ssyncadd.s32 $0xFFFFF000  }
0x5b: {  	[spmem:s2] =	stream.indirect.scatter.add.f32 [tilespmem:s22], [sflag:$0xA], $0x20, s13, s20, $0xb8;
	[tilespmem:$0x1BD20] =	vst v63  }
0x5c: {  	s5 =	simm.s32 $0x400;
	s25 =	sshll.u32 @!p4 s1, $0xC;
	_ =	swait.ge [sflag:s24], $0x1000  }
0x5d: {  	s1 =	sadd.s32 @!p4 $0x1, s1;
	s6 =	simm.s32 $0x2;
	[sflag:s24] =	ssyncset.done $0x0  }
0x5e: {  	s6 =	sand.u32 $0x7, s6;
	[sflag:s24] =	ssyncadd.s32 $0xFFFFF000;
	s24 =	sadd.s32 @!p4 $0xA000, s25  }
0x5f: {  	[tilespmem:s24], [sflag:s1] =	stream.indirect.gather @!p4 [spmem:s3], $0x20, s5, s28, $0xb8;
	[tilespmem:$0x1BD20] =	vst v63  }
0x60: {  	s25 =	sshll.u32 s6, $0xC;
	s1 =	simm.s32 $0x9;
	s28 =	sadd.s32 $0x1, s6  }
0x61: {  	s24 =	simm.s32 $0x480;
	s5 =	sadd.s32 $0xA000, s25;
	_ =	swait.ge [sflag:s28], $0x1000  }
0x62: {  	s6 =	sadd.s32 $0x9, s6;
	s25 =	simm.s32 $0x5100;
	[sflag:s28] =	ssyncset.done $0x0  }
.LBB2_3:
0x63: {  	[sflag:s28] =	ssyncadd.s32 $0xFFFFF000  }
0x64: {  	s0 =	sadd.s32 $0x80, s0;
	s28 =	smov.u32 s1;
	s1 =	sadd.s32 $0x1, s1  }
0x65: {  	[spmem:s2] =	stream.indirect.scatter.add.f32 [tilespmem:s5], [sflag:s6], $0x20, s25, s20, $0xb8;
	[tilespmem:$0x1BD20] =	vst v63  }
0x66: {  	s5 =	sand.u32 $0x7, s28  }
0x67: {  	p4 =	sne.s32 s1, $0xA6;
	s25 =	smov.u32 s0;
	s6 =	sadd.s32 $0xFFFFFFFA, s28  }
0x68: {  	s28 =	sadd.s32 $0x9, s5;
	p5 =	sgt.u32 s6, $0x99  }
0x69: {  	s6 =	sand.u32 $0x7, s6;
	s9 =	sshll.u32 @!p5 s5, $0xC;
	_ =	swait.ge [sflag:s28], $0x1000  }
0x6a: {  	s13 =	simm.s32 @!p5 $0x80;
	s5 =	sadd.s32 @!p5 $0x1, s5;
	[sflag:s28] =	ssyncset.done $0x0  }
.Ltmp3:
0x6b: {  	s9 =	sadd.s32 @!p5 $0xA000, s9;
	[sflag:s28] =	ssyncadd.s32 $0xFFFFF000;
	(pc) =	sbr.rel @p4 .LBB2_3-.Ltmp3, $4  }
0x6c: {  	[tilespmem:s9], [sflag:s5] =	stream.indirect.gather @!p5 [spmem:s3], $0x20, s24, s13, $0xb8;
	[tilespmem:$0x1BD20] =	vst v63  }
0x6d: {  	s28 =	sadd.s32 $0x1, s6;
	s5 =	sshll.u32 s6, $0xC  }
0x6e: {  	s24 =	sadd.s32 $0x80, s24;
	_ =	swait.ge [sflag:s28], $0x1000  }
0x6f: {  	s6 =	sadd.s32 $0x9, s6;
	s5 =	sadd.s32 $0xA000, s5;
	[sflag:s28] =	ssyncset.done $0x0  }
0x70: {  	[sflag:s28] =	ssyncadd.s32 $0xFFFFF000  }
0x71: {  	[spmem:s2] =	stream.indirect.scatter.add.f32 [tilespmem:s5], [sflag:s6], $0x20, s25, s20, $0xb8;
	[tilespmem:$0x1BD20] =	vst v63  }
0x72: {  	_ =	swait.ge [sflag:s29], $0x1000  }
0x73: {  	[sflag:s29] =	ssyncset.done $0x0  }
0x74: {  	[sflag:s29] =	ssyncadd.s32 $0xFFFFF000  }
0x75: {  	_ =	swait.ge [sflag:s30], $0x1000  }
0x76: {  	[sflag:s30] =	ssyncset.done $0x0  }
0x77: {  	s9 =	simm.s32 $0x5000;
	[sflag:s30] =	ssyncadd.s32 $0xFFFFF000  }
.LBB2_5:
.Ltmp4:
0x78: {  	(pc) =	sbr.rel @!p0 .LBB2_9-.Ltmp4, $1  }
0x79: {  	_ =	sdelay $0x3  }
0x7a: {  	[tilespmem:s21], [sflag:$0x1] =	stream.indirect.gather [spmem:s3], $0x20, s4, s20, $0xb8;
	[tilespmem:$0x1BD20] =	vst v63  }
0x7b: {  	_ = 	snop  }
0x7c: {  	[tilespmem:s22], [sflag:$0x2] =	stream.indirect.gather [spmem:s3], $0x20, s20, s20, $0xb8;
	[tilespmem:$0x1BD20] =	vst v63  }
0x7d: {  	s0 =	simm.s32 $0x100;
	s1 =	simm.s32 $0xC000  }
0x7e: {  	[tilespmem:s1], [sflag:$0x3] =	stream.indirect.gather [spmem:s3], $0x20, s0, s20, $0xb8;
	[tilespmem:$0x1BD20] =	vst v63  }
0x7f: {  	s5 =	simm.s32 $0xD000;
	s1 =	simm.s32 $0x180  }
0x80: {  	[tilespmem:s5], [sflag:$0x4] =	stream.indirect.gather [spmem:s3], $0x20, s1, s20, $0xb8;
	[tilespmem:$0x1BD20] =	vst v63  }
0x81: {  	s6 =	simm.s32 $0x200;
	s13 =	simm.s32 $0xE000  }
0x82: {  	[tilespmem:s13], [sflag:$0x5] =	stream.indirect.gather [spmem:s3], $0x20, s6, s20, $0xb8;
	[tilespmem:$0x1BD20] =	vst v63  }
0x83: {  	s24 =	simm.s32 $0x280;
	s25 =	simm.s32 $0xF000  }
0x84: {  	[tilespmem:s25], [sflag:$0x6] =	stream.indirect.gather [spmem:s3], $0x20, s24, s20, $0xb8;
	[tilespmem:$0x1BD20] =	vst v63  }
0x85: {  	s1 =	simm.s32 $0x300;
	s5 =	simm.s32 $0x10000  }
0x86: {  	[tilespmem:s5], [sflag:$0x7] =	stream.indirect.gather [spmem:s3], $0x20, s1, s20, $0xb8;
	[tilespmem:$0x1BD20] =	vst v63  }
0x87: {  	_ =	swait.ge [sflag:s23], $0x1000  }
0x88: {  	p4 =	por $0x0, $0x0;
	[sflag:s23] =	ssyncset.done $0x0  }
0x89: {  	s0 =	simm.s32 $0x5100;
	s6 =	simm.s32 $0x380;
	[sflag:s23] =	ssyncadd.s32 $0xFFFFF000  }
0x8a: {  	[spmem:s2] =	stream.indirect.scatter.add.f32 [tilespmem:s21], [sflag:$0x9], $0x20, s9, s20, $0xb8;
	[tilespmem:$0x1BD20] =	vst v63  }
0x8b: {  	s13 =	simm.s32 $0x5080;
	s24 =	simm.s32 $0x8;
	s9 =	simm.s32 $0x11000  }
0x8c: {  	[tilespmem:s9], [sflag:$0x8] =	stream.indirect.gather [spmem:s3], $0x20, s6, s20, $0xb8;
	[tilespmem:$0x1BD20] =	vst v63  }
0x8d: {  	s1 =	sand.u32 $0x7, s24;
	s5 =	simm.s32 $0x400;
	_ =	swait.ge [sflag:s26], $0x1000  }
0x8e: {  	s24 =	simm.s32 @!p4 $0x80;
	s6 =	simm.s32 $0x2;
	[sflag:s26] =	ssyncset.done $0x0  }
0x8f: {  	s25 =	sadd.s32 $0x9, s1;
	s6 =	sand.u32 $0x7, s6;
	[sflag:s26] =	ssyncadd.s32 $0xFFFFF000  }
0x90: {  	[spmem:s2] =	stream.indirect.scatter.add.f32 [tilespmem:s22], [sflag:$0xA], $0x20, s13, s20, $0xb8;
	[tilespmem:$0x1BD20] =	vst v63  }
0x91: {  	s28 =	sadd.s32 $0x1, s6;
	s13 =	sshll.u32 @!p4 s1, $0xC;
	_ =	swait.ge [sflag:s25], $0x1000  }
0x92: {  	s1 =	sadd.s32 @!p4 $0x1, s1;
	s9 =	sadd.s32 @!p4 $0xA000, s13;
	[sflag:s25] =	ssyncset.done $0x0  }
0x93: {  	[sflag:s25] =	ssyncadd.s32 $0xFFFFF000;
	s25 =	sshll.u32 s6, $0xC;
	s6 =	sadd.s32 $0x9, s6  }
0x94: {  	[tilespmem:s9], [sflag:s1] =	stream.indirect.gather @!p4 [spmem:s3], $0x20, s5, s24, $0xb8;
	[tilespmem:$0x1BD20] =	vst v63  }
0x95: {  	s1 =	simm.s32 $0x9;
	s24 =	simm.s32 $0x480;
	_ =	swait.ge [sflag:s28], $0x1000  }
0x96: {  	s5 =	sadd.s32 $0xA000, s25;
	s25 =	simm.s32 $0x5100;
	[sflag:s28] =	ssyncset.done $0x0  }
.LBB2_7:
0x97: {  	[sflag:s28] =	ssyncadd.s32 $0xFFFFF000  }
0x98: {  	s0 =	sadd.s32 $0x80, s0;
	s9 =	smov.u32 s1;
	s1 =	sadd.s32 $0x1, s1  }
0x99: {  	[spmem:s2] =	stream.indirect.scatter.add.f32 [tilespmem:s5], [sflag:s6], $0x20, s25, s20, $0xb8;
	[tilespmem:$0x1BD20] =	vst v63  }
0x9a: {  	s5 =	sand.u32 $0x7, s9  }
0x9b: {  	p4 =	sne.s32 s1, $0xA6;
	s25 =	smov.u32 s0;
	s6 =	sadd.s32 $0xFFFFFFFA, s9  }
0x9c: {  	s9 =	sadd.s32 $0x9, s5;
	p5 =	sgt.u32 s6, $0x99  }
0x9d: {  	s6 =	sand.u32 $0x7, s6;
	s13 =	sshll.u32 @!p5 s5, $0xC;
	_ =	swait.ge [sflag:s9], $0x1000  }
0x9e: {  	s28 =	simm.s32 @!p5 $0x80;
	s5 =	sadd.s32 @!p5 $0x1, s5;
	[sflag:s9] =	ssyncset.done $0x0  }
.Ltmp5:
0x9f: {  	[sflag:s9] =	ssyncadd.s32 $0xFFFFF000;
	s9 =	sadd.s32 @!p5 $0xA000, s13;
	(pc) =	sbr.rel @p4 .LBB2_7-.Ltmp5, $4  }
0xa0: {  	[tilespmem:s9], [sflag:s5] =	stream.indirect.gather @!p5 [spmem:s3], $0x20, s24, s28, $0xb8;
	[tilespmem:$0x1BD20] =	vst v63  }
0xa1: {  	s5 =	sshll.u32 s6, $0xC;
	s28 =	sadd.s32 $0x1, s6  }
0xa2: {  	s24 =	sadd.s32 $0x80, s24;
	_ =	swait.ge [sflag:s28], $0x1000  }
0xa3: {  	s6 =	sadd.s32 $0x9, s6;
	s5 =	sadd.s32 $0xA000, s5;
	[sflag:s28] =	ssyncset.done $0x0  }
.Ltmp6:
0xa4: {  	_ = 	snop;
	(pc) =	sbr.rel .LBB2_8-.Ltmp6, $1  }
0xa5: {  	_ =	sdelay $0x3  }
.LBB2_10:
0xa6: {  	_ =	sfence.sel $0x180000  }
0xa7: {  	[bflag:$0x0] =	sbarrier.arrive $0xFFFF  }
0xa8: {  	_ =	strace $0x90000050  }
0xa9: {  	s0 =	stileid.u32;
	[bflag:$0x2] =	sbarrier.arrive $0xFFFF  }
0xaa: {  	p0 =	sne.s32 s0, $0x0;
	s0 =	rddreg [dreg:$0x5]  }
0xab: {  	s0 =	sadd.s32 @!p0 $0x100000, s0  }
0xac: {  	[sflag:s0] =	ssyncadd.tile.s32 @!p0 $0x1;
	_ =	shalt  }
.Lfunc_end2:
_tile_overlayer_lowered:
.L_overlay_start_2:
0xad: {  	(tag) =	ssettag $0x2  }
0xae: {  	s0 =	rddreg [dreg:$0x0];
	s2 =	stileid.u32  }
0xaf: {  	s1 =	rddreg [dreg:$0x1];
	p0 =	sne.s32 s2, $0x0  }
0xb0: {  	s3 =	rddreg [dreg:$0x2];
	[bflag:$0x3] =	sbarrier.arrive $0xFFFF;
	s2 =	simm.s32 @!p0 $0x1C11  }
0xb1: {  	[timem:s3], [sflag:s2] =	dma.local @!p0 [hbm:s0], s1  }
0xb2: {  	s0 =	simm.s32 @!p0 $0x11  }
0xb3: {  	_ =	swait.ge @!p0 [sflag:s0], s1  }
0xb4: {  	s1 =	ssub.s32 @!p0 $0x0, s1;
	[sflag:s0] =	ssyncset.done @!p0 $0x0  }
0xb5: {  	[sflag:s0] =	ssyncadd.s32 @!p0 s1  }
0xb6: {  	[bflag:$0x3] =	sbarrier.arrive $0xFFFF  }
0xb7: {  	_ =	shalt  }

// kernel: kernel.23.cloned.1.call-start
scs
__scs_entry_jumppad:
0x0: {  	(pc) =	sbr.rel $0x88, $3  }
0x1: {  	(tag) =	ssettag $0x0;
	lr =	simm.s32 $0x1  }
0x2: {  	[smem:$0x3F99] =	sst lr;
	_ =	strace $0xD0000000  }
0x3: {  	_ = 	snop  }
0x4: {  	_ = 	snop  }
0x5: {  	_ = 	snop  }
0x6: {  	_ = 	snop  }
0x7: {  	_ = 	snop  }
__scs_overlays_trampoline_lowered:
0x8: {  	[smem:$0x3FA8] =	sst s0  }
0x9: {  	[smem:$0x3FA9] =	sst s1  }
0xa: {  	[smem:$0x3FAA] =	sst s2  }
0xb: {  	[smem:$0x3FAB] =	sst s3  }
0xc: {  	[smem:$0x3FAC] =	sst s4  }
0xd: {  	[smem:$0x3FAD] =	sst s5  }
0xe: {  	[smem:$0x3FAE] =	sst s6  }
0xf: {  	[smem:$0x3FAF] =	sst s7  }
0x10: {  	[smem:$0x3FB0] =	sst s8  }
0x11: {  	[smem:$0x3FB1] =	sst s9;
	s0 =	simm.s32 @!p0 $0x0  }
0x12: {  	s1 =	sld [smem:$0x3F97];
	s0 =	simm.s32 @p0 $0x1  }
0x13: {  	[smem:$0x3FB2] =	sst s0;
	s0 =	simm.s32 @!p1 $0x0  }
0x14: {  	s2 =	sld [smem:$0x3F96];
	s0 =	simm.s32 @p1 $0x1  }
0x15: {  	[smem:$0x3FB3] =	sst s0;
	s0 =	simm.s32 @!p2 $0x0  }
0x16: {  	s3 =	sld [smem:$0x3FDB];
	s0 =	simm.s32 @p2 $0x1  }
0x17: {  	s4 =	simm.s32 $0x1BF5;
	[smem:$0x3FB5] =	sst s0  }
0x18: {  	s0 =	sld [smem:$0x3F98];
	_ =	swait.ge [sflag:s4], $0x0  }
0x19: {  	s7 =	sld [smem:$0x3F99]  }
0x1a: {  	s8 =	sadd.s32 $0xFFFFE003, lr  }
0x1b: {  	s9 =	sadd.s32 $0xFFFFFEF7, lr;
	s5 =	simm.s32 $0xFFFFFFFF;
	p2 =	slt.u32 s8, $0xFFFFF086  }
0x1c: {  	p1 =	slt.u32 s9, $0xF7A;
	s5 =	simm.s32 @!p2 $0x0  }
0x1d: {  	s5 =	simm.s32 @p1 $0x1;
	p0 =	seq.s32 s7, s2  }
0x1e: {  	s7 =	smul.u32 @!p0 $0xF7A, s2;
	p2 =	seq.s32 @!p0 s5, $0x0  }
0x1f: {  	s9 =	smul.u32 $0xF7A, s1;
	s8 =	simm.s32 @!p0 $0x1BF5;
	p2 =	por !p2, p0  }
0x20: {  	[sflag:s8] =	ssyncset.s32 @!p0 $0xFFFFF086;
	s6 =	sadd.s32 @!p0 s3, s7;
	s7 =	simm.s32 @!p0 $0x108  }
0x21: {  	s3 =	sadd.s32 s3, s9;
	s6 =	sadd.s32 @!p0 $0x88, s6;
	s7 =	simm.s32 @p2 $0x1082  }
0x22: {  	[simem:s7], [sflag:s8] =	dma.local @!p0 [hbm:s6], $0xF7A  }
0x23: {  	s9 =	sor.u32 $0xD0000000, s2;
	s6 =	simm.s32 $0x108;
	_ =	swait.ge @!p0 [sflag:s8], $0x0  }
0x24: {  	s3 =	sadd.s32 $0x88, s3;
	s6 =	simm.s32 @!p1 $0x1082;
	[sflag:s4] =	ssyncset.s32 $0xFFFFF086  }
0x25: {  	[simem:s6], [sflag:s4] =	dma.local [hbm:s3], $0xF7A  }
0x26: {  	[smem:$0x3F99] =	sst s1;
	(tag) =	ssettag s2;
	_ =	strace s9  }
0x27: {  	s1 =	sld [smem:$0x3FA9]  }
0x28: {  	s2 =	sld [smem:$0x3FAA]  }
0x29: {  	s4 =	sld [smem:$0x3FAC]  }
0x2a: {  	p0 =	seq.s32 s5, $0x0;
	s5 =	sld [smem:$0x3FAD]  }
0x2b: {  	s6 =	sld [smem:$0x3FAE]  }
0x2c: {  	s7 =	sld [smem:$0x3FAF]  }
0x2d: {  	s3 =	simm.s32 $0x108;
	s8 =	sld [smem:$0x3FB0]  }
0x2e: {  	s3 =	simm.s32 @!p0 $0x1082;
	s9 =	sld [smem:$0x3FB1]  }
0x2f: {  	lr =	sadd.s32 s0, s3;
	s0 =	sld [smem:$0x3FA8]  }
0x30: {  	s3 =	sld [smem:$0x3FAB]  }
0x31: {  	[smem:$0x3FB4] =	sst s10  }
0x32: {  	s10 =	sld [smem:$0x3FB2];
	_ =	sdelay $0x3  }
0x33: {  	p0 =	seq.s32 s10, $0x1;
	s10 =	sld [smem:$0x3FB4];
	_ =	sdelay $0x3  }
0x34: {  	[smem:$0x3FB4] =	sst s10  }
0x35: {  	s10 =	sld [smem:$0x3FB3];
	_ =	sdelay $0x3  }
0x36: {  	p1 =	seq.s32 s10, $0x1;
	s10 =	sld [smem:$0x3FB4];
	_ =	sdelay $0x3  }
0x37: {  	[smem:$0x3FB4] =	sst s10  }
0x38: {  	s10 =	sld [smem:$0x3FB5]  }
0x39: {  	_ = 	snop;
	(pc) =	sbr.ind lr, $3  }
0x3a: {  	_ = 	snop  }
0x3b: {  	_ = 	snop  }
0x3c: {  	p2 =	seq.s32 s10, $0x1;
	s10 =	sld [smem:$0x3FB4]  }
0x3d: {  	_ =	shalt  }
0x3e: {  	_ =	shalt  }
0x3f: {  	_ =	shalt  }
0x40: {  	_ =	shalt  }
0x41: {  	_ =	shalt  }
0x42: {  	_ =	shalt  }
0x43: {  	_ =	shalt  }
0x44: {  	_ =	shalt  }
0x45: {  	_ =	shalt  }
0x46: {  	_ =	shalt  }
0x47: {  	_ =	shalt  }
0x48: {  	_ =	shalt  }
0x49: {  	_ =	shalt  }
0x4a: {  	_ =	shalt  }
0x4b: {  	_ =	shalt  }
0x4c: {  	_ =	shalt  }
0x4d: {  	_ =	shalt  }
0x4e: {  	_ =	shalt  }
0x4f: {  	_ =	shalt  }
0x50: {  	_ =	shalt  }
0x51: {  	_ =	shalt  }
0x52: {  	_ =	shalt  }
0x53: {  	_ =	shalt  }
0x54: {  	_ =	shalt  }
0x55: {  	_ =	shalt  }
0x56: {  	_ =	shalt  }
0x57: {  	_ =	shalt  }
0x58: {  	_ =	shalt  }
0x59: {  	_ =	shalt  }
0x5a: {  	_ =	shalt  }
0x5b: {  	_ =	shalt  }
0x5c: {  	_ =	shalt  }
0x5d: {  	_ =	shalt  }
0x5e: {  	_ =	shalt  }
0x5f: {  	_ =	shalt  }
0x60: {  	_ =	shalt  }
0x61: {  	_ =	shalt  }
0x62: {  	_ =	shalt  }
0x63: {  	_ =	shalt  }
0x64: {  	_ =	shalt  }
0x65: {  	_ =	shalt  }
0x66: {  	_ =	shalt  }
0x67: {  	_ =	shalt  }
0x68: {  	_ =	shalt  }
0x69: {  	_ =	shalt  }
0x6a: {  	_ =	shalt  }
0x6b: {  	_ =	shalt  }
0x6c: {  	_ =	shalt  }
0x6d: {  	_ =	shalt  }
0x6e: {  	_ =	shalt  }
0x6f: {  	_ =	shalt  }
0x70: {  	_ =	shalt  }
0x71: {  	_ =	shalt  }
0x72: {  	_ =	shalt  }
0x73: {  	_ =	shalt  }
0x74: {  	_ =	shalt  }
0x75: {  	_ =	shalt  }
0x76: {  	_ =	shalt  }
0x77: {  	_ =	shalt  }
0x78: {  	_ =	shalt  }
0x79: {  	_ =	shalt  }
0x7a: {  	_ =	shalt  }
0x7b: {  	_ =	shalt  }
0x7c: {  	_ =	shalt  }
0x7d: {  	_ =	shalt  }
0x7e: {  	_ =	shalt  }
0x7f: {  	_ =	shalt  }
0x80: {  	_ =	shalt  }
0x81: {  	_ =	shalt  }
0x82: {  	_ =	shalt  }
0x83: {  	_ =	shalt  }
0x84: {  	_ =	shalt  }
0x85: {  	_ =	shalt  }
0x86: {  	_ =	shalt  }
0x87: {  	_ =	shalt  }
.Lfunc_end0:
.L_simem_size_0:
called_computation.4_lowered:
.L_overlay_start_0:
0x88: {  	s2 =	sld [smem:$0x3FD9]  }
0x89: {  	s3 =	sld [smem:$0x3FFE];
	_ =	sdelay $0x1  }
0x8a: {  	s1 =	srdreg.scid  }
0x8b: {  	s0 =	sand.u32 $0x1, s1  }
0x8c: {  	s14 =	sshll.u32 s0, $0xA;
	s2 =	sadd.s32 s3, s2  }
0x8d: {  	s2 =	sadd.s32 s2, s14  }
0x8e: {  	[smem:$0x3FC0] =	sst s2  }
0x8f: {  	_ = 	snop  }
0x90: {  	s2 =	sld [smem:$0x3FD0];
	_ =	sdelay $0x2  }
0x91: {  	s15 =	simm.s32 $0xB;
	s4 =	simm.s32 $0x10  }
0x92: {  	[smem:s4], [sflag:s15] =	dma.local [hbm:s2], $0x1  }
0x93: {  	_ =	swait.eq [sflag:s15], $0x1  }
0x94: {  	[sflag:s15] =	ssyncset.done $0x0  }
0x95: {  	[sflag:s15] =	ssyncadd.s32 $0xFFFFFFFF  }
0x96: {  	s16 =	sld [smem:$0x11];
	(tm) =	ssettm $0x1  }
0x97: {  	s17 =	sld [smem:$0x3FFB];
	_ =	sdelay $0x3  }
0x98: {  	_ =	strace s17  }
0x99: {  	s3 =	sld [smem:$0x3FFC];
	_ =	sdelay $0x3  }
0x9a: {  	_ =	strace s3  }
0x9b: {  	s3 =	sld [smem:$0x3FFD];
	_ =	sdelay $0x3  }
0x9c: {  	_ =	strace s3  }
0x9d: {  	_ =	strace $0x8FFFFFFF  }
0x9e: {  	s18 =	sld [smem:$0x3FDB];
	_ =	sdelay $0x1  }
0x9f: {  	s19 =	simm.s32 $_scs_section_size  }
0xa0: {  	s5 =	simm.s32 $_size__tile_overlayer_lowered;
	s6 =	simm.s32 $_tile_overlayer_lowered  }
0xa1: {  	s22 =	simm.s32 $0x1BFF;
	s21 =	sshll.u32 s6, $0x1;
	s3 =	sadd.s32 s19, s18  }
0xa2: {  	s7 =	simm.s32 $0x0;
	s20 =	sshll.u32 s5, $0x1;
	s5 =	sadd.s32 s21, s3  }
0xa3: {  	[timem:s7], [sflag:s22] =	dma.local [hbm:s5], s20  }
0xa4: {  	_ =	swait.ge [sflag:s22], s20  }
0xa5: {  	s4 =	ssub.s32 $0x0, s20;
	[sflag:s22] =	ssyncset.done $0x0  }
0xa6: {  	[sflag:s22] =	ssyncadd.s32 s4;
	_ =	sdelay $0x1  }
0xa7: {  	s23 =	simm.s32 $0x1B8B  }
0xa8: {  	_ =	swait.ge [sflag:s23], $0x1  }
0xa9: {  	[sflag:s23] =	ssyncset.done $0x0  }
0xaa: {  	s25 =	simm.s32 $0x1B8E;
	s24 =	sld [smem:$0x3FFE];
	[sflag:s23] =	ssyncadd.s32 $0xFFFFFFFF  }
0xab: {  	s26 =	simm.s32 $execute0_lowered;
	[smem:$0x3FD2] =	sst s25  }
0xac: {  	s5 =	sshll.u32 s26, $0x1;
	_ =	strace $0x80000052;
	[dreg:$0x1] =	wrdreg $0xFFFFFFFF  }
0xad: {  	s28 =	simm.s32 $_size_execute0_lowered;
	s3 =	sadd.s32 s3, s5;
	[dreg:$0x0] =	wrdreg $0x0  }
0xae: {  	s5 =	sshll.u32 s28, $0x1;
	[dreg:$0x2] =	wrdreg s3  }
0xaf: {  	[dreg:$0x3] =	wrdreg s5  }
0xb0: {  	[dreg:$0x4] =	wrdreg $0xC0  }
0xb1: {  	_ =	task [dreg:s7], $0x5FFFF  }
0xb2: {  	[dreg:$0x1] =	wrdreg $0xFFFFFFFF  }
0xb3: {  	[dreg:$0x0] =	wrdreg $0x60  }
0xb4: {  	[dreg:$0x2] =	wrdreg s24  }
0xb5: {  	[dreg:$0x3] =	wrdreg s16  }
0xb6: {  	[dreg:$0x4] =	wrdreg $0x120000  }
0xb7: {  	[dreg:$0x5] =	wrdreg $0x16F000  }
0xb8: {  	[dreg:$0x6] =	wrdreg $0x9  }
0xb9: {  	_ =	task.clear_ibuf [dreg:s7], $0x7FFFF;
	_ =	strace $0x90000052  }
0xba: {  	s29 =	simm.s32 $0x9;
	_ =	strace $0x80000054  }
0xbb: {  	_ =	swait.ge [sflag:s29], $0x1  }
0xbc: {  	[sflag:s29] =	ssyncadd.s32 $0xFFFFFFFF  }
0xbd: {  	_ =	strace $0x90000054  }
0xbe: {  	_ =	sfence  }
0xbf: {  	s30 =	sld [smem:$0x0];
	_ =	sdelay $0x2  }
0xc0: {  	s31 =	sshll.u32 s1, $0xD;
	s1 =	sshrl.u32 s1, $0x2  }
0xc1: {  	s3 =	sand.u32 $0x4000, s31;
	s1 =	sadd.s32 s1, s30  }
0xc2: {  	s0 =	sor.u32 s3, s0;
	s1 =	sshll.u32 s1, $0x11  }
0xc3: {  	s0 =	sor.u32 s1, s0  }
0xc4: {  	s0 =	sadd.s32 $0x8F2B, s0  }
0xc5: {  	[sflag:s0] =	ssyncadd.remote.s32 $0x1  }
0xc6: {  	_ =	sfence.sel $0xFFFF  }
0xc7: {  	[dreg:$0x0] =	wrdreg $0xFFFFFFFF;
	(pc) =	sbr.abs _section_cstart, $3  }
0xc8: {  	[dreg:$0x1] =	wrdreg $0xFFFFFFFF  }
0xc9: {  	_ =	task.clear_ibuf [dreg:s7], $0x2FFFF;
	_ =	strace $0x9FFFFFFF  }
0xca: {  	(tm) =	ssettm $0x7FFFFFFF  }
0xcb: {  	_ =	shalt  }
tec
execute0_lowered:
.L_overlay_start_1:
0x0: {  	(tag) =	ssettag $0x1  }
0x1: {  	s0 =	rddreg [dreg:$0x0]  }
0x2: {  	s1 =	rddreg [dreg:$0x1]  }
0x3: {  	s2 =	rddreg [dreg:$0x2]  }
0x4: {  	s3 =	rddreg [dreg:$0x3]  }
0x5: {  	s13 =	stileid.u32;
	s5 =	srdreg.scid  }
0x6: {  	s4 =	simm.s32 $0x0;
	s20 =	simm.s32 $0x80;
	s21 =	simm.s32 $0xA000  }
0x7: {  	s22 =	simm.s32 $0xB000;
	s23 =	simm.s32 $0x1;
	s26 =	simm.s32 $0x2  }
0x8: {  	s29 =	simm.s32 $0xF;
	s30 =	simm.s32 $0x10;
	s31 =	simm.s32 $0x0  }
0x9: {  	s6 =	smul.u32 $0x7D00, s13;
	s5 =	sand.u32 $0x1, s5;
	[smem:$0x7FF] =	sst s4  }
0xa: {  	s7 =	smul.u32 $0xA00, s13;
	p2 =	slt.u32 s13, $0xA;
	s8 =	ssub.s32 $0x2, s5  }
0xb: {  	_ =	strace $0x80000053;
	p0 =	seq.s32 s5, $0x0;
	p3 =	sne.s32 s5, $0x0  }
0xc: {  	s9 =	sshrl.u32 s6, $0x3;
	s10 =	sshrl.u32 s8, $0x1;
	s11 =	sadd.s32 s7, s0  }
0xd: {  	s1 =	sadd.s32 s1, s7;
	p1 =	por !p0, !p2;
	p0 =	seq.s32 s5, $0x1  }
0xe: {  	s0 =	sadd.s32 s9, s0;
	s12 =	ssub.s32 s8, s10;
	s28 =	sadd.s32 $0x4000, s11  }
0xf: {  	[dreg:$0x6] =	wrdreg s1;
	p1 =	por !p1, !p1;
	s1 =	sadd.s32 s6, s2  }
0x10: {  	p2 =	por !p2, !p0;
	s6 =	sadd.s32 s6, s3;
	[dreg:$0x5] =	wrdreg s28  }
0x11: {  	s7 =	sadd.s32 $0x3F000, s0;
	p2 =	por !p2, !p2;
	s8 =	sadd.s32 $0x35200, s0  }
.Ltmp0:
0x12: {  	s9 =	sadd.s32 $0x52C00, s0;
	s10 =	sadd.s32 $0x48E00, s0;
	(pc) =	sbr.rel .LBB2_1-.Ltmp0, $4  }
0x13: {  	s11 =	smax.u32 s12, $0x1;
	s12 =	simm.s32 $0x11;
	s0 =	sshll.u32 @p1 s13, $0x6  }
0x14: {  	s15 =	sshrl.u32 @p1 s1, $0x3;
	s16 =	sshrl.u32 @p1 s6, $0x3;
	[dreg:$0x7] =	wrdreg s9  }
0x15: {  	s9 =	simm.s32 $0x5000;
	s14 =	sor.u32 @p1 $0x1C11, s0;
	s0 =	sshll.u32 @p2 s13, $0x6  }
0x16: {  	s18 =	sshrl.u32 @p2 s1, $0x3;
	s19 =	sshrl.u32 @p2 s6, $0x3;
	s17 =	sor.u32 @p2 $0x1C11, s0  }
.LBB2_8:
0x17: {  	[sflag:s28] =	ssyncadd.s32 $0xFFFFF000  }
0x18: {  	[spmem:s2] =	stream.indirect.scatter.add.f32 [tilespmem:s5], [sflag:s6], $0x20, s25, s20, $0xb8;
	[tilespmem:$0x1BD20] =	vst v63  }
0x19: {  	_ =	swait.ge [sflag:s29], $0x1000  }
0x1a: {  	[sflag:s29] =	ssyncset.done $0x0  }
0x1b: {  	[sflag:s29] =	ssyncadd.s32 $0xFFFFF000  }
0x1c: {  	_ =	swait.ge [sflag:s30], $0x1000  }
0x1d: {  	[sflag:s30] =	ssyncset.done $0x0  }
0x1e: {  	s9 =	simm.s32 $0x5000;
	[sflag:s30] =	ssyncadd.s32 $0xFFFFF000  }
.LBB2_9:
0x1f: {  	[bflag:$0x0] =	sbarrier.arrive $0xFFFF  }
0x20: {  	s0 =	rddreg [dreg:$0x7]  }
0x21: {  	[hbm:s0], [sflag:s14] =	dma.local @p1 [spmem:s15], $0xFA0  }
0x22: {  	s0 =	simm.s32 @p1 $0x11  }
0x23: {  	s31 =	sadd.s32 $0x1, s31;
	_ =	swait.ge @p1 [sflag:s0], $0xFA0  }
0x24: {  	p4 =	sne.s32 s31, s11;
	[sflag:s0] =	ssyncset.done @p1 $0x0  }
.Ltmp1:
0x25: {  	[sflag:s0] =	ssyncadd.s32 @p1 $0xFFFFF060;
	s0 =	simm.s32 @p2 $0x11;
	(pc) =	sbr.rel @!p4 .LBB2_10-.Ltmp1, $4  }
0x26: {  	[hbm:s10], [sflag:s17] =	dma.local @p2 [spmem:s18], $0xFA0  }
0x27: {  	_ =	swait.ge @p2 [sflag:s0], $0xFA0  }
0x28: {  	[sflag:s0] =	ssyncset.done @p2 $0x0  }
0x29: {  	[sflag:s0] =	ssyncadd.s32 @p2 $0xFFFFF060  }
.LBB2_1:
0x2a: {  	s0 =	rddreg [dreg:$0x5]  }
0x2b: {  	[tilespmem:s4], [sflag:$0x11] =	stream.linear.gather [hbm4b:s0+s4], $0x5000, $0x38;
	[tilespmem:$0x1BD20] =	vst v63  }
0x2c: {  	_ =	swait.ge [sflag:s12], $0x5000  }
0x2d: {  	[sflag:s12] =	ssyncset.done $0x0  }
0x2e: {  	s28 =	rddreg [dreg:$0x6];
	[sflag:s12] =	ssyncadd.s32 $0xFFFFB000  }
0x2f: {  	[tilespmem:s9], [sflag:$0x11] =	stream.linear.gather [hbm4b:s28+s4], $0x5000, $0x38;
	[tilespmem:$0x1BD20] =	vst v63  }
0x30: {  	_ =	swait.ge [sflag:s12], $0x5000  }
0x31: {  	[sflag:s12] =	ssyncset.done $0x0  }
0x32: {  	s0 =	simm.s32 @p1 $0x11;
	[sflag:s12] =	ssyncadd.s32 $0xFFFFB000  }
0x33: {  	[spmem:s15], [sflag:s14] =	dma.local @p1 [hbm:s7], $0xFA0  }
0x34: {  	_ =	swait.ge @p1 [sflag:s0], $0xFA0  }
0x35: {  	[sflag:s0] =	ssyncset.done @p1 $0x0  }
0x36: {  	[sflag:s0] =	ssyncadd.s32 @p1 $0xFFFFF060  }
0x37: {  	[spmem:s16], [sflag:s14] =	dma.local @p1 [hbm:s7], $0xFA0  }
0x38: {  	_ =	swait.ge @p1 [sflag:s0], $0xFA0  }
0x39: {  	[sflag:s0] =	ssyncset.done @p1 $0x0  }
0x3a: {  	[sflag:s0] =	ssyncadd.s32 @p1 $0xFFFFF060;
	s0 =	simm.s32 @p2 $0x11  }
0x3b: {  	[spmem:s18], [sflag:s17] =	dma.local @p2 [hbm:s8], $0xFA0  }
0x3c: {  	_ =	swait.ge @p2 [sflag:s0], $0xFA0  }
0x3d: {  	[sflag:s0] =	ssyncset.done @p2 $0x0  }
0x3e: {  	[sflag:s0] =	ssyncadd.s32 @p2 $0xFFFFF060  }
0x3f: {  	[spmem:s19], [sflag:s17] =	dma.local @p2 [hbm:s8], $0xFA0  }
.Ltmp2:
0x40: {  	_ =	swait.ge @p2 [sflag:s0], $0xFA0;
	(pc) =	sbr.rel @p3 .LBB2_5-.Ltmp2, $3  }
0x41: {  	[sflag:s0] =	ssyncset.done @p2 $0x0  }
0x42: {  	[sflag:s0] =	ssyncadd.s32 @p2 $0xFFFFF060  }
0x43: {  	[bflag:$0x0] =	sbarrier.arrive $0xFFFF;
	_ =	sdelay $0x1  }
0x44: {  	[tilespmem:s21], [sflag:$0x1] =	stream.indirect.gather [spmem:s3], $0x20, s4, s20, $0xb8;
	[tilespmem:$0x1BD20] =	vst v63  }
0x45: {  	_ = 	snop  }
0x46: {  	[tilespmem:s22], [sflag:$0x2] =	stream.indirect.gather [spmem:s3], $0x20, s20, s20, $0xb8;
	[tilespmem:$0x1BD20] =	vst v63  }
0x47: {  	s0 =	simm.s32 $0x100;
	s1 =	simm.s32 $0xC000  }
0x48: {  	[tilespmem:s1], [sflag:$0x3] =	stream.indirect.gather [spmem:s3], $0x20, s0, s20, $0xb8;
	[tilespmem:$0x1BD20] =	vst v63  }
0x49: {  	s5 =	simm.s32 $0xD000;
	s1 =	simm.s32 $0x180  }
0x4a: {  	[tilespmem:s5], [sflag:$0x4] =	stream.indirect.gather [spmem:s3], $0x20, s1, s20, $0xb8;
	[tilespmem:$0x1BD20] =	vst v63  }
0x4b: {  	s6 =	simm.s32 $0x200;
	s13 =	simm.s32 $0xE000  }
0x4c: {  	[tilespmem:s13], [sflag:$0x5] =	stream.indirect.gather [spmem:s3], $0x20, s6, s20, $0xb8;
	[tilespmem:$0x1BD20] =	vst v63  }
0x4d: {  	s24 =	simm.s32 $0x280;
	s25 =	simm.s32 $0xF000  }
0x4e: {  	[tilespmem:s25], [sflag:$0x6] =	stream.indirect.gather [spmem:s3], $0x20, s24, s20, $0xb8;
	[tilespmem:$0x1BD20] =	vst v63  }
0x4f: {  	s1 =	simm.s32 $0x300;
	s5 =	simm.s32 $0x10000  }
0x50: {  	[tilespmem:s5], [sflag:$0x7] =	stream.indirect.gather [spmem:s3], $0x20, s1, s20, $0xb8;
	[tilespmem:$0x1BD20] =	vst v63  }
0x51: {  	_ =	swait.ge [sflag:s23], $0x1000  }
0x52: {  	[sflag:s23] =	ssyncset.done $0x0  }
0x53: {  	[sflag:s23] =	ssyncadd.s32 $0xFFFFF000  }
0x54: {  	[spmem:s2] =	stream.indirect.scatter.add.f32 [tilespmem:s21], [sflag:$0x9], $0x20, s9, s20, $0xb8;
	[tilespmem:$0x1BD20] =	vst v63  }
0x55: {  	p4 =	por $0x0, $0x0;
	s6 =	simm.s32 $0x380;
	s9 =	simm.s32 $0x11000  }
0x56: {  	[tilespmem:s9], [sflag:$0x8] =	stream.indirect.gather [spmem:s3], $0x20, s6, s20, $0xb8;
	[tilespmem:$0x1BD20] =	vst v63  }
0x57: {  	s28 =	simm.s32 @!p4 $0x80;
	s24 =	simm.s32 $0x8;
	_ =	swait.ge [sflag:s26], $0x1000  }
0x58: {  	s0 =	simm.s32 $0x5100;
	s1 =	sand.u32 $0x7, s24;
	[sflag:s26] =	ssyncset.done $0x0  }
0x59: {  	s13 =	simm.s32 $0x5080;
	s24 =	sadd.s32 $0x9, s1;
	[sflag:s26] =	ssyncadd.s32 $0xFFFFF000  }
0x5a: {  	[spmem:s2] =	stream.indirect.scatter.add.f32 [tilespmem:s22], [sflag:$0xA], $0x20, s13, s20, $0xb8;
	[tilespmem:$0x1BD20] =	vst v63  }
0x5b: {  	s5 =	simm.s32 $0x400;
	s25 =	sshll.u32 @!p4 s1, $0xC;
	_ =	swait.ge [sflag:s24], $0x1000  }
0x5c: {  	s1 =	sadd.s32 @!p4 $0x1, s1;
	s6 =	simm.s32 $0x2;
	[sflag:s24] =	ssyncset.done $0x0  }
0x5d: {  	s6 =	sand.u32 $0x7, s6;
	[sflag:s24] =	ssyncadd.s32 $0xFFFFF000;
	s24 =	sadd.s32 @!p4 $0xA000, s25  }
0x5e: {  	[tilespmem:s24], [sflag:s1] =	stream.indirect.gather @!p4 [spmem:s3], $0x20, s5, s28, $0xb8;
	[tilespmem:$0x1BD20] =	vst v63  }
0x5f: {  	s25 =	sshll.u32 s6, $0xC;
	s1 =	simm.s32 $0x9;
	s28 =	sadd.s32 $0x1, s6  }
0x60: {  	s24 =	simm.s32 $0x480;
	s5 =	sadd.s32 $0xA000, s25;
	_ =	swait.ge [sflag:s28], $0x1000  }
0x61: {  	s6 =	sadd.s32 $0x9, s6;
	s25 =	simm.s32 $0x5100;
	[sflag:s28] =	ssyncset.done $0x0  }
.LBB2_3:
0x62: {  	[sflag:s28] =	ssyncadd.s32 $0xFFFFF000  }
0x63: {  	s0 =	sadd.s32 $0x80, s0;
	s28 =	smov.u32 s1;
	s1 =	sadd.s32 $0x1, s1  }
0x64: {  	[spmem:s2] =	stream.indirect.scatter.add.f32 [tilespmem:s5], [sflag:s6], $0x20, s25, s20, $0xb8;
	[tilespmem:$0x1BD20] =	vst v63  }
0x65: {  	s5 =	sand.u32 $0x7, s28  }
0x66: {  	p4 =	sne.s32 s1, $0xA6;
	s25 =	smov.u32 s0;
	s6 =	sadd.s32 $0xFFFFFFFA, s28  }
0x67: {  	s28 =	sadd.s32 $0x9, s5;
	p5 =	sgt.u32 s6, $0x99  }
0x68: {  	s6 =	sand.u32 $0x7, s6;
	s9 =	sshll.u32 @!p5 s5, $0xC;
	_ =	swait.ge [sflag:s28], $0x1000  }
0x69: {  	s13 =	simm.s32 @!p5 $0x80;
	s5 =	sadd.s32 @!p5 $0x1, s5;
	[sflag:s28] =	ssyncset.done $0x0  }
.Ltmp3:
0x6a: {  	s9 =	sadd.s32 @!p5 $0xA000, s9;
	[sflag:s28] =	ssyncadd.s32 $0xFFFFF000;
	(pc) =	sbr.rel @p4 .LBB2_3-.Ltmp3, $4  }
0x6b: {  	[tilespmem:s9], [sflag:s5] =	stream.indirect.gather @!p5 [spmem:s3], $0x20, s24, s13, $0xb8;
	[tilespmem:$0x1BD20] =	vst v63  }
0x6c: {  	s28 =	sadd.s32 $0x1, s6;
	s5 =	sshll.u32 s6, $0xC  }
0x6d: {  	s24 =	sadd.s32 $0x80, s24;
	_ =	swait.ge [sflag:s28], $0x1000  }
0x6e: {  	s6 =	sadd.s32 $0x9, s6;
	s5 =	sadd.s32 $0xA000, s5;
	[sflag:s28] =	ssyncset.done $0x0  }
0x6f: {  	[sflag:s28] =	ssyncadd.s32 $0xFFFFF000  }
0x70: {  	[spmem:s2] =	stream.indirect.scatter.add.f32 [tilespmem:s5], [sflag:s6], $0x20, s25, s20, $0xb8;
	[tilespmem:$0x1BD20] =	vst v63  }
0x71: {  	_ =	swait.ge [sflag:s29], $0x1000  }
0x72: {  	[sflag:s29] =	ssyncset.done $0x0  }
0x73: {  	[sflag:s29] =	ssyncadd.s32 $0xFFFFF000  }
0x74: {  	_ =	swait.ge [sflag:s30], $0x1000  }
0x75: {  	[sflag:s30] =	ssyncset.done $0x0  }
0x76: {  	s9 =	simm.s32 $0x5000;
	[sflag:s30] =	ssyncadd.s32 $0xFFFFF000  }
.LBB2_5:
.Ltmp4:
0x77: {  	(pc) =	sbr.rel @!p0 .LBB2_9-.Ltmp4, $1  }
0x78: {  	_ =	sdelay $0x3  }
0x79: {  	[tilespmem:s21], [sflag:$0x1] =	stream.indirect.gather [spmem:s3], $0x20, s4, s20, $0xb8;
	[tilespmem:$0x1BD20] =	vst v63  }
0x7a: {  	_ = 	snop  }
0x7b: {  	[tilespmem:s22], [sflag:$0x2] =	stream.indirect.gather [spmem:s3], $0x20, s20, s20, $0xb8;
	[tilespmem:$0x1BD20] =	vst v63  }
0x7c: {  	s0 =	simm.s32 $0x100;
	s1 =	simm.s32 $0xC000  }
0x7d: {  	[tilespmem:s1], [sflag:$0x3] =	stream.indirect.gather [spmem:s3], $0x20, s0, s20, $0xb8;
	[tilespmem:$0x1BD20] =	vst v63  }
0x7e: {  	s5 =	simm.s32 $0xD000;
	s1 =	simm.s32 $0x180  }
0x7f: {  	[tilespmem:s5], [sflag:$0x4] =	stream.indirect.gather [spmem:s3], $0x20, s1, s20, $0xb8;
	[tilespmem:$0x1BD20] =	vst v63  }
0x80: {  	s6 =	simm.s32 $0x200;
	s13 =	simm.s32 $0xE000  }
0x81: {  	[tilespmem:s13], [sflag:$0x5] =	stream.indirect.gather [spmem:s3], $0x20, s6, s20, $0xb8;
	[tilespmem:$0x1BD20] =	vst v63  }
0x82: {  	s24 =	simm.s32 $0x280;
	s25 =	simm.s32 $0xF000  }
0x83: {  	[tilespmem:s25], [sflag:$0x6] =	stream.indirect.gather [spmem:s3], $0x20, s24, s20, $0xb8;
	[tilespmem:$0x1BD20] =	vst v63  }
0x84: {  	s1 =	simm.s32 $0x300;
	s5 =	simm.s32 $0x10000  }
0x85: {  	[tilespmem:s5], [sflag:$0x7] =	stream.indirect.gather [spmem:s3], $0x20, s1, s20, $0xb8;
	[tilespmem:$0x1BD20] =	vst v63  }
0x86: {  	_ =	swait.ge [sflag:s23], $0x1000  }
0x87: {  	p4 =	por $0x0, $0x0;
	[sflag:s23] =	ssyncset.done $0x0  }
0x88: {  	s0 =	simm.s32 $0x5100;
	s6 =	simm.s32 $0x380;
	[sflag:s23] =	ssyncadd.s32 $0xFFFFF000  }
0x89: {  	[spmem:s2] =	stream.indirect.scatter.add.f32 [tilespmem:s21], [sflag:$0x9], $0x20, s9, s20, $0xb8;
	[tilespmem:$0x1BD20] =	vst v63  }
0x8a: {  	s13 =	simm.s32 $0x5080;
	s24 =	simm.s32 $0x8;
	s9 =	simm.s32 $0x11000  }
0x8b: {  	[tilespmem:s9], [sflag:$0x8] =	stream.indirect.gather [spmem:s3], $0x20, s6, s20, $0xb8;
	[tilespmem:$0x1BD20] =	vst v63  }
0x8c: {  	s1 =	sand.u32 $0x7, s24;
	s5 =	simm.s32 $0x400;
	_ =	swait.ge [sflag:s26], $0x1000  }
0x8d: {  	s24 =	simm.s32 @!p4 $0x80;
	s6 =	simm.s32 $0x2;
	[sflag:s26] =	ssyncset.done $0x0  }
0x8e: {  	s25 =	sadd.s32 $0x9, s1;
	s6 =	sand.u32 $0x7, s6;
	[sflag:s26] =	ssyncadd.s32 $0xFFFFF000  }
0x8f: {  	[spmem:s2] =	stream.indirect.scatter.add.f32 [tilespmem:s22], [sflag:$0xA], $0x20, s13, s20, $0xb8;
	[tilespmem:$0x1BD20] =	vst v63  }
0x90: {  	s28 =	sadd.s32 $0x1, s6;
	s13 =	sshll.u32 @!p4 s1, $0xC;
	_ =	swait.ge [sflag:s25], $0x1000  }
0x91: {  	s1 =	sadd.s32 @!p4 $0x1, s1;
	s9 =	sadd.s32 @!p4 $0xA000, s13;
	[sflag:s25] =	ssyncset.done $0x0  }
0x92: {  	[sflag:s25] =	ssyncadd.s32 $0xFFFFF000;
	s25 =	sshll.u32 s6, $0xC;
	s6 =	sadd.s32 $0x9, s6  }
0x93: {  	[tilespmem:s9], [sflag:s1] =	stream.indirect.gather @!p4 [spmem:s3], $0x20, s5, s24, $0xb8;
	[tilespmem:$0x1BD20] =	vst v63  }
0x94: {  	s1 =	simm.s32 $0x9;
	s24 =	simm.s32 $0x480;
	_ =	swait.ge [sflag:s28], $0x1000  }
0x95: {  	s5 =	sadd.s32 $0xA000, s25;
	s25 =	simm.s32 $0x5100;
	[sflag:s28] =	ssyncset.done $0x0  }
.LBB2_7:
0x96: {  	[sflag:s28] =	ssyncadd.s32 $0xFFFFF000  }
0x97: {  	s0 =	sadd.s32 $0x80, s0;
	s9 =	smov.u32 s1;
	s1 =	sadd.s32 $0x1, s1  }
0x98: {  	[spmem:s2] =	stream.indirect.scatter.add.f32 [tilespmem:s5], [sflag:s6], $0x20, s25, s20, $0xb8;
	[tilespmem:$0x1BD20] =	vst v63  }
0x99: {  	s5 =	sand.u32 $0x7, s9  }
0x9a: {  	p4 =	sne.s32 s1, $0xA6;
	s25 =	smov.u32 s0;
	s6 =	sadd.s32 $0xFFFFFFFA, s9  }
0x9b: {  	s9 =	sadd.s32 $0x9, s5;
	p5 =	sgt.u32 s6, $0x99  }
0x9c: {  	s6 =	sand.u32 $0x7, s6;
	s13 =	sshll.u32 @!p5 s5, $0xC;
	_ =	swait.ge [sflag:s9], $0x1000  }
0x9d: {  	s28 =	simm.s32 @!p5 $0x80;
	s5 =	sadd.s32 @!p5 $0x1, s5;
	[sflag:s9] =	ssyncset.done $0x0  }
.Ltmp5:
0x9e: {  	[sflag:s9] =	ssyncadd.s32 $0xFFFFF000;
	s9 =	sadd.s32 @!p5 $0xA000, s13;
	(pc) =	sbr.rel @p4 .LBB2_7-.Ltmp5, $4  }
0x9f: {  	[tilespmem:s9], [sflag:s5] =	stream.indirect.gather @!p5 [spmem:s3], $0x20, s24, s28, $0xb8;
	[tilespmem:$0x1BD20] =	vst v63  }
0xa0: {  	s5 =	sshll.u32 s6, $0xC;
	s28 =	sadd.s32 $0x1, s6  }
0xa1: {  	s24 =	sadd.s32 $0x80, s24;
	_ =	swait.ge [sflag:s28], $0x1000  }
0xa2: {  	s6 =	sadd.s32 $0x9, s6;
	s5 =	sadd.s32 $0xA000, s5;
	[sflag:s28] =	ssyncset.done $0x0  }
.Ltmp6:
0xa3: {  	_ = 	snop;
	(pc) =	sbr.rel .LBB2_8-.Ltmp6, $1  }
0xa4: {  	_ =	sdelay $0x3  }
.LBB2_10:
0xa5: {  	_ =	sfence.sel $0x180000  }
0xa6: {  	[bflag:$0x0] =	sbarrier.arrive $0xFFFF  }
0xa7: {  	_ =	strace $0x90000053  }
0xa8: {  	s0 =	stileid.u32;
	[bflag:$0x2] =	sbarrier.arrive $0xFFFF  }
0xa9: {  	p0 =	sne.s32 s0, $0x0;
	s0 =	rddreg [dreg:$0x4]  }
0xaa: {  	s0 =	sadd.s32 @!p0 $0x100000, s0  }
0xab: {  	[sflag:s0] =	ssyncadd.tile.s32 @!p0 $0x1;
	_ =	shalt  }
.Lfunc_end2:
_tile_overlayer_lowered:
.L_overlay_start_2:
0xac: {  	(tag) =	ssettag $0x2  }
0xad: {  	s0 =	rddreg [dreg:$0x0];
	s2 =	stileid.u32  }
0xae: {  	s1 =	rddreg [dreg:$0x1];
	p0 =	sne.s32 s2, $0x0  }
0xaf: {  	s3 =	rddreg [dreg:$0x2];
	[bflag:$0x3] =	sbarrier.arrive $0xFFFF;
	s2 =	simm.s32 @!p0 $0x1C11  }
0xb0: {  	[timem:s3], [sflag:s2] =	dma.local @!p0 [hbm:s0], s1  }
0xb1: {  	s0 =	simm.s32 @!p0 $0x11  }
0xb2: {  	_ =	swait.ge @!p0 [sflag:s0], s1  }
0xb3: {  	s1 =	ssub.s32 @!p0 $0x0, s1;
	[sflag:s0] =	ssyncset.done @!p0 $0x0  }
0xb4: {  	[sflag:s0] =	ssyncadd.s32 @!p0 s1  }
0xb5: {  	[bflag:$0x3] =	sbarrier.arrive $0xFFFF  }
0xb6: {  	_ =	shalt  }

</sc_bundles>
